<compile_context>
chip_gen: v7x
topology: tpu7x:2x2x1
jax: 0.10.2.dev20260603
libtpu: 0.0.44.dev20260713+nightly
codegen_flags: <defaults>
</compile_context>

<pallas_src>
import jax
import jax.numpy as jnp
from jax import lax
from jax.experimental import pallas as pl
from jax.experimental.pallas import tpu as pltpu
from jax.experimental.pallas import tpu_sc as plsc

B = 100000
NLEV = 4
D = 32
DOUT = NLEV * D
C = 896
SUB = 128
K = C // SUB
NW = 32
N_CH = -(-B // C)
MAX_IT = -(-N_CH // NW)


def _sc_body(idx0, idx1, idx2, idx3, t0, t1, t2, t3, out,
             iv0, iv1, iv2, iv3, r0, r1, r2, r3, sem):
    idxs = (idx0, idx1, idx2, idx3)
    ivs = (iv0, iv1, iv2, iv3)
    rows = (r0, r1, r2, r3)
    tables = (t0, t1, t2, t3)
    wid = lax.axis_index("s") * 2 + lax.axis_index("c")
    for it in range(MAX_IT):
        i = wid + it * NW
        @pl.when(i < N_CH)
        def _chunk():
            base = pl.multiple_of(jnp.minimum(i * C, B - C), 8)
            for lvl in range(NLEV):
                pltpu.sync_copy(idxs[lvl].at[pl.ds(base, C)], ivs[lvl])
            handles = []
            for lvl in range(NLEV):
                for j in range(K):
                    handles.append(pltpu.async_copy(
                        tables[lvl].at[ivs[lvl].at[pl.ds(j * SUB, SUB)]],
                        rows[lvl].at[pl.ds(j * SUB, SUB)],
                        sem))
            for h in handles:
                h.wait()
            for lvl in range(NLEV):
                pltpu.sync_copy(rows[lvl],
                                out.at[pl.ds(base, C), pl.ds(lvl * D, D)])


def kernel(code_levels, table_0, table_1, table_2, table_3):
    idx_cols = [code_levels[:, lvl] for lvl in range(NLEV)]
    mesh = plsc.VectorSubcoreMesh(core_axis_name="c", subcore_axis_name="s")
    run = pl.kernel(
        _sc_body,
        out_type=jax.ShapeDtypeStruct((B, DOUT), jnp.float32),
        mesh=mesh,
        compiler_params=pltpu.CompilerParams(use_tc_tiling_on_sc=False),
        scratch_types=(
            [pltpu.VMEM((C,), jnp.int32)] * NLEV
            + [pltpu.VMEM((C, D), jnp.float32)] * NLEV
            + [pltpu.SemaphoreType.DMA]
        ),
    )
    return run(*idx_cols, table_0, table_1, table_2, table_3)

# --- scband reference (transcript-rebuilt; emitter-appended) ---
"""Pipeline reference for scband-hierarchical-embedding-60112362274816 (READ-ONLY COPY).

The authoritative reference and input builder live on the scoring server;
editing this copy changes nothing except your own understanding.
"""

import jax, jax.numpy as jnp
import numpy as np

CODE_NUM_IN_LEVELS = [100, 1000, 10000, 100000]
CODE_DIMS = [32, 32, 32, 32]
CODE_NUM = 100000


def _glorot(key, shape):
    fan_in, fan_out = shape[0], shape[1]
    limit = np.sqrt(6.0 / (fan_in + fan_out))
    return jax.random.uniform(key, shape, dtype=jnp.float32, minval=-limit, maxval=limit)


def setup_inputs(seed: int = 0) -> dict:
    key = jax.random.key(seed)
    keys = jax.random.split(key, 8)
    # code_levels[:, L] must be a valid row index into level-L table
    cols = [
        jax.random.randint(keys[i], (CODE_NUM,), 0, CODE_NUM_IN_LEVELS[i], dtype=jnp.int32)
        for i in range(4)
    ]
    code_levels = jnp.stack(cols, axis=1)
    inp = {"code_levels": code_levels}
    for i in range(4):
        inp["table_%d" % i] = _glorot(keys[4 + i], (CODE_NUM_IN_LEVELS[i], CODE_DIMS[i]))
    return inp


def reference(code_levels, table_0, table_1, table_2, table_3):
    tables = [table_0, table_1, table_2, table_3]
    embeddings = [
        jnp.take(tables[level], code_levels[:, level], axis=0)
        for level in range(len(tables))
    ]
    return jnp.concatenate(embeddings, axis=1)

if __name__ == "__main__":
    import jax
    _d = setup_inputs()
    print(jax.jit(kernel)(*tuple(_d.values())))

</pallas_src>

<mosaic_0001>
#map = affine_map<(d0, d1) -> (0)>
#map1 = affine_map<(d0, d1) -> (0, 0)>
module attributes {stable_mosaic.version = 14 : i64} {
  func.func @_sc_body(%arg0: i32, %arg1: i32, %arg2: memref<100000xi32, #tpu.memory_space<hbm>>, %arg3: memref<100000xi32, #tpu.memory_space<hbm>>, %arg4: memref<100000xi32, #tpu.memory_space<hbm>>, %arg5: memref<100000xi32, #tpu.memory_space<hbm>>, %arg6: memref<100x32xf32, #tpu.memory_space<hbm>>, %arg7: memref<1000x32xf32, #tpu.memory_space<hbm>>, %arg8: memref<10000x32xf32, #tpu.memory_space<hbm>>, %arg9: memref<100000x32xf32, #tpu.memory_space<hbm>>, %arg10: memref<100000x128xf32, #tpu.memory_space<hbm>>, %arg11: memref<896xi32, #tpu.memory_space<vmem>>, %arg12: memref<896xi32, #tpu.memory_space<vmem>>, %arg13: memref<896xi32, #tpu.memory_space<vmem>>, %arg14: memref<896xi32, #tpu.memory_space<vmem>>, %arg15: memref<896x32xf32, #tpu.memory_space<vmem>>, %arg16: memref<896x32xf32, #tpu.memory_space<vmem>>, %arg17: memref<896x32xf32, #tpu.memory_space<vmem>>, %arg18: memref<896x32xf32, #tpu.memory_space<vmem>>, %arg19: memref<!tpu.dma_semaphore, #tpu.memory_space<semaphore_mem>>) attributes {dimension_semantics = [#tpu.dimension_semantics<core_parallel>, #tpu.dimension_semantics<subcore_parallel>], iteration_bounds = array<i64: 2, 16>, scalar_prefetch = 0 : i64, scratch_operands = 9 : i64, tpu.core_type = #tpu.core_type<sc_vector_subcore>, window_params = [{transform_indices = #map}, {transform_indices = #map}, {transform_indices = #map}, {transform_indices = #map}, {transform_indices = #map1}, {transform_indices = #map1}, {transform_indices = #map1}, {transform_indices = #map1}, {transform_indices = #map1}]} {
    %mul3A = arith.constant 2 : i32
    %mul3A_0 = arith.muli %arg1, %mul3A : i32
    %add3A = arith.addi %mul3A_0, %arg0 : i32
    %add3A_1 = arith.constant 0 : i32
    %add3A_2 = arith.addi %add3A, %add3A_1 : i32
    %lt3A = arith.constant 112 : i32
    %lt3A_3 = arith.cmpi slt, %add3A_2, %lt3A : i32
    %convert_element_type3A = arith.extui %lt3A_3 : i1 to i32
    %cond3A = arith.constant 0 : i32
    %cond3A_4 = arith.cmpi ne, %convert_element_type3A, %cond3A : i32
    scf.if %cond3A_4 {
      %mul3A_26 = arith.constant 896 : i32
      %mul3A_27 = arith.muli %add3A_2, %mul3A_26 : i32
      %min3A = arith.constant 99104 : i32
      %min3A_28 = arith.minsi %mul3A_27, %min3A : i32
      %multiple_of3A = tpu.assume_multiple %min3A_28, 8 : i32
      "tpu.region"() ({
        %run_scoped3A = tpu.sem_alloc : memref<!tpu.dma_semaphore, #tpu.memory_space<semaphore_mem>>
        %dma_start3A_475 = tpu.memref_slice %arg2[%multiple_of3A] : memref<100000xi32, #tpu.memory_space<hbm>> -> memref<896xi32, #tpu.memory_space<hbm>>
        %dma_start3A_476 = tpu.memref_slice %arg2[%multiple_of3A] : memref<100000xi32, #tpu.memory_space<hbm>> -> memref<896xi32, #tpu.memory_space<hbm>>
        tpu.enqueue_dma source(%dma_start3A_476 : memref<896xi32, #tpu.memory_space<hbm>>) target(%arg11 : memref<896xi32, #tpu.memory_space<vmem>>) target_semaphore(%run_scoped3A : memref<!tpu.dma_semaphore, #tpu.memory_space<semaphore_mem>>)
        %dma_wait3A_477 = tpu.memref_slice %arg2[%multiple_of3A] : memref<100000xi32, #tpu.memory_space<hbm>> -> memref<896xi32, #tpu.memory_space<hbm>>
        %dma_wait3A_478 = tpu.memref_slice %arg2[%multiple_of3A] : memref<100000xi32, #tpu.memory_space<hbm>> -> memref<896xi32, #tpu.memory_space<hbm>>
        tpu.wait_dma2 semaphore(%run_scoped3A : memref<!tpu.dma_semaphore, #tpu.memory_space<semaphore_mem>>) src(%dma_wait3A_478 : memref<896xi32, #tpu.memory_space<hbm>>) dst(%arg11 : memref<896xi32, #tpu.memory_space<vmem>>)
        tpu.yield
      }) : () -> ()
      "tpu.region"() ({
        %run_scoped3A = tpu.sem_alloc : memref<!tpu.dma_semaphore, #tpu.memory_space<semaphore_mem>>
        %dma_start3A_475 = tpu.memref_slice %arg3[%multiple_of3A] : memref<100000xi32, #tpu.memory_space<hbm>> -> memref<896xi32, #tpu.memory_space<hbm>>
        %dma_start3A_476 = tpu.memref_slice %arg3[%multiple_of3A] : memref<100000xi32, #tpu.memory_space<hbm>> -> memref<896xi32, #tpu.memory_space<hbm>>
        tpu.enqueue_dma source(%dma_start3A_476 : memref<896xi32, #tpu.memory_space<hbm>>) target(%arg12 : memref<896xi32, #tpu.memory_space<vmem>>) target_semaphore(%run_scoped3A : memref<!tpu.dma_semaphore, #tpu.memory_space<semaphore_mem>>)
        %dma_wait3A_477 = tpu.memref_slice %arg3[%multiple_of3A] : memref<100000xi32, #tpu.memory_space<hbm>> -> memref<896xi32, #tpu.memory_space<hbm>>
        %dma_wait3A_478 = tpu.memref_slice %arg3[%multiple_of3A] : memref<100000xi32, #tpu.memory_space<hbm>> -> memref<896xi32, #tpu.memory_space<hbm>>
        tpu.wait_dma2 semaphore(%run_scoped3A : memref<!tpu.dma_semaphore, #tpu.memory_space<semaphore_mem>>) src(%dma_wait3A_478 : memref<896xi32, #tpu.memory_space<hbm>>) dst(%arg12 : memref<896xi32, #tpu.memory_space<vmem>>)
        tpu.yield
      }) : () -> ()
      "tpu.region"() ({
        %run_scoped3A = tpu.sem_alloc : memref<!tpu.dma_semaphore, #tpu.memory_space<semaphore_mem>>
        %dma_start3A_475 = tpu.memref_slice %arg4[%multiple_of3A] : memref<100000xi32, #tpu.memory_space<hbm>> -> memref<896xi32, #tpu.memory_space<hbm>>
        %dma_start3A_476 = tpu.memref_slice %arg4[%multiple_of3A] : memref<100000xi32, #tpu.memory_space<hbm>> -> memref<896xi32, #tpu.memory_space<hbm>>
        tpu.enqueue_dma source(%dma_start3A_476 : memref<896xi32, #tpu.memory_space<hbm>>) target(%arg13 : memref<896xi32, #tpu.memory_space<vmem>>) target_semaphore(%run_scoped3A : memref<!tpu.dma_semaphore, #tpu.memory_space<semaphore_mem>>)
        %dma_wait3A_477 = tpu.memref_slice %arg4[%multiple_of3A] : memref<100000xi32, #tpu.memory_space<hbm>> -> memref<896xi32, #tpu.memory_space<hbm>>
        %dma_wait3A_478 = tpu.memref_slice %arg4[%multiple_of3A] : memref<100000xi32, #tpu.memory_space<hbm>> -> memref<896xi32, #tpu.memory_space<hbm>>
        tpu.wait_dma2 semaphore(%run_scoped3A : memref<!tpu.dma_semaphore, #tpu.memory_space<semaphore_mem>>) src(%dma_wait3A_478 : memref<896xi32, #tpu.memory_space<hbm>>) dst(%arg13 : memref<896xi32, #tpu.memory_space<vmem>>)
        tpu.yield
      }) : () -> ()
      "tpu.region"() ({
        %run_scoped3A = tpu.sem_alloc : memref<!tpu.dma_semaphore, #tpu.memory_space<semaphore_mem>>
        %dma_start3A_475 = tpu.memref_slice %arg5[%multiple_of3A] : memref<100000xi32, #tpu.memory_space<hbm>> -> memref<896xi32, #tpu.memory_space<hbm>>
        %dma_start3A_476 = tpu.memref_slice %arg5[%multiple_of3A] : memref<100000xi32, #tpu.memory_space<hbm>> -> memref<896xi32, #tpu.memory_space<hbm>>
        tpu.enqueue_dma source(%dma_start3A_476 : memref<896xi32, #tpu.memory_space<hbm>>) target(%arg14 : memref<896xi32, #tpu.memory_space<vmem>>) target_semaphore(%run_scoped3A : memref<!tpu.dma_semaphore, #tpu.memory_space<semaphore_mem>>)
        %dma_wait3A_477 = tpu.memref_slice %arg5[%multiple_of3A] : memref<100000xi32, #tpu.memory_space<hbm>> -> memref<896xi32, #tpu.memory_space<hbm>>
        %dma_wait3A_478 = tpu.memref_slice %arg5[%multiple_of3A] : memref<100000xi32, #tpu.memory_space<hbm>> -> memref<896xi32, #tpu.memory_space<hbm>>
        tpu.wait_dma2 semaphore(%run_scoped3A : memref<!tpu.dma_semaphore, #tpu.memory_space<semaphore_mem>>) src(%dma_wait3A_478 : memref<896xi32, #tpu.memory_space<hbm>>) dst(%arg14 : memref<896xi32, #tpu.memory_space<vmem>>)
        tpu.yield
      }) : () -> ()
      %dma_start3A = arith.constant 0 : i32
      %dma_start3A_29 = arith.constant 0 : i32
      %dma_start3A_30 = tpu.memref_slice %arg15[%dma_start3A, %dma_start3A_29] : memref<896x32xf32, #tpu.memory_space<vmem>> -> memref<128x32xf32, #tpu.memory_space<vmem>>
      %dma_start3A_31 = arith.constant 0 : i32
      %dma_start3A_32 = tpu.memref_slice %arg11[%dma_start3A_31] : memref<896xi32, #tpu.memory_space<vmem>> -> memref<128xi32, #tpu.memory_space<vmem>>
      %dma_start3A_33 = arith.constant 0 : i32
      %dma_start3A_34 = arith.constant 0 : i32
      %dma_start3A_35 = tpu.memref_slice %arg6[%dma_start3A_33, %dma_start3A_34] : memref<100x32xf32, #tpu.memory_space<hbm>> -> memref<100x32xf32, #tpu.memory_space<hbm>>
      tpu.enqueue_indirect_dma source(%dma_start3A_35 : memref<100x32xf32, #tpu.memory_space<hbm>>) target(%dma_start3A_30 : memref<128x32xf32, #tpu.memory_space<vmem>>) offsets(%dma_start3A_32 : memref<128xi32, #tpu.memory_space<vmem>>) semaphore(%arg19 : memref<!tpu.dma_semaphore, #tpu.memory_space<semaphore_mem>>)
      %dma_start3A_36 = arith.constant 128 : i32
      %dma_start3A_37 = arith.constant 0 : i32
      %dma_start3A_38 = tpu.memref_slice %arg15[%dma_start3A_36, %dma_start3A_37] : memref<896x32xf32, #tpu.memory_space<vmem>> -> memref<128x32xf32, #tpu.memory_space<vmem>>
      %dma_start3A_39 = arith.constant 128 : i32
      %dma_start3A_40 = tpu.memref_slice %arg11[%dma_start3A_39] : memref<896xi32, #tpu.memory_space<vmem>> -> memref<128xi32, #tpu.memory_space<vmem>>
      %dma_start3A_41 = arith.constant 0 : i32
      %dma_start3A_42 = arith.constant 0 : i32
      %dma_start3A_43 = tpu.memref_slice %arg6[%dma_start3A_41, %dma_start3A_42] : memref<100x32xf32, #tpu.memory_space<hbm>> -> memref<100x32xf32, #tpu.memory_space<hbm>>
      tpu.enqueue_indirect_dma source(%dma_start3A_43 : memref<100x32xf32, #tpu.memory_space<hbm>>) target(%dma_start3A_38 : memref<128x32xf32, #tpu.memory_space<vmem>>) offsets(%dma_start3A_40 : memref<128xi32, #tpu.memory_space<vmem>>) semaphore(%arg19 : memref<!tpu.dma_semaphore, #tpu.memory_space<semaphore_mem>>)
      %dma_start3A_44 = arith.constant 256 : i32
      %dma_start3A_45 = arith.constant 0 : i32
      %dma_start3A_46 = tpu.memref_slice %arg15[%dma_start3A_44, %dma_start3A_45] : memref<896x32xf32, #tpu.memory_space<vmem>> -> memref<128x32xf32, #tpu.memory_space<vmem>>
      %dma_start3A_47 = arith.constant 256 : i32
      %dma_start3A_48 = tpu.memref_slice %arg11[%dma_start3A_47] : memref<896xi32, #tpu.memory_space<vmem>> -> memref<128xi32, #tpu.memory_space<vmem>>
      %dma_start3A_49 = arith.constant 0 : i32
      %dma_start3A_50 = arith.constant 0 : i32
      %dma_start3A_51 = tpu.memref_slice %arg6[%dma_start3A_49, %dma_start3A_50] : memref<100x32xf32, #tpu.memory_space<hbm>> -> memref<100x32xf32, #tpu.memory_space<hbm>>
      tpu.enqueue_indirect_dma source(%dma_start3A_51 : memref<100x32xf32, #tpu.memory_space<hbm>>) target(%dma_start3A_46 : memref<128x32xf32, #tpu.memory_space<vmem>>) offsets(%dma_start3A_48 : memref<128xi32, #tpu.memory_space<vmem>>) semaphore(%arg19 : memref<!tpu.dma_semaphore, #tpu.memory_space<semaphore_mem>>)
      %dma_start3A_52 = arith.constant 384 : i32
      %dma_start3A_53 = arith.constant 0 : i32
      %dma_start3A_54 = tpu.memref_slice %arg15[%dma_start3A_52, %dma_start3A_53] : memref<896x32xf32, #tpu.memory_space<vmem>> -> memref<128x32xf32, #tpu.memory_space<vmem>>
      %dma_start3A_55 = arith.constant 384 : i32
      %dma_start3A_56 = tpu.memref_slice %arg11[%dma_start3A_55] : memref<896xi32, #tpu.memory_space<vmem>> -> memref<128xi32, #tpu.memory_space<vmem>>
      %dma_start3A_57 = arith.constant 0 : i32
      %dma_start3A_58 = arith.constant 0 : i32
      %dma_start3A_59 = tpu.memref_slice %arg6[%dma_start3A_57, %dma_start3A_58] : memref<100x32xf32, #tpu.memory_space<hbm>> -> memref<100x32xf32, #tpu.memory_space<hbm>>
      tpu.enqueue_indirect_dma source(%dma_start3A_59 : memref<100x32xf32, #tpu.memory_space<hbm>>) target(%dma_start3A_54 : memref<128x32xf32, #tpu.memory_space<vmem>>) offsets(%dma_start3A_56 : memref<128xi32, #tpu.memory_space<vmem>>) semaphore(%arg19 : memref<!tpu.dma_semaphore, #tpu.memory_space<semaphore_mem>>)
      %dma_start3A_60 = arith.constant 512 : i32
      %dma_start3A_61 = arith.constant 0 : i32
      %dma_start3A_62 = tpu.memref_slice %arg15[%dma_start3A_60, %dma_start3A_61] : memref<896x32xf32, #tpu.memory_space<vmem>> -> memref<128x32xf32, #tpu.memory_space<vmem>>
      %dma_start3A_63 = arith.constant 512 : i32
      %dma_start3A_64 = tpu.memref_slice %arg11[%dma_start3A_63] : memref<896xi32, #tpu.memory_space<vmem>> -> memref<128xi32, #tpu.memory_space<vmem>>
      %dma_start3A_65 = arith.constant 0 : i32
      %dma_start3A_66 = arith.constant 0 : i32
      %dma_start3A_67 = tpu.memref_slice %arg6[%dma_start3A_65, %dma_start3A_66] : memref<100x32xf32, #tpu.memory_space<hbm>> -> memref<100x32xf32, #tpu.memory_space<hbm>>
      tpu.enqueue_indirect_dma source(%dma_start3A_67 : memref<100x32xf32, #tpu.memory_space<hbm>>) target(%dma_start3A_62 : memref<128x32xf32, #tpu.memory_space<vmem>>) offsets(%dma_start3A_64 : memref<128xi32, #tpu.memory_space<vmem>>) semaphore(%arg19 : memref<!tpu.dma_semaphore, #tpu.memory_space<semaphore_mem>>)
      %dma_start3A_68 = arith.constant 640 : i32
      %dma_start3A_69 = arith.constant 0 : i32
      %dma_start3A_70 = tpu.memref_slice %arg15[%dma_start3A_68, %dma_start3A_69] : memref<896x32xf32, #tpu.memory_space<vmem>> -> memref<128x32xf32, #tpu.memory_space<vmem>>
      %dma_start3A_71 = arith.constant 640 : i32
      %dma_start3A_72 = tpu.memref_slice %arg11[%dma_start3A_71] : memref<896xi32, #tpu.memory_space<vmem>> -> memref<128xi32, #tpu.memory_space<vmem>>
      %dma_start3A_73 = arith.constant 0 : i32
      %dma_start3A_74 = arith.constant 0 : i32
      %dma_start3A_75 = tpu.memref_slice %arg6[%dma_start3A_73, %dma_start3A_74] : memref<100x32xf32, #tpu.memory_space<hbm>> -> memref<100x32xf32, #tpu.memory_space<hbm>>
      tpu.enqueue_indirect_dma source(%dma_start3A_75 : memref<100x32xf32, #tpu.memory_space<hbm>>) target(%dma_start3A_70 : memref<128x32xf32, #tpu.memory_space<vmem>>) offsets(%dma_start3A_72 : memref<128xi32, #tpu.memory_space<vmem>>) semaphore(%arg19 : memref<!tpu.dma_semaphore, #tpu.memory_space<semaphore_mem>>)
      %dma_start3A_76 = arith.constant 768 : i32
      %dma_start3A_77 = arith.constant 0 : i32
      %dma_start3A_78 = tpu.memref_slice %arg15[%dma_start3A_76, %dma_start3A_77] : memref<896x32xf32, #tpu.memory_space<vmem>> -> memref<128x32xf32, #tpu.memory_space<vmem>>
      %dma_start3A_79 = arith.constant 768 : i32
      %dma_start3A_80 = tpu.memref_slice %arg11[%dma_start3A_79] : memref<896xi32, #tpu.memory_space<vmem>> -> memref<128xi32, #tpu.memory_space<vmem>>
      %dma_start3A_81 = arith.constant 0 : i32
      %dma_start3A_82 = arith.constant 0 : i32
      %dma_start3A_83 = tpu.memref_slice %arg6[%dma_start3A_81, %dma_start3A_82] : memref<100x32xf32, #tpu.memory_space<hbm>> -> memref<100x32xf32, #tpu.memory_space<hbm>>
      tpu.enqueue_indirect_dma source(%dma_start3A_83 : memref<100x32xf32, #tpu.memory_space<hbm>>) target(%dma_start3A_78 : memref<128x32xf32, #tpu.memory_space<vmem>>) offsets(%dma_start3A_80 : memref<128xi32, #tpu.memory_space<vmem>>) semaphore(%arg19 : memref<!tpu.dma_semaphore, #tpu.memory_space<semaphore_mem>>)
      %dma_start3A_84 = arith.constant 0 : i32
      %dma_start3A_85 = arith.constant 0 : i32
      %dma_start3A_86 = tpu.memref_slice %arg16[%dma_start3A_84, %dma_start3A_85] : memref<896x32xf32, #tpu.memory_space<vmem>> -> memref<128x32xf32, #tpu.memory_space<vmem>>
      %dma_start3A_87 = arith.constant 0 : i32
      %dma_start3A_88 = tpu.memref_slice %arg12[%dma_start3A_87] : memref<896xi32, #tpu.memory_space<vmem>> -> memref<128xi32, #tpu.memory_space<vmem>>
      %dma_start3A_89 = arith.constant 0 : i32
      %dma_start3A_90 = arith.constant 0 : i32
      %dma_start3A_91 = tpu.memref_slice %arg7[%dma_start3A_89, %dma_start3A_90] : memref<1000x32xf32, #tpu.memory_space<hbm>> -> memref<1000x32xf32, #tpu.memory_space<hbm>>
      tpu.enqueue_indirect_dma source(%dma_start3A_91 : memref<1000x32xf32, #tpu.memory_space<hbm>>) target(%dma_start3A_86 : memref<128x32xf32, #tpu.memory_space<vmem>>) offsets(%dma_start3A_88 : memref<128xi32, #tpu.memory_space<vmem>>) semaphore(%arg19 : memref<!tpu.dma_semaphore, #tpu.memory_space<semaphore_mem>>)
      %dma_start3A_92 = arith.constant 128 : i32
      %dma_start3A_93 = arith.constant 0 : i32
      %dma_start3A_94 = tpu.memref_slice %arg16[%dma_start3A_92, %dma_start3A_93] : memref<896x32xf32, #tpu.memory_space<vmem>> -> memref<128x32xf32, #tpu.memory_space<vmem>>
      %dma_start3A_95 = arith.constant 128 : i32
      %dma_start3A_96 = tpu.memref_slice %arg12[%dma_start3A_95] : memref<896xi32, #tpu.memory_space<vmem>> -> memref<128xi32, #tpu.memory_space<vmem>>
      %dma_start3A_97 = arith.constant 0 : i32
      %dma_start3A_98 = arith.constant 0 : i32
      %dma_start3A_99 = tpu.memref_slice %arg7[%dma_start3A_97, %dma_start3A_98] : memref<1000x32xf32, #tpu.memory_space<hbm>> -> memref<1000x32xf32, #tpu.memory_space<hbm>>
      tpu.enqueue_indirect_dma source(%dma_start3A_99 : memref<1000x32xf32, #tpu.memory_space<hbm>>) target(%dma_start3A_94 : memref<128x32xf32, #tpu.memory_space<vmem>>) offsets(%dma_start3A_96 : memref<128xi32, #tpu.memory_space<vmem>>) semaphore(%arg19 : memref<!tpu.dma_semaphore, #tpu.memory_space<semaphore_mem>>)
      %dma_start3A_100 = arith.constant 256 : i32
      %dma_start3A_101 = arith.constant 0 : i32
      %dma_start3A_102 = tpu.memref_slice %arg16[%dma_start3A_100, %dma_start3A_101] : memref<896x32xf32, #tpu.memory_space<vmem>> -> memref<128x32xf32, #tpu.memory_space<vmem>>
      %dma_start3A_103 = arith.constant 256 : i32
      %dma_start3A_104 = tpu.memref_slice %arg12[%dma_start3A_103] : memref<896xi32, #tpu.memory_space<vmem>> -> memref<128xi32, #tpu.memory_space<vmem>>
      %dma_start3A_105 = arith.constant 0 : i32
      %dma_start3A_106 = arith.constant 0 : i32
      %dma_start3A_107 = tpu.memref_slice %arg7[%dma_start3A_105, %dma_start3A_106] : memref<1000x32xf32, #tpu.memory_space<hbm>> -> memref<1000x32xf32, #tpu.memory_space<hbm>>
      tpu.enqueue_indirect_dma source(%dma_start3A_107 : memref<1000x32xf32, #tpu.memory_space<hbm>>) target(%dma_start3A_102 : memref<128x32xf32, #tpu.memory_space<vmem>>) offsets(%dma_start3A_104 : memref<128xi32, #tpu.memory_space<vmem>>) semaphore(%arg19 : memref<!tpu.dma_semaphore, #tpu.memory_space<semaphore_mem>>)
      %dma_start3A_108 = arith.constant 384 : i32
      %dma_start3A_109 = arith.constant 0 : i32
      %dma_start3A_110 = tpu.memref_slice %arg16[%dma_start3A_108, %dma_start3A_109] : memref<896x32xf32, #tpu.memory_space<vmem>> -> memref<128x32xf32, #tpu.memory_space<vmem>>
      %dma_start3A_111 = arith.constant 384 : i32
      %dma_start3A_112 = tpu.memref_slice %arg12[%dma_start3A_111] : memref<896xi32, #tpu.memory_space<vmem>> -> memref<128xi32, #tpu.memory_space<vmem>>
      %dma_start3A_113 = arith.constant 0 : i32
      %dma_start3A_114 = arith.constant 0 : i32
      %dma_start3A_115 = tpu.memref_slice %arg7[%dma_start3A_113, %dma_start3A_114] : memref<1000x32xf32, #tpu.memory_space<hbm>> -> memref<1000x32xf32, #tpu.memory_space<hbm>>
      tpu.enqueue_indirect_dma source(%dma_start3A_115 : memref<1000x32xf32, #tpu.memory_space<hbm>>) target(%dma_start3A_110 : memref<128x32xf32, #tpu.memory_space<vmem>>) offsets(%dma_start3A_112 : memref<128xi32, #tpu.memory_space<vmem>>) semaphore(%arg19 : memref<!tpu.dma_semaphore, #tpu.memory_space<semaphore_mem>>)
      %dma_start3A_116 = arith.constant 512 : i32
      %dma_start3A_117 = arith.constant 0 : i32
      %dma_start3A_118 = tpu.memref_slice %arg16[%dma_start3A_116, %dma_start3A_117] : memref<896x32xf32, #tpu.memory_space<vmem>> -> memref<128x32xf32, #tpu.memory_space<vmem>>
      %dma_start3A_119 = arith.constant 512 : i32
      %dma_start3A_120 = tpu.memref_slice %arg12[%dma_start3A_119] : memref<896xi32, #tpu.memory_space<vmem>> -> memref<128xi32, #tpu.memory_space<vmem>>
      %dma_start3A_121 = arith.constant 0 : i32
      %dma_start3A_122 = arith.constant 0 : i32
      %dma_start3A_123 = tpu.memref_slice %arg7[%dma_start3A_121, %dma_start3A_122] : memref<1000x32xf32, #tpu.memory_space<hbm>> -> memref<1000x32xf32, #tpu.memory_space<hbm>>
      tpu.enqueue_indirect_dma source(%dma_start3A_123 : memref<1000x32xf32, #tpu.memory_space<hbm>>) target(%dma_start3A_118 : memref<128x32xf32, #tpu.memory_space<vmem>>) offsets(%dma_start3A_120 : memref<128xi32, #tpu.memory_space<vmem>>) semaphore(%arg19 : memref<!tpu.dma_semaphore, #tpu.memory_space<semaphore_mem>>)
      %dma_start3A_124 = arith.constant 640 : i32
      %dma_start3A_125 = arith.constant 0 : i32
      %dma_start3A_126 = tpu.memref_slice %arg16[%dma_start3A_124, %dma_start3A_125] : memref<896x32xf32, #tpu.memory_space<vmem>> -> memref<128x32xf32, #tpu.memory_space<vmem>>
      %dma_start3A_127 = arith.constant 640 : i32
      %dma_start3A_128 = tpu.memref_slice %arg12[%dma_start3A_127] : memref<896xi32, #tpu.memory_space<vmem>> -> memref<128xi32, #tpu.memory_space<vmem>>
      %dma_start3A_129 = arith.constant 0 : i32
      %dma_start3A_130 = arith.constant 0 : i32
      %dma_start3A_131 = tpu.memref_slice %arg7[%dma_start3A_129, %dma_start3A_130] : memref<1000x32xf32, #tpu.memory_space<hbm>> -> memref<1000x32xf32, #tpu.memory_space<hbm>>
      tpu.enqueue_indirect_dma source(%dma_start3A_131 : memref<1000x32xf32, #tpu.memory_space<hbm>>) target(%dma_start3A_126 : memref<128x32xf32, #tpu.memory_space<vmem>>) offsets(%dma_start3A_128 : memref<128xi32, #tpu.memory_space<vmem>>) semaphore(%arg19 : memref<!tpu.dma_semaphore, #tpu.memory_space<semaphore_mem>>)
      %dma_start3A_132 = arith.constant 768 : i32
      %dma_start3A_133 = arith.constant 0 : i32
      %dma_start3A_134 = tpu.memref_slice %arg16[%dma_start3A_132, %dma_start3A_133] : memref<896x32xf32, #tpu.memory_space<vmem>> -> memref<128x32xf32, #tpu.memory_space<vmem>>
      %dma_start3A_135 = arith.constant 768 : i32
      %dma_start3A_136 = tpu.memref_slice %arg12[%dma_start3A_135] : memref<896xi32, #tpu.memory_space<vmem>> -> memref<128xi32, #tpu.memory_space<vmem>>
      %dma_start3A_137 = arith.constant 0 : i32
      %dma_start3A_138 = arith.constant 0 : i32
      %dma_start3A_139 = tpu.memref_slice %arg7[%dma_start3A_137, %dma_start3A_138] : memref<1000x32xf32, #tpu.memory_space<hbm>> -> memref<1000x32xf32, #tpu.memory_space<hbm>>
      tpu.enqueue_indirect_dma source(%dma_start3A_139 : memref<1000x32xf32, #tpu.memory_space<hbm>>) target(%dma_start3A_134 : memref<128x32xf32, #tpu.memory_space<vmem>>) offsets(%dma_start3A_136 : memref<128xi32, #tpu.memory_space<vmem>>) semaphore(%arg19 : memref<!tpu.dma_semaphore, #tpu.memory_space<semaphore_mem>>)
      %dma_start3A_140 = arith.constant 0 : i32
      %dma_start3A_141 = arith.constant 0 : i32
      %dma_start3A_142 = tpu.memref_slice %arg17[%dma_start3A_140, %dma_start3A_141] : memref<896x32xf32, #tpu.memory_space<vmem>> -> memref<128x32xf32, #tpu.memory_space<vmem>>
      %dma_start3A_143 = arith.constant 0 : i32
      %dma_start3A_144 = tpu.memref_slice %arg13[%dma_start3A_143] : memref<896xi32, #tpu.memory_space<vmem>> -> memref<128xi32, #tpu.memory_space<vmem>>
      %dma_start3A_145 = arith.constant 0 : i32
      %dma_start3A_146 = arith.constant 0 : i32
      %dma_start3A_147 = tpu.memref_slice %arg8[%dma_start3A_145, %dma_start3A_146] : memref<10000x32xf32, #tpu.memory_space<hbm>> -> memref<10000x32xf32, #tpu.memory_space<hbm>>
      tpu.enqueue_indirect_dma source(%dma_start3A_147 : memref<10000x32xf32, #tpu.memory_space<hbm>>) target(%dma_start3A_142 : memref<128x32xf32, #tpu.memory_space<vmem>>) offsets(%dma_start3A_144 : memref<128xi32, #tpu.memory_space<vmem>>) semaphore(%arg19 : memref<!tpu.dma_semaphore, #tpu.memory_space<semaphore_mem>>)
      %dma_start3A_148 = arith.constant 128 : i32
      %dma_start3A_149 = arith.constant 0 : i32
      %dma_start3A_150 = tpu.memref_slice %arg17[%dma_start3A_148, %dma_start3A_149] : memref<896x32xf32, #tpu.memory_space<vmem>> -> memref<128x32xf32, #tpu.memory_space<vmem>>
      %dma_start3A_151 = arith.constant 128 : i32
      %dma_start3A_152 = tpu.memref_slice %arg13[%dma_start3A_151] : memref<896xi32, #tpu.memory_space<vmem>> -> memref<128xi32, #tpu.memory_space<vmem>>
      %dma_start3A_153 = arith.constant 0 : i32
      %dma_start3A_154 = arith.constant 0 : i32
      %dma_start3A_155 = tpu.memref_slice %arg8[%dma_start3A_153, %dma_start3A_154] : memref<10000x32xf32, #tpu.memory_space<hbm>> -> memref<10000x32xf32, #tpu.memory_space<hbm>>
      tpu.enqueue_indirect_dma source(%dma_start3A_155 : memref<10000x32xf32, #tpu.memory_space<hbm>>) target(%dma_start3A_150 : memref<128x32xf32, #tpu.memory_space<vmem>>) offsets(%dma_start3A_152 : memref<128xi32, #tpu.memory_space<vmem>>) semaphore(%arg19 : memref<!tpu.dma_semaphore, #tpu.memory_space<semaphore_mem>>)
      %dma_start3A_156 = arith.constant 256 : i32
      %dma_start3A_157 = arith.constant 0 : i32
      %dma_start3A_158 = tpu.memref_slice %arg17[%dma_start3A_156, %dma_start3A_157] : memref<896x32xf32, #tpu.memory_space<vmem>> -> memref<128x32xf32, #tpu.memory_space<vmem>>
      %dma_start3A_159 = arith.constant 256 : i32
      %dma_start3A_160 = tpu.memref_slice %arg13[%dma_start3A_159] : memref<896xi32, #tpu.memory_space<vmem>> -> memref<128xi32, #tpu.memory_space<vmem>>
      %dma_start3A_161 = arith.constant 0 : i32
      %dma_start3A_162 = arith.constant 0 : i32
      %dma_start3A_163 = tpu.memref_slice %arg8[%dma_start3A_161, %dma_start3A_162] : memref<10000x32xf32, #tpu.memory_space<hbm>> -> memref<10000x32xf32, #tpu.memory_space<hbm>>
      tpu.enqueue_indirect_dma source(%dma_start3A_163 : memref<10000x32xf32, #tpu.memory_space<hbm>>) target(%dma_start3A_158 : memref<128x32xf32, #tpu.memory_space<vmem>>) offsets(%dma_start3A_160 : memref<128xi32, #tpu.memory_space<vmem>>) semaphore(%arg19 : memref<!tpu.dma_semaphore, #tpu.memory_space<semaphore_mem>>)
      %dma_start3A_164 = arith.constant 384 : i32
      %dma_start3A_165 = arith.constant 0 : i32
      %dma_start3A_166 = tpu.memref_slice %arg17[%dma_start3A_164, %dma_start3A_165] : memref<896x32xf32, #tpu.memory_space<vmem>> -> memref<128x32xf32, #tpu.memory_space<vmem>>
      %dma_start3A_167 = arith.constant 384 : i32
      %dma_start3A_168 = tpu.memref_slice %arg13[%dma_start3A_167] : memref<896xi32, #tpu.memory_space<vmem>> -> memref<128xi32, #tpu.memory_space<vmem>>
      %dma_start3A_169 = arith.constant 0 : i32
      %dma_start3A_170 = arith.constant 0 : i32
      %dma_start3A_171 = tpu.memref_slice %arg8[%dma_start3A_169, %dma_start3A_170] : memref<10000x32xf32, #tpu.memory_space<hbm>> -> memref<10000x32xf32, #tpu.memory_space<hbm>>
      tpu.enqueue_indirect_dma source(%dma_start3A_171 : memref<10000x32xf32, #tpu.memory_space<hbm>>) target(%dma_start3A_166 : memref<128x32xf32, #tpu.memory_space<vmem>>) offsets(%dma_start3A_168 : memref<128xi32, #tpu.memory_space<vmem>>) semaphore(%arg19 : memref<!tpu.dma_semaphore, #tpu.memory_space<semaphore_mem>>)
      %dma_start3A_172 = arith.constant 512 : i32
      %dma_start3A_173 = arith.constant 0 : i32
      %dma_start3A_174 = tpu.memref_slice %arg17[%dma_start3A_172, %dma_start3A_173] : memref<896x32xf32, #tpu.memory_space<vmem>> -> memref<128x32xf32, #tpu.memory_space<vmem>>
      %dma_start3A_175 = arith.constant 512 : i32
      %dma_start3A_176 = tpu.memref_slice %arg13[%dma_start3A_175] : memref<896xi32, #tpu.memory_space<vmem>> -> memref<128xi32, #tpu.memory_space<vmem>>
      %dma_start3A_177 = arith.constant 0 : i32
      %dma_start3A_178 = arith.constant 0 : i32
      %dma_start3A_179 = tpu.memref_slice %arg8[%dma_start3A_177, %dma_start3A_178] : memref<10000x32xf32, #tpu.memory_space<hbm>> -> memref<10000x32xf32, #tpu.memory_space<hbm>>
      tpu.enqueue_indirect_dma source(%dma_start3A_179 : memref<10000x32xf32, #tpu.memory_space<hbm>>) target(%dma_start3A_174 : memref<128x32xf32, #tpu.memory_space<vmem>>) offsets(%dma_start3A_176 : memref<128xi32, #tpu.memory_space<vmem>>) semaphore(%arg19 : memref<!tpu.dma_semaphore, #tpu.memory_space<semaphore_mem>>)
      %dma_start3A_180 = arith.constant 640 : i32
      %dma_start3A_181 = arith.constant 0 : i32
      %dma_start3A_182 = tpu.memref_slice %arg17[%dma_start3A_180, %dma_start3A_181] : memref<896x32xf32, #tpu.memory_space<vmem>> -> memref<128x32xf32, #tpu.memory_space<vmem>>
      %dma_start3A_183 = arith.constant 640 : i32
      %dma_start3A_184 = tpu.memref_slice %arg13[%dma_start3A_183] : memref<896xi32, #tpu.memory_space<vmem>> -> memref<128xi32, #tpu.memory_space<vmem>>
      %dma_start3A_185 = arith.constant 0 : i32
      %dma_start3A_186 = arith.constant 0 : i32
      %dma_start3A_187 = tpu.memref_slice %arg8[%dma_start3A_185, %dma_start3A_186] : memref<10000x32xf32, #tpu.memory_space<hbm>> -> memref<10000x32xf32, #tpu.memory_space<hbm>>
      tpu.enqueue_indirect_dma source(%dma_start3A_187 : memref<10000x32xf32, #tpu.memory_space<hbm>>) target(%dma_start3A_182 : memref<128x32xf32, #tpu.memory_space<vmem>>) offsets(%dma_start3A_184 : memref<128xi32, #tpu.memory_space<vmem>>) semaphore(%arg19 : memref<!tpu.dma_semaphore, #tpu.memory_space<semaphore_mem>>)
      %dma_start3A_188 = arith.constant 768 : i32
      %dma_start3A_189 = arith.constant 0 : i32
      %dma_start3A_190 = tpu.memref_slice %arg17[%dma_start3A_188, %dma_start3A_189] : memref<896x32xf32, #tpu.memory_space<vmem>> -> memref<128x32xf32, #tpu.memory_space<vmem>>
      %dma_start3A_191 = arith.constant 768 : i32
      %dma_start3A_192 = tpu.memref_slice %arg13[%dma_start3A_191] : memref<896xi32, #tpu.memory_space<vmem>> -> memref<128xi32, #tpu.memory_space<vmem>>
      %dma_start3A_193 = arith.constant 0 : i32
      %dma_start3A_194 = arith.constant 0 : i32
      %dma_start3A_195 = tpu.memref_slice %arg8[%dma_start3A_193, %dma_start3A_194] : memref<10000x32xf32, #tpu.memory_space<hbm>> -> memref<10000x32xf32, #tpu.memory_space<hbm>>
      tpu.enqueue_indirect_dma source(%dma_start3A_195 : memref<10000x32xf32, #tpu.memory_space<hbm>>) target(%dma_start3A_190 : memref<128x32xf32, #tpu.memory_space<vmem>>) offsets(%dma_start3A_192 : memref<128xi32, #tpu.memory_space<vmem>>) semaphore(%arg19 : memref<!tpu.dma_semaphore, #tpu.memory_space<semaphore_mem>>)
      %dma_start3A_196 = arith.constant 0 : i32
      %dma_start3A_197 = arith.constant 0 : i32
      %dma_start3A_198 = tpu.memref_slice %arg18[%dma_start3A_196, %dma_start3A_197] : memref<896x32xf32, #tpu.memory_space<vmem>> -> memref<128x32xf32, #tpu.memory_space<vmem>>
      %dma_start3A_199 = arith.constant 0 : i32
      %dma_start3A_200 = tpu.memref_slice %arg14[%dma_start3A_199] : memref<896xi32, #tpu.memory_space<vmem>> -> memref<128xi32, #tpu.memory_space<vmem>>
      %dma_start3A_201 = arith.constant 0 : i32
      %dma_start3A_202 = arith.constant 0 : i32
      %dma_start3A_203 = tpu.memref_slice %arg9[%dma_start3A_201, %dma_start3A_202] : memref<100000x32xf32, #tpu.memory_space<hbm>> -> memref<100000x32xf32, #tpu.memory_space<hbm>>
      tpu.enqueue_indirect_dma source(%dma_start3A_203 : memref<100000x32xf32, #tpu.memory_space<hbm>>) target(%dma_start3A_198 : memref<128x32xf32, #tpu.memory_space<vmem>>) offsets(%dma_start3A_200 : memref<128xi32, #tpu.memory_space<vmem>>) semaphore(%arg19 : memref<!tpu.dma_semaphore, #tpu.memory_space<semaphore_mem>>)
      %dma_start3A_204 = arith.constant 128 : i32
      %dma_start3A_205 = arith.constant 0 : i32
      %dma_start3A_206 = tpu.memref_slice %arg18[%dma_start3A_204, %dma_start3A_205] : memref<896x32xf32, #tpu.memory_space<vmem>> -> memref<128x32xf32, #tpu.memory_space<vmem>>
      %dma_start3A_207 = arith.constant 128 : i32
      %dma_start3A_208 = tpu.memref_slice %arg14[%dma_start3A_207] : memref<896xi32, #tpu.memory_space<vmem>> -> memref<128xi32, #tpu.memory_space<vmem>>
      %dma_start3A_209 = arith.constant 0 : i32
      %dma_start3A_210 = arith.constant 0 : i32
      %dma_start3A_211 = tpu.memref_slice %arg9[%dma_start3A_209, %dma_start3A_210] : memref<100000x32xf32, #tpu.memory_space<hbm>> -> memref<100000x32xf32, #tpu.memory_space<hbm>>
      tpu.enqueue_indirect_dma source(%dma_start3A_211 : memref<100000x32xf32, #tpu.memory_space<hbm>>) target(%dma_start3A_206 : memref<128x32xf32, #tpu.memory_space<vmem>>) offsets(%dma_start3A_208 : memref<128xi32, #tpu.memory_space<vmem>>) semaphore(%arg19 : memref<!tpu.dma_semaphore, #tpu.memory_space<semaphore_mem>>)
      %dma_start3A_212 = arith.constant 256 : i32
      %dma_start3A_213 = arith.constant 0 : i32
      %dma_start3A_214 = tpu.memref_slice %arg18[%dma_start3A_212, %dma_start3A_213] : memref<896x32xf32, #tpu.memory_space<vmem>> -> memref<128x32xf32, #tpu.memory_space<vmem>>
      %dma_start3A_215 = arith.constant 256 : i32
      %dma_start3A_216 = tpu.memref_slice %arg14[%dma_start3A_215] : memref<896xi32, #tpu.memory_space<vmem>> -> memref<128xi32, #tpu.memory_space<vmem>>
      %dma_start3A_217 = arith.constant 0 : i32
      %dma_start3A_218 = arith.constant 0 : i32
      %dma_start3A_219 = tpu.memref_slice %arg9[%dma_start3A_217, %dma_start3A_218] : memref<100000x32xf32, #tpu.memory_space<hbm>> -> memref<100000x32xf32, #tpu.memory_space<hbm>>
      tpu.enqueue_indirect_dma source(%dma_start3A_219 : memref<100000x32xf32, #tpu.memory_space<hbm>>) target(%dma_start3A_214 : memref<128x32xf32, #tpu.memory_space<vmem>>) offsets(%dma_start3A_216 : memref<128xi32, #tpu.memory_space<vmem>>) semaphore(%arg19 : memref<!tpu.dma_semaphore, #tpu.memory_space<semaphore_mem>>)
      %dma_start3A_220 = arith.constant 384 : i32
      %dma_start3A_221 = arith.constant 0 : i32
      %dma_start3A_222 = tpu.memref_slice %arg18[%dma_start3A_220, %dma_start3A_221] : memref<896x32xf32, #tpu.memory_space<vmem>> -> memref<128x32xf32, #tpu.memory_space<vmem>>
      %dma_start3A_223 = arith.constant 384 : i32
      %dma_start3A_224 = tpu.memref_slice %arg14[%dma_start3A_223] : memref<896xi32, #tpu.memory_space<vmem>> -> memref<128xi32, #tpu.memory_space<vmem>>
      %dma_start3A_225 = arith.constant 0 : i32
      %dma_start3A_226 = arith.constant 0 : i32
      %dma_start3A_227 = tpu.memref_slice %arg9[%dma_start3A_225, %dma_start3A_226] : memref<100000x32xf32, #tpu.memory_space<hbm>> -> memref<100000x32xf32, #tpu.memory_space<hbm>>
      tpu.enqueue_indirect_dma source(%dma_start3A_227 : memref<100000x32xf32, #tpu.memory_space<hbm>>) target(%dma_start3A_222 : memref<128x32xf32, #tpu.memory_space<vmem>>) offsets(%dma_start3A_224 : memref<128xi32, #tpu.memory_space<vmem>>) semaphore(%arg19 : memref<!tpu.dma_semaphore, #tpu.memory_space<semaphore_mem>>)
      %dma_start3A_228 = arith.constant 512 : i32
      %dma_start3A_229 = arith.constant 0 : i32
      %dma_start3A_230 = tpu.memref_slice %arg18[%dma_start3A_228, %dma_start3A_229] : memref<896x32xf32, #tpu.memory_space<vmem>> -> memref<128x32xf32, #tpu.memory_space<vmem>>
      %dma_start3A_231 = arith.constant 512 : i32
      %dma_start3A_232 = tpu.memref_slice %arg14[%dma_start3A_231] : memref<896xi32, #tpu.memory_space<vmem>> -> memref<128xi32, #tpu.memory_space<vmem>>
      %dma_start3A_233 = arith.constant 0 : i32
      %dma_start3A_234 = arith.constant 0 : i32
      %dma_start3A_235 = tpu.memref_slice %arg9[%dma_start3A_233, %dma_start3A_234] : memref<100000x32xf32, #tpu.memory_space<hbm>> -> memref<100000x32xf32, #tpu.memory_space<hbm>>
      tpu.enqueue_indirect_dma source(%dma_start3A_235 : memref<100000x32xf32, #tpu.memory_space<hbm>>) target(%dma_start3A_230 : memref<128x32xf32, #tpu.memory_space<vmem>>) offsets(%dma_start3A_232 : memref<128xi32, #tpu.memory_space<vmem>>) semaphore(%arg19 : memref<!tpu.dma_semaphore, #tpu.memory_space<semaphore_mem>>)
      %dma_start3A_236 = arith.constant 640 : i32
      %dma_start3A_237 = arith.constant 0 : i32
      %dma_start3A_238 = tpu.memref_slice %arg18[%dma_start3A_236, %dma_start3A_237] : memref<896x32xf32, #tpu.memory_space<vmem>> -> memref<128x32xf32, #tpu.memory_space<vmem>>
      %dma_start3A_239 = arith.constant 640 : i32
      %dma_start3A_240 = tpu.memref_slice %arg14[%dma_start3A_239] : memref<896xi32, #tpu.memory_space<vmem>> -> memref<128xi32, #tpu.memory_space<vmem>>
      %dma_start3A_241 = arith.constant 0 : i32
      %dma_start3A_242 = arith.constant 0 : i32
      %dma_start3A_243 = tpu.memref_slice %arg9[%dma_start3A_241, %dma_start3A_242] : memref<100000x32xf32, #tpu.memory_space<hbm>> -> memref<100000x32xf32, #tpu.memory_space<hbm>>
      tpu.enqueue_indirect_dma source(%dma_start3A_243 : memref<100000x32xf32, #tpu.memory_space<hbm>>) target(%dma_start3A_238 : memref<128x32xf32, #tpu.memory_space<vmem>>) offsets(%dma_start3A_240 : memref<128xi32, #tpu.memory_space<vmem>>) semaphore(%arg19 : memref<!tpu.dma_semaphore, #tpu.memory_space<semaphore_mem>>)
      %dma_start3A_244 = arith.constant 768 : i32
      %dma_start3A_245 = arith.constant 0 : i32
      %dma_start3A_246 = tpu.memref_slice %arg18[%dma_start3A_244, %dma_start3A_245] : memref<896x32xf32, #tpu.memory_space<vmem>> -> memref<128x32xf32, #tpu.memory_space<vmem>>
      %dma_start3A_247 = arith.constant 768 : i32
      %dma_start3A_248 = tpu.memref_slice %arg14[%dma_start3A_247] : memref<896xi32, #tpu.memory_space<vmem>> -> memref<128xi32, #tpu.memory_space<vmem>>
      %dma_start3A_249 = arith.constant 0 : i32
      %dma_start3A_250 = arith.constant 0 : i32
      %dma_start3A_251 = tpu.memref_slice %arg9[%dma_start3A_249, %dma_start3A_250] : memref<100000x32xf32, #tpu.memory_space<hbm>> -> memref<100000x32xf32, #tpu.memory_space<hbm>>
      tpu.enqueue_indirect_dma source(%dma_start3A_251 : memref<100000x32xf32, #tpu.memory_space<hbm>>) target(%dma_start3A_246 : memref<128x32xf32, #tpu.memory_space<vmem>>) offsets(%dma_start3A_248 : memref<128xi32, #tpu.memory_space<vmem>>) semaphore(%arg19 : memref<!tpu.dma_semaphore, #tpu.memory_space<semaphore_mem>>)
      %dma_wait3A = arith.constant 0 : i32
      %dma_wait3A_252 = arith.constant 0 : i32
      %dma_wait3A_253 = tpu.memref_slice %arg15[%dma_wait3A, %dma_wait3A_252] : memref<896x32xf32, #tpu.memory_space<vmem>> -> memref<128x32xf32, #tpu.memory_space<vmem>>
      %dma_wait3A_254 = arith.constant 0 : i32
      %dma_wait3A_255 = tpu.memref_slice %arg11[%dma_wait3A_254] : memref<896xi32, #tpu.memory_space<vmem>> -> memref<128xi32, #tpu.memory_space<vmem>>
      %dma_wait3A_256 = arith.constant 0 : i32
      %dma_wait3A_257 = arith.constant 0 : i32
      %dma_wait3A_258 = tpu.memref_slice %arg6[%dma_wait3A_256, %dma_wait3A_257] : memref<100x32xf32, #tpu.memory_space<hbm>> -> memref<100x32xf32, #tpu.memory_space<hbm>>
      tpu.wait_indirect_dma semaphore(%arg19 : memref<!tpu.dma_semaphore, #tpu.memory_space<semaphore_mem>>) src(%dma_wait3A_258 : memref<100x32xf32, #tpu.memory_space<hbm>>) dst(%dma_wait3A_253 : memref<128x32xf32, #tpu.memory_space<vmem>>)
      %dma_wait3A_259 = arith.constant 128 : i32
      %dma_wait3A_260 = arith.constant 0 : i32
      %dma_wait3A_261 = tpu.memref_slice %arg15[%dma_wait3A_259, %dma_wait3A_260] : memref<896x32xf32, #tpu.memory_space<vmem>> -> memref<128x32xf32, #tpu.memory_space<vmem>>
      %dma_wait3A_262 = arith.constant 128 : i32
      %dma_wait3A_263 = tpu.memref_slice %arg11[%dma_wait3A_262] : memref<896xi32, #tpu.memory_space<vmem>> -> memref<128xi32, #tpu.memory_space<vmem>>
      %dma_wait3A_264 = arith.constant 0 : i32
      %dma_wait3A_265 = arith.constant 0 : i32
      %dma_wait3A_266 = tpu.memref_slice %arg6[%dma_wait3A_264, %dma_wait3A_265] : memref<100x32xf32, #tpu.memory_space<hbm>> -> memref<100x32xf32, #tpu.memory_space<hbm>>
      tpu.wait_indirect_dma semaphore(%arg19 : memref<!tpu.dma_semaphore, #tpu.memory_space<semaphore_mem>>) src(%dma_wait3A_266 : memref<100x32xf32, #tpu.memory_space<hbm>>) dst(%dma_wait3A_261 : memref<128x32xf32, #tpu.memory_space<vmem>>)
      %dma_wait3A_267 = arith.constant 256 : i32
      %dma_wait3A_268 = arith.constant 0 : i32
      %dma_wait3A_269 = tpu.memref_slice %arg15[%dma_wait3A_267, %dma_wait3A_268] : memref<896x32xf32, #tpu.memory_space<vmem>> -> memref<128x32xf32, #tpu.memory_space<vmem>>
      %dma_wait3A_270 = arith.constant 256 : i32
      %dma_wait3A_271 = tpu.memref_slice %arg11[%dma_wait3A_270] : memref<896xi32, #tpu.memory_space<vmem>> -> memref<128xi32, #tpu.memory_space<vmem>>
      %dma_wait3A_272 = arith.constant 0 : i32
      %dma_wait3A_273 = arith.constant 0 : i32
      %dma_wait3A_274 = tpu.memref_slice %arg6[%dma_wait3A_272, %dma_wait3A_273] : memref<100x32xf32, #tpu.memory_space<hbm>> -> memref<100x32xf32, #tpu.memory_space<hbm>>
      tpu.wait_indirect_dma semaphore(%arg19 : memref<!tpu.dma_semaphore, #tpu.memory_space<semaphore_mem>>) src(%dma_wait3A_274 : memref<100x32xf32, #tpu.memory_space<hbm>>) dst(%dma_wait3A_269 : memref<128x32xf32, #tpu.memory_space<vmem>>)
      %dma_wait3A_275 = arith.constant 384 : i32
      %dma_wait3A_276 = arith.constant 0 : i32
      %dma_wait3A_277 = tpu.memref_slice %arg15[%dma_wait3A_275, %dma_wait3A_276] : memref<896x32xf32, #tpu.memory_space<vmem>> -> memref<128x32xf32, #tpu.memory_space<vmem>>
      %dma_wait3A_278 = arith.constant 384 : i32
      %dma_wait3A_279 = tpu.memref_slice %arg11[%dma_wait3A_278] : memref<896xi32, #tpu.memory_space<vmem>> -> memref<128xi32, #tpu.memory_space<vmem>>
      %dma_wait3A_280 = arith.constant 0 : i32
      %dma_wait3A_281 = arith.constant 0 : i32
      %dma_wait3A_282 = tpu.memref_slice %arg6[%dma_wait3A_280, %dma_wait3A_281] : memref<100x32xf32, #tpu.memory_space<hbm>> -> memref<100x32xf32, #tpu.memory_space<hbm>>
      tpu.wait_indirect_dma semaphore(%arg19 : memref<!tpu.dma_semaphore, #tpu.memory_space<semaphore_mem>>) src(%dma_wait3A_282 : memref<100x32xf32, #tpu.memory_space<hbm>>) dst(%dma_wait3A_277 : memref<128x32xf32, #tpu.memory_space<vmem>>)
      %dma_wait3A_283 = arith.constant 512 : i32
      %dma_wait3A_284 = arith.constant 0 : i32
      %dma_wait3A_285 = tpu.memref_slice %arg15[%dma_wait3A_283, %dma_wait3A_284] : memref<896x32xf32, #tpu.memory_space<vmem>> -> memref<128x32xf32, #tpu.memory_space<vmem>>
      %dma_wait3A_286 = arith.constant 512 : i32
      %dma_wait3A_287 = tpu.memref_slice %arg11[%dma_wait3A_286] : memref<896xi32, #tpu.memory_space<vmem>> -> memref<128xi32, #tpu.memory_space<vmem>>
      %dma_wait3A_288 = arith.constant 0 : i32
      %dma_wait3A_289 = arith.constant 0 : i32
      %dma_wait3A_290 = tpu.memref_slice %arg6[%dma_wait3A_288, %dma_wait3A_289] : memref<100x32xf32, #tpu.memory_space<hbm>> -> memref<100x32xf32, #tpu.memory_space<hbm>>
      tpu.wait_indirect_dma semaphore(%arg19 : memref<!tpu.dma_semaphore, #tpu.memory_space<semaphore_mem>>) src(%dma_wait3A_290 : memref<100x32xf32, #tpu.memory_space<hbm>>) dst(%dma_wait3A_285 : memref<128x32xf32, #tpu.memory_space<vmem>>)
      %dma_wait3A_291 = arith.constant 640 : i32
      %dma_wait3A_292 = arith.constant 0 : i32
      %dma_wait3A_293 = tpu.memref_slice %arg15[%dma_wait3A_291, %dma_wait3A_292] : memref<896x32xf32, #tpu.memory_space<vmem>> -> memref<128x32xf32, #tpu.memory_space<vmem>>
      %dma_wait3A_294 = arith.constant 640 : i32
      %dma_wait3A_295 = tpu.memref_slice %arg11[%dma_wait3A_294] : memref<896xi32, #tpu.memory_space<vmem>> -> memref<128xi32, #tpu.memory_space<vmem>>
      %dma_wait3A_296 = arith.constant 0 : i32
      %dma_wait3A_297 = arith.constant 0 : i32
      %dma_wait3A_298 = tpu.memref_slice %arg6[%dma_wait3A_296, %dma_wait3A_297] : memref<100x32xf32, #tpu.memory_space<hbm>> -> memref<100x32xf32, #tpu.memory_space<hbm>>
      tpu.wait_indirect_dma semaphore(%arg19 : memref<!tpu.dma_semaphore, #tpu.memory_space<semaphore_mem>>) src(%dma_wait3A_298 : memref<100x32xf32, #tpu.memory_space<hbm>>) dst(%dma_wait3A_293 : memref<128x32xf32, #tpu.memory_space<vmem>>)
      %dma_wait3A_299 = arith.constant 768 : i32
      %dma_wait3A_300 = arith.constant 0 : i32
      %dma_wait3A_301 = tpu.memref_slice %arg15[%dma_wait3A_299, %dma_wait3A_300] : memref<896x32xf32, #tpu.memory_space<vmem>> -> memref<128x32xf32, #tpu.memory_space<vmem>>
      %dma_wait3A_302 = arith.constant 768 : i32
      %dma_wait3A_303 = tpu.memref_slice %arg11[%dma_wait3A_302] : memref<896xi32, #tpu.memory_space<vmem>> -> memref<128xi32, #tpu.memory_space<vmem>>
      %dma_wait3A_304 = arith.constant 0 : i32
      %dma_wait3A_305 = arith.constant 0 : i32
      %dma_wait3A_306 = tpu.memref_slice %arg6[%dma_wait3A_304, %dma_wait3A_305] : memref<100x32xf32, #tpu.memory_space<hbm>> -> memref<100x32xf32, #tpu.memory_space<hbm>>
      tpu.wait_indirect_dma semaphore(%arg19 : memref<!tpu.dma_semaphore, #tpu.memory_space<semaphore_mem>>) src(%dma_wait3A_306 : memref<100x32xf32, #tpu.memory_space<hbm>>) dst(%dma_wait3A_301 : memref<128x32xf32, #tpu.memory_space<vmem>>)
      %dma_wait3A_307 = arith.constant 0 : i32
      %dma_wait3A_308 = arith.constant 0 : i32
      %dma_wait3A_309 = tpu.memref_slice %arg16[%dma_wait3A_307, %dma_wait3A_308] : memref<896x32xf32, #tpu.memory_space<vmem>> -> memref<128x32xf32, #tpu.memory_space<vmem>>
      %dma_wait3A_310 = arith.constant 0 : i32
      %dma_wait3A_311 = tpu.memref_slice %arg12[%dma_wait3A_310] : memref<896xi32, #tpu.memory_space<vmem>> -> memref<128xi32, #tpu.memory_space<vmem>>
      %dma_wait3A_312 = arith.constant 0 : i32
      %dma_wait3A_313 = arith.constant 0 : i32
      %dma_wait3A_314 = tpu.memref_slice %arg7[%dma_wait3A_312, %dma_wait3A_313] : memref<1000x32xf32, #tpu.memory_space<hbm>> -> memref<1000x32xf32, #tpu.memory_space<hbm>>
      tpu.wait_indirect_dma semaphore(%arg19 : memref<!tpu.dma_semaphore, #tpu.memory_space<semaphore_mem>>) src(%dma_wait3A_314 : memref<1000x32xf32, #tpu.memory_space<hbm>>) dst(%dma_wait3A_309 : memref<128x32xf32, #tpu.memory_space<vmem>>)
      %dma_wait3A_315 = arith.constant 128 : i32
      %dma_wait3A_316 = arith.constant 0 : i32
      %dma_wait3A_317 = tpu.memref_slice %arg16[%dma_wait3A_315, %dma_wait3A_316] : memref<896x32xf32, #tpu.memory_space<vmem>> -> memref<128x32xf32, #tpu.memory_space<vmem>>
      %dma_wait3A_318 = arith.constant 128 : i32
      %dma_wait3A_319 = tpu.memref_slice %arg12[%dma_wait3A_318] : memref<896xi32, #tpu.memory_space<vmem>> -> memref<128xi32, #tpu.memory_space<vmem>>
      %dma_wait3A_320 = arith.constant 0 : i32
      %dma_wait3A_321 = arith.constant 0 : i32
      %dma_wait3A_322 = tpu.memref_slice %arg7[%dma_wait3A_320, %dma_wait3A_321] : memref<1000x32xf32, #tpu.memory_space<hbm>> -> memref<1000x32xf32, #tpu.memory_space<hbm>>
      tpu.wait_indirect_dma semaphore(%arg19 : memref<!tpu.dma_semaphore, #tpu.memory_space<semaphore_mem>>) src(%dma_wait3A_322 : memref<1000x32xf32, #tpu.memory_space<hbm>>) dst(%dma_wait3A_317 : memref<128x32xf32, #tpu.memory_space<vmem>>)
      %dma_wait3A_323 = arith.constant 256 : i32
      %dma_wait3A_324 = arith.constant 0 : i32
      %dma_wait3A_325 = tpu.memref_slice %arg16[%dma_wait3A_323, %dma_wait3A_324] : memref<896x32xf32, #tpu.memory_space<vmem>> -> memref<128x32xf32, #tpu.memory_space<vmem>>
      %dma_wait3A_326 = arith.constant 256 : i32
      %dma_wait3A_327 = tpu.memref_slice %arg12[%dma_wait3A_326] : memref<896xi32, #tpu.memory_space<vmem>> -> memref<128xi32, #tpu.memory_space<vmem>>
      %dma_wait3A_328 = arith.constant 0 : i32
      %dma_wait3A_329 = arith.constant 0 : i32
      %dma_wait3A_330 = tpu.memref_slice %arg7[%dma_wait3A_328, %dma_wait3A_329] : memref<1000x32xf32, #tpu.memory_space<hbm>> -> memref<1000x32xf32, #tpu.memory_space<hbm>>
      tpu.wait_indirect_dma semaphore(%arg19 : memref<!tpu.dma_semaphore, #tpu.memory_space<semaphore_mem>>) src(%dma_wait3A_330 : memref<1000x32xf32, #tpu.memory_space<hbm>>) dst(%dma_wait3A_325 : memref<128x32xf32, #tpu.memory_space<vmem>>)
      %dma_wait3A_331 = arith.constant 384 : i32
      %dma_wait3A_332 = arith.constant 0 : i32
      %dma_wait3A_333 = tpu.memref_slice %arg16[%dma_wait3A_331, %dma_wait3A_332] : memref<896x32xf32, #tpu.memory_space<vmem>> -> memref<128x32xf32, #tpu.memory_space<vmem>>
      %dma_wait3A_334 = arith.constant 384 : i32
      %dma_wait3A_335 = tpu.memref_slice %arg12[%dma_wait3A_334] : memref<896xi32, #tpu.memory_space<vmem>> -> memref<128xi32, #tpu.memory_space<vmem>>
      %dma_wait3A_336 = arith.constant 0 : i32
      %dma_wait3A_337 = arith.constant 0 : i32
      %dma_wait3A_338 = tpu.memref_slice %arg7[%dma_wait3A_336, %dma_wait3A_337] : memref<1000x32xf32, #tpu.memory_space<hbm>> -> memref<1000x32xf32, #tpu.memory_space<hbm>>
      tpu.wait_indirect_dma semaphore(%arg19 : memref<!tpu.dma_semaphore, #tpu.memory_space<semaphore_mem>>) src(%dma_wait3A_338 : memref<1000x32xf32, #tpu.memory_space<hbm>>) dst(%dma_wait3A_333 : memref<128x32xf32, #tpu.memory_space<vmem>>)
      %dma_wait3A_339 = arith.constant 512 : i32
      %dma_wait3A_340 = arith.constant 0 : i32
      %dma_wait3A_341 = tpu.memref_slice %arg16[%dma_wait3A_339, %dma_wait3A_340] : memref<896x32xf32, #tpu.memory_space<vmem>> -> memref<128x32xf32, #tpu.memory_space<vmem>>
      %dma_wait3A_342 = arith.constant 512 : i32
      %dma_wait3A_343 = tpu.memref_slice %arg12[%dma_wait3A_342] : memref<896xi32, #tpu.memory_space<vmem>> -> memref<128xi32, #tpu.memory_space<vmem>>
      %dma_wait3A_344 = arith.constant 0 : i32
      %dma_wait3A_345 = arith.constant 0 : i32
      %dma_wait3A_346 = tpu.memref_slice %arg7[%dma_wait3A_344, %dma_wait3A_345] : memref<1000x32xf32, #tpu.memory_space<hbm>> -> memref<1000x32xf32, #tpu.memory_space<hbm>>
      tpu.wait_indirect_dma semaphore(%arg19 : memref<!tpu.dma_semaphore, #tpu.memory_space<semaphore_mem>>) src(%dma_wait3A_346 : memref<1000x32xf32, #tpu.memory_space<hbm>>) dst(%dma_wait3A_341 : memref<128x32xf32, #tpu.memory_space<vmem>>)
      %dma_wait3A_347 = arith.constant 640 : i32
      %dma_wait3A_348 = arith.constant 0 : i32
      %dma_wait3A_349 = tpu.memref_slice %arg16[%dma_wait3A_347, %dma_wait3A_348] : memref<896x32xf32, #tpu.memory_space<vmem>> -> memref<128x32xf32, #tpu.memory_space<vmem>>
      %dma_wait3A_350 = arith.constant 640 : i32
      %dma_wait3A_351 = tpu.memref_slice %arg12[%dma_wait3A_350] : memref<896xi32, #tpu.memory_space<vmem>> -> memref<128xi32, #tpu.memory_space<vmem>>
      %dma_wait3A_352 = arith.constant 0 : i32
      %dma_wait3A_353 = arith.constant 0 : i32
      %dma_wait3A_354 = tpu.memref_slice %arg7[%dma_wait3A_352, %dma_wait3A_353] : memref<1000x32xf32, #tpu.memory_space<hbm>> -> memref<1000x32xf32, #tpu.memory_space<hbm>>
      tpu.wait_indirect_dma semaphore(%arg19 : memref<!tpu.dma_semaphore, #tpu.memory_space<semaphore_mem>>) src(%dma_wait3A_354 : memref<1000x32xf32, #tpu.memory_space<hbm>>) dst(%dma_wait3A_349 : memref<128x32xf32, #tpu.memory_space<vmem>>)
      %dma_wait3A_355 = arith.constant 768 : i32
      %dma_wait3A_356 = arith.constant 0 : i32
      %dma_wait3A_357 = tpu.memref_slice %arg16[%dma_wait3A_355, %dma_wait3A_356] : memref<896x32xf32, #tpu.memory_space<vmem>> -> memref<128x32xf32, #tpu.memory_space<vmem>>
      %dma_wait3A_358 = arith.constant 768 : i32
      %dma_wait3A_359 = tpu.memref_slice %arg12[%dma_wait3A_358] : memref<896xi32, #tpu.memory_space<vmem>> -> memref<128xi32, #tpu.memory_space<vmem>>
      %dma_wait3A_360 = arith.constant 0 : i32
      %dma_wait3A_361 = arith.constant 0 : i32
      %dma_wait3A_362 = tpu.memref_slice %arg7[%dma_wait3A_360, %dma_wait3A_361] : memref<1000x32xf32, #tpu.memory_space<hbm>> -> memref<1000x32xf32, #tpu.memory_space<hbm>>
      tpu.wait_indirect_dma semaphore(%arg19 : memref<!tpu.dma_semaphore, #tpu.memory_space<semaphore_mem>>) src(%dma_wait3A_362 : memref<1000x32xf32, #tpu.memory_space<hbm>>) dst(%dma_wait3A_357 : memref<128x32xf32, #tpu.memory_space<vmem>>)
      %dma_wait3A_363 = arith.constant 0 : i32
      %dma_wait3A_364 = arith.constant 0 : i32
      %dma_wait3A_365 = tpu.memref_slice %arg17[%dma_wait3A_363, %dma_wait3A_364] : memref<896x32xf32, #tpu.memory_space<vmem>> -> memref<128x32xf32, #tpu.memory_space<vmem>>
      %dma_wait3A_366 = arith.constant 0 : i32
      %dma_wait3A_367 = tpu.memref_slice %arg13[%dma_wait3A_366] : memref<896xi32, #tpu.memory_space<vmem>> -> memref<128xi32, #tpu.memory_space<vmem>>
      %dma_wait3A_368 = arith.constant 0 : i32
      %dma_wait3A_369 = arith.constant 0 : i32
      %dma_wait3A_370 = tpu.memref_slice %arg8[%dma_wait3A_368, %dma_wait3A_369] : memref<10000x32xf32, #tpu.memory_space<hbm>> -> memref<10000x32xf32, #tpu.memory_space<hbm>>
      tpu.wait_indirect_dma semaphore(%arg19 : memref<!tpu.dma_semaphore, #tpu.memory_space<semaphore_mem>>) src(%dma_wait3A_370 : memref<10000x32xf32, #tpu.memory_space<hbm>>) dst(%dma_wait3A_365 : memref<128x32xf32, #tpu.memory_space<vmem>>)
      %dma_wait3A_371 = arith.constant 128 : i32
      %dma_wait3A_372 = arith.constant 0 : i32
      %dma_wait3A_373 = tpu.memref_slice %arg17[%dma_wait3A_371, %dma_wait3A_372] : memref<896x32xf32, #tpu.memory_space<vmem>> -> memref<128x32xf32, #tpu.memory_space<vmem>>
      %dma_wait3A_374 = arith.constant 128 : i32
      %dma_wait3A_375 = tpu.memref_slice %arg13[%dma_wait3A_374] : memref<896xi32, #tpu.memory_space<vmem>> -> memref<128xi32, #tpu.memory_space<vmem>>
      %dma_wait3A_376 = arith.constant 0 : i32
      %dma_wait3A_377 = arith.constant 0 : i32
      %dma_wait3A_378 = tpu.memref_slice %arg8[%dma_wait3A_376, %dma_wait3A_377] : memref<10000x32xf32, #tpu.memory_space<hbm>> -> memref<10000x32xf32, #tpu.memory_space<hbm>>
      tpu.wait_indirect_dma semaphore(%arg19 : memref<!tpu.dma_semaphore, #tpu.memory_space<semaphore_mem>>) src(%dma_wait3A_378 : memref<10000x32xf32, #tpu.memory_space<hbm>>) dst(%dma_wait3A_373 : memref<128x32xf32, #tpu.memory_space<vmem>>)
      %dma_wait3A_379 = arith.constant 256 : i32
      %dma_wait3A_380 = arith.constant 0 : i32
      %dma_wait3A_381 = tpu.memref_slice %arg17[%dma_wait3A_379, %dma_wait3A_380] : memref<896x32xf32, #tpu.memory_space<vmem>> -> memref<128x32xf32, #tpu.memory_space<vmem>>
      %dma_wait3A_382 = arith.constant 256 : i32
      %dma_wait3A_383 = tpu.memref_slice %arg13[%dma_wait3A_382] : memref<896xi32, #tpu.memory_space<vmem>> -> memref<128xi32, #tpu.memory_space<vmem>>
      %dma_wait3A_384 = arith.constant 0 : i32
      %dma_wait3A_385 = arith.constant 0 : i32
      %dma_wait3A_386 = tpu.memref_slice %arg8[%dma_wait3A_384, %dma_wait3A_385] : memref<10000x32xf32, #tpu.memory_space<hbm>> -> memref<10000x32xf32, #tpu.memory_space<hbm>>
      tpu.wait_indirect_dma semaphore(%arg19 : memref<!tpu.dma_semaphore, #tpu.memory_space<semaphore_mem>>) src(%dma_wait3A_386 : memref<10000x32xf32, #tpu.memory_space<hbm>>) dst(%dma_wait3A_381 : memref<128x32xf32, #tpu.memory_space<vmem>>)
      %dma_wait3A_387 = arith.constant 384 : i32
      %dma_wait3A_388 = arith.constant 0 : i32
      %dma_wait3A_389 = tpu.memref_slice %arg17[%dma_wait3A_387, %dma_wait3A_388] : memref<896x32xf32, #tpu.memory_space<vmem>> -> memref<128x32xf32, #tpu.memory_space<vmem>>
      %dma_wait3A_390 = arith.constant 384 : i32
      %dma_wait3A_391 = tpu.memref_slice %arg13[%dma_wait3A_390] : memref<896xi32, #tpu.memory_space<vmem>> -> memref<128xi32, #tpu.memory_space<vmem>>
      %dma_wait3A_392 = arith.constant 0 : i32
      %dma_wait3A_393 = arith.constant 0 : i32
      %dma_wait3A_394 = tpu.memref_slice %arg8[%dma_wait3A_392, %dma_wait3A_393] : memref<10000x32xf32, #tpu.memory_space<hbm>> -> memref<10000x32xf32, #tpu.memory_space<hbm>>
      tpu.wait_indirect_dma semaphore(%arg19 : memref<!tpu.dma_semaphore, #tpu.memory_space<semaphore_mem>>) src(%dma_wait3A_394 : memref<10000x32xf32, #tpu.memory_space<hbm>>) dst(%dma_wait3A_389 : memref<128x32xf32, #tpu.memory_space<vmem>>)
      %dma_wait3A_395 = arith.constant 512 : i32
      %dma_wait3A_396 = arith.constant 0 : i32
      %dma_wait3A_397 = tpu.memref_slice %arg17[%dma_wait3A_395, %dma_wait3A_396] : memref<896x32xf32, #tpu.memory_space<vmem>> -> memref<128x32xf32, #tpu.memory_space<vmem>>
      %dma_wait3A_398 = arith.constant 512 : i32
      %dma_wait3A_399 = tpu.memref_slice %arg13[%dma_wait3A_398] : memref<896xi32, #tpu.memory_space<vmem>> -> memref<128xi32, #tpu.memory_space<vmem>>
      %dma_wait3A_400 = arith.constant 0 : i32
      %dma_wait3A_401 = arith.constant 0 : i32
      %dma_wait3A_402 = tpu.memref_slice %arg8[%dma_wait3A_400, %dma_wait3A_401] : memref<10000x32xf32, #tpu.memory_space<hbm>> -> memref<10000x32xf32, #tpu.memory_space<hbm>>
      tpu.wait_indirect_dma semaphore(%arg19 : memref<!tpu.dma_semaphore, #tpu.memory_space<semaphore_mem>>) src(%dma_wait3A_402 : memref<10000x32xf32, #tpu.memory_space<hbm>>) dst(%dma_wait3A_397 : memref<128x32xf32, #tpu.memory_space<vmem>>)
      %dma_wait3A_403 = arith.constant 640 : i32
      %dma_wait3A_404 = arith.constant 0 : i32
      %dma_wait3A_405 = tpu.memref_slice %arg17[%dma_wait3A_403, %dma_wait3A_404] : memref<896x32xf32, #tpu.memory_space<vmem>> -> memref<128x32xf32, #tpu.memory_space<vmem>>
      %dma_wait3A_406 = arith.constant 640 : i32
      %dma_wait3A_407 = tpu.memref_slice %arg13[%dma_wait3A_406] : memref<896xi32, #tpu.memory_space<vmem>> -> memref<128xi32, #tpu.memory_space<vmem>>
      %dma_wait3A_408 = arith.constant 0 : i32
      %dma_wait3A_409 = arith.constant 0 : i32
      %dma_wait3A_410 = tpu.memref_slice %arg8[%dma_wait3A_408, %dma_wait3A_409] : memref<10000x32xf32, #tpu.memory_space<hbm>> -> memref<10000x32xf32, #tpu.memory_space<hbm>>
      tpu.wait_indirect_dma semaphore(%arg19 : memref<!tpu.dma_semaphore, #tpu.memory_space<semaphore_mem>>) src(%dma_wait3A_410 : memref<10000x32xf32, #tpu.memory_space<hbm>>) dst(%dma_wait3A_405 : memref<128x32xf32, #tpu.memory_space<vmem>>)
      %dma_wait3A_411 = arith.constant 768 : i32
      %dma_wait3A_412 = arith.constant 0 : i32
      %dma_wait3A_413 = tpu.memref_slice %arg17[%dma_wait3A_411, %dma_wait3A_412] : memref<896x32xf32, #tpu.memory_space<vmem>> -> memref<128x32xf32, #tpu.memory_space<vmem>>
      %dma_wait3A_414 = arith.constant 768 : i32
      %dma_wait3A_415 = tpu.memref_slice %arg13[%dma_wait3A_414] : memref<896xi32, #tpu.memory_space<vmem>> -> memref<128xi32, #tpu.memory_space<vmem>>
      %dma_wait3A_416 = arith.constant 0 : i32
      %dma_wait3A_417 = arith.constant 0 : i32
      %dma_wait3A_418 = tpu.memref_slice %arg8[%dma_wait3A_416, %dma_wait3A_417] : memref<10000x32xf32, #tpu.memory_space<hbm>> -> memref<10000x32xf32, #tpu.memory_space<hbm>>
      tpu.wait_indirect_dma semaphore(%arg19 : memref<!tpu.dma_semaphore, #tpu.memory_space<semaphore_mem>>) src(%dma_wait3A_418 : memref<10000x32xf32, #tpu.memory_space<hbm>>) dst(%dma_wait3A_413 : memref<128x32xf32, #tpu.memory_space<vmem>>)
      %dma_wait3A_419 = arith.constant 0 : i32
      %dma_wait3A_420 = arith.constant 0 : i32
      %dma_wait3A_421 = tpu.memref_slice %arg18[%dma_wait3A_419, %dma_wait3A_420] : memref<896x32xf32, #tpu.memory_space<vmem>> -> memref<128x32xf32, #tpu.memory_space<vmem>>
      %dma_wait3A_422 = arith.constant 0 : i32
      %dma_wait3A_423 = tpu.memref_slice %arg14[%dma_wait3A_422] : memref<896xi32, #tpu.memory_space<vmem>> -> memref<128xi32, #tpu.memory_space<vmem>>
      %dma_wait3A_424 = arith.constant 0 : i32
      %dma_wait3A_425 = arith.constant 0 : i32
      %dma_wait3A_426 = tpu.memref_slice %arg9[%dma_wait3A_424, %dma_wait3A_425] : memref<100000x32xf32, #tpu.memory_space<hbm>> -> memref<100000x32xf32, #tpu.memory_space<hbm>>
      tpu.wait_indirect_dma semaphore(%arg19 : memref<!tpu.dma_semaphore, #tpu.memory_space<semaphore_mem>>) src(%dma_wait3A_426 : memref<100000x32xf32, #tpu.memory_space<hbm>>) dst(%dma_wait3A_421 : memref<128x32xf32, #tpu.memory_space<vmem>>)
      %dma_wait3A_427 = arith.constant 128 : i32
      %dma_wait3A_428 = arith.constant 0 : i32
      %dma_wait3A_429 = tpu.memref_slice %arg18[%dma_wait3A_427, %dma_wait3A_428] : memref<896x32xf32, #tpu.memory_space<vmem>> -> memref<128x32xf32, #tpu.memory_space<vmem>>
      %dma_wait3A_430 = arith.constant 128 : i32
      %dma_wait3A_431 = tpu.memref_slice %arg14[%dma_wait3A_430] : memref<896xi32, #tpu.memory_space<vmem>> -> memref<128xi32, #tpu.memory_space<vmem>>
      %dma_wait3A_432 = arith.constant 0 : i32
      %dma_wait3A_433 = arith.constant 0 : i32
      %dma_wait3A_434 = tpu.memref_slice %arg9[%dma_wait3A_432, %dma_wait3A_433] : memref<100000x32xf32, #tpu.memory_space<hbm>> -> memref<100000x32xf32, #tpu.memory_space<hbm>>
      tpu.wait_indirect_dma semaphore(%arg19 : memref<!tpu.dma_semaphore, #tpu.memory_space<semaphore_mem>>) src(%dma_wait3A_434 : memref<100000x32xf32, #tpu.memory_space<hbm>>) dst(%dma_wait3A_429 : memref<128x32xf32, #tpu.memory_space<vmem>>)
      %dma_wait3A_435 = arith.constant 256 : i32
      %dma_wait3A_436 = arith.constant 0 : i32
      %dma_wait3A_437 = tpu.memref_slice %arg18[%dma_wait3A_435, %dma_wait3A_436] : memref<896x32xf32, #tpu.memory_space<vmem>> -> memref<128x32xf32, #tpu.memory_space<vmem>>
      %dma_wait3A_438 = arith.constant 256 : i32
      %dma_wait3A_439 = tpu.memref_slice %arg14[%dma_wait3A_438] : memref<896xi32, #tpu.memory_space<vmem>> -> memref<128xi32, #tpu.memory_space<vmem>>
      %dma_wait3A_440 = arith.constant 0 : i32
      %dma_wait3A_441 = arith.constant 0 : i32
      %dma_wait3A_442 = tpu.memref_slice %arg9[%dma_wait3A_440, %dma_wait3A_441] : memref<100000x32xf32, #tpu.memory_space<hbm>> -> memref<100000x32xf32, #tpu.memory_space<hbm>>
      tpu.wait_indirect_dma semaphore(%arg19 : memref<!tpu.dma_semaphore, #tpu.memory_space<semaphore_mem>>) src(%dma_wait3A_442 : memref<100000x32xf32, #tpu.memory_space<hbm>>) dst(%dma_wait3A_437 : memref<128x32xf32, #tpu.memory_space<vmem>>)
      %dma_wait3A_443 = arith.constant 384 : i32
      %dma_wait3A_444 = arith.constant 0 : i32
      %dma_wait3A_445 = tpu.memref_slice %arg18[%dma_wait3A_443, %dma_wait3A_444] : memref<896x32xf32, #tpu.memory_space<vmem>> -> memref<128x32xf32, #tpu.memory_space<vmem>>
      %dma_wait3A_446 = arith.constant 384 : i32
      %dma_wait3A_447 = tpu.memref_slice %arg14[%dma_wait3A_446] : memref<896xi32, #tpu.memory_space<vmem>> -> memref<128xi32, #tpu.memory_space<vmem>>
      %dma_wait3A_448 = arith.constant 0 : i32
      %dma_wait3A_449 = arith.constant 0 : i32
      %dma_wait3A_450 = tpu.memref_slice %arg9[%dma_wait3A_448, %dma_wait3A_449] : memref<100000x32xf32, #tpu.memory_space<hbm>> -> memref<100000x32xf32, #tpu.memory_space<hbm>>
      tpu.wait_indirect_dma semaphore(%arg19 : memref<!tpu.dma_semaphore, #tpu.memory_space<semaphore_mem>>) src(%dma_wait3A_450 : memref<100000x32xf32, #tpu.memory_space<hbm>>) dst(%dma_wait3A_445 : memref<128x32xf32, #tpu.memory_space<vmem>>)
      %dma_wait3A_451 = arith.constant 512 : i32
      %dma_wait3A_452 = arith.constant 0 : i32
      %dma_wait3A_453 = tpu.memref_slice %arg18[%dma_wait3A_451, %dma_wait3A_452] : memref<896x32xf32, #tpu.memory_space<vmem>> -> memref<128x32xf32, #tpu.memory_space<vmem>>
      %dma_wait3A_454 = arith.constant 512 : i32
      %dma_wait3A_455 = tpu.memref_slice %arg14[%dma_wait3A_454] : memref<896xi32, #tpu.memory_space<vmem>> -> memref<128xi32, #tpu.memory_space<vmem>>
      %dma_wait3A_456 = arith.constant 0 : i32
      %dma_wait3A_457 = arith.constant 0 : i32
      %dma_wait3A_458 = tpu.memref_slice %arg9[%dma_wait3A_456, %dma_wait3A_457] : memref<100000x32xf32, #tpu.memory_space<hbm>> -> memref<100000x32xf32, #tpu.memory_space<hbm>>
      tpu.wait_indirect_dma semaphore(%arg19 : memref<!tpu.dma_semaphore, #tpu.memory_space<semaphore_mem>>) src(%dma_wait3A_458 : memref<100000x32xf32, #tpu.memory_space<hbm>>) dst(%dma_wait3A_453 : memref<128x32xf32, #tpu.memory_space<vmem>>)
      %dma_wait3A_459 = arith.constant 640 : i32
      %dma_wait3A_460 = arith.constant 0 : i32
      %dma_wait3A_461 = tpu.memref_slice %arg18[%dma_wait3A_459, %dma_wait3A_460] : memref<896x32xf32, #tpu.memory_space<vmem>> -> memref<128x32xf32, #tpu.memory_space<vmem>>
      %dma_wait3A_462 = arith.constant 640 : i32
      %dma_wait3A_463 = tpu.memref_slice %arg14[%dma_wait3A_462] : memref<896xi32, #tpu.memory_space<vmem>> -> memref<128xi32, #tpu.memory_space<vmem>>
      %dma_wait3A_464 = arith.constant 0 : i32
      %dma_wait3A_465 = arith.constant 0 : i32
      %dma_wait3A_466 = tpu.memref_slice %arg9[%dma_wait3A_464, %dma_wait3A_465] : memref<100000x32xf32, #tpu.memory_space<hbm>> -> memref<100000x32xf32, #tpu.memory_space<hbm>>
      tpu.wait_indirect_dma semaphore(%arg19 : memref<!tpu.dma_semaphore, #tpu.memory_space<semaphore_mem>>) src(%dma_wait3A_466 : memref<100000x32xf32, #tpu.memory_space<hbm>>) dst(%dma_wait3A_461 : memref<128x32xf32, #tpu.memory_space<vmem>>)
      %dma_wait3A_467 = arith.constant 768 : i32
      %dma_wait3A_468 = arith.constant 0 : i32
      %dma_wait3A_469 = tpu.memref_slice %arg18[%dma_wait3A_467, %dma_wait3A_468] : memref<896x32xf32, #tpu.memory_space<vmem>> -> memref<128x32xf32, #tpu.memory_space<vmem>>
      %dma_wait3A_470 = arith.constant 768 : i32
      %dma_wait3A_471 = tpu.memref_slice %arg14[%dma_wait3A_470] : memref<896xi32, #tpu.memory_space<vmem>> -> memref<128xi32, #tpu.memory_space<vmem>>
      %dma_wait3A_472 = arith.constant 0 : i32
      %dma_wait3A_473 = arith.constant 0 : i32
      %dma_wait3A_474 = tpu.memref_slice %arg9[%dma_wait3A_472, %dma_wait3A_473] : memref<100000x32xf32, #tpu.memory_space<hbm>> -> memref<100000x32xf32, #tpu.memory_space<hbm>>
      tpu.wait_indirect_dma semaphore(%arg19 : memref<!tpu.dma_semaphore, #tpu.memory_space<semaphore_mem>>) src(%dma_wait3A_474 : memref<100000x32xf32, #tpu.memory_space<hbm>>) dst(%dma_wait3A_469 : memref<128x32xf32, #tpu.memory_space<vmem>>)
      "tpu.region"() ({
        %run_scoped3A = tpu.sem_alloc : memref<!tpu.dma_semaphore, #tpu.memory_space<semaphore_mem>>
        %dma_start3A_475 = arith.constant 0 : i32
        %dma_start3A_476 = tpu.memref_slice %arg10[%multiple_of3A, %dma_start3A_475] : memref<100000x128xf32, #tpu.memory_space<hbm>> -> memref<896x32xf32, #tpu.memory_space<hbm>>
        %dma_start3A_477 = arith.constant 0 : i32
        %dma_start3A_478 = tpu.memref_slice %arg10[%multiple_of3A, %dma_start3A_477] : memref<100000x128xf32, #tpu.memory_space<hbm>> -> memref<896x32xf32, #tpu.memory_space<hbm>>
        tpu.enqueue_dma source(%arg15 : memref<896x32xf32, #tpu.memory_space<vmem>>) target(%dma_start3A_478 : memref<896x32xf32, #tpu.memory_space<hbm>>) target_semaphore(%run_scoped3A : memref<!tpu.dma_semaphore, #tpu.memory_space<semaphore_mem>>)
        %dma_wait3A_479 = arith.constant 0 : i32
        %dma_wait3A_480 = tpu.memref_slice %arg10[%multiple_of3A, %dma_wait3A_479] : memref<100000x128xf32, #tpu.memory_space<hbm>> -> memref<896x32xf32, #tpu.memory_space<hbm>>
        %dma_wait3A_481 = arith.constant 0 : i32
        %dma_wait3A_482 = tpu.memref_slice %arg10[%multiple_of3A, %dma_wait3A_481] : memref<100000x128xf32, #tpu.memory_space<hbm>> -> memref<896x32xf32, #tpu.memory_space<hbm>>
        tpu.wait_dma2 semaphore(%run_scoped3A : memref<!tpu.dma_semaphore, #tpu.memory_space<semaphore_mem>>) src(%arg15 : memref<896x32xf32, #tpu.memory_space<vmem>>) dst(%dma_wait3A_482 : memref<896x32xf32, #tpu.memory_space<hbm>>)
        tpu.yield
      }) : () -> ()
      "tpu.region"() ({
        %run_scoped3A = tpu.sem_alloc : memref<!tpu.dma_semaphore, #tpu.memory_space<semaphore_mem>>
        %dma_start3A_475 = arith.constant 32 : i32
        %dma_start3A_476 = tpu.memref_slice %arg10[%multiple_of3A, %dma_start3A_475] : memref<100000x128xf32, #tpu.memory_space<hbm>> -> memref<896x32xf32, #tpu.memory_space<hbm>>
        %dma_start3A_477 = arith.constant 32 : i32
        %dma_start3A_478 = tpu.memref_slice %arg10[%multiple_of3A, %dma_start3A_477] : memref<100000x128xf32, #tpu.memory_space<hbm>> -> memref<896x32xf32, #tpu.memory_space<hbm>>
        tpu.enqueue_dma source(%arg16 : memref<896x32xf32, #tpu.memory_space<vmem>>) target(%dma_start3A_478 : memref<896x32xf32, #tpu.memory_space<hbm>>) target_semaphore(%run_scoped3A : memref<!tpu.dma_semaphore, #tpu.memory_space<semaphore_mem>>)
        %dma_wait3A_479 = arith.constant 32 : i32
        %dma_wait3A_480 = tpu.memref_slice %arg10[%multiple_of3A, %dma_wait3A_479] : memref<100000x128xf32, #tpu.memory_space<hbm>> -> memref<896x32xf32, #tpu.memory_space<hbm>>
        %dma_wait3A_481 = arith.constant 32 : i32
        %dma_wait3A_482 = tpu.memref_slice %arg10[%multiple_of3A, %dma_wait3A_481] : memref<100000x128xf32, #tpu.memory_space<hbm>> -> memref<896x32xf32, #tpu.memory_space<hbm>>
        tpu.wait_dma2 semaphore(%run_scoped3A : memref<!tpu.dma_semaphore, #tpu.memory_space<semaphore_mem>>) src(%arg16 : memref<896x32xf32, #tpu.memory_space<vmem>>) dst(%dma_wait3A_482 : memref<896x32xf32, #tpu.memory_space<hbm>>)
        tpu.yield
      }) : () -> ()
      "tpu.region"() ({
        %run_scoped3A = tpu.sem_alloc : memref<!tpu.dma_semaphore, #tpu.memory_space<semaphore_mem>>
        %dma_start3A_475 = arith.constant 64 : i32
        %dma_start3A_476 = tpu.memref_slice %arg10[%multiple_of3A, %dma_start3A_475] : memref<100000x128xf32, #tpu.memory_space<hbm>> -> memref<896x32xf32, #tpu.memory_space<hbm>>
        %dma_start3A_477 = arith.constant 64 : i32
        %dma_start3A_478 = tpu.memref_slice %arg10[%multiple_of3A, %dma_start3A_477] : memref<100000x128xf32, #tpu.memory_space<hbm>> -> memref<896x32xf32, #tpu.memory_space<hbm>>
        tpu.enqueue_dma source(%arg17 : memref<896x32xf32, #tpu.memory_space<vmem>>) target(%dma_start3A_478 : memref<896x32xf32, #tpu.memory_space<hbm>>) target_semaphore(%run_scoped3A : memref<!tpu.dma_semaphore, #tpu.memory_space<semaphore_mem>>)
        %dma_wait3A_479 = arith.constant 64 : i32
        %dma_wait3A_480 = tpu.memref_slice %arg10[%multiple_of3A, %dma_wait3A_479] : memref<100000x128xf32, #tpu.memory_space<hbm>> -> memref<896x32xf32, #tpu.memory_space<hbm>>
        %dma_wait3A_481 = arith.constant 64 : i32
        %dma_wait3A_482 = tpu.memref_slice %arg10[%multiple_of3A, %dma_wait3A_481] : memref<100000x128xf32, #tpu.memory_space<hbm>> -> memref<896x32xf32, #tpu.memory_space<hbm>>
        tpu.wait_dma2 semaphore(%run_scoped3A : memref<!tpu.dma_semaphore, #tpu.memory_space<semaphore_mem>>) src(%arg17 : memref<896x32xf32, #tpu.memory_space<vmem>>) dst(%dma_wait3A_482 : memref<896x32xf32, #tpu.memory_space<hbm>>)
        tpu.yield
      }) : () -> ()
      "tpu.region"() ({
        %run_scoped3A = tpu.sem_alloc : memref<!tpu.dma_semaphore, #tpu.memory_space<semaphore_mem>>
        %dma_start3A_475 = arith.constant 96 : i32
        %dma_start3A_476 = tpu.memref_slice %arg10[%multiple_of3A, %dma_start3A_475] : memref<100000x128xf32, #tpu.memory_space<hbm>> -> memref<896x32xf32, #tpu.memory_space<hbm>>
        %dma_start3A_477 = arith.constant 96 : i32
        %dma_start3A_478 = tpu.memref_slice %arg10[%multiple_of3A, %dma_start3A_477] : memref<100000x128xf32, #tpu.memory_space<hbm>> -> memref<896x32xf32, #tpu.memory_space<hbm>>
        tpu.enqueue_dma source(%arg18 : memref<896x32xf32, #tpu.memory_space<vmem>>) target(%dma_start3A_478 : memref<896x32xf32, #tpu.memory_space<hbm>>) target_semaphore(%run_scoped3A : memref<!tpu.dma_semaphore, #tpu.memory_space<semaphore_mem>>)
        %dma_wait3A_479 = arith.constant 96 : i32
        %dma_wait3A_480 = tpu.memref_slice %arg10[%multiple_of3A, %dma_wait3A_479] : memref<100000x128xf32, #tpu.memory_space<hbm>> -> memref<896x32xf32, #tpu.memory_space<hbm>>
        %dma_wait3A_481 = arith.constant 96 : i32
        %dma_wait3A_482 = tpu.memref_slice %arg10[%multiple_of3A, %dma_wait3A_481] : memref<100000x128xf32, #tpu.memory_space<hbm>> -> memref<896x32xf32, #tpu.memory_space<hbm>>
        tpu.wait_dma2 semaphore(%run_scoped3A : memref<!tpu.dma_semaphore, #tpu.memory_space<semaphore_mem>>) src(%arg18 : memref<896x32xf32, #tpu.memory_space<vmem>>) dst(%dma_wait3A_482 : memref<896x32xf32, #tpu.memory_space<hbm>>)
        tpu.yield
      }) : () -> ()
    } else {
    }
    %add3A_5 = arith.constant 32 : i32
    %add3A_6 = arith.addi %add3A, %add3A_5 : i32
    %lt3A_7 = arith.constant 112 : i32
    %lt3A_8 = arith.cmpi slt, %add3A_6, %lt3A_7 : i32
    %convert_element_type3A_9 = arith.extui %lt3A_8 : i1 to i32
    %cond3A_10 = arith.constant 0 : i32
    %cond3A_11 = arith.cmpi ne, %convert_element_type3A_9, %cond3A_10 : i32
    scf.if %cond3A_11 {
      %mul3A_26 = arith.constant 896 : i32
      %mul3A_27 = arith.muli %add3A_6, %mul3A_26 : i32
      %min3A = arith.constant 99104 : i32
      %min3A_28 = arith.minsi %mul3A_27, %min3A : i32
      %multiple_of3A = tpu.assume_multiple %min3A_28, 8 : i32
      "tpu.region"() ({
        %run_scoped3A = tpu.sem_alloc : memref<!tpu.dma_semaphore, #tpu.memory_space<semaphore_mem>>
        %dma_start3A_475 = tpu.memref_slice %arg2[%multiple_of3A] : memref<100000xi32, #tpu.memory_space<hbm>> -> memref<896xi32, #tpu.memory_space<hbm>>
        %dma_start3A_476 = tpu.memref_slice %arg2[%multiple_of3A] : memref<100000xi32, #tpu.memory_space<hbm>> -> memref<896xi32, #tpu.memory_space<hbm>>
        tpu.enqueue_dma source(%dma_start3A_476 : memref<896xi32, #tpu.memory_space<hbm>>) target(%arg11 : memref<896xi32, #tpu.memory_space<vmem>>) target_semaphore(%run_scoped3A : memref<!tpu.dma_semaphore, #tpu.memory_space<semaphore_mem>>)
        %dma_wait3A_477 = tpu.memref_slice %arg2[%multiple_of3A] : memref<100000xi32, #tpu.memory_space<hbm>> -> memref<896xi32, #tpu.memory_space<hbm>>
        %dma_wait3A_478 = tpu.memref_slice %arg2[%multiple_of3A] : memref<100000xi32, #tpu.memory_space<hbm>> -> memref<896xi32, #tpu.memory_space<hbm>>
        tpu.wait_dma2 semaphore(%run_scoped3A : memref<!tpu.dma_semaphore, #tpu.memory_space<semaphore_mem>>) src(%dma_wait3A_478 : memref<896xi32, #tpu.memory_space<hbm>>) dst(%arg11 : memref<896xi32, #tpu.memory_space<vmem>>)
        tpu.yield
      }) : () -> ()
      "tpu.region"() ({
        %run_scoped3A = tpu.sem_alloc : memref<!tpu.dma_semaphore, #tpu.memory_space<semaphore_mem>>
        %dma_start3A_475 = tpu.memref_slice %arg3[%multiple_of3A] : memref<100000xi32, #tpu.memory_space<hbm>> -> memref<896xi32, #tpu.memory_space<hbm>>
        %dma_start3A_476 = tpu.memref_slice %arg3[%multiple_of3A] : memref<100000xi32, #tpu.memory_space<hbm>> -> memref<896xi32, #tpu.memory_space<hbm>>
        tpu.enqueue_dma source(%dma_start3A_476 : memref<896xi32, #tpu.memory_space<hbm>>) target(%arg12 : memref<896xi32, #tpu.memory_space<vmem>>) target_semaphore(%run_scoped3A : memref<!tpu.dma_semaphore, #tpu.memory_space<semaphore_mem>>)
        %dma_wait3A_477 = tpu.memref_slice %arg3[%multiple_of3A] : memref<100000xi32, #tpu.memory_space<hbm>> -> memref<896xi32, #tpu.memory_space<hbm>>
        %dma_wait3A_478 = tpu.memref_slice %arg3[%multiple_of3A] : memref<100000xi32, #tpu.memory_space<hbm>> -> memref<896xi32, #tpu.memory_space<hbm>>
        tpu.wait_dma2 semaphore(%run_scoped3A : memref<!tpu.dma_semaphore, #tpu.memory_space<semaphore_mem>>) src(%dma_wait3A_478 : memref<896xi32, #tpu.memory_space<hbm>>) dst(%arg12 : memref<896xi32, #tpu.memory_space<vmem>>)
        tpu.yield
      }) : () -> ()
      "tpu.region"() ({
        %run_scoped3A = tpu.sem_alloc : memref<!tpu.dma_semaphore, #tpu.memory_space<semaphore_mem>>
        %dma_start3A_475 = tpu.memref_slice %arg4[%multiple_of3A] : memref<100000xi32, #tpu.memory_space<hbm>> -> memref<896xi32, #tpu.memory_space<hbm>>
        %dma_start3A_476 = tpu.memref_slice %arg4[%multiple_of3A] : memref<100000xi32, #tpu.memory_space<hbm>> -> memref<896xi32, #tpu.memory_space<hbm>>
        tpu.enqueue_dma source(%dma_start3A_476 : memref<896xi32, #tpu.memory_space<hbm>>) target(%arg13 : memref<896xi32, #tpu.memory_space<vmem>>) target_semaphore(%run_scoped3A : memref<!tpu.dma_semaphore, #tpu.memory_space<semaphore_mem>>)
        %dma_wait3A_477 = tpu.memref_slice %arg4[%multiple_of3A] : memref<100000xi32, #tpu.memory_space<hbm>> -> memref<896xi32, #tpu.memory_space<hbm>>
        %dma_wait3A_478 = tpu.memref_slice %arg4[%multiple_of3A] : memref<100000xi32, #tpu.memory_space<hbm>> -> memref<896xi32, #tpu.memory_space<hbm>>
        tpu.wait_dma2 semaphore(%run_scoped3A : memref<!tpu.dma_semaphore, #tpu.memory_space<semaphore_mem>>) src(%dma_wait3A_478 : memref<896xi32, #tpu.memory_space<hbm>>) dst(%arg13 : memref<896xi32, #tpu.memory_space<vmem>>)
        tpu.yield
      }) : () -> ()
      "tpu.region"() ({
        %run_scoped3A = tpu.sem_alloc : memref<!tpu.dma_semaphore, #tpu.memory_space<semaphore_mem>>
        %dma_start3A_475 = tpu.memref_slice %arg5[%multiple_of3A] : memref<100000xi32, #tpu.memory_space<hbm>> -> memref<896xi32, #tpu.memory_space<hbm>>
        %dma_start3A_476 = tpu.memref_slice %arg5[%multiple_of3A] : memref<100000xi32, #tpu.memory_space<hbm>> -> memref<896xi32, #tpu.memory_space<hbm>>
        tpu.enqueue_dma source(%dma_start3A_476 : memref<896xi32, #tpu.memory_space<hbm>>) target(%arg14 : memref<896xi32, #tpu.memory_space<vmem>>) target_semaphore(%run_scoped3A : memref<!tpu.dma_semaphore, #tpu.memory_space<semaphore_mem>>)
        %dma_wait3A_477 = tpu.memref_slice %arg5[%multiple_of3A] : memref<100000xi32, #tpu.memory_space<hbm>> -> memref<896xi32, #tpu.memory_space<hbm>>
        %dma_wait3A_478 = tpu.memref_slice %arg5[%multiple_of3A] : memref<100000xi32, #tpu.memory_space<hbm>> -> memref<896xi32, #tpu.memory_space<hbm>>
        tpu.wait_dma2 semaphore(%run_scoped3A : memref<!tpu.dma_semaphore, #tpu.memory_space<semaphore_mem>>) src(%dma_wait3A_478 : memref<896xi32, #tpu.memory_space<hbm>>) dst(%arg14 : memref<896xi32, #tpu.memory_space<vmem>>)
        tpu.yield
      }) : () -> ()
      %dma_start3A = arith.constant 0 : i32
      %dma_start3A_29 = arith.constant 0 : i32
      %dma_start3A_30 = tpu.memref_slice %arg15[%dma_start3A, %dma_start3A_29] : memref<896x32xf32, #tpu.memory_space<vmem>> -> memref<128x32xf32, #tpu.memory_space<vmem>>
      %dma_start3A_31 = arith.constant 0 : i32
      %dma_start3A_32 = tpu.memref_slice %arg11[%dma_start3A_31] : memref<896xi32, #tpu.memory_space<vmem>> -> memref<128xi32, #tpu.memory_space<vmem>>
      %dma_start3A_33 = arith.constant 0 : i32
      %dma_start3A_34 = arith.constant 0 : i32
      %dma_start3A_35 = tpu.memref_slice %arg6[%dma_start3A_33, %dma_start3A_34] : memref<100x32xf32, #tpu.memory_space<hbm>> -> memref<100x32xf32, #tpu.memory_space<hbm>>
      tpu.enqueue_indirect_dma source(%dma_start3A_35 : memref<100x32xf32, #tpu.memory_space<hbm>>) target(%dma_start3A_30 : memref<128x32xf32, #tpu.memory_space<vmem>>) offsets(%dma_start3A_32 : memref<128xi32, #tpu.memory_space<vmem>>) semaphore(%arg19 : memref<!tpu.dma_semaphore, #tpu.memory_space<semaphore_mem>>)
      %dma_start3A_36 = arith.constant 128 : i32
      %dma_start3A_37 = arith.constant 0 : i32
      %dma_start3A_38 = tpu.memref_slice %arg15[%dma_start3A_36, %dma_start3A_37] : memref<896x32xf32, #tpu.memory_space<vmem>> -> memref<128x32xf32, #tpu.memory_space<vmem>>
      %dma_start3A_39 = arith.constant 128 : i32
      %dma_start3A_40 = tpu.memref_slice %arg11[%dma_start3A_39] : memref<896xi32, #tpu.memory_space<vmem>> -> memref<128xi32, #tpu.memory_space<vmem>>
      %dma_start3A_41 = arith.constant 0 : i32
      %dma_start3A_42 = arith.constant 0 : i32
      %dma_start3A_43 = tpu.memref_slice %arg6[%dma_start3A_41, %dma_start3A_42] : memref<100x32xf32, #tpu.memory_space<hbm>> -> memref<100x32xf32, #tpu.memory_space<hbm>>
      tpu.enqueue_indirect_dma source(%dma_start3A_43 : memref<100x32xf32, #tpu.memory_space<hbm>>) target(%dma_start3A_38 : memref<128x32xf32, #tpu.memory_space<vmem>>) offsets(%dma_start3A_40 : memref<128xi32, #tpu.memory_space<vmem>>) semaphore(%arg19 : memref<!tpu.dma_semaphore, #tpu.memory_space<semaphore_mem>>)
      %dma_start3A_44 = arith.constant 256 : i32
      %dma_start3A_45 = arith.constant 0 : i32
      %dma_start3A_46 = tpu.memref_slice %arg15[%dma_start3A_44, %dma_start3A_45] : memref<896x32xf32, #tpu.memory_space<vmem>> -> memref<128x32xf32, #tpu.memory_space<vmem>>
      %dma_start3A_47 = arith.constant 256 : i32
      %dma_start3A_48 = tpu.memref_slice %arg11[%dma_start3A_47] : memref<896xi32, #tpu.memory_space<vmem>> -> memref<128xi32, #tpu.memory_space<vmem>>
      %dma_start3A_49 = arith.constant 0 : i32
      %dma_start3A_50 = arith.constant 0 : i32
      %dma_start3A_51 = tpu.memref_slice %arg6[%dma_start3A_49, %dma_start3A_50] : memref<100x32xf32, #tpu.memory_space<hbm>> -> memref<100x32xf32, #tpu.memory_space<hbm>>
      tpu.enqueue_indirect_dma source(%dma_start3A_51 : memref<100x32xf32, #tpu.memory_space<hbm>>) target(%dma_start3A_46 : memref<128x32xf32, #tpu.memory_space<vmem>>) offsets(%dma_start3A_48 : memref<128xi32, #tpu.memory_space<vmem>>) semaphore(%arg19 : memref<!tpu.dma_semaphore, #tpu.memory_space<semaphore_mem>>)
      %dma_start3A_52 = arith.constant 384 : i32
      %dma_start3A_53 = arith.constant 0 : i32
      %dma_start3A_54 = tpu.memref_slice %arg15[%dma_start3A_52, %dma_start3A_53] : memref<896x32xf32, #tpu.memory_space<vmem>> -> memref<128x32xf32, #tpu.memory_space<vmem>>
      %dma_start3A_55 = arith.constant 384 : i32
      %dma_start3A_56 = tpu.memref_slice %arg11[%dma_start3A_55] : memref<896xi32, #tpu.memory_space<vmem>> -> memref<128xi32, #tpu.memory_space<vmem>>
      %dma_start3A_57 = arith.constant 0 : i32
      %dma_start3A_58 = arith.constant 0 : i32
      %dma_start3A_59 = tpu.memref_slice %arg6[%dma_start3A_57, %dma_start3A_58] : memref<100x32xf32, #tpu.memory_space<hbm>> -> memref<100x32xf32, #tpu.memory_space<hbm>>
      tpu.enqueue_indirect_dma source(%dma_start3A_59 : memref<100x32xf32, #tpu.memory_space<hbm>>) target(%dma_start3A_54 : memref<128x32xf32, #tpu.memory_space<vmem>>) offsets(%dma_start3A_56 : memref<128xi32, #tpu.memory_space<vmem>>) semaphore(%arg19 : memref<!tpu.dma_semaphore, #tpu.memory_space<semaphore_mem>>)
      %dma_start3A_60 = arith.constant 512 : i32
      %dma_start3A_61 = arith.constant 0 : i32
      %dma_start3A_62 = tpu.memref_slice %arg15[%dma_start3A_60, %dma_start3A_61] : memref<896x32xf32, #tpu.memory_space<vmem>> -> memref<128x32xf32, #tpu.memory_space<vmem>>
      %dma_start3A_63 = arith.constant 512 : i32
      %dma_start3A_64 = tpu.memref_slice %arg11[%dma_start3A_63] : memref<896xi32, #tpu.memory_space<vmem>> -> memref<128xi32, #tpu.memory_space<vmem>>
      %dma_start3A_65 = arith.constant 0 : i32
      %dma_start3A_66 = arith.constant 0 : i32
      %dma_start3A_67 = tpu.memref_slice %arg6[%dma_start3A_65, %dma_start3A_66] : memref<100x32xf32, #tpu.memory_space<hbm>> -> memref<100x32xf32, #tpu.memory_space<hbm>>
      tpu.enqueue_indirect_dma source(%dma_start3A_67 : memref<100x32xf32, #tpu.memory_space<hbm>>) target(%dma_start3A_62 : memref<128x32xf32, #tpu.memory_space<vmem>>) offsets(%dma_start3A_64 : memref<128xi32, #tpu.memory_space<vmem>>) semaphore(%arg19 : memref<!tpu.dma_semaphore, #tpu.memory_space<semaphore_mem>>)
      %dma_start3A_68 = arith.constant 640 : i32
      %dma_start3A_69 = arith.constant 0 : i32
      %dma_start3A_70 = tpu.memref_slice %arg15[%dma_start3A_68, %dma_start3A_69] : memref<896x32xf32, #tpu.memory_space<vmem>> -> memref<128x32xf32, #tpu.memory_space<vmem>>
      %dma_start3A_71 = arith.constant 640 : i32
      %dma_start3A_72 = tpu.memref_slice %arg11[%dma_start3A_71] : memref<896xi32, #tpu.memory_space<vmem>> -> memref<128xi32, #tpu.memory_space<vmem>>
      %dma_start3A_73 = arith.constant 0 : i32
      %dma_start3A_74 = arith.constant 0 : i32
      %dma_start3A_75 = tpu.memref_slice %arg6[%dma_start3A_73, %dma_start3A_74] : memref<100x32xf32, #tpu.memory_space<hbm>> -> memref<100x32xf32, #tpu.memory_space<hbm>>
      tpu.enqueue_indirect_dma source(%dma_start3A_75 : memref<100x32xf32, #tpu.memory_space<hbm>>) target(%dma_start3A_70 : memref<128x32xf32, #tpu.memory_space<vmem>>) offsets(%dma_start3A_72 : memref<128xi32, #tpu.memory_space<vmem>>) semaphore(%arg19 : memref<!tpu.dma_semaphore, #tpu.memory_space<semaphore_mem>>)
      %dma_start3A_76 = arith.constant 768 : i32
      %dma_start3A_77 = arith.constant 0 : i32
      %dma_start3A_78 = tpu.memref_slice %arg15[%dma_start3A_76, %dma_start3A_77] : memref<896x32xf32, #tpu.memory_space<vmem>> -> memref<128x32xf32, #tpu.memory_space<vmem>>
      %dma_start3A_79 = arith.constant 768 : i32
      %dma_start3A_80 = tpu.memref_slice %arg11[%dma_start3A_79] : memref<896xi32, #tpu.memory_space<vmem>> -> memref<128xi32, #tpu.memory_space<vmem>>
      %dma_start3A_81 = arith.constant 0 : i32
      %dma_start3A_82 = arith.constant 0 : i32
      %dma_start3A_83 = tpu.memref_slice %arg6[%dma_start3A_81, %dma_start3A_82] : memref<100x32xf32, #tpu.memory_space<hbm>> -> memref<100x32xf32, #tpu.memory_space<hbm>>
      tpu.enqueue_indirect_dma source(%dma_start3A_83 : memref<100x32xf32, #tpu.memory_space<hbm>>) target(%dma_start3A_78 : memref<128x32xf32, #tpu.memory_space<vmem>>) offsets(%dma_start3A_80 : memref<128xi32, #tpu.memory_space<vmem>>) semaphore(%arg19 : memref<!tpu.dma_semaphore, #tpu.memory_space<semaphore_mem>>)
      %dma_start3A_84 = arith.constant 0 : i32
      %dma_start3A_85 = arith.constant 0 : i32
      %dma_start3A_86 = tpu.memref_slice %arg16[%dma_start3A_84, %dma_start3A_85] : memref<896x32xf32, #tpu.memory_space<vmem>> -> memref<128x32xf32, #tpu.memory_space<vmem>>
      %dma_start3A_87 = arith.constant 0 : i32
      %dma_start3A_88 = tpu.memref_slice %arg12[%dma_start3A_87] : memref<896xi32, #tpu.memory_space<vmem>> -> memref<128xi32, #tpu.memory_space<vmem>>
      %dma_start3A_89 = arith.constant 0 : i32
      %dma_start3A_90 = arith.constant 0 : i32
      %dma_start3A_91 = tpu.memref_slice %arg7[%dma_start3A_89, %dma_start3A_90] : memref<1000x32xf32, #tpu.memory_space<hbm>> -> memref<1000x32xf32, #tpu.memory_space<hbm>>
      tpu.enqueue_indirect_dma source(%dma_start3A_91 : memref<1000x32xf32, #tpu.memory_space<hbm>>) target(%dma_start3A_86 : memref<128x32xf32, #tpu.memory_space<vmem>>) offsets(%dma_start3A_88 : memref<128xi32, #tpu.memory_space<vmem>>) semaphore(%arg19 : memref<!tpu.dma_semaphore, #tpu.memory_space<semaphore_mem>>)
      %dma_start3A_92 = arith.constant 128 : i32
      %dma_start3A_93 = arith.constant 0 : i32
      %dma_start3A_94 = tpu.memref_slice %arg16[%dma_start3A_92, %dma_start3A_93] : memref<896x32xf32, #tpu.memory_space<vmem>> -> memref<128x32xf32, #tpu.memory_space<vmem>>
      %dma_start3A_95 = arith.constant 128 : i32
      %dma_start3A_96 = tpu.memref_slice %arg12[%dma_start3A_95] : memref<896xi32, #tpu.memory_space<vmem>> -> memref<128xi32, #tpu.memory_space<vmem>>
      %dma_start3A_97 = arith.constant 0 : i32
      %dma_start3A_98 = arith.constant 0 : i32
      %dma_start3A_99 = tpu.memref_slice %arg7[%dma_start3A_97, %dma_start3A_98] : memref<1000x32xf32, #tpu.memory_space<hbm>> -> memref<1000x32xf32, #tpu.memory_space<hbm>>
      tpu.enqueue_indirect_dma source(%dma_start3A_99 : memref<1000x32xf32, #tpu.memory_space<hbm>>) target(%dma_start3A_94 : memref<128x32xf32, #tpu.memory_space<vmem>>) offsets(%dma_start3A_96 : memref<128xi32, #tpu.memory_space<vmem>>) semaphore(%arg19 : memref<!tpu.dma_semaphore, #tpu.memory_space<semaphore_mem>>)
      %dma_start3A_100 = arith.constant 256 : i32
      %dma_start3A_101 = arith.constant 0 : i32
      %dma_start3A_102 = tpu.memref_slice %arg16[%dma_start3A_100, %dma_start3A_101] : memref<896x32xf32, #tpu.memory_space<vmem>> -> memref<128x32xf32, #tpu.memory_space<vmem>>
      %dma_start3A_103 = arith.constant 256 : i32
      %dma_start3A_104 = tpu.memref_slice %arg12[%dma_start3A_103] : memref<896xi32, #tpu.memory_space<vmem>> -> memref<128xi32, #tpu.memory_space<vmem>>
      %dma_start3A_105 = arith.constant 0 : i32
      %dma_start3A_106 = arith.constant 0 : i32
      %dma_start3A_107 = tpu.memref_slice %arg7[%dma_start3A_105, %dma_start3A_106] : memref<1000x32xf32, #tpu.memory_space<hbm>> -> memref<1000x32xf32, #tpu.memory_space<hbm>>
      tpu.enqueue_indirect_dma source(%dma_start3A_107 : memref<1000x32xf32, #tpu.memory_space<hbm>>) target(%dma_start3A_102 : memref<128x32xf32, #tpu.memory_space<vmem>>) offsets(%dma_start3A_104 : memref<128xi32, #tpu.memory_space<vmem>>) semaphore(%arg19 : memref<!tpu.dma_semaphore, #tpu.memory_space<semaphore_mem>>)
      %dma_start3A_108 = arith.constant 384 : i32
      %dma_start3A_109 = arith.constant 0 : i32
      %dma_start3A_110 = tpu.memref_slice %arg16[%dma_start3A_108, %dma_start3A_109] : memref<896x32xf32, #tpu.memory_space<vmem>> -> memref<128x32xf32, #tpu.memory_space<vmem>>
      %dma_start3A_111 = arith.constant 384 : i32
      %dma_start3A_112 = tpu.memref_slice %arg12[%dma_start3A_111] : memref<896xi32, #tpu.memory_space<vmem>> -> memref<128xi32, #tpu.memory_space<vmem>>
      %dma_start3A_113 = arith.constant 0 : i32
      %dma_start3A_114 = arith.constant 0 : i32
      %dma_start3A_115 = tpu.memref_slice %arg7[%dma_start3A_113, %dma_start3A_114] : memref<1000x32xf32, #tpu.memory_space<hbm>> -> memref<1000x32xf32, #tpu.memory_space<hbm>>
      tpu.enqueue_indirect_dma source(%dma_start3A_115 : memref<1000x32xf32, #tpu.memory_space<hbm>>) target(%dma_start3A_110 : memref<128x32xf32, #tpu.memory_space<vmem>>) offsets(%dma_start3A_112 : memref<128xi32, #tpu.memory_space<vmem>>) semaphore(%arg19 : memref<!tpu.dma_semaphore, #tpu.memory_space<semaphore_mem>>)
      %dma_start3A_116 = arith.constant 512 : i32
      %dma_start3A_117 = arith.constant 0 : i32
      %dma_start3A_118 = tpu.memref_slice %arg16[%dma_start3A_116, %dma_start3A_117] : memref<896x32xf32, #tpu.memory_space<vmem>> -> memref<128x32xf32, #tpu.memory_space<vmem>>
      %dma_start3A_119 = arith.constant 512 : i32
      %dma_start3A_120 = tpu.memref_slice %arg12[%dma_start3A_119] : memref<896xi32, #tpu.memory_space<vmem>> -> memref<128xi32, #tpu.memory_space<vmem>>
      %dma_start3A_121 = arith.constant 0 : i32
      %dma_start3A_122 = arith.constant 0 : i32
      %dma_start3A_123 = tpu.memref_slice %arg7[%dma_start3A_121, %dma_start3A_122] : memref<1000x32xf32, #tpu.memory_space<hbm>> -> memref<1000x32xf32, #tpu.memory_space<hbm>>
      tpu.enqueue_indirect_dma source(%dma_start3A_123 : memref<1000x32xf32, #tpu.memory_space<hbm>>) target(%dma_start3A_118 : memref<128x32xf32, #tpu.memory_space<vmem>>) offsets(%dma_start3A_120 : memref<128xi32, #tpu.memory_space<vmem>>) semaphore(%arg19 : memref<!tpu.dma_semaphore, #tpu.memory_space<semaphore_mem>>)
      %dma_start3A_124 = arith.constant 640 : i32
      %dma_start3A_125 = arith.constant 0 : i32
      %dma_start3A_126 = tpu.memref_slice %arg16[%dma_start3A_124, %dma_start3A_125] : memref<896x32xf32, #tpu.memory_space<vmem>> -> memref<128x32xf32, #tpu.memory_space<vmem>>
      %dma_start3A_127 = arith.constant 640 : i32
      %dma_start3A_128 = tpu.memref_slice %arg12[%dma_start3A_127] : memref<896xi32, #tpu.memory_space<vmem>> -> memref<128xi32, #tpu.memory_space<vmem>>
      %dma_start3A_129 = arith.constant 0 : i32
      %dma_start3A_130 = arith.constant 0 : i32
      %dma_start3A_131 = tpu.memref_slice %arg7[%dma_start3A_129, %dma_start3A_130] : memref<1000x32xf32, #tpu.memory_space<hbm>> -> memref<1000x32xf32, #tpu.memory_space<hbm>>
      tpu.enqueue_indirect_dma source(%dma_start3A_131 : memref<1000x32xf32, #tpu.memory_space<hbm>>) target(%dma_start3A_126 : memref<128x32xf32, #tpu.memory_space<vmem>>) offsets(%dma_start3A_128 : memref<128xi32, #tpu.memory_space<vmem>>) semaphore(%arg19 : memref<!tpu.dma_semaphore, #tpu.memory_space<semaphore_mem>>)
      %dma_start3A_132 = arith.constant 768 : i32
      %dma_start3A_133 = arith.constant 0 : i32
      %dma_start3A_134 = tpu.memref_slice %arg16[%dma_start3A_132, %dma_start3A_133] : memref<896x32xf32, #tpu.memory_space<vmem>> -> memref<128x32xf32, #tpu.memory_space<vmem>>
      %dma_start3A_135 = arith.constant 768 : i32
      %dma_start3A_136 = tpu.memref_slice %arg12[%dma_start3A_135] : memref<896xi32, #tpu.memory_space<vmem>> -> memref<128xi32, #tpu.memory_space<vmem>>
      %dma_start3A_137 = arith.constant 0 : i32
      %dma_start3A_138 = arith.constant 0 : i32
      %dma_start3A_139 = tpu.memref_slice %arg7[%dma_start3A_137, %dma_start3A_138] : memref<1000x32xf32, #tpu.memory_space<hbm>> -> memref<1000x32xf32, #tpu.memory_space<hbm>>
      tpu.enqueue_indirect_dma source(%dma_start3A_139 : memref<1000x32xf32, #tpu.memory_space<hbm>>) target(%dma_start3A_134 : memref<128x32xf32, #tpu.memory_space<vmem>>) offsets(%dma_start3A_136 : memref<128xi32, #tpu.memory_space<vmem>>) semaphore(%arg19 : memref<!tpu.dma_semaphore, #tpu.memory_space<semaphore_mem>>)
      %dma_start3A_140 = arith.constant 0 : i32
      %dma_start3A_141 = arith.constant 0 : i32
      %dma_start3A_142 = tpu.memref_slice %arg17[%dma_start3A_140, %dma_start3A_141] : memref<896x32xf32, #tpu.memory_space<vmem>> -> memref<128x32xf32, #tpu.memory_space<vmem>>
      %dma_start3A_143 = arith.constant 0 : i32
      %dma_start3A_144 = tpu.memref_slice %arg13[%dma_start3A_143] : memref<896xi32, #tpu.memory_space<vmem>> -> memref<128xi32, #tpu.memory_space<vmem>>
      %dma_start3A_145 = arith.constant 0 : i32
      %dma_start3A_146 = arith.constant 0 : i32
      %dma_start3A_147 = tpu.memref_slice %arg8[%dma_start3A_145, %dma_start3A_146] : memref<10000x32xf32, #tpu.memory_space<hbm>> -> memref<10000x32xf32, #tpu.memory_space<hbm>>
      tpu.enqueue_indirect_dma source(%dma_start3A_147 : memref<10000x32xf32, #tpu.memory_space<hbm>>) target(%dma_start3A_142 : memref<128x32xf32, #tpu.memory_space<vmem>>) offsets(%dma_start3A_144 : memref<128xi32, #tpu.memory_space<vmem>>) semaphore(%arg19 : memref<!tpu.dma_semaphore, #tpu.memory_space<semaphore_mem>>)
      %dma_start3A_148 = arith.constant 128 : i32
      %dma_start3A_149 = arith.constant 0 : i32
      %dma_start3A_150 = tpu.memref_slice %arg17[%dma_start3A_148, %dma_start3A_149] : memref<896x32xf32, #tpu.memory_space<vmem>> -> memref<128x32xf32, #tpu.memory_space<vmem>>
      %dma_start3A_151 = arith.constant 128 : i32
      %dma_start3A_152 = tpu.memref_slice %arg13[%dma_start3A_151] : memref<896xi32, #tpu.memory_space<vmem>> -> memref<128xi32, #tpu.memory_space<vmem>>
      %dma_start3A_153 = arith.constant 0 : i32
      %dma_start3A_154 = arith.constant 0 : i32
      %dma_start3A_155 = tpu.memref_slice %arg8[%dma_start3A_153, %dma_start3A_154] : memref<10000x32xf32, #tpu.memory_space<hbm>> -> memref<10000x32xf32, #tpu.memory_space<hbm>>
      tpu.enqueue_indirect_dma source(%dma_start3A_155 : memref<10000x32xf32, #tpu.memory_space<hbm>>) target(%dma_start3A_150 : memref<128x32xf32, #tpu.memory_space<vmem>>) offsets(%dma_start3A_152 : memref<128xi32, #tpu.memory_space<vmem>>) semaphore(%arg19 : memref<!tpu.dma_semaphore, #tpu.memory_space<semaphore_mem>>)
      %dma_start3A_156 = arith.constant 256 : i32
      %dma_start3A_157 = arith.constant 0 : i32
      %dma_start3A_158 = tpu.memref_slice %arg17[%dma_start3A_156, %dma_start3A_157] : memref<896x32xf32, #tpu.memory_space<vmem>> -> memref<128x32xf32, #tpu.memory_space<vmem>>
      %dma_start3A_159 = arith.constant 256 : i32
      %dma_start3A_160 = tpu.memref_slice %arg13[%dma_start3A_159] : memref<896xi32, #tpu.memory_space<vmem>> -> memref<128xi32, #tpu.memory_space<vmem>>
      %dma_start3A_161 = arith.constant 0 : i32
      %dma_start3A_162 = arith.constant 0 : i32
      %dma_start3A_163 = tpu.memref_slice %arg8[%dma_start3A_161, %dma_start3A_162] : memref<10000x32xf32, #tpu.memory_space<hbm>> -> memref<10000x32xf32, #tpu.memory_space<hbm>>
      tpu.enqueue_indirect_dma source(%dma_start3A_163 : memref<10000x32xf32, #tpu.memory_space<hbm>>) target(%dma_start3A_158 : memref<128x32xf32, #tpu.memory_space<vmem>>) offsets(%dma_start3A_160 : memref<128xi32, #tpu.memory_space<vmem>>) semaphore(%arg19 : memref<!tpu.dma_semaphore, #tpu.memory_space<semaphore_mem>>)
      %dma_start3A_164 = arith.constant 384 : i32
      %dma_start3A_165 = arith.constant 0 : i32
      %dma_start3A_166 = tpu.memref_slice %arg17[%dma_start3A_164, %dma_start3A_165] : memref<896x32xf32, #tpu.memory_space<vmem>> -> memref<128x32xf32, #tpu.memory_space<vmem>>
      %dma_start3A_167 = arith.constant 384 : i32
      %dma_start3A_168 = tpu.memref_slice %arg13[%dma_start3A_167] : memref<896xi32, #tpu.memory_space<vmem>> -> memref<128xi32, #tpu.memory_space<vmem>>
      %dma_start3A_169 = arith.constant 0 : i32
      %dma_start3A_170 = arith.constant 0 : i32
      %dma_start3A_171 = tpu.memref_slice %arg8[%dma_start3A_169, %dma_start3A_170] : memref<10000x32xf32, #tpu.memory_space<hbm>> -> memref<10000x32xf32, #tpu.memory_space<hbm>>
      tpu.enqueue_indirect_dma source(%dma_start3A_171 : memref<10000x32xf32, #tpu.memory_space<hbm>>) target(%dma_start3A_166 : memref<128x32xf32, #tpu.memory_space<vmem>>) offsets(%dma_start3A_168 : memref<128xi32, #tpu.memory_space<vmem>>) semaphore(%arg19 : memref<!tpu.dma_semaphore, #tpu.memory_space<semaphore_mem>>)
      %dma_start3A_172 = arith.constant 512 : i32
      %dma_start3A_173 = arith.constant 0 : i32
      %dma_start3A_174 = tpu.memref_slice %arg17[%dma_start3A_172, %dma_start3A_173] : memref<896x32xf32, #tpu.memory_space<vmem>> -> memref<128x32xf32, #tpu.memory_space<vmem>>
      %dma_start3A_175 = arith.constant 512 : i32
      %dma_start3A_176 = tpu.memref_slice %arg13[%dma_start3A_175] : memref<896xi32, #tpu.memory_space<vmem>> -> memref<128xi32, #tpu.memory_space<vmem>>
      %dma_start3A_177 = arith.constant 0 : i32
      %dma_start3A_178 = arith.constant 0 : i32
      %dma_start3A_179 = tpu.memref_slice %arg8[%dma_start3A_177, %dma_start3A_178] : memref<10000x32xf32, #tpu.memory_space<hbm>> -> memref<10000x32xf32, #tpu.memory_space<hbm>>
      tpu.enqueue_indirect_dma source(%dma_start3A_179 : memref<10000x32xf32, #tpu.memory_space<hbm>>) target(%dma_start3A_174 : memref<128x32xf32, #tpu.memory_space<vmem>>) offsets(%dma_start3A_176 : memref<128xi32, #tpu.memory_space<vmem>>) semaphore(%arg19 : memref<!tpu.dma_semaphore, #tpu.memory_space<semaphore_mem>>)
      %dma_start3A_180 = arith.constant 640 : i32
      %dma_start3A_181 = arith.constant 0 : i32
      %dma_start3A_182 = tpu.memref_slice %arg17[%dma_start3A_180, %dma_start3A_181] : memref<896x32xf32, #tpu.memory_space<vmem>> -> memref<128x32xf32, #tpu.memory_space<vmem>>
      %dma_start3A_183 = arith.constant 640 : i32
      %dma_start3A_184 = tpu.memref_slice %arg13[%dma_start3A_183] : memref<896xi32, #tpu.memory_space<vmem>> -> memref<128xi32, #tpu.memory_space<vmem>>
      %dma_start3A_185 = arith.constant 0 : i32
      %dma_start3A_186 = arith.constant 0 : i32
      %dma_start3A_187 = tpu.memref_slice %arg8[%dma_start3A_185, %dma_start3A_186] : memref<10000x32xf32, #tpu.memory_space<hbm>> -> memref<10000x32xf32, #tpu.memory_space<hbm>>
      tpu.enqueue_indirect_dma source(%dma_start3A_187 : memref<10000x32xf32, #tpu.memory_space<hbm>>) target(%dma_start3A_182 : memref<128x32xf32, #tpu.memory_space<vmem>>) offsets(%dma_start3A_184 : memref<128xi32, #tpu.memory_space<vmem>>) semaphore(%arg19 : memref<!tpu.dma_semaphore, #tpu.memory_space<semaphore_mem>>)
      %dma_start3A_188 = arith.constant 768 : i32
      %dma_start3A_189 = arith.constant 0 : i32
      %dma_start3A_190 = tpu.memref_slice %arg17[%dma_start3A_188, %dma_start3A_189] : memref<896x32xf32, #tpu.memory_space<vmem>> -> memref<128x32xf32, #tpu.memory_space<vmem>>
      %dma_start3A_191 = arith.constant 768 : i32
      %dma_start3A_192 = tpu.memref_slice %arg13[%dma_start3A_191] : memref<896xi32, #tpu.memory_space<vmem>> -> memref<128xi32, #tpu.memory_space<vmem>>
      %dma_start3A_193 = arith.constant 0 : i32
      %dma_start3A_194 = arith.constant 0 : i32
      %dma_start3A_195 = tpu.memref_slice %arg8[%dma_start3A_193, %dma_start3A_194] : memref<10000x32xf32, #tpu.memory_space<hbm>> -> memref<10000x32xf32, #tpu.memory_space<hbm>>
      tpu.enqueue_indirect_dma source(%dma_start3A_195 : memref<10000x32xf32, #tpu.memory_space<hbm>>) target(%dma_start3A_190 : memref<128x32xf32, #tpu.memory_space<vmem>>) offsets(%dma_start3A_192 : memref<128xi32, #tpu.memory_space<vmem>>) semaphore(%arg19 : memref<!tpu.dma_semaphore, #tpu.memory_space<semaphore_mem>>)
      %dma_start3A_196 = arith.constant 0 : i32
      %dma_start3A_197 = arith.constant 0 : i32
      %dma_start3A_198 = tpu.memref_slice %arg18[%dma_start3A_196, %dma_start3A_197] : memref<896x32xf32, #tpu.memory_space<vmem>> -> memref<128x32xf32, #tpu.memory_space<vmem>>
      %dma_start3A_199 = arith.constant 0 : i32
      %dma_start3A_200 = tpu.memref_slice %arg14[%dma_start3A_199] : memref<896xi32, #tpu.memory_space<vmem>> -> memref<128xi32, #tpu.memory_space<vmem>>
      %dma_start3A_201 = arith.constant 0 : i32
      %dma_start3A_202 = arith.constant 0 : i32
      %dma_start3A_203 = tpu.memref_slice %arg9[%dma_start3A_201, %dma_start3A_202] : memref<100000x32xf32, #tpu.memory_space<hbm>> -> memref<100000x32xf32, #tpu.memory_space<hbm>>
      tpu.enqueue_indirect_dma source(%dma_start3A_203 : memref<100000x32xf32, #tpu.memory_space<hbm>>) target(%dma_start3A_198 : memref<128x32xf32, #tpu.memory_space<vmem>>) offsets(%dma_start3A_200 : memref<128xi32, #tpu.memory_space<vmem>>) semaphore(%arg19 : memref<!tpu.dma_semaphore, #tpu.memory_space<semaphore_mem>>)
      %dma_start3A_204 = arith.constant 128 : i32
      %dma_start3A_205 = arith.constant 0 : i32
      %dma_start3A_206 = tpu.memref_slice %arg18[%dma_start3A_204, %dma_start3A_205] : memref<896x32xf32, #tpu.memory_space<vmem>> -> memref<128x32xf32, #tpu.memory_space<vmem>>
      %dma_start3A_207 = arith.constant 128 : i32
      %dma_start3A_208 = tpu.memref_slice %arg14[%dma_start3A_207] : memref<896xi32, #tpu.memory_space<vmem>> -> memref<128xi32, #tpu.memory_space<vmem>>
      %dma_start3A_209 = arith.constant 0 : i32
      %dma_start3A_210 = arith.constant 0 : i32
      %dma_start3A_211 = tpu.memref_slice %arg9[%dma_start3A_209, %dma_start3A_210] : memref<100000x32xf32, #tpu.memory_space<hbm>> -> memref<100000x32xf32, #tpu.memory_space<hbm>>
      tpu.enqueue_indirect_dma source(%dma_start3A_211 : memref<100000x32xf32, #tpu.memory_space<hbm>>) target(%dma_start3A_206 : memref<128x32xf32, #tpu.memory_space<vmem>>) offsets(%dma_start3A_208 : memref<128xi32, #tpu.memory_space<vmem>>) semaphore(%arg19 : memref<!tpu.dma_semaphore, #tpu.memory_space<semaphore_mem>>)
      %dma_start3A_212 = arith.constant 256 : i32
      %dma_start3A_213 = arith.constant 0 : i32
      %dma_start3A_214 = tpu.memref_slice %arg18[%dma_start3A_212, %dma_start3A_213] : memref<896x32xf32, #tpu.memory_space<vmem>> -> memref<128x32xf32, #tpu.memory_space<vmem>>
      %dma_start3A_215 = arith.constant 256 : i32
      %dma_start3A_216 = tpu.memref_slice %arg14[%dma_start3A_215] : memref<896xi32, #tpu.memory_space<vmem>> -> memref<128xi32, #tpu.memory_space<vmem>>
      %dma_start3A_217 = arith.constant 0 : i32
      %dma_start3A_218 = arith.constant 0 : i32
      %dma_start3A_219 = tpu.memref_slice %arg9[%dma_start3A_217, %dma_start3A_218] : memref<100000x32xf32, #tpu.memory_space<hbm>> -> memref<100000x32xf32, #tpu.memory_space<hbm>>
      tpu.enqueue_indirect_dma source(%dma_start3A_219 : memref<100000x32xf32, #tpu.memory_space<hbm>>) target(%dma_start3A_214 : memref<128x32xf32, #tpu.memory_space<vmem>>) offsets(%dma_start3A_216 : memref<128xi32, #tpu.memory_space<vmem>>) semaphore(%arg19 : memref<!tpu.dma_semaphore, #tpu.memory_space<semaphore_mem>>)
      %dma_start3A_220 = arith.constant 384 : i32
      %dma_start3A_221 = arith.constant 0 : i32
      %dma_start3A_222 = tpu.memref_slice %arg18[%dma_start3A_220, %dma_start3A_221] : memref<896x32xf32, #tpu.memory_space<vmem>> -> memref<128x32xf32, #tpu.memory_space<vmem>>
      %dma_start3A_223 = arith.constant 384 : i32
      %dma_start3A_224 = tpu.memref_slice %arg14[%dma_start3A_223] : memref<896xi32, #tpu.memory_space<vmem>> -> memref<128xi32, #tpu.memory_space<vmem>>
      %dma_start3A_225 = arith.constant 0 : i32
      %dma_start3A_226 = arith.constant 0 : i32
      %dma_start3A_227 = tpu.memref_slice %arg9[%dma_start3A_225, %dma_start3A_226] : memref<100000x32xf32, #tpu.memory_space<hbm>> -> memref<100000x32xf32, #tpu.memory_space<hbm>>
      tpu.enqueue_indirect_dma source(%dma_start3A_227 : memref<100000x32xf32, #tpu.memory_space<hbm>>) target(%dma_start3A_222 : memref<128x32xf32, #tpu.memory_space<vmem>>) offsets(%dma_start3A_224 : memref<128xi32, #tpu.memory_space<vmem>>) semaphore(%arg19 : memref<!tpu.dma_semaphore, #tpu.memory_space<semaphore_mem>>)
      %dma_start3A_228 = arith.constant 512 : i32
      %dma_start3A_229 = arith.constant 0 : i32
      %dma_start3A_230 = tpu.memref_slice %arg18[%dma_start3A_228, %dma_start3A_229] : memref<896x32xf32, #tpu.memory_space<vmem>> -> memref<128x32xf32, #tpu.memory_space<vmem>>
      %dma_start3A_231 = arith.constant 512 : i32
      %dma_start3A_232 = tpu.memref_slice %arg14[%dma_start3A_231] : memref<896xi32, #tpu.memory_space<vmem>> -> memref<128xi32, #tpu.memory_space<vmem>>
      %dma_start3A_233 = arith.constant 0 : i32
      %dma_start3A_234 = arith.constant 0 : i32
      %dma_start3A_235 = tpu.memref_slice %arg9[%dma_start3A_233, %dma_start3A_234] : memref<100000x32xf32, #tpu.memory_space<hbm>> -> memref<100000x32xf32, #tpu.memory_space<hbm>>
      tpu.enqueue_indirect_dma source(%dma_start3A_235 : memref<100000x32xf32, #tpu.memory_space<hbm>>) target(%dma_start3A_230 : memref<128x32xf32, #tpu.memory_space<vmem>>) offsets(%dma_start3A_232 : memref<128xi32, #tpu.memory_space<vmem>>) semaphore(%arg19 : memref<!tpu.dma_semaphore, #tpu.memory_space<semaphore_mem>>)
      %dma_start3A_236 = arith.constant 640 : i32
      %dma_start3A_237 = arith.constant 0 : i32
      %dma_start3A_238 = tpu.memref_slice %arg18[%dma_start3A_236, %dma_start3A_237] : memref<896x32xf32, #tpu.memory_space<vmem>> -> memref<128x32xf32, #tpu.memory_space<vmem>>
      %dma_start3A_239 = arith.constant 640 : i32
      %dma_start3A_240 = tpu.memref_slice %arg14[%dma_start3A_239] : memref<896xi32, #tpu.memory_space<vmem>> -> memref<128xi32, #tpu.memory_space<vmem>>
      %dma_start3A_241 = arith.constant 0 : i32
      %dma_start3A_242 = arith.constant 0 : i32
      %dma_start3A_243 = tpu.memref_slice %arg9[%dma_start3A_241, %dma_start3A_242] : memref<100000x32xf32, #tpu.memory_space<hbm>> -> memref<100000x32xf32, #tpu.memory_space<hbm>>
      tpu.enqueue_indirect_dma source(%dma_start3A_243 : memref<100000x32xf32, #tpu.memory_space<hbm>>) target(%dma_start3A_238 : memref<128x32xf32, #tpu.memory_space<vmem>>) offsets(%dma_start3A_240 : memref<128xi32, #tpu.memory_space<vmem>>) semaphore(%arg19 : memref<!tpu.dma_semaphore, #tpu.memory_space<semaphore_mem>>)
      %dma_start3A_244 = arith.constant 768 : i32
      %dma_start3A_245 = arith.constant 0 : i32
      %dma_start3A_246 = tpu.memref_slice %arg18[%dma_start3A_244, %dma_start3A_245] : memref<896x32xf32, #tpu.memory_space<vmem>> -> memref<128x32xf32, #tpu.memory_space<vmem>>
      %dma_start3A_247 = arith.constant 768 : i32
      %dma_start3A_248 = tpu.memref_slice %arg14[%dma_start3A_247] : memref<896xi32, #tpu.memory_space<vmem>> -> memref<128xi32, #tpu.memory_space<vmem>>
      %dma_start3A_249 = arith.constant 0 : i32
      %dma_start3A_250 = arith.constant 0 : i32
      %dma_start3A_251 = tpu.memref_slice %arg9[%dma_start3A_249, %dma_start3A_250] : memref<100000x32xf32, #tpu.memory_space<hbm>> -> memref<100000x32xf32, #tpu.memory_space<hbm>>
      tpu.enqueue_indirect_dma source(%dma_start3A_251 : memref<100000x32xf32, #tpu.memory_space<hbm>>) target(%dma_start3A_246 : memref<128x32xf32, #tpu.memory_space<vmem>>) offsets(%dma_start3A_248 : memref<128xi32, #tpu.memory_space<vmem>>) semaphore(%arg19 : memref<!tpu.dma_semaphore, #tpu.memory_space<semaphore_mem>>)
      %dma_wait3A = arith.constant 0 : i32
      %dma_wait3A_252 = arith.constant 0 : i32
      %dma_wait3A_253 = tpu.memref_slice %arg15[%dma_wait3A, %dma_wait3A_252] : memref<896x32xf32, #tpu.memory_space<vmem>> -> memref<128x32xf32, #tpu.memory_space<vmem>>
      %dma_wait3A_254 = arith.constant 0 : i32
      %dma_wait3A_255 = tpu.memref_slice %arg11[%dma_wait3A_254] : memref<896xi32, #tpu.memory_space<vmem>> -> memref<128xi32, #tpu.memory_space<vmem>>
      %dma_wait3A_256 = arith.constant 0 : i32
      %dma_wait3A_257 = arith.constant 0 : i32
      %dma_wait3A_258 = tpu.memref_slice %arg6[%dma_wait3A_256, %dma_wait3A_257] : memref<100x32xf32, #tpu.memory_space<hbm>> -> memref<100x32xf32, #tpu.memory_space<hbm>>
      tpu.wait_indirect_dma semaphore(%arg19 : memref<!tpu.dma_semaphore, #tpu.memory_space<semaphore_mem>>) src(%dma_wait3A_258 : memref<100x32xf32, #tpu.memory_space<hbm>>) dst(%dma_wait3A_253 : memref<128x32xf32, #tpu.memory_space<vmem>>)
      %dma_wait3A_259 = arith.constant 128 : i32
      %dma_wait3A_260 = arith.constant 0 : i32
      %dma_wait3A_261 = tpu.memref_slice %arg15[%dma_wait3A_259, %dma_wait3A_260] : memref<896x32xf32, #tpu.memory_space<vmem>> -> memref<128x32xf32, #tpu.memory_space<vmem>>
      %dma_wait3A_262 = arith.constant 128 : i32
      %dma_wait3A_263 = tpu.memref_slice %arg11[%dma_wait3A_262] : memref<896xi32, #tpu.memory_space<vmem>> -> memref<128xi32, #tpu.memory_space<vmem>>
      %dma_wait3A_264 = arith.constant 0 : i32
      %dma_wait3A_265 = arith.constant 0 : i32
      %dma_wait3A_266 = tpu.memref_slice %arg6[%dma_wait3A_264, %dma_wait3A_265] : memref<100x32xf32, #tpu.memory_space<hbm>> -> memref<100x32xf32, #tpu.memory_space<hbm>>
      tpu.wait_indirect_dma semaphore(%arg19 : memref<!tpu.dma_semaphore, #tpu.memory_space<semaphore_mem>>) src(%dma_wait3A_266 : memref<100x32xf32, #tpu.memory_space<hbm>>) dst(%dma_wait3A_261 : memref<128x32xf32, #tpu.memory_space<vmem>>)
      %dma_wait3A_267 = arith.constant 256 : i32
      %dma_wait3A_268 = arith.constant 0 : i32
      %dma_wait3A_269 = tpu.memref_slice %arg15[%dma_wait3A_267, %dma_wait3A_268] : memref<896x32xf32, #tpu.memory_space<vmem>> -> memref<128x32xf32, #tpu.memory_space<vmem>>
      %dma_wait3A_270 = arith.constant 256 : i32
      %dma_wait3A_271 = tpu.memref_slice %arg11[%dma_wait3A_270] : memref<896xi32, #tpu.memory_space<vmem>> -> memref<128xi32, #tpu.memory_space<vmem>>
      %dma_wait3A_272 = arith.constant 0 : i32
      %dma_wait3A_273 = arith.constant 0 : i32
      %dma_wait3A_274 = tpu.memref_slice %arg6[%dma_wait3A_272, %dma_wait3A_273] : memref<100x32xf32, #tpu.memory_space<hbm>> -> memref<100x32xf32, #tpu.memory_space<hbm>>
      tpu.wait_indirect_dma semaphore(%arg19 : memref<!tpu.dma_semaphore, #tpu.memory_space<semaphore_mem>>) src(%dma_wait3A_274 : memref<100x32xf32, #tpu.memory_space<hbm>>) dst(%dma_wait3A_269 : memref<128x32xf32, #tpu.memory_space<vmem>>)
      %dma_wait3A_275 = arith.constant 384 : i32
      %dma_wait3A_276 = arith.constant 0 : i32
      %dma_wait3A_277 = tpu.memref_slice %arg15[%dma_wait3A_275, %dma_wait3A_276] : memref<896x32xf32, #tpu.memory_space<vmem>> -> memref<128x32xf32, #tpu.memory_space<vmem>>
      %dma_wait3A_278 = arith.constant 384 : i32
      %dma_wait3A_279 = tpu.memref_slice %arg11[%dma_wait3A_278] : memref<896xi32, #tpu.memory_space<vmem>> -> memref<128xi32, #tpu.memory_space<vmem>>
      %dma_wait3A_280 = arith.constant 0 : i32
      %dma_wait3A_281 = arith.constant 0 : i32
      %dma_wait3A_282 = tpu.memref_slice %arg6[%dma_wait3A_280, %dma_wait3A_281] : memref<100x32xf32, #tpu.memory_space<hbm>> -> memref<100x32xf32, #tpu.memory_space<hbm>>
      tpu.wait_indirect_dma semaphore(%arg19 : memref<!tpu.dma_semaphore, #tpu.memory_space<semaphore_mem>>) src(%dma_wait3A_282 : memref<100x32xf32, #tpu.memory_space<hbm>>) dst(%dma_wait3A_277 : memref<128x32xf32, #tpu.memory_space<vmem>>)
      %dma_wait3A_283 = arith.constant 512 : i32
      %dma_wait3A_284 = arith.constant 0 : i32
      %dma_wait3A_285 = tpu.memref_slice %arg15[%dma_wait3A_283, %dma_wait3A_284] : memref<896x32xf32, #tpu.memory_space<vmem>> -> memref<128x32xf32, #tpu.memory_space<vmem>>
      %dma_wait3A_286 = arith.constant 512 : i32
      %dma_wait3A_287 = tpu.memref_slice %arg11[%dma_wait3A_286] : memref<896xi32, #tpu.memory_space<vmem>> -> memref<128xi32, #tpu.memory_space<vmem>>
      %dma_wait3A_288 = arith.constant 0 : i32
      %dma_wait3A_289 = arith.constant 0 : i32
      %dma_wait3A_290 = tpu.memref_slice %arg6[%dma_wait3A_288, %dma_wait3A_289] : memref<100x32xf32, #tpu.memory_space<hbm>> -> memref<100x32xf32, #tpu.memory_space<hbm>>
      tpu.wait_indirect_dma semaphore(%arg19 : memref<!tpu.dma_semaphore, #tpu.memory_space<semaphore_mem>>) src(%dma_wait3A_290 : memref<100x32xf32, #tpu.memory_space<hbm>>) dst(%dma_wait3A_285 : memref<128x32xf32, #tpu.memory_space<vmem>>)
      %dma_wait3A_291 = arith.constant 640 : i32
      %dma_wait3A_292 = arith.constant 0 : i32
      %dma_wait3A_293 = tpu.memref_slice %arg15[%dma_wait3A_291, %dma_wait3A_292] : memref<896x32xf32, #tpu.memory_space<vmem>> -> memref<128x32xf32, #tpu.memory_space<vmem>>
      %dma_wait3A_294 = arith.constant 640 : i32
      %dma_wait3A_295 = tpu.memref_slice %arg11[%dma_wait3A_294] : memref<896xi32, #tpu.memory_space<vmem>> -> memref<128xi32, #tpu.memory_space<vmem>>
      %dma_wait3A_296 = arith.constant 0 : i32
      %dma_wait3A_297 = arith.constant 0 : i32
      %dma_wait3A_298 = tpu.memref_slice %arg6[%dma_wait3A_296, %dma_wait3A_297] : memref<100x32xf32, #tpu.memory_space<hbm>> -> memref<100x32xf32, #tpu.memory_space<hbm>>
      tpu.wait_indirect_dma semaphore(%arg19 : memref<!tpu.dma_semaphore, #tpu.memory_space<semaphore_mem>>) src(%dma_wait3A_298 : memref<100x32xf32, #tpu.memory_space<hbm>>) dst(%dma_wait3A_293 : memref<128x32xf32, #tpu.memory_space<vmem>>)
      %dma_wait3A_299 = arith.constant 768 : i32
      %dma_wait3A_300 = arith.constant 0 : i32
      %dma_wait3A_301 = tpu.memref_slice %arg15[%dma_wait3A_299, %dma_wait3A_300] : memref<896x32xf32, #tpu.memory_space<vmem>> -> memref<128x32xf32, #tpu.memory_space<vmem>>
      %dma_wait3A_302 = arith.constant 768 : i32
      %dma_wait3A_303 = tpu.memref_slice %arg11[%dma_wait3A_302] : memref<896xi32, #tpu.memory_space<vmem>> -> memref<128xi32, #tpu.memory_space<vmem>>
      %dma_wait3A_304 = arith.constant 0 : i32
      %dma_wait3A_305 = arith.constant 0 : i32
      %dma_wait3A_306 = tpu.memref_slice %arg6[%dma_wait3A_304, %dma_wait3A_305] : memref<100x32xf32, #tpu.memory_space<hbm>> -> memref<100x32xf32, #tpu.memory_space<hbm>>
      tpu.wait_indirect_dma semaphore(%arg19 : memref<!tpu.dma_semaphore, #tpu.memory_space<semaphore_mem>>) src(%dma_wait3A_306 : memref<100x32xf32, #tpu.memory_space<hbm>>) dst(%dma_wait3A_301 : memref<128x32xf32, #tpu.memory_space<vmem>>)
      %dma_wait3A_307 = arith.constant 0 : i32
      %dma_wait3A_308 = arith.constant 0 : i32
      %dma_wait3A_309 = tpu.memref_slice %arg16[%dma_wait3A_307, %dma_wait3A_308] : memref<896x32xf32, #tpu.memory_space<vmem>> -> memref<128x32xf32, #tpu.memory_space<vmem>>
      %dma_wait3A_310 = arith.constant 0 : i32
      %dma_wait3A_311 = tpu.memref_slice %arg12[%dma_wait3A_310] : memref<896xi32, #tpu.memory_space<vmem>> -> memref<128xi32, #tpu.memory_space<vmem>>
      %dma_wait3A_312 = arith.constant 0 : i32
      %dma_wait3A_313 = arith.constant 0 : i32
      %dma_wait3A_314 = tpu.memref_slice %arg7[%dma_wait3A_312, %dma_wait3A_313] : memref<1000x32xf32, #tpu.memory_space<hbm>> -> memref<1000x32xf32, #tpu.memory_space<hbm>>
      tpu.wait_indirect_dma semaphore(%arg19 : memref<!tpu.dma_semaphore, #tpu.memory_space<semaphore_mem>>) src(%dma_wait3A_314 : memref<1000x32xf32, #tpu.memory_space<hbm>>) dst(%dma_wait3A_309 : memref<128x32xf32, #tpu.memory_space<vmem>>)
      %dma_wait3A_315 = arith.constant 128 : i32
      %dma_wait3A_316 = arith.constant 0 : i32
      %dma_wait3A_317 = tpu.memref_slice %arg16[%dma_wait3A_315, %dma_wait3A_316] : memref<896x32xf32, #tpu.memory_space<vmem>> -> memref<128x32xf32, #tpu.memory_space<vmem>>
      %dma_wait3A_318 = arith.constant 128 : i32
      %dma_wait3A_319 = tpu.memref_slice %arg12[%dma_wait3A_318] : memref<896xi32, #tpu.memory_space<vmem>> -> memref<128xi32, #tpu.memory_space<vmem>>
      %dma_wait3A_320 = arith.constant 0 : i32
      %dma_wait3A_321 = arith.constant 0 : i32
      %dma_wait3A_322 = tpu.memref_slice %arg7[%dma_wait3A_320, %dma_wait3A_321] : memref<1000x32xf32, #tpu.memory_space<hbm>> -> memref<1000x32xf32, #tpu.memory_space<hbm>>
      tpu.wait_indirect_dma semaphore(%arg19 : memref<!tpu.dma_semaphore, #tpu.memory_space<semaphore_mem>>) src(%dma_wait3A_322 : memref<1000x32xf32, #tpu.memory_space<hbm>>) dst(%dma_wait3A_317 : memref<128x32xf32, #tpu.memory_space<vmem>>)
      %dma_wait3A_323 = arith.constant 256 : i32
      %dma_wait3A_324 = arith.constant 0 : i32
      %dma_wait3A_325 = tpu.memref_slice %arg16[%dma_wait3A_323, %dma_wait3A_324] : memref<896x32xf32, #tpu.memory_space<vmem>> -> memref<128x32xf32, #tpu.memory_space<vmem>>
      %dma_wait3A_326 = arith.constant 256 : i32
      %dma_wait3A_327 = tpu.memref_slice %arg12[%dma_wait3A_326] : memref<896xi32, #tpu.memory_space<vmem>> -> memref<128xi32, #tpu.memory_space<vmem>>
      %dma_wait3A_328 = arith.constant 0 : i32
      %dma_wait3A_329 = arith.constant 0 : i32
      %dma_wait3A_330 = tpu.memref_slice %arg7[%dma_wait3A_328, %dma_wait3A_329] : memref<1000x32xf32, #tpu.memory_space<hbm>> -> memref<1000x32xf32, #tpu.memory_space<hbm>>
      tpu.wait_indirect_dma semaphore(%arg19 : memref<!tpu.dma_semaphore, #tpu.memory_space<semaphore_mem>>) src(%dma_wait3A_330 : memref<1000x32xf32, #tpu.memory_space<hbm>>) dst(%dma_wait3A_325 : memref<128x32xf32, #tpu.memory_space<vmem>>)
      %dma_wait3A_331 = arith.constant 384 : i32
      %dma_wait3A_332 = arith.constant 0 : i32
      %dma_wait3A_333 = tpu.memref_slice %arg16[%dma_wait3A_331, %dma_wait3A_332] : memref<896x32xf32, #tpu.memory_space<vmem>> -> memref<128x32xf32, #tpu.memory_space<vmem>>
      %dma_wait3A_334 = arith.constant 384 : i32
      %dma_wait3A_335 = tpu.memref_slice %arg12[%dma_wait3A_334] : memref<896xi32, #tpu.memory_space<vmem>> -> memref<128xi32, #tpu.memory_space<vmem>>
      %dma_wait3A_336 = arith.constant 0 : i32
      %dma_wait3A_337 = arith.constant 0 : i32
      %dma_wait3A_338 = tpu.memref_slice %arg7[%dma_wait3A_336, %dma_wait3A_337] : memref<1000x32xf32, #tpu.memory_space<hbm>> -> memref<1000x32xf32, #tpu.memory_space<hbm>>
      tpu.wait_indirect_dma semaphore(%arg19 : memref<!tpu.dma_semaphore, #tpu.memory_space<semaphore_mem>>) src(%dma_wait3A_338 : memref<1000x32xf32, #tpu.memory_space<hbm>>) dst(%dma_wait3A_333 : memref<128x32xf32, #tpu.memory_space<vmem>>)
      %dma_wait3A_339 = arith.constant 512 : i32
      %dma_wait3A_340 = arith.constant 0 : i32
      %dma_wait3A_341 = tpu.memref_slice %arg16[%dma_wait3A_339, %dma_wait3A_340] : memref<896x32xf32, #tpu.memory_space<vmem>> -> memref<128x32xf32, #tpu.memory_space<vmem>>
      %dma_wait3A_342 = arith.constant 512 : i32
      %dma_wait3A_343 = tpu.memref_slice %arg12[%dma_wait3A_342] : memref<896xi32, #tpu.memory_space<vmem>> -> memref<128xi32, #tpu.memory_space<vmem>>
      %dma_wait3A_344 = arith.constant 0 : i32
      %dma_wait3A_345 = arith.constant 0 : i32
      %dma_wait3A_346 = tpu.memref_slice %arg7[%dma_wait3A_344, %dma_wait3A_345] : memref<1000x32xf32, #tpu.memory_space<hbm>> -> memref<1000x32xf32, #tpu.memory_space<hbm>>
      tpu.wait_indirect_dma semaphore(%arg19 : memref<!tpu.dma_semaphore, #tpu.memory_space<semaphore_mem>>) src(%dma_wait3A_346 : memref<1000x32xf32, #tpu.memory_space<hbm>>) dst(%dma_wait3A_341 : memref<128x32xf32, #tpu.memory_space<vmem>>)
      %dma_wait3A_347 = arith.constant 640 : i32
      %dma_wait3A_348 = arith.constant 0 : i32
      %dma_wait3A_349 = tpu.memref_slice %arg16[%dma_wait3A_347, %dma_wait3A_348] : memref<896x32xf32, #tpu.memory_space<vmem>> -> memref<128x32xf32, #tpu.memory_space<vmem>>
      %dma_wait3A_350 = arith.constant 640 : i32
      %dma_wait3A_351 = tpu.memref_slice %arg12[%dma_wait3A_350] : memref<896xi32, #tpu.memory_space<vmem>> -> memref<128xi32, #tpu.memory_space<vmem>>
      %dma_wait3A_352 = arith.constant 0 : i32
      %dma_wait3A_353 = arith.constant 0 : i32
      %dma_wait3A_354 = tpu.memref_slice %arg7[%dma_wait3A_352, %dma_wait3A_353] : memref<1000x32xf32, #tpu.memory_space<hbm>> -> memref<1000x32xf32, #tpu.memory_space<hbm>>
      tpu.wait_indirect_dma semaphore(%arg19 : memref<!tpu.dma_semaphore, #tpu.memory_space<semaphore_mem>>) src(%dma_wait3A_354 : memref<1000x32xf32, #tpu.memory_space<hbm>>) dst(%dma_wait3A_349 : memref<128x32xf32, #tpu.memory_space<vmem>>)
      %dma_wait3A_355 = arith.constant 768 : i32
      %dma_wait3A_356 = arith.constant 0 : i32
      %dma_wait3A_357 = tpu.memref_slice %arg16[%dma_wait3A_355, %dma_wait3A_356] : memref<896x32xf32, #tpu.memory_space<vmem>> -> memref<128x32xf32, #tpu.memory_space<vmem>>
      %dma_wait3A_358 = arith.constant 768 : i32
      %dma_wait3A_359 = tpu.memref_slice %arg12[%dma_wait3A_358] : memref<896xi32, #tpu.memory_space<vmem>> -> memref<128xi32, #tpu.memory_space<vmem>>
      %dma_wait3A_360 = arith.constant 0 : i32
      %dma_wait3A_361 = arith.constant 0 : i32
      %dma_wait3A_362 = tpu.memref_slice %arg7[%dma_wait3A_360, %dma_wait3A_361] : memref<1000x32xf32, #tpu.memory_space<hbm>> -> memref<1000x32xf32, #tpu.memory_space<hbm>>
      tpu.wait_indirect_dma semaphore(%arg19 : memref<!tpu.dma_semaphore, #tpu.memory_space<semaphore_mem>>) src(%dma_wait3A_362 : memref<1000x32xf32, #tpu.memory_space<hbm>>) dst(%dma_wait3A_357 : memref<128x32xf32, #tpu.memory_space<vmem>>)
      %dma_wait3A_363 = arith.constant 0 : i32
      %dma_wait3A_364 = arith.constant 0 : i32
      %dma_wait3A_365 = tpu.memref_slice %arg17[%dma_wait3A_363, %dma_wait3A_364] : memref<896x32xf32, #tpu.memory_space<vmem>> -> memref<128x32xf32, #tpu.memory_space<vmem>>
      %dma_wait3A_366 = arith.constant 0 : i32
      %dma_wait3A_367 = tpu.memref_slice %arg13[%dma_wait3A_366] : memref<896xi32, #tpu.memory_space<vmem>> -> memref<128xi32, #tpu.memory_space<vmem>>
      %dma_wait3A_368 = arith.constant 0 : i32
      %dma_wait3A_369 = arith.constant 0 : i32
      %dma_wait3A_370 = tpu.memref_slice %arg8[%dma_wait3A_368, %dma_wait3A_369] : memref<10000x32xf32, #tpu.memory_space<hbm>> -> memref<10000x32xf32, #tpu.memory_space<hbm>>
      tpu.wait_indirect_dma semaphore(%arg19 : memref<!tpu.dma_semaphore, #tpu.memory_space<semaphore_mem>>) src(%dma_wait3A_370 : memref<10000x32xf32, #tpu.memory_space<hbm>>) dst(%dma_wait3A_365 : memref<128x32xf32, #tpu.memory_space<vmem>>)
      %dma_wait3A_371 = arith.constant 128 : i32
      %dma_wait3A_372 = arith.constant 0 : i32
      %dma_wait3A_373 = tpu.memref_slice %arg17[%dma_wait3A_371, %dma_wait3A_372] : memref<896x32xf32, #tpu.memory_space<vmem>> -> memref<128x32xf32, #tpu.memory_space<vmem>>
      %dma_wait3A_374 = arith.constant 128 : i32
      %dma_wait3A_375 = tpu.memref_slice %arg13[%dma_wait3A_374] : memref<896xi32, #tpu.memory_space<vmem>> -> memref<128xi32, #tpu.memory_space<vmem>>
      %dma_wait3A_376 = arith.constant 0 : i32
      %dma_wait3A_377 = arith.constant 0 : i32
      %dma_wait3A_378 = tpu.memref_slice %arg8[%dma_wait3A_376, %dma_wait3A_377] : memref<10000x32xf32, #tpu.memory_space<hbm>> -> memref<10000x32xf32, #tpu.memory_space<hbm>>
      tpu.wait_indirect_dma semaphore(%arg19 : memref<!tpu.dma_semaphore, #tpu.memory_space<semaphore_mem>>) src(%dma_wait3A_378 : memref<10000x32xf32, #tpu.memory_space<hbm>>) dst(%dma_wait3A_373 : memref<128x32xf32, #tpu.memory_space<vmem>>)
      %dma_wait3A_379 = arith.constant 256 : i32
      %dma_wait3A_380 = arith.constant 0 : i32
      %dma_wait3A_381 = tpu.memref_slice %arg17[%dma_wait3A_379, %dma_wait3A_380] : memref<896x32xf32, #tpu.memory_space<vmem>> -> memref<128x32xf32, #tpu.memory_space<vmem>>
      %dma_wait3A_382 = arith.constant 256 : i32
      %dma_wait3A_383 = tpu.memref_slice %arg13[%dma_wait3A_382] : memref<896xi32, #tpu.memory_space<vmem>> -> memref<128xi32, #tpu.memory_space<vmem>>
      %dma_wait3A_384 = arith.constant 0 : i32
      %dma_wait3A_385 = arith.constant 0 : i32
      %dma_wait3A_386 = tpu.memref_slice %arg8[%dma_wait3A_384, %dma_wait3A_385] : memref<10000x32xf32, #tpu.memory_space<hbm>> -> memref<10000x32xf32, #tpu.memory_space<hbm>>
      tpu.wait_indirect_dma semaphore(%arg19 : memref<!tpu.dma_semaphore, #tpu.memory_space<semaphore_mem>>) src(%dma_wait3A_386 : memref<10000x32xf32, #tpu.memory_space<hbm>>) dst(%dma_wait3A_381 : memref<128x32xf32, #tpu.memory_space<vmem>>)
      %dma_wait3A_387 = arith.constant 384 : i32
      %dma_wait3A_388 = arith.constant 0 : i32
      %dma_wait3A_389 = tpu.memref_slice %arg17[%dma_wait3A_387, %dma_wait3A_388] : memref<896x32xf32, #tpu.memory_space<vmem>> -> memref<128x32xf32, #tpu.memory_space<vmem>>
      %dma_wait3A_390 = arith.constant 384 : i32
      %dma_wait3A_391 = tpu.memref_slice %arg13[%dma_wait3A_390] : memref<896xi32, #tpu.memory_space<vmem>> -> memref<128xi32, #tpu.memory_space<vmem>>
      %dma_wait3A_392 = arith.constant 0 : i32
      %dma_wait3A_393 = arith.constant 0 : i32
      %dma_wait3A_394 = tpu.memref_slice %arg8[%dma_wait3A_392, %dma_wait3A_393] : memref<10000x32xf32, #tpu.memory_space<hbm>> -> memref<10000x32xf32, #tpu.memory_space<hbm>>
      tpu.wait_indirect_dma semaphore(%arg19 : memref<!tpu.dma_semaphore, #tpu.memory_space<semaphore_mem>>) src(%dma_wait3A_394 : memref<10000x32xf32, #tpu.memory_space<hbm>>) dst(%dma_wait3A_389 : memref<128x32xf32, #tpu.memory_space<vmem>>)
      %dma_wait3A_395 = arith.constant 512 : i32
      %dma_wait3A_396 = arith.constant 0 : i32
      %dma_wait3A_397 = tpu.memref_slice %arg17[%dma_wait3A_395, %dma_wait3A_396] : memref<896x32xf32, #tpu.memory_space<vmem>> -> memref<128x32xf32, #tpu.memory_space<vmem>>
      %dma_wait3A_398 = arith.constant 512 : i32
      %dma_wait3A_399 = tpu.memref_slice %arg13[%dma_wait3A_398] : memref<896xi32, #tpu.memory_space<vmem>> -> memref<128xi32, #tpu.memory_space<vmem>>
      %dma_wait3A_400 = arith.constant 0 : i32
      %dma_wait3A_401 = arith.constant 0 : i32
      %dma_wait3A_402 = tpu.memref_slice %arg8[%dma_wait3A_400, %dma_wait3A_401] : memref<10000x32xf32, #tpu.memory_space<hbm>> -> memref<10000x32xf32, #tpu.memory_space<hbm>>
      tpu.wait_indirect_dma semaphore(%arg19 : memref<!tpu.dma_semaphore, #tpu.memory_space<semaphore_mem>>) src(%dma_wait3A_402 : memref<10000x32xf32, #tpu.memory_space<hbm>>) dst(%dma_wait3A_397 : memref<128x32xf32, #tpu.memory_space<vmem>>)
      %dma_wait3A_403 = arith.constant 640 : i32
      %dma_wait3A_404 = arith.constant 0 : i32
      %dma_wait3A_405 = tpu.memref_slice %arg17[%dma_wait3A_403, %dma_wait3A_404] : memref<896x32xf32, #tpu.memory_space<vmem>> -> memref<128x32xf32, #tpu.memory_space<vmem>>
      %dma_wait3A_406 = arith.constant 640 : i32
      %dma_wait3A_407 = tpu.memref_slice %arg13[%dma_wait3A_406] : memref<896xi32, #tpu.memory_space<vmem>> -> memref<128xi32, #tpu.memory_space<vmem>>
      %dma_wait3A_408 = arith.constant 0 : i32
      %dma_wait3A_409 = arith.constant 0 : i32
      %dma_wait3A_410 = tpu.memref_slice %arg8[%dma_wait3A_408, %dma_wait3A_409] : memref<10000x32xf32, #tpu.memory_space<hbm>> -> memref<10000x32xf32, #tpu.memory_space<hbm>>
      tpu.wait_indirect_dma semaphore(%arg19 : memref<!tpu.dma_semaphore, #tpu.memory_space<semaphore_mem>>) src(%dma_wait3A_410 : memref<10000x32xf32, #tpu.memory_space<hbm>>) dst(%dma_wait3A_405 : memref<128x32xf32, #tpu.memory_space<vmem>>)
      %dma_wait3A_411 = arith.constant 768 : i32
      %dma_wait3A_412 = arith.constant 0 : i32
      %dma_wait3A_413 = tpu.memref_slice %arg17[%dma_wait3A_411, %dma_wait3A_412] : memref<896x32xf32, #tpu.memory_space<vmem>> -> memref<128x32xf32, #tpu.memory_space<vmem>>
      %dma_wait3A_414 = arith.constant 768 : i32
      %dma_wait3A_415 = tpu.memref_slice %arg13[%dma_wait3A_414] : memref<896xi32, #tpu.memory_space<vmem>> -> memref<128xi32, #tpu.memory_space<vmem>>
      %dma_wait3A_416 = arith.constant 0 : i32
      %dma_wait3A_417 = arith.constant 0 : i32
      %dma_wait3A_418 = tpu.memref_slice %arg8[%dma_wait3A_416, %dma_wait3A_417] : memref<10000x32xf32, #tpu.memory_space<hbm>> -> memref<10000x32xf32, #tpu.memory_space<hbm>>
      tpu.wait_indirect_dma semaphore(%arg19 : memref<!tpu.dma_semaphore, #tpu.memory_space<semaphore_mem>>) src(%dma_wait3A_418 : memref<10000x32xf32, #tpu.memory_space<hbm>>) dst(%dma_wait3A_413 : memref<128x32xf32, #tpu.memory_space<vmem>>)
      %dma_wait3A_419 = arith.constant 0 : i32
      %dma_wait3A_420 = arith.constant 0 : i32
      %dma_wait3A_421 = tpu.memref_slice %arg18[%dma_wait3A_419, %dma_wait3A_420] : memref<896x32xf32, #tpu.memory_space<vmem>> -> memref<128x32xf32, #tpu.memory_space<vmem>>
      %dma_wait3A_422 = arith.constant 0 : i32
      %dma_wait3A_423 = tpu.memref_slice %arg14[%dma_wait3A_422] : memref<896xi32, #tpu.memory_space<vmem>> -> memref<128xi32, #tpu.memory_space<vmem>>
      %dma_wait3A_424 = arith.constant 0 : i32
      %dma_wait3A_425 = arith.constant 0 : i32
      %dma_wait3A_426 = tpu.memref_slice %arg9[%dma_wait3A_424, %dma_wait3A_425] : memref<100000x32xf32, #tpu.memory_space<hbm>> -> memref<100000x32xf32, #tpu.memory_space<hbm>>
      tpu.wait_indirect_dma semaphore(%arg19 : memref<!tpu.dma_semaphore, #tpu.memory_space<semaphore_mem>>) src(%dma_wait3A_426 : memref<100000x32xf32, #tpu.memory_space<hbm>>) dst(%dma_wait3A_421 : memref<128x32xf32, #tpu.memory_space<vmem>>)
      %dma_wait3A_427 = arith.constant 128 : i32
      %dma_wait3A_428 = arith.constant 0 : i32
      %dma_wait3A_429 = tpu.memref_slice %arg18[%dma_wait3A_427, %dma_wait3A_428] : memref<896x32xf32, #tpu.memory_space<vmem>> -> memref<128x32xf32, #tpu.memory_space<vmem>>
      %dma_wait3A_430 = arith.constant 128 : i32
      %dma_wait3A_431 = tpu.memref_slice %arg14[%dma_wait3A_430] : memref<896xi32, #tpu.memory_space<vmem>> -> memref<128xi32, #tpu.memory_space<vmem>>
      %dma_wait3A_432 = arith.constant 0 : i32
      %dma_wait3A_433 = arith.constant 0 : i32
      %dma_wait3A_434 = tpu.memref_slice %arg9[%dma_wait3A_432, %dma_wait3A_433] : memref<100000x32xf32, #tpu.memory_space<hbm>> -> memref<100000x32xf32, #tpu.memory_space<hbm>>
      tpu.wait_indirect_dma semaphore(%arg19 : memref<!tpu.dma_semaphore, #tpu.memory_space<semaphore_mem>>) src(%dma_wait3A_434 : memref<100000x32xf32, #tpu.memory_space<hbm>>) dst(%dma_wait3A_429 : memref<128x32xf32, #tpu.memory_space<vmem>>)
      %dma_wait3A_435 = arith.constant 256 : i32
      %dma_wait3A_436 = arith.constant 0 : i32
      %dma_wait3A_437 = tpu.memref_slice %arg18[%dma_wait3A_435, %dma_wait3A_436] : memref<896x32xf32, #tpu.memory_space<vmem>> -> memref<128x32xf32, #tpu.memory_space<vmem>>
      %dma_wait3A_438 = arith.constant 256 : i32
      %dma_wait3A_439 = tpu.memref_slice %arg14[%dma_wait3A_438] : memref<896xi32, #tpu.memory_space<vmem>> -> memref<128xi32, #tpu.memory_space<vmem>>
      %dma_wait3A_440 = arith.constant 0 : i32
      %dma_wait3A_441 = arith.constant 0 : i32
      %dma_wait3A_442 = tpu.memref_slice %arg9[%dma_wait3A_440, %dma_wait3A_441] : memref<100000x32xf32, #tpu.memory_space<hbm>> -> memref<100000x32xf32, #tpu.memory_space<hbm>>
      tpu.wait_indirect_dma semaphore(%arg19 : memref<!tpu.dma_semaphore, #tpu.memory_space<semaphore_mem>>) src(%dma_wait3A_442 : memref<100000x32xf32, #tpu.memory_space<hbm>>) dst(%dma_wait3A_437 : memref<128x32xf32, #tpu.memory_space<vmem>>)
      %dma_wait3A_443 = arith.constant 384 : i32
      %dma_wait3A_444 = arith.constant 0 : i32
      %dma_wait3A_445 = tpu.memref_slice %arg18[%dma_wait3A_443, %dma_wait3A_444] : memref<896x32xf32, #tpu.memory_space<vmem>> -> memref<128x32xf32, #tpu.memory_space<vmem>>
      %dma_wait3A_446 = arith.constant 384 : i32
      %dma_wait3A_447 = tpu.memref_slice %arg14[%dma_wait3A_446] : memref<896xi32, #tpu.memory_space<vmem>> -> memref<128xi32, #tpu.memory_space<vmem>>
      %dma_wait3A_448 = arith.constant 0 : i32
      %dma_wait3A_449 = arith.constant 0 : i32
      %dma_wait3A_450 = tpu.memref_slice %arg9[%dma_wait3A_448, %dma_wait3A_449] : memref<100000x32xf32, #tpu.memory_space<hbm>> -> memref<100000x32xf32, #tpu.memory_space<hbm>>
      tpu.wait_indirect_dma semaphore(%arg19 : memref<!tpu.dma_semaphore, #tpu.memory_space<semaphore_mem>>) src(%dma_wait3A_450 : memref<100000x32xf32, #tpu.memory_space<hbm>>) dst(%dma_wait3A_445 : memref<128x32xf32, #tpu.memory_space<vmem>>)
      %dma_wait3A_451 = arith.constant 512 : i32
      %dma_wait3A_452 = arith.constant 0 : i32
      %dma_wait3A_453 = tpu.memref_slice %arg18[%dma_wait3A_451, %dma_wait3A_452] : memref<896x32xf32, #tpu.memory_space<vmem>> -> memref<128x32xf32, #tpu.memory_space<vmem>>
      %dma_wait3A_454 = arith.constant 512 : i32
      %dma_wait3A_455 = tpu.memref_slice %arg14[%dma_wait3A_454] : memref<896xi32, #tpu.memory_space<vmem>> -> memref<128xi32, #tpu.memory_space<vmem>>
      %dma_wait3A_456 = arith.constant 0 : i32
      %dma_wait3A_457 = arith.constant 0 : i32
      %dma_wait3A_458 = tpu.memref_slice %arg9[%dma_wait3A_456, %dma_wait3A_457] : memref<100000x32xf32, #tpu.memory_space<hbm>> -> memref<100000x32xf32, #tpu.memory_space<hbm>>
      tpu.wait_indirect_dma semaphore(%arg19 : memref<!tpu.dma_semaphore, #tpu.memory_space<semaphore_mem>>) src(%dma_wait3A_458 : memref<100000x32xf32, #tpu.memory_space<hbm>>) dst(%dma_wait3A_453 : memref<128x32xf32, #tpu.memory_space<vmem>>)
      %dma_wait3A_459 = arith.constant 640 : i32
      %dma_wait3A_460 = arith.constant 0 : i32
      %dma_wait3A_461 = tpu.memref_slice %arg18[%dma_wait3A_459, %dma_wait3A_460] : memref<896x32xf32, #tpu.memory_space<vmem>> -> memref<128x32xf32, #tpu.memory_space<vmem>>
      %dma_wait3A_462 = arith.constant 640 : i32
      %dma_wait3A_463 = tpu.memref_slice %arg14[%dma_wait3A_462] : memref<896xi32, #tpu.memory_space<vmem>> -> memref<128xi32, #tpu.memory_space<vmem>>
      %dma_wait3A_464 = arith.constant 0 : i32
      %dma_wait3A_465 = arith.constant 0 : i32
      %dma_wait3A_466 = tpu.memref_slice %arg9[%dma_wait3A_464, %dma_wait3A_465] : memref<100000x32xf32, #tpu.memory_space<hbm>> -> memref<100000x32xf32, #tpu.memory_space<hbm>>
      tpu.wait_indirect_dma semaphore(%arg19 : memref<!tpu.dma_semaphore, #tpu.memory_space<semaphore_mem>>) src(%dma_wait3A_466 : memref<100000x32xf32, #tpu.memory_space<hbm>>) dst(%dma_wait3A_461 : memref<128x32xf32, #tpu.memory_space<vmem>>)
      %dma_wait3A_467 = arith.constant 768 : i32
      %dma_wait3A_468 = arith.constant 0 : i32
      %dma_wait3A_469 = tpu.memref_slice %arg18[%dma_wait3A_467, %dma_wait3A_468] : memref<896x32xf32, #tpu.memory_space<vmem>> -> memref<128x32xf32, #tpu.memory_space<vmem>>
      %dma_wait3A_470 = arith.constant 768 : i32
      %dma_wait3A_471 = tpu.memref_slice %arg14[%dma_wait3A_470] : memref<896xi32, #tpu.memory_space<vmem>> -> memref<128xi32, #tpu.memory_space<vmem>>
      %dma_wait3A_472 = arith.constant 0 : i32
      %dma_wait3A_473 = arith.constant 0 : i32
      %dma_wait3A_474 = tpu.memref_slice %arg9[%dma_wait3A_472, %dma_wait3A_473] : memref<100000x32xf32, #tpu.memory_space<hbm>> -> memref<100000x32xf32, #tpu.memory_space<hbm>>
      tpu.wait_indirect_dma semaphore(%arg19 : memref<!tpu.dma_semaphore, #tpu.memory_space<semaphore_mem>>) src(%dma_wait3A_474 : memref<100000x32xf32, #tpu.memory_space<hbm>>) dst(%dma_wait3A_469 : memref<128x32xf32, #tpu.memory_space<vmem>>)
      "tpu.region"() ({
        %run_scoped3A = tpu.sem_alloc : memref<!tpu.dma_semaphore, #tpu.memory_space<semaphore_mem>>
        %dma_start3A_475 = arith.constant 0 : i32
        %dma_start3A_476 = tpu.memref_slice %arg10[%multiple_of3A, %dma_start3A_475] : memref<100000x128xf32, #tpu.memory_space<hbm>> -> memref<896x32xf32, #tpu.memory_space<hbm>>
        %dma_start3A_477 = arith.constant 0 : i32
        %dma_start3A_478 = tpu.memref_slice %arg10[%multiple_of3A, %dma_start3A_477] : memref<100000x128xf32, #tpu.memory_space<hbm>> -> memref<896x32xf32, #tpu.memory_space<hbm>>
        tpu.enqueue_dma source(%arg15 : memref<896x32xf32, #tpu.memory_space<vmem>>) target(%dma_start3A_478 : memref<896x32xf32, #tpu.memory_space<hbm>>) target_semaphore(%run_scoped3A : memref<!tpu.dma_semaphore, #tpu.memory_space<semaphore_mem>>)
        %dma_wait3A_479 = arith.constant 0 : i32
        %dma_wait3A_480 = tpu.memref_slice %arg10[%multiple_of3A, %dma_wait3A_479] : memref<100000x128xf32, #tpu.memory_space<hbm>> -> memref<896x32xf32, #tpu.memory_space<hbm>>
        %dma_wait3A_481 = arith.constant 0 : i32
        %dma_wait3A_482 = tpu.memref_slice %arg10[%multiple_of3A, %dma_wait3A_481] : memref<100000x128xf32, #tpu.memory_space<hbm>> -> memref<896x32xf32, #tpu.memory_space<hbm>>
        tpu.wait_dma2 semaphore(%run_scoped3A : memref<!tpu.dma_semaphore, #tpu.memory_space<semaphore_mem>>) src(%arg15 : memref<896x32xf32, #tpu.memory_space<vmem>>) dst(%dma_wait3A_482 : memref<896x32xf32, #tpu.memory_space<hbm>>)
        tpu.yield
      }) : () -> ()
      "tpu.region"() ({
        %run_scoped3A = tpu.sem_alloc : memref<!tpu.dma_semaphore, #tpu.memory_space<semaphore_mem>>
        %dma_start3A_475 = arith.constant 32 : i32
        %dma_start3A_476 = tpu.memref_slice %arg10[%multiple_of3A, %dma_start3A_475] : memref<100000x128xf32, #tpu.memory_space<hbm>> -> memref<896x32xf32, #tpu.memory_space<hbm>>
        %dma_start3A_477 = arith.constant 32 : i32
        %dma_start3A_478 = tpu.memref_slice %arg10[%multiple_of3A, %dma_start3A_477] : memref<100000x128xf32, #tpu.memory_space<hbm>> -> memref<896x32xf32, #tpu.memory_space<hbm>>
        tpu.enqueue_dma source(%arg16 : memref<896x32xf32, #tpu.memory_space<vmem>>) target(%dma_start3A_478 : memref<896x32xf32, #tpu.memory_space<hbm>>) target_semaphore(%run_scoped3A : memref<!tpu.dma_semaphore, #tpu.memory_space<semaphore_mem>>)
        %dma_wait3A_479 = arith.constant 32 : i32
        %dma_wait3A_480 = tpu.memref_slice %arg10[%multiple_of3A, %dma_wait3A_479] : memref<100000x128xf32, #tpu.memory_space<hbm>> -> memref<896x32xf32, #tpu.memory_space<hbm>>
        %dma_wait3A_481 = arith.constant 32 : i32
        %dma_wait3A_482 = tpu.memref_slice %arg10[%multiple_of3A, %dma_wait3A_481] : memref<100000x128xf32, #tpu.memory_space<hbm>> -> memref<896x32xf32, #tpu.memory_space<hbm>>
        tpu.wait_dma2 semaphore(%run_scoped3A : memref<!tpu.dma_semaphore, #tpu.memory_space<semaphore_mem>>) src(%arg16 : memref<896x32xf32, #tpu.memory_space<vmem>>) dst(%dma_wait3A_482 : memref<896x32xf32, #tpu.memory_space<hbm>>)
        tpu.yield
      }) : () -> ()
      "tpu.region"() ({
        %run_scoped3A = tpu.sem_alloc : memref<!tpu.dma_semaphore, #tpu.memory_space<semaphore_mem>>
        %dma_start3A_475 = arith.constant 64 : i32
        %dma_start3A_476 = tpu.memref_slice %arg10[%multiple_of3A, %dma_start3A_475] : memref<100000x128xf32, #tpu.memory_space<hbm>> -> memref<896x32xf32, #tpu.memory_space<hbm>>
        %dma_start3A_477 = arith.constant 64 : i32
        %dma_start3A_478 = tpu.memref_slice %arg10[%multiple_of3A, %dma_start3A_477] : memref<100000x128xf32, #tpu.memory_space<hbm>> -> memref<896x32xf32, #tpu.memory_space<hbm>>
        tpu.enqueue_dma source(%arg17 : memref<896x32xf32, #tpu.memory_space<vmem>>) target(%dma_start3A_478 : memref<896x32xf32, #tpu.memory_space<hbm>>) target_semaphore(%run_scoped3A : memref<!tpu.dma_semaphore, #tpu.memory_space<semaphore_mem>>)
        %dma_wait3A_479 = arith.constant 64 : i32
        %dma_wait3A_480 = tpu.memref_slice %arg10[%multiple_of3A, %dma_wait3A_479] : memref<100000x128xf32, #tpu.memory_space<hbm>> -> memref<896x32xf32, #tpu.memory_space<hbm>>
        %dma_wait3A_481 = arith.constant 64 : i32
        %dma_wait3A_482 = tpu.memref_slice %arg10[%multiple_of3A, %dma_wait3A_481] : memref<100000x128xf32, #tpu.memory_space<hbm>> -> memref<896x32xf32, #tpu.memory_space<hbm>>
        tpu.wait_dma2 semaphore(%run_scoped3A : memref<!tpu.dma_semaphore, #tpu.memory_space<semaphore_mem>>) src(%arg17 : memref<896x32xf32, #tpu.memory_space<vmem>>) dst(%dma_wait3A_482 : memref<896x32xf32, #tpu.memory_space<hbm>>)
        tpu.yield
      }) : () -> ()
      "tpu.region"() ({
        %run_scoped3A = tpu.sem_alloc : memref<!tpu.dma_semaphore, #tpu.memory_space<semaphore_mem>>
        %dma_start3A_475 = arith.constant 96 : i32
        %dma_start3A_476 = tpu.memref_slice %arg10[%multiple_of3A, %dma_start3A_475] : memref<100000x128xf32, #tpu.memory_space<hbm>> -> memref<896x32xf32, #tpu.memory_space<hbm>>
        %dma_start3A_477 = arith.constant 96 : i32
        %dma_start3A_478 = tpu.memref_slice %arg10[%multiple_of3A, %dma_start3A_477] : memref<100000x128xf32, #tpu.memory_space<hbm>> -> memref<896x32xf32, #tpu.memory_space<hbm>>
        tpu.enqueue_dma source(%arg18 : memref<896x32xf32, #tpu.memory_space<vmem>>) target(%dma_start3A_478 : memref<896x32xf32, #tpu.memory_space<hbm>>) target_semaphore(%run_scoped3A : memref<!tpu.dma_semaphore, #tpu.memory_space<semaphore_mem>>)
        %dma_wait3A_479 = arith.constant 96 : i32
        %dma_wait3A_480 = tpu.memref_slice %arg10[%multiple_of3A, %dma_wait3A_479] : memref<100000x128xf32, #tpu.memory_space<hbm>> -> memref<896x32xf32, #tpu.memory_space<hbm>>
        %dma_wait3A_481 = arith.constant 96 : i32
        %dma_wait3A_482 = tpu.memref_slice %arg10[%multiple_of3A, %dma_wait3A_481] : memref<100000x128xf32, #tpu.memory_space<hbm>> -> memref<896x32xf32, #tpu.memory_space<hbm>>
        tpu.wait_dma2 semaphore(%run_scoped3A : memref<!tpu.dma_semaphore, #tpu.memory_space<semaphore_mem>>) src(%arg18 : memref<896x32xf32, #tpu.memory_space<vmem>>) dst(%dma_wait3A_482 : memref<896x32xf32, #tpu.memory_space<hbm>>)
        tpu.yield
      }) : () -> ()
    } else {
    }
    %add3A_12 = arith.constant 64 : i32
    %add3A_13 = arith.addi %add3A, %add3A_12 : i32
    %lt3A_14 = arith.constant 112 : i32
    %lt3A_15 = arith.cmpi slt, %add3A_13, %lt3A_14 : i32
    %convert_element_type3A_16 = arith.extui %lt3A_15 : i1 to i32
    %cond3A_17 = arith.constant 0 : i32
    %cond3A_18 = arith.cmpi ne, %convert_element_type3A_16, %cond3A_17 : i32
    scf.if %cond3A_18 {
      %mul3A_26 = arith.constant 896 : i32
      %mul3A_27 = arith.muli %add3A_13, %mul3A_26 : i32
      %min3A = arith.constant 99104 : i32
      %min3A_28 = arith.minsi %mul3A_27, %min3A : i32
      %multiple_of3A = tpu.assume_multiple %min3A_28, 8 : i32
      "tpu.region"() ({
        %run_scoped3A = tpu.sem_alloc : memref<!tpu.dma_semaphore, #tpu.memory_space<semaphore_mem>>
        %dma_start3A_475 = tpu.memref_slice %arg2[%multiple_of3A] : memref<100000xi32, #tpu.memory_space<hbm>> -> memref<896xi32, #tpu.memory_space<hbm>>
        %dma_start3A_476 = tpu.memref_slice %arg2[%multiple_of3A] : memref<100000xi32, #tpu.memory_space<hbm>> -> memref<896xi32, #tpu.memory_space<hbm>>
        tpu.enqueue_dma source(%dma_start3A_476 : memref<896xi32, #tpu.memory_space<hbm>>) target(%arg11 : memref<896xi32, #tpu.memory_space<vmem>>) target_semaphore(%run_scoped3A : memref<!tpu.dma_semaphore, #tpu.memory_space<semaphore_mem>>)
        %dma_wait3A_477 = tpu.memref_slice %arg2[%multiple_of3A] : memref<100000xi32, #tpu.memory_space<hbm>> -> memref<896xi32, #tpu.memory_space<hbm>>
        %dma_wait3A_478 = tpu.memref_slice %arg2[%multiple_of3A] : memref<100000xi32, #tpu.memory_space<hbm>> -> memref<896xi32, #tpu.memory_space<hbm>>
        tpu.wait_dma2 semaphore(%run_scoped3A : memref<!tpu.dma_semaphore, #tpu.memory_space<semaphore_mem>>) src(%dma_wait3A_478 : memref<896xi32, #tpu.memory_space<hbm>>) dst(%arg11 : memref<896xi32, #tpu.memory_space<vmem>>)
        tpu.yield
      }) : () -> ()
      "tpu.region"() ({
        %run_scoped3A = tpu.sem_alloc : memref<!tpu.dma_semaphore, #tpu.memory_space<semaphore_mem>>
        %dma_start3A_475 = tpu.memref_slice %arg3[%multiple_of3A] : memref<100000xi32, #tpu.memory_space<hbm>> -> memref<896xi32, #tpu.memory_space<hbm>>
        %dma_start3A_476 = tpu.memref_slice %arg3[%multiple_of3A] : memref<100000xi32, #tpu.memory_space<hbm>> -> memref<896xi32, #tpu.memory_space<hbm>>
        tpu.enqueue_dma source(%dma_start3A_476 : memref<896xi32, #tpu.memory_space<hbm>>) target(%arg12 : memref<896xi32, #tpu.memory_space<vmem>>) target_semaphore(%run_scoped3A : memref<!tpu.dma_semaphore, #tpu.memory_space<semaphore_mem>>)
        %dma_wait3A_477 = tpu.memref_slice %arg3[%multiple_of3A] : memref<100000xi32, #tpu.memory_space<hbm>> -> memref<896xi32, #tpu.memory_space<hbm>>
        %dma_wait3A_478 = tpu.memref_slice %arg3[%multiple_of3A] : memref<100000xi32, #tpu.memory_space<hbm>> -> memref<896xi32, #tpu.memory_space<hbm>>
        tpu.wait_dma2 semaphore(%run_scoped3A : memref<!tpu.dma_semaphore, #tpu.memory_space<semaphore_mem>>) src(%dma_wait3A_478 : memref<896xi32, #tpu.memory_space<hbm>>) dst(%arg12 : memref<896xi32, #tpu.memory_space<vmem>>)
        tpu.yield
      }) : () -> ()
      "tpu.region"() ({
        %run_scoped3A = tpu.sem_alloc : memref<!tpu.dma_semaphore, #tpu.memory_space<semaphore_mem>>
        %dma_start3A_475 = tpu.memref_slice %arg4[%multiple_of3A] : memref<100000xi32, #tpu.memory_space<hbm>> -> memref<896xi32, #tpu.memory_space<hbm>>
        %dma_start3A_476 = tpu.memref_slice %arg4[%multiple_of3A] : memref<100000xi32, #tpu.memory_space<hbm>> -> memref<896xi32, #tpu.memory_space<hbm>>
        tpu.enqueue_dma source(%dma_start3A_476 : memref<896xi32, #tpu.memory_space<hbm>>) target(%arg13 : memref<896xi32, #tpu.memory_space<vmem>>) target_semaphore(%run_scoped3A : memref<!tpu.dma_semaphore, #tpu.memory_space<semaphore_mem>>)
        %dma_wait3A_477 = tpu.memref_slice %arg4[%multiple_of3A] : memref<100000xi32, #tpu.memory_space<hbm>> -> memref<896xi32, #tpu.memory_space<hbm>>
        %dma_wait3A_478 = tpu.memref_slice %arg4[%multiple_of3A] : memref<100000xi32, #tpu.memory_space<hbm>> -> memref<896xi32, #tpu.memory_space<hbm>>
        tpu.wait_dma2 semaphore(%run_scoped3A : memref<!tpu.dma_semaphore, #tpu.memory_space<semaphore_mem>>) src(%dma_wait3A_478 : memref<896xi32, #tpu.memory_space<hbm>>) dst(%arg13 : memref<896xi32, #tpu.memory_space<vmem>>)
        tpu.yield
      }) : () -> ()
      "tpu.region"() ({
        %run_scoped3A = tpu.sem_alloc : memref<!tpu.dma_semaphore, #tpu.memory_space<semaphore_mem>>
        %dma_start3A_475 = tpu.memref_slice %arg5[%multiple_of3A] : memref<100000xi32, #tpu.memory_space<hbm>> -> memref<896xi32, #tpu.memory_space<hbm>>
        %dma_start3A_476 = tpu.memref_slice %arg5[%multiple_of3A] : memref<100000xi32, #tpu.memory_space<hbm>> -> memref<896xi32, #tpu.memory_space<hbm>>
        tpu.enqueue_dma source(%dma_start3A_476 : memref<896xi32, #tpu.memory_space<hbm>>) target(%arg14 : memref<896xi32, #tpu.memory_space<vmem>>) target_semaphore(%run_scoped3A : memref<!tpu.dma_semaphore, #tpu.memory_space<semaphore_mem>>)
        %dma_wait3A_477 = tpu.memref_slice %arg5[%multiple_of3A] : memref<100000xi32, #tpu.memory_space<hbm>> -> memref<896xi32, #tpu.memory_space<hbm>>
        %dma_wait3A_478 = tpu.memref_slice %arg5[%multiple_of3A] : memref<100000xi32, #tpu.memory_space<hbm>> -> memref<896xi32, #tpu.memory_space<hbm>>
        tpu.wait_dma2 semaphore(%run_scoped3A : memref<!tpu.dma_semaphore, #tpu.memory_space<semaphore_mem>>) src(%dma_wait3A_478 : memref<896xi32, #tpu.memory_space<hbm>>) dst(%arg14 : memref<896xi32, #tpu.memory_space<vmem>>)
        tpu.yield
      }) : () -> ()
      %dma_start3A = arith.constant 0 : i32
      %dma_start3A_29 = arith.constant 0 : i32
      %dma_start3A_30 = tpu.memref_slice %arg15[%dma_start3A, %dma_start3A_29] : memref<896x32xf32, #tpu.memory_space<vmem>> -> memref<128x32xf32, #tpu.memory_space<vmem>>
      %dma_start3A_31 = arith.constant 0 : i32
      %dma_start3A_32 = tpu.memref_slice %arg11[%dma_start3A_31] : memref<896xi32, #tpu.memory_space<vmem>> -> memref<128xi32, #tpu.memory_space<vmem>>
      %dma_start3A_33 = arith.constant 0 : i32
      %dma_start3A_34 = arith.constant 0 : i32
      %dma_start3A_35 = tpu.memref_slice %arg6[%dma_start3A_33, %dma_start3A_34] : memref<100x32xf32, #tpu.memory_space<hbm>> -> memref<100x32xf32, #tpu.memory_space<hbm>>
      tpu.enqueue_indirect_dma source(%dma_start3A_35 : memref<100x32xf32, #tpu.memory_space<hbm>>) target(%dma_start3A_30 : memref<128x32xf32, #tpu.memory_space<vmem>>) offsets(%dma_start3A_32 : memref<128xi32, #tpu.memory_space<vmem>>) semaphore(%arg19 : memref<!tpu.dma_semaphore, #tpu.memory_space<semaphore_mem>>)
      %dma_start3A_36 = arith.constant 128 : i32
      %dma_start3A_37 = arith.constant 0 : i32
      %dma_start3A_38 = tpu.memref_slice %arg15[%dma_start3A_36, %dma_start3A_37] : memref<896x32xf32, #tpu.memory_space<vmem>> -> memref<128x32xf32, #tpu.memory_space<vmem>>
      %dma_start3A_39 = arith.constant 128 : i32
      %dma_start3A_40 = tpu.memref_slice %arg11[%dma_start3A_39] : memref<896xi32, #tpu.memory_space<vmem>> -> memref<128xi32, #tpu.memory_space<vmem>>
      %dma_start3A_41 = arith.constant 0 : i32
      %dma_start3A_42 = arith.constant 0 : i32
      %dma_start3A_43 = tpu.memref_slice %arg6[%dma_start3A_41, %dma_start3A_42] : memref<100x32xf32, #tpu.memory_space<hbm>> -> memref<100x32xf32, #tpu.memory_space<hbm>>
      tpu.enqueue_indirect_dma source(%dma_start3A_43 : memref<100x32xf32, #tpu.memory_space<hbm>>) target(%dma_start3A_38 : memref<128x32xf32, #tpu.memory_space<vmem>>) offsets(%dma_start3A_40 : memref<128xi32, #tpu.memory_space<vmem>>) semaphore(%arg19 : memref<!tpu.dma_semaphore, #tpu.memory_space<semaphore_mem>>)
      %dma_start3A_44 = arith.constant 256 : i32
      %dma_start3A_45 = arith.constant 0 : i32
      %dma_start3A_46 = tpu.memref_slice %arg15[%dma_start3A_44, %dma_start3A_45] : memref<896x32xf32, #tpu.memory_space<vmem>> -> memref<128x32xf32, #tpu.memory_space<vmem>>
      %dma_start3A_47 = arith.constant 256 : i32
      %dma_start3A_48 = tpu.memref_slice %arg11[%dma_start3A_47] : memref<896xi32, #tpu.memory_space<vmem>> -> memref<128xi32, #tpu.memory_space<vmem>>
      %dma_start3A_49 = arith.constant 0 : i32
      %dma_start3A_50 = arith.constant 0 : i32
      %dma_start3A_51 = tpu.memref_slice %arg6[%dma_start3A_49, %dma_start3A_50] : memref<100x32xf32, #tpu.memory_space<hbm>> -> memref<100x32xf32, #tpu.memory_space<hbm>>
      tpu.enqueue_indirect_dma source(%dma_start3A_51 : memref<100x32xf32, #tpu.memory_space<hbm>>) target(%dma_start3A_46 : memref<128x32xf32, #tpu.memory_space<vmem>>) offsets(%dma_start3A_48 : memref<128xi32, #tpu.memory_space<vmem>>) semaphore(%arg19 : memref<!tpu.dma_semaphore, #tpu.memory_space<semaphore_mem>>)
      %dma_start3A_52 = arith.constant 384 : i32
      %dma_start3A_53 = arith.constant 0 : i32
      %dma_start3A_54 = tpu.memref_slice %arg15[%dma_start3A_52, %dma_start3A_53] : memref<896x32xf32, #tpu.memory_space<vmem>> -> memref<128x32xf32, #tpu.memory_space<vmem>>
      %dma_start3A_55 = arith.constant 384 : i32
      %dma_start3A_56 = tpu.memref_slice %arg11[%dma_start3A_55] : memref<896xi32, #tpu.memory_space<vmem>> -> memref<128xi32, #tpu.memory_space<vmem>>
      %dma_start3A_57 = arith.constant 0 : i32
      %dma_start3A_58 = arith.constant 0 : i32
      %dma_start3A_59 = tpu.memref_slice %arg6[%dma_start3A_57, %dma_start3A_58] : memref<100x32xf32, #tpu.memory_space<hbm>> -> memref<100x32xf32, #tpu.memory_space<hbm>>
      tpu.enqueue_indirect_dma source(%dma_start3A_59 : memref<100x32xf32, #tpu.memory_space<hbm>>) target(%dma_start3A_54 : memref<128x32xf32, #tpu.memory_space<vmem>>) offsets(%dma_start3A_56 : memref<128xi32, #tpu.memory_space<vmem>>) semaphore(%arg19 : memref<!tpu.dma_semaphore, #tpu.memory_space<semaphore_mem>>)
      %dma_start3A_60 = arith.constant 512 : i32
      %dma_start3A_61 = arith.constant 0 : i32
      %dma_start3A_62 = tpu.memref_slice %arg15[%dma_start3A_60, %dma_start3A_61] : memref<896x32xf32, #tpu.memory_space<vmem>> -> memref<128x32xf32, #tpu.memory_space<vmem>>
      %dma_start3A_63 = arith.constant 512 : i32
      %dma_start3A_64 = tpu.memref_slice %arg11[%dma_start3A_63] : memref<896xi32, #tpu.memory_space<vmem>> -> memref<128xi32, #tpu.memory_space<vmem>>
      %dma_start3A_65 = arith.constant 0 : i32
      %dma_start3A_66 = arith.constant 0 : i32
      %dma_start3A_67 = tpu.memref_slice %arg6[%dma_start3A_65, %dma_start3A_66] : memref<100x32xf32, #tpu.memory_space<hbm>> -> memref<100x32xf32, #tpu.memory_space<hbm>>
      tpu.enqueue_indirect_dma source(%dma_start3A_67 : memref<100x32xf32, #tpu.memory_space<hbm>>) target(%dma_start3A_62 : memref<128x32xf32, #tpu.memory_space<vmem>>) offsets(%dma_start3A_64 : memref<128xi32, #tpu.memory_space<vmem>>) semaphore(%arg19 : memref<!tpu.dma_semaphore, #tpu.memory_space<semaphore_mem>>)
      %dma_start3A_68 = arith.constant 640 : i32
      %dma_start3A_69 = arith.constant 0 : i32
      %dma_start3A_70 = tpu.memref_slice %arg15[%dma_start3A_68, %dma_start3A_69] : memref<896x32xf32, #tpu.memory_space<vmem>> -> memref<128x32xf32, #tpu.memory_space<vmem>>
      %dma_start3A_71 = arith.constant 640 : i32
      %dma_start3A_72 = tpu.memref_slice %arg11[%dma_start3A_71] : memref<896xi32, #tpu.memory_space<vmem>> -> memref<128xi32, #tpu.memory_space<vmem>>
      %dma_start3A_73 = arith.constant 0 : i32
      %dma_start3A_74 = arith.constant 0 : i32
      %dma_start3A_75 = tpu.memref_slice %arg6[%dma_start3A_73, %dma_start3A_74] : memref<100x32xf32, #tpu.memory_space<hbm>> -> memref<100x32xf32, #tpu.memory_space<hbm>>
      tpu.enqueue_indirect_dma source(%dma_start3A_75 : memref<100x32xf32, #tpu.memory_space<hbm>>) target(%dma_start3A_70 : memref<128x32xf32, #tpu.memory_space<vmem>>) offsets(%dma_start3A_72 : memref<128xi32, #tpu.memory_space<vmem>>) semaphore(%arg19 : memref<!tpu.dma_semaphore, #tpu.memory_space<semaphore_mem>>)
      %dma_start3A_76 = arith.constant 768 : i32
      %dma_start3A_77 = arith.constant 0 : i32
      %dma_start3A_78 = tpu.memref_slice %arg15[%dma_start3A_76, %dma_start3A_77] : memref<896x32xf32, #tpu.memory_space<vmem>> -> memref<128x32xf32, #tpu.memory_space<vmem>>
      %dma_start3A_79 = arith.constant 768 : i32
      %dma_start3A_80 = tpu.memref_slice %arg11[%dma_start3A_79] : memref<896xi32, #tpu.memory_space<vmem>> -> memref<128xi32, #tpu.memory_space<vmem>>
      %dma_start3A_81 = arith.constant 0 : i32
      %dma_start3A_82 = arith.constant 0 : i32
      %dma_start3A_83 = tpu.memref_slice %arg6[%dma_start3A_81, %dma_start3A_82] : memref<100x32xf32, #tpu.memory_space<hbm>> -> memref<100x32xf32, #tpu.memory_space<hbm>>
      tpu.enqueue_indirect_dma source(%dma_start3A_83 : memref<100x32xf32, #tpu.memory_space<hbm>>) target(%dma_start3A_78 : memref<128x32xf32, #tpu.memory_space<vmem>>) offsets(%dma_start3A_80 : memref<128xi32, #tpu.memory_space<vmem>>) semaphore(%arg19 : memref<!tpu.dma_semaphore, #tpu.memory_space<semaphore_mem>>)
      %dma_start3A_84 = arith.constant 0 : i32
      %dma_start3A_85 = arith.constant 0 : i32
      %dma_start3A_86 = tpu.memref_slice %arg16[%dma_start3A_84, %dma_start3A_85] : memref<896x32xf32, #tpu.memory_space<vmem>> -> memref<128x32xf32, #tpu.memory_space<vmem>>
      %dma_start3A_87 = arith.constant 0 : i32
      %dma_start3A_88 = tpu.memref_slice %arg12[%dma_start3A_87] : memref<896xi32, #tpu.memory_space<vmem>> -> memref<128xi32, #tpu.memory_space<vmem>>
      %dma_start3A_89 = arith.constant 0 : i32
      %dma_start3A_90 = arith.constant 0 : i32
      %dma_start3A_91 = tpu.memref_slice %arg7[%dma_start3A_89, %dma_start3A_90] : memref<1000x32xf32, #tpu.memory_space<hbm>> -> memref<1000x32xf32, #tpu.memory_space<hbm>>
      tpu.enqueue_indirect_dma source(%dma_start3A_91 : memref<1000x32xf32, #tpu.memory_space<hbm>>) target(%dma_start3A_86 : memref<128x32xf32, #tpu.memory_space<vmem>>) offsets(%dma_start3A_88 : memref<128xi32, #tpu.memory_space<vmem>>) semaphore(%arg19 : memref<!tpu.dma_semaphore, #tpu.memory_space<semaphore_mem>>)
      %dma_start3A_92 = arith.constant 128 : i32
      %dma_start3A_93 = arith.constant 0 : i32
      %dma_start3A_94 = tpu.memref_slice %arg16[%dma_start3A_92, %dma_start3A_93] : memref<896x32xf32, #tpu.memory_space<vmem>> -> memref<128x32xf32, #tpu.memory_space<vmem>>
      %dma_start3A_95 = arith.constant 128 : i32
      %dma_start3A_96 = tpu.memref_slice %arg12[%dma_start3A_95] : memref<896xi32, #tpu.memory_space<vmem>> -> memref<128xi32, #tpu.memory_space<vmem>>
      %dma_start3A_97 = arith.constant 0 : i32
      %dma_start3A_98 = arith.constant 0 : i32
      %dma_start3A_99 = tpu.memref_slice %arg7[%dma_start3A_97, %dma_start3A_98] : memref<1000x32xf32, #tpu.memory_space<hbm>> -> memref<1000x32xf32, #tpu.memory_space<hbm>>
      tpu.enqueue_indirect_dma source(%dma_start3A_99 : memref<1000x32xf32, #tpu.memory_space<hbm>>) target(%dma_start3A_94 : memref<128x32xf32, #tpu.memory_space<vmem>>) offsets(%dma_start3A_96 : memref<128xi32, #tpu.memory_space<vmem>>) semaphore(%arg19 : memref<!tpu.dma_semaphore, #tpu.memory_space<semaphore_mem>>)
      %dma_start3A_100 = arith.constant 256 : i32
      %dma_start3A_101 = arith.constant 0 : i32
      %dma_start3A_102 = tpu.memref_slice %arg16[%dma_start3A_100, %dma_start3A_101] : memref<896x32xf32, #tpu.memory_space<vmem>> -> memref<128x32xf32, #tpu.memory_space<vmem>>
      %dma_start3A_103 = arith.constant 256 : i32
      %dma_start3A_104 = tpu.memref_slice %arg12[%dma_start3A_103] : memref<896xi32, #tpu.memory_space<vmem>> -> memref<128xi32, #tpu.memory_space<vmem>>
      %dma_start3A_105 = arith.constant 0 : i32
      %dma_start3A_106 = arith.constant 0 : i32
      %dma_start3A_107 = tpu.memref_slice %arg7[%dma_start3A_105, %dma_start3A_106] : memref<1000x32xf32, #tpu.memory_space<hbm>> -> memref<1000x32xf32, #tpu.memory_space<hbm>>
      tpu.enqueue_indirect_dma source(%dma_start3A_107 : memref<1000x32xf32, #tpu.memory_space<hbm>>) target(%dma_start3A_102 : memref<128x32xf32, #tpu.memory_space<vmem>>) offsets(%dma_start3A_104 : memref<128xi32, #tpu.memory_space<vmem>>) semaphore(%arg19 : memref<!tpu.dma_semaphore, #tpu.memory_space<semaphore_mem>>)
      %dma_start3A_108 = arith.constant 384 : i32
      %dma_start3A_109 = arith.constant 0 : i32
      %dma_start3A_110 = tpu.memref_slice %arg16[%dma_start3A_108, %dma_start3A_109] : memref<896x32xf32, #tpu.memory_space<vmem>> -> memref<128x32xf32, #tpu.memory_space<vmem>>
      %dma_start3A_111 = arith.constant 384 : i32
      %dma_start3A_112 = tpu.memref_slice %arg12[%dma_start3A_111] : memref<896xi32, #tpu.memory_space<vmem>> -> memref<128xi32, #tpu.memory_space<vmem>>
      %dma_start3A_113 = arith.constant 0 : i32
      %dma_start3A_114 = arith.constant 0 : i32
      %dma_start3A_115 = tpu.memref_slice %arg7[%dma_start3A_113, %dma_start3A_114] : memref<1000x32xf32, #tpu.memory_space<hbm>> -> memref<1000x32xf32, #tpu.memory_space<hbm>>
      tpu.enqueue_indirect_dma source(%dma_start3A_115 : memref<1000x32xf32, #tpu.memory_space<hbm>>) target(%dma_start3A_110 : memref<128x32xf32, #tpu.memory_space<vmem>>) offsets(%dma_start3A_112 : memref<128xi32, #tpu.memory_space<vmem>>) semaphore(%arg19 : memref<!tpu.dma_semaphore, #tpu.memory_space<semaphore_mem>>)
      %dma_start3A_116 = arith.constant 512 : i32
      %dma_start3A_117 = arith.constant 0 : i32
      %dma_start3A_118 = tpu.memref_slice %arg16[%dma_start3A_116, %dma_start3A_117] : memref<896x32xf32, #tpu.memory_space<vmem>> -> memref<128x32xf32, #tpu.memory_space<vmem>>
      %dma_start3A_119 = arith.constant 512 : i32
      %dma_start3A_120 = tpu.memref_slice %arg12[%dma_start3A_119] : memref<896xi32, #tpu.memory_space<vmem>> -> memref<128xi32, #tpu.memory_space<vmem>>
      %dma_start3A_121 = arith.constant 0 : i32
      %dma_start3A_122 = arith.constant 0 : i32
      %dma_start3A_123 = tpu.memref_slice %arg7[%dma_start3A_121, %dma_start3A_122] : memref<1000x32xf32, #tpu.memory_space<hbm>> -> memref<1000x32xf32, #tpu.memory_space<hbm>>
      tpu.enqueue_indirect_dma source(%dma_start3A_123 : memref<1000x32xf32, #tpu.memory_space<hbm>>) target(%dma_start3A_118 : memref<128x32xf32, #tpu.memory_space<vmem>>) offsets(%dma_start3A_120 : memref<128xi32, #tpu.memory_space<vmem>>) semaphore(%arg19 : memref<!tpu.dma_semaphore, #tpu.memory_space<semaphore_mem>>)
      %dma_start3A_124 = arith.constant 640 : i32
      %dma_start3A_125 = arith.constant 0 : i32
      %dma_start3A_126 = tpu.memref_slice %arg16[%dma_start3A_124, %dma_start3A_125] : memref<896x32xf32, #tpu.memory_space<vmem>> -> memref<128x32xf32, #tpu.memory_space<vmem>>
      %dma_start3A_127 = arith.constant 640 : i32
      %dma_start3A_128 = tpu.memref_slice %arg12[%dma_start3A_127] : memref<896xi32, #tpu.memory_space<vmem>> -> memref<128xi32, #tpu.memory_space<vmem>>
      %dma_start3A_129 = arith.constant 0 : i32
      %dma_start3A_130 = arith.constant 0 : i32
      %dma_start3A_131 = tpu.memref_slice %arg7[%dma_start3A_129, %dma_start3A_130] : memref<1000x32xf32, #tpu.memory_space<hbm>> -> memref<1000x32xf32, #tpu.memory_space<hbm>>
      tpu.enqueue_indirect_dma source(%dma_start3A_131 : memref<1000x32xf32, #tpu.memory_space<hbm>>) target(%dma_start3A_126 : memref<128x32xf32, #tpu.memory_space<vmem>>) offsets(%dma_start3A_128 : memref<128xi32, #tpu.memory_space<vmem>>) semaphore(%arg19 : memref<!tpu.dma_semaphore, #tpu.memory_space<semaphore_mem>>)
      %dma_start3A_132 = arith.constant 768 : i32
      %dma_start3A_133 = arith.constant 0 : i32
      %dma_start3A_134 = tpu.memref_slice %arg16[%dma_start3A_132, %dma_start3A_133] : memref<896x32xf32, #tpu.memory_space<vmem>> -> memref<128x32xf32, #tpu.memory_space<vmem>>
      %dma_start3A_135 = arith.constant 768 : i32
      %dma_start3A_136 = tpu.memref_slice %arg12[%dma_start3A_135] : memref<896xi32, #tpu.memory_space<vmem>> -> memref<128xi32, #tpu.memory_space<vmem>>
      %dma_start3A_137 = arith.constant 0 : i32
      %dma_start3A_138 = arith.constant 0 : i32
      %dma_start3A_139 = tpu.memref_slice %arg7[%dma_start3A_137, %dma_start3A_138] : memref<1000x32xf32, #tpu.memory_space<hbm>> -> memref<1000x32xf32, #tpu.memory_space<hbm>>
      tpu.enqueue_indirect_dma source(%dma_start3A_139 : memref<1000x32xf32, #tpu.memory_space<hbm>>) target(%dma_start3A_134 : memref<128x32xf32, #tpu.memory_space<vmem>>) offsets(%dma_start3A_136 : memref<128xi32, #tpu.memory_space<vmem>>) semaphore(%arg19 : memref<!tpu.dma_semaphore, #tpu.memory_space<semaphore_mem>>)
      %dma_start3A_140 = arith.constant 0 : i32
      %dma_start3A_141 = arith.constant 0 : i32
      %dma_start3A_142 = tpu.memref_slice %arg17[%dma_start3A_140, %dma_start3A_141] : memref<896x32xf32, #tpu.memory_space<vmem>> -> memref<128x32xf32, #tpu.memory_space<vmem>>
      %dma_start3A_143 = arith.constant 0 : i32
      %dma_start3A_144 = tpu.memref_slice %arg13[%dma_start3A_143] : memref<896xi32, #tpu.memory_space<vmem>> -> memref<128xi32, #tpu.memory_space<vmem>>
      %dma_start3A_145 = arith.constant 0 : i32
      %dma_start3A_146 = arith.constant 0 : i32
      %dma_start3A_147 = tpu.memref_slice %arg8[%dma_start3A_145, %dma_start3A_146] : memref<10000x32xf32, #tpu.memory_space<hbm>> -> memref<10000x32xf32, #tpu.memory_space<hbm>>
      tpu.enqueue_indirect_dma source(%dma_start3A_147 : memref<10000x32xf32, #tpu.memory_space<hbm>>) target(%dma_start3A_142 : memref<128x32xf32, #tpu.memory_space<vmem>>) offsets(%dma_start3A_144 : memref<128xi32, #tpu.memory_space<vmem>>) semaphore(%arg19 : memref<!tpu.dma_semaphore, #tpu.memory_space<semaphore_mem>>)
      %dma_start3A_148 = arith.constant 128 : i32
      %dma_start3A_149 = arith.constant 0 : i32
      %dma_start3A_150 = tpu.memref_slice %arg17[%dma_start3A_148, %dma_start3A_149] : memref<896x32xf32, #tpu.memory_space<vmem>> -> memref<128x32xf32, #tpu.memory_space<vmem>>
      %dma_start3A_151 = arith.constant 128 : i32
      %dma_start3A_152 = tpu.memref_slice %arg13[%dma_start3A_151] : memref<896xi32, #tpu.memory_space<vmem>> -> memref<128xi32, #tpu.memory_space<vmem>>
      %dma_start3A_153 = arith.constant 0 : i32
      %dma_start3A_154 = arith.constant 0 : i32
      %dma_start3A_155 = tpu.memref_slice %arg8[%dma_start3A_153, %dma_start3A_154] : memref<10000x32xf32, #tpu.memory_space<hbm>> -> memref<10000x32xf32, #tpu.memory_space<hbm>>
      tpu.enqueue_indirect_dma source(%dma_start3A_155 : memref<10000x32xf32, #tpu.memory_space<hbm>>) target(%dma_start3A_150 : memref<128x32xf32, #tpu.memory_space<vmem>>) offsets(%dma_start3A_152 : memref<128xi32, #tpu.memory_space<vmem>>) semaphore(%arg19 : memref<!tpu.dma_semaphore, #tpu.memory_space<semaphore_mem>>)
      %dma_start3A_156 = arith.constant 256 : i32
      %dma_start3A_157 = arith.constant 0 : i32
      %dma_start3A_158 = tpu.memref_slice %arg17[%dma_start3A_156, %dma_start3A_157] : memref<896x32xf32, #tpu.memory_space<vmem>> -> memref<128x32xf32, #tpu.memory_space<vmem>>
      %dma_start3A_159 = arith.constant 256 : i32
      %dma_start3A_160 = tpu.memref_slice %arg13[%dma_start3A_159] : memref<896xi32, #tpu.memory_space<vmem>> -> memref<128xi32, #tpu.memory_space<vmem>>
      %dma_start3A_161 = arith.constant 0 : i32
      %dma_start3A_162 = arith.constant 0 : i32
      %dma_start3A_163 = tpu.memref_slice %arg8[%dma_start3A_161, %dma_start3A_162] : memref<10000x32xf32, #tpu.memory_space<hbm>> -> memref<10000x32xf32, #tpu.memory_space<hbm>>
      tpu.enqueue_indirect_dma source(%dma_start3A_163 : memref<10000x32xf32, #tpu.memory_space<hbm>>) target(%dma_start3A_158 : memref<128x32xf32, #tpu.memory_space<vmem>>) offsets(%dma_start3A_160 : memref<128xi32, #tpu.memory_space<vmem>>) semaphore(%arg19 : memref<!tpu.dma_semaphore, #tpu.memory_space<semaphore_mem>>)
      %dma_start3A_164 = arith.constant 384 : i32
      %dma_start3A_165 = arith.constant 0 : i32
      %dma_start3A_166 = tpu.memref_slice %arg17[%dma_start3A_164, %dma_start3A_165] : memref<896x32xf32, #tpu.memory_space<vmem>> -> memref<128x32xf32, #tpu.memory_space<vmem>>
      %dma_start3A_167 = arith.constant 384 : i32
      %dma_start3A_168 = tpu.memref_slice %arg13[%dma_start3A_167] : memref<896xi32, #tpu.memory_space<vmem>> -> memref<128xi32, #tpu.memory_space<vmem>>
      %dma_start3A_169 = arith.constant 0 : i32
      %dma_start3A_170 = arith.constant 0 : i32
      %dma_start3A_171 = tpu.memref_slice %arg8[%dma_start3A_169, %dma_start3A_170] : memref<10000x32xf32, #tpu.memory_space<hbm>> -> memref<10000x32xf32, #tpu.memory_space<hbm>>
      tpu.enqueue_indirect_dma source(%dma_start3A_171 : memref<10000x32xf32, #tpu.memory_space<hbm>>) target(%dma_start3A_166 : memref<128x32xf32, #tpu.memory_space<vmem>>) offsets(%dma_start3A_168 : memref<128xi32, #tpu.memory_space<vmem>>) semaphore(%arg19 : memref<!tpu.dma_semaphore, #tpu.memory_space<semaphore_mem>>)
      %dma_start3A_172 = arith.constant 512 : i32
      %dma_start3A_173 = arith.constant 0 : i32
      %dma_start3A_174 = tpu.memref_slice %arg17[%dma_start3A_172, %dma_start3A_173] : memref<896x32xf32, #tpu.memory_space<vmem>> -> memref<128x32xf32, #tpu.memory_space<vmem>>
      %dma_start3A_175 = arith.constant 512 : i32
      %dma_start3A_176 = tpu.memref_slice %arg13[%dma_start3A_175] : memref<896xi32, #tpu.memory_space<vmem>> -> memref<128xi32, #tpu.memory_space<vmem>>
      %dma_start3A_177 = arith.constant 0 : i32
      %dma_start3A_178 = arith.constant 0 : i32
      %dma_start3A_179 = tpu.memref_slice %arg8[%dma_start3A_177, %dma_start3A_178] : memref<10000x32xf32, #tpu.memory_space<hbm>> -> memref<10000x32xf32, #tpu.memory_space<hbm>>
      tpu.enqueue_indirect_dma source(%dma_start3A_179 : memref<10000x32xf32, #tpu.memory_space<hbm>>) target(%dma_start3A_174 : memref<128x32xf32, #tpu.memory_space<vmem>>) offsets(%dma_start3A_176 : memref<128xi32, #tpu.memory_space<vmem>>) semaphore(%arg19 : memref<!tpu.dma_semaphore, #tpu.memory_space<semaphore_mem>>)
      %dma_start3A_180 = arith.constant 640 : i32
      %dma_start3A_181 = arith.constant 0 : i32
      %dma_start3A_182 = tpu.memref_slice %arg17[%dma_start3A_180, %dma_start3A_181] : memref<896x32xf32, #tpu.memory_space<vmem>> -> memref<128x32xf32, #tpu.memory_space<vmem>>
      %dma_start3A_183 = arith.constant 640 : i32
      %dma_start3A_184 = tpu.memref_slice %arg13[%dma_start3A_183] : memref<896xi32, #tpu.memory_space<vmem>> -> memref<128xi32, #tpu.memory_space<vmem>>
      %dma_start3A_185 = arith.constant 0 : i32
      %dma_start3A_186 = arith.constant 0 : i32
      %dma_start3A_187 = tpu.memref_slice %arg8[%dma_start3A_185, %dma_start3A_186] : memref<10000x32xf32, #tpu.memory_space<hbm>> -> memref<10000x32xf32, #tpu.memory_space<hbm>>
      tpu.enqueue_indirect_dma source(%dma_start3A_187 : memref<10000x32xf32, #tpu.memory_space<hbm>>) target(%dma_start3A_182 : memref<128x32xf32, #tpu.memory_space<vmem>>) offsets(%dma_start3A_184 : memref<128xi32, #tpu.memory_space<vmem>>) semaphore(%arg19 : memref<!tpu.dma_semaphore, #tpu.memory_space<semaphore_mem>>)
      %dma_start3A_188 = arith.constant 768 : i32
      %dma_start3A_189 = arith.constant 0 : i32
      %dma_start3A_190 = tpu.memref_slice %arg17[%dma_start3A_188, %dma_start3A_189] : memref<896x32xf32, #tpu.memory_space<vmem>> -> memref<128x32xf32, #tpu.memory_space<vmem>>
      %dma_start3A_191 = arith.constant 768 : i32
      %dma_start3A_192 = tpu.memref_slice %arg13[%dma_start3A_191] : memref<896xi32, #tpu.memory_space<vmem>> -> memref<128xi32, #tpu.memory_space<vmem>>
      %dma_start3A_193 = arith.constant 0 : i32
      %dma_start3A_194 = arith.constant 0 : i32
      %dma_start3A_195 = tpu.memref_slice %arg8[%dma_start3A_193, %dma_start3A_194] : memref<10000x32xf32, #tpu.memory_space<hbm>> -> memref<10000x32xf32, #tpu.memory_space<hbm>>
      tpu.enqueue_indirect_dma source(%dma_start3A_195 : memref<10000x32xf32, #tpu.memory_space<hbm>>) target(%dma_start3A_190 : memref<128x32xf32, #tpu.memory_space<vmem>>) offsets(%dma_start3A_192 : memref<128xi32, #tpu.memory_space<vmem>>) semaphore(%arg19 : memref<!tpu.dma_semaphore, #tpu.memory_space<semaphore_mem>>)
      %dma_start3A_196 = arith.constant 0 : i32
      %dma_start3A_197 = arith.constant 0 : i32
      %dma_start3A_198 = tpu.memref_slice %arg18[%dma_start3A_196, %dma_start3A_197] : memref<896x32xf32, #tpu.memory_space<vmem>> -> memref<128x32xf32, #tpu.memory_space<vmem>>
      %dma_start3A_199 = arith.constant 0 : i32
      %dma_start3A_200 = tpu.memref_slice %arg14[%dma_start3A_199] : memref<896xi32, #tpu.memory_space<vmem>> -> memref<128xi32, #tpu.memory_space<vmem>>
      %dma_start3A_201 = arith.constant 0 : i32
      %dma_start3A_202 = arith.constant 0 : i32
      %dma_start3A_203 = tpu.memref_slice %arg9[%dma_start3A_201, %dma_start3A_202] : memref<100000x32xf32, #tpu.memory_space<hbm>> -> memref<100000x32xf32, #tpu.memory_space<hbm>>
      tpu.enqueue_indirect_dma source(%dma_start3A_203 : memref<100000x32xf32, #tpu.memory_space<hbm>>) target(%dma_start3A_198 : memref<128x32xf32, #tpu.memory_space<vmem>>) offsets(%dma_start3A_200 : memref<128xi32, #tpu.memory_space<vmem>>) semaphore(%arg19 : memref<!tpu.dma_semaphore, #tpu.memory_space<semaphore_mem>>)
      %dma_start3A_204 = arith.constant 128 : i32
      %dma_start3A_205 = arith.constant 0 : i32
      %dma_start3A_206 = tpu.memref_slice %arg18[%dma_start3A_204, %dma_start3A_205] : memref<896x32xf32, #tpu.memory_space<vmem>> -> memref<128x32xf32, #tpu.memory_space<vmem>>
      %dma_start3A_207 = arith.constant 128 : i32
      %dma_start3A_208 = tpu.memref_slice %arg14[%dma_start3A_207] : memref<896xi32, #tpu.memory_space<vmem>> -> memref<128xi32, #tpu.memory_space<vmem>>
      %dma_start3A_209 = arith.constant 0 : i32
      %dma_start3A_210 = arith.constant 0 : i32
      %dma_start3A_211 = tpu.memref_slice %arg9[%dma_start3A_209, %dma_start3A_210] : memref<100000x32xf32, #tpu.memory_space<hbm>> -> memref<100000x32xf32, #tpu.memory_space<hbm>>
      tpu.enqueue_indirect_dma source(%dma_start3A_211 : memref<100000x32xf32, #tpu.memory_space<hbm>>) target(%dma_start3A_206 : memref<128x32xf32, #tpu.memory_space<vmem>>) offsets(%dma_start3A_208 : memref<128xi32, #tpu.memory_space<vmem>>) semaphore(%arg19 : memref<!tpu.dma_semaphore, #tpu.memory_space<semaphore_mem>>)
      %dma_start3A_212 = arith.constant 256 : i32
      %dma_start3A_213 = arith.constant 0 : i32
      %dma_start3A_214 = tpu.memref_slice %arg18[%dma_start3A_212, %dma_start3A_213] : memref<896x32xf32, #tpu.memory_space<vmem>> -> memref<128x32xf32, #tpu.memory_space<vmem>>
      %dma_start3A_215 = arith.constant 256 : i32
      %dma_start3A_216 = tpu.memref_slice %arg14[%dma_start3A_215] : memref<896xi32, #tpu.memory_space<vmem>> -> memref<128xi32, #tpu.memory_space<vmem>>
      %dma_start3A_217 = arith.constant 0 : i32
      %dma_start3A_218 = arith.constant 0 : i32
      %dma_start3A_219 = tpu.memref_slice %arg9[%dma_start3A_217, %dma_start3A_218] : memref<100000x32xf32, #tpu.memory_space<hbm>> -> memref<100000x32xf32, #tpu.memory_space<hbm>>
      tpu.enqueue_indirect_dma source(%dma_start3A_219 : memref<100000x32xf32, #tpu.memory_space<hbm>>) target(%dma_start3A_214 : memref<128x32xf32, #tpu.memory_space<vmem>>) offsets(%dma_start3A_216 : memref<128xi32, #tpu.memory_space<vmem>>) semaphore(%arg19 : memref<!tpu.dma_semaphore, #tpu.memory_space<semaphore_mem>>)
      %dma_start3A_220 = arith.constant 384 : i32
      %dma_start3A_221 = arith.constant 0 : i32
      %dma_start3A_222 = tpu.memref_slice %arg18[%dma_start3A_220, %dma_start3A_221] : memref<896x32xf32, #tpu.memory_space<vmem>> -> memref<128x32xf32, #tpu.memory_space<vmem>>
      %dma_start3A_223 = arith.constant 384 : i32
      %dma_start3A_224 = tpu.memref_slice %arg14[%dma_start3A_223] : memref<896xi32, #tpu.memory_space<vmem>> -> memref<128xi32, #tpu.memory_space<vmem>>
      %dma_start3A_225 = arith.constant 0 : i32
      %dma_start3A_226 = arith.constant 0 : i32
      %dma_start3A_227 = tpu.memref_slice %arg9[%dma_start3A_225, %dma_start3A_226] : memref<100000x32xf32, #tpu.memory_space<hbm>> -> memref<100000x32xf32, #tpu.memory_space<hbm>>
      tpu.enqueue_indirect_dma source(%dma_start3A_227 : memref<100000x32xf32, #tpu.memory_space<hbm>>) target(%dma_start3A_222 : memref<128x32xf32, #tpu.memory_space<vmem>>) offsets(%dma_start3A_224 : memref<128xi32, #tpu.memory_space<vmem>>) semaphore(%arg19 : memref<!tpu.dma_semaphore, #tpu.memory_space<semaphore_mem>>)
      %dma_start3A_228 = arith.constant 512 : i32
      %dma_start3A_229 = arith.constant 0 : i32
      %dma_start3A_230 = tpu.memref_slice %arg18[%dma_start3A_228, %dma_start3A_229] : memref<896x32xf32, #tpu.memory_space<vmem>> -> memref<128x32xf32, #tpu.memory_space<vmem>>
      %dma_start3A_231 = arith.constant 512 : i32
      %dma_start3A_232 = tpu.memref_slice %arg14[%dma_start3A_231] : memref<896xi32, #tpu.memory_space<vmem>> -> memref<128xi32, #tpu.memory_space<vmem>>
      %dma_start3A_233 = arith.constant 0 : i32
      %dma_start3A_234 = arith.constant 0 : i32
      %dma_start3A_235 = tpu.memref_slice %arg9[%dma_start3A_233, %dma_start3A_234] : memref<100000x32xf32, #tpu.memory_space<hbm>> -> memref<100000x32xf32, #tpu.memory_space<hbm>>
      tpu.enqueue_indirect_dma source(%dma_start3A_235 : memref<100000x32xf32, #tpu.memory_space<hbm>>) target(%dma_start3A_230 : memref<128x32xf32, #tpu.memory_space<vmem>>) offsets(%dma_start3A_232 : memref<128xi32, #tpu.memory_space<vmem>>) semaphore(%arg19 : memref<!tpu.dma_semaphore, #tpu.memory_space<semaphore_mem>>)
      %dma_start3A_236 = arith.constant 640 : i32
      %dma_start3A_237 = arith.constant 0 : i32
      %dma_start3A_238 = tpu.memref_slice %arg18[%dma_start3A_236, %dma_start3A_237] : memref<896x32xf32, #tpu.memory_space<vmem>> -> memref<128x32xf32, #tpu.memory_space<vmem>>
      %dma_start3A_239 = arith.constant 640 : i32
      %dma_start3A_240 = tpu.memref_slice %arg14[%dma_start3A_239] : memref<896xi32, #tpu.memory_space<vmem>> -> memref<128xi32, #tpu.memory_space<vmem>>
      %dma_start3A_241 = arith.constant 0 : i32
      %dma_start3A_242 = arith.constant 0 : i32
      %dma_start3A_243 = tpu.memref_slice %arg9[%dma_start3A_241, %dma_start3A_242] : memref<100000x32xf32, #tpu.memory_space<hbm>> -> memref<100000x32xf32, #tpu.memory_space<hbm>>
      tpu.enqueue_indirect_dma source(%dma_start3A_243 : memref<100000x32xf32, #tpu.memory_space<hbm>>) target(%dma_start3A_238 : memref<128x32xf32, #tpu.memory_space<vmem>>) offsets(%dma_start3A_240 : memref<128xi32, #tpu.memory_space<vmem>>) semaphore(%arg19 : memref<!tpu.dma_semaphore, #tpu.memory_space<semaphore_mem>>)
      %dma_start3A_244 = arith.constant 768 : i32
      %dma_start3A_245 = arith.constant 0 : i32
      %dma_start3A_246 = tpu.memref_slice %arg18[%dma_start3A_244, %dma_start3A_245] : memref<896x32xf32, #tpu.memory_space<vmem>> -> memref<128x32xf32, #tpu.memory_space<vmem>>
      %dma_start3A_247 = arith.constant 768 : i32
      %dma_start3A_248 = tpu.memref_slice %arg14[%dma_start3A_247] : memref<896xi32, #tpu.memory_space<vmem>> -> memref<128xi32, #tpu.memory_space<vmem>>
      %dma_start3A_249 = arith.constant 0 : i32
      %dma_start3A_250 = arith.constant 0 : i32
      %dma_start3A_251 = tpu.memref_slice %arg9[%dma_start3A_249, %dma_start3A_250] : memref<100000x32xf32, #tpu.memory_space<hbm>> -> memref<100000x32xf32, #tpu.memory_space<hbm>>
      tpu.enqueue_indirect_dma source(%dma_start3A_251 : memref<100000x32xf32, #tpu.memory_space<hbm>>) target(%dma_start3A_246 : memref<128x32xf32, #tpu.memory_space<vmem>>) offsets(%dma_start3A_248 : memref<128xi32, #tpu.memory_space<vmem>>) semaphore(%arg19 : memref<!tpu.dma_semaphore, #tpu.memory_space<semaphore_mem>>)
      %dma_wait3A = arith.constant 0 : i32
      %dma_wait3A_252 = arith.constant 0 : i32
      %dma_wait3A_253 = tpu.memref_slice %arg15[%dma_wait3A, %dma_wait3A_252] : memref<896x32xf32, #tpu.memory_space<vmem>> -> memref<128x32xf32, #tpu.memory_space<vmem>>
      %dma_wait3A_254 = arith.constant 0 : i32
      %dma_wait3A_255 = tpu.memref_slice %arg11[%dma_wait3A_254] : memref<896xi32, #tpu.memory_space<vmem>> -> memref<128xi32, #tpu.memory_space<vmem>>
      %dma_wait3A_256 = arith.constant 0 : i32
      %dma_wait3A_257 = arith.constant 0 : i32
      %dma_wait3A_258 = tpu.memref_slice %arg6[%dma_wait3A_256, %dma_wait3A_257] : memref<100x32xf32, #tpu.memory_space<hbm>> -> memref<100x32xf32, #tpu.memory_space<hbm>>
      tpu.wait_indirect_dma semaphore(%arg19 : memref<!tpu.dma_semaphore, #tpu.memory_space<semaphore_mem>>) src(%dma_wait3A_258 : memref<100x32xf32, #tpu.memory_space<hbm>>) dst(%dma_wait3A_253 : memref<128x32xf32, #tpu.memory_space<vmem>>)
      %dma_wait3A_259 = arith.constant 128 : i32
      %dma_wait3A_260 = arith.constant 0 : i32
      %dma_wait3A_261 = tpu.memref_slice %arg15[%dma_wait3A_259, %dma_wait3A_260] : memref<896x32xf32, #tpu.memory_space<vmem>> -> memref<128x32xf32, #tpu.memory_space<vmem>>
      %dma_wait3A_262 = arith.constant 128 : i32
      %dma_wait3A_263 = tpu.memref_slice %arg11[%dma_wait3A_262] : memref<896xi32, #tpu.memory_space<vmem>> -> memref<128xi32, #tpu.memory_space<vmem>>
      %dma_wait3A_264 = arith.constant 0 : i32
      %dma_wait3A_265 = arith.constant 0 : i32
      %dma_wait3A_266 = tpu.memref_slice %arg6[%dma_wait3A_264, %dma_wait3A_265] : memref<100x32xf32, #tpu.memory_space<hbm>> -> memref<100x32xf32, #tpu.memory_space<hbm>>
      tpu.wait_indirect_dma semaphore(%arg19 : memref<!tpu.dma_semaphore, #tpu.memory_space<semaphore_mem>>) src(%dma_wait3A_266 : memref<100x32xf32, #tpu.memory_space<hbm>>) dst(%dma_wait3A_261 : memref<128x32xf32, #tpu.memory_space<vmem>>)
      %dma_wait3A_267 = arith.constant 256 : i32
      %dma_wait3A_268 = arith.constant 0 : i32
      %dma_wait3A_269 = tpu.memref_slice %arg15[%dma_wait3A_267, %dma_wait3A_268] : memref<896x32xf32, #tpu.memory_space<vmem>> -> memref<128x32xf32, #tpu.memory_space<vmem>>
      %dma_wait3A_270 = arith.constant 256 : i32
      %dma_wait3A_271 = tpu.memref_slice %arg11[%dma_wait3A_270] : memref<896xi32, #tpu.memory_space<vmem>> -> memref<128xi32, #tpu.memory_space<vmem>>
      %dma_wait3A_272 = arith.constant 0 : i32
      %dma_wait3A_273 = arith.constant 0 : i32
      %dma_wait3A_274 = tpu.memref_slice %arg6[%dma_wait3A_272, %dma_wait3A_273] : memref<100x32xf32, #tpu.memory_space<hbm>> -> memref<100x32xf32, #tpu.memory_space<hbm>>
      tpu.wait_indirect_dma semaphore(%arg19 : memref<!tpu.dma_semaphore, #tpu.memory_space<semaphore_mem>>) src(%dma_wait3A_274 : memref<100x32xf32, #tpu.memory_space<hbm>>) dst(%dma_wait3A_269 : memref<128x32xf32, #tpu.memory_space<vmem>>)
      %dma_wait3A_275 = arith.constant 384 : i32
      %dma_wait3A_276 = arith.constant 0 : i32
      %dma_wait3A_277 = tpu.memref_slice %arg15[%dma_wait3A_275, %dma_wait3A_276] : memref<896x32xf32, #tpu.memory_space<vmem>> -> memref<128x32xf32, #tpu.memory_space<vmem>>
      %dma_wait3A_278 = arith.constant 384 : i32
      %dma_wait3A_279 = tpu.memref_slice %arg11[%dma_wait3A_278] : memref<896xi32, #tpu.memory_space<vmem>> -> memref<128xi32, #tpu.memory_space<vmem>>
      %dma_wait3A_280 = arith.constant 0 : i32
      %dma_wait3A_281 = arith.constant 0 : i32
      %dma_wait3A_282 = tpu.memref_slice %arg6[%dma_wait3A_280, %dma_wait3A_281] : memref<100x32xf32, #tpu.memory_space<hbm>> -> memref<100x32xf32, #tpu.memory_space<hbm>>
      tpu.wait_indirect_dma semaphore(%arg19 : memref<!tpu.dma_semaphore, #tpu.memory_space<semaphore_mem>>) src(%dma_wait3A_282 : memref<100x32xf32, #tpu.memory_space<hbm>>) dst(%dma_wait3A_277 : memref<128x32xf32, #tpu.memory_space<vmem>>)
      %dma_wait3A_283 = arith.constant 512 : i32
      %dma_wait3A_284 = arith.constant 0 : i32
      %dma_wait3A_285 = tpu.memref_slice %arg15[%dma_wait3A_283, %dma_wait3A_284] : memref<896x32xf32, #tpu.memory_space<vmem>> -> memref<128x32xf32, #tpu.memory_space<vmem>>
      %dma_wait3A_286 = arith.constant 512 : i32
      %dma_wait3A_287 = tpu.memref_slice %arg11[%dma_wait3A_286] : memref<896xi32, #tpu.memory_space<vmem>> -> memref<128xi32, #tpu.memory_space<vmem>>
      %dma_wait3A_288 = arith.constant 0 : i32
      %dma_wait3A_289 = arith.constant 0 : i32
      %dma_wait3A_290 = tpu.memref_slice %arg6[%dma_wait3A_288, %dma_wait3A_289] : memref<100x32xf32, #tpu.memory_space<hbm>> -> memref<100x32xf32, #tpu.memory_space<hbm>>
      tpu.wait_indirect_dma semaphore(%arg19 : memref<!tpu.dma_semaphore, #tpu.memory_space<semaphore_mem>>) src(%dma_wait3A_290 : memref<100x32xf32, #tpu.memory_space<hbm>>) dst(%dma_wait3A_285 : memref<128x32xf32, #tpu.memory_space<vmem>>)
      %dma_wait3A_291 = arith.constant 640 : i32
      %dma_wait3A_292 = arith.constant 0 : i32
      %dma_wait3A_293 = tpu.memref_slice %arg15[%dma_wait3A_291, %dma_wait3A_292] : memref<896x32xf32, #tpu.memory_space<vmem>> -> memref<128x32xf32, #tpu.memory_space<vmem>>
      %dma_wait3A_294 = arith.constant 640 : i32
      %dma_wait3A_295 = tpu.memref_slice %arg11[%dma_wait3A_294] : memref<896xi32, #tpu.memory_space<vmem>> -> memref<128xi32, #tpu.memory_space<vmem>>
      %dma_wait3A_296 = arith.constant 0 : i32
      %dma_wait3A_297 = arith.constant 0 : i32
      %dma_wait3A_298 = tpu.memref_slice %arg6[%dma_wait3A_296, %dma_wait3A_297] : memref<100x32xf32, #tpu.memory_space<hbm>> -> memref<100x32xf32, #tpu.memory_space<hbm>>
      tpu.wait_indirect_dma semaphore(%arg19 : memref<!tpu.dma_semaphore, #tpu.memory_space<semaphore_mem>>) src(%dma_wait3A_298 : memref<100x32xf32, #tpu.memory_space<hbm>>) dst(%dma_wait3A_293 : memref<128x32xf32, #tpu.memory_space<vmem>>)
      %dma_wait3A_299 = arith.constant 768 : i32
      %dma_wait3A_300 = arith.constant 0 : i32
      %dma_wait3A_301 = tpu.memref_slice %arg15[%dma_wait3A_299, %dma_wait3A_300] : memref<896x32xf32, #tpu.memory_space<vmem>> -> memref<128x32xf32, #tpu.memory_space<vmem>>
      %dma_wait3A_302 = arith.constant 768 : i32
      %dma_wait3A_303 = tpu.memref_slice %arg11[%dma_wait3A_302] : memref<896xi32, #tpu.memory_space<vmem>> -> memref<128xi32, #tpu.memory_space<vmem>>
      %dma_wait3A_304 = arith.constant 0 : i32
      %dma_wait3A_305 = arith.constant 0 : i32
      %dma_wait3A_306 = tpu.memref_slice %arg6[%dma_wait3A_304, %dma_wait3A_305] : memref<100x32xf32, #tpu.memory_space<hbm>> -> memref<100x32xf32, #tpu.memory_space<hbm>>
      tpu.wait_indirect_dma semaphore(%arg19 : memref<!tpu.dma_semaphore, #tpu.memory_space<semaphore_mem>>) src(%dma_wait3A_306 : memref<100x32xf32, #tpu.memory_space<hbm>>) dst(%dma_wait3A_301 : memref<128x32xf32, #tpu.memory_space<vmem>>)
      %dma_wait3A_307 = arith.constant 0 : i32
      %dma_wait3A_308 = arith.constant 0 : i32
      %dma_wait3A_309 = tpu.memref_slice %arg16[%dma_wait3A_307, %dma_wait3A_308] : memref<896x32xf32, #tpu.memory_space<vmem>> -> memref<128x32xf32, #tpu.memory_space<vmem>>
      %dma_wait3A_310 = arith.constant 0 : i32
      %dma_wait3A_311 = tpu.memref_slice %arg12[%dma_wait3A_310] : memref<896xi32, #tpu.memory_space<vmem>> -> memref<128xi32, #tpu.memory_space<vmem>>
      %dma_wait3A_312 = arith.constant 0 : i32
      %dma_wait3A_313 = arith.constant 0 : i32
      %dma_wait3A_314 = tpu.memref_slice %arg7[%dma_wait3A_312, %dma_wait3A_313] : memref<1000x32xf32, #tpu.memory_space<hbm>> -> memref<1000x32xf32, #tpu.memory_space<hbm>>
      tpu.wait_indirect_dma semaphore(%arg19 : memref<!tpu.dma_semaphore, #tpu.memory_space<semaphore_mem>>) src(%dma_wait3A_314 : memref<1000x32xf32, #tpu.memory_space<hbm>>) dst(%dma_wait3A_309 : memref<128x32xf32, #tpu.memory_space<vmem>>)
      %dma_wait3A_315 = arith.constant 128 : i32
      %dma_wait3A_316 = arith.constant 0 : i32
      %dma_wait3A_317 = tpu.memref_slice %arg16[%dma_wait3A_315, %dma_wait3A_316] : memref<896x32xf32, #tpu.memory_space<vmem>> -> memref<128x32xf32, #tpu.memory_space<vmem>>
      %dma_wait3A_318 = arith.constant 128 : i32
      %dma_wait3A_319 = tpu.memref_slice %arg12[%dma_wait3A_318] : memref<896xi32, #tpu.memory_space<vmem>> -> memref<128xi32, #tpu.memory_space<vmem>>
      %dma_wait3A_320 = arith.constant 0 : i32
      %dma_wait3A_321 = arith.constant 0 : i32
      %dma_wait3A_322 = tpu.memref_slice %arg7[%dma_wait3A_320, %dma_wait3A_321] : memref<1000x32xf32, #tpu.memory_space<hbm>> -> memref<1000x32xf32, #tpu.memory_space<hbm>>
      tpu.wait_indirect_dma semaphore(%arg19 : memref<!tpu.dma_semaphore, #tpu.memory_space<semaphore_mem>>) src(%dma_wait3A_322 : memref<1000x32xf32, #tpu.memory_space<hbm>>) dst(%dma_wait3A_317 : memref<128x32xf32, #tpu.memory_space<vmem>>)
      %dma_wait3A_323 = arith.constant 256 : i32
      %dma_wait3A_324 = arith.constant 0 : i32
      %dma_wait3A_325 = tpu.memref_slice %arg16[%dma_wait3A_323, %dma_wait3A_324] : memref<896x32xf32, #tpu.memory_space<vmem>> -> memref<128x32xf32, #tpu.memory_space<vmem>>
      %dma_wait3A_326 = arith.constant 256 : i32
      %dma_wait3A_327 = tpu.memref_slice %arg12[%dma_wait3A_326] : memref<896xi32, #tpu.memory_space<vmem>> -> memref<128xi32, #tpu.memory_space<vmem>>
      %dma_wait3A_328 = arith.constant 0 : i32
      %dma_wait3A_329 = arith.constant 0 : i32
      %dma_wait3A_330 = tpu.memref_slice %arg7[%dma_wait3A_328, %dma_wait3A_329] : memref<1000x32xf32, #tpu.memory_space<hbm>> -> memref<1000x32xf32, #tpu.memory_space<hbm>>
      tpu.wait_indirect_dma semaphore(%arg19 : memref<!tpu.dma_semaphore, #tpu.memory_space<semaphore_mem>>) src(%dma_wait3A_330 : memref<1000x32xf32, #tpu.memory_space<hbm>>) dst(%dma_wait3A_325 : memref<128x32xf32, #tpu.memory_space<vmem>>)
      %dma_wait3A_331 = arith.constant 384 : i32
      %dma_wait3A_332 = arith.constant 0 : i32
      %dma_wait3A_333 = tpu.memref_slice %arg16[%dma_wait3A_331, %dma_wait3A_332] : memref<896x32xf32, #tpu.memory_space<vmem>> -> memref<128x32xf32, #tpu.memory_space<vmem>>
      %dma_wait3A_334 = arith.constant 384 : i32
      %dma_wait3A_335 = tpu.memref_slice %arg12[%dma_wait3A_334] : memref<896xi32, #tpu.memory_space<vmem>> -> memref<128xi32, #tpu.memory_space<vmem>>
      %dma_wait3A_336 = arith.constant 0 : i32
      %dma_wait3A_337 = arith.constant 0 : i32
      %dma_wait3A_338 = tpu.memref_slice %arg7[%dma_wait3A_336, %dma_wait3A_337] : memref<1000x32xf32, #tpu.memory_space<hbm>> -> memref<1000x32xf32, #tpu.memory_space<hbm>>
      tpu.wait_indirect_dma semaphore(%arg19 : memref<!tpu.dma_semaphore, #tpu.memory_space<semaphore_mem>>) src(%dma_wait3A_338 : memref<1000x32xf32, #tpu.memory_space<hbm>>) dst(%dma_wait3A_333 : memref<128x32xf32, #tpu.memory_space<vmem>>)
      %dma_wait3A_339 = arith.constant 512 : i32
      %dma_wait3A_340 = arith.constant 0 : i32
      %dma_wait3A_341 = tpu.memref_slice %arg16[%dma_wait3A_339, %dma_wait3A_340] : memref<896x32xf32, #tpu.memory_space<vmem>> -> memref<128x32xf32, #tpu.memory_space<vmem>>
      %dma_wait3A_342 = arith.constant 512 : i32
      %dma_wait3A_343 = tpu.memref_slice %arg12[%dma_wait3A_342] : memref<896xi32, #tpu.memory_space<vmem>> -> memref<128xi32, #tpu.memory_space<vmem>>
      %dma_wait3A_344 = arith.constant 0 : i32
      %dma_wait3A_345 = arith.constant 0 : i32
      %dma_wait3A_346 = tpu.memref_slice %arg7[%dma_wait3A_344, %dma_wait3A_345] : memref<1000x32xf32, #tpu.memory_space<hbm>> -> memref<1000x32xf32, #tpu.memory_space<hbm>>
      tpu.wait_indirect_dma semaphore(%arg19 : memref<!tpu.dma_semaphore, #tpu.memory_space<semaphore_mem>>) src(%dma_wait3A_346 : memref<1000x32xf32, #tpu.memory_space<hbm>>) dst(%dma_wait3A_341 : memref<128x32xf32, #tpu.memory_space<vmem>>)
      %dma_wait3A_347 = arith.constant 640 : i32
      %dma_wait3A_348 = arith.constant 0 : i32
      %dma_wait3A_349 = tpu.memref_slice %arg16[%dma_wait3A_347, %dma_wait3A_348] : memref<896x32xf32, #tpu.memory_space<vmem>> -> memref<128x32xf32, #tpu.memory_space<vmem>>
      %dma_wait3A_350 = arith.constant 640 : i32
      %dma_wait3A_351 = tpu.memref_slice %arg12[%dma_wait3A_350] : memref<896xi32, #tpu.memory_space<vmem>> -> memref<128xi32, #tpu.memory_space<vmem>>
      %dma_wait3A_352 = arith.constant 0 : i32
      %dma_wait3A_353 = arith.constant 0 : i32
      %dma_wait3A_354 = tpu.memref_slice %arg7[%dma_wait3A_352, %dma_wait3A_353] : memref<1000x32xf32, #tpu.memory_space<hbm>> -> memref<1000x32xf32, #tpu.memory_space<hbm>>
      tpu.wait_indirect_dma semaphore(%arg19 : memref<!tpu.dma_semaphore, #tpu.memory_space<semaphore_mem>>) src(%dma_wait3A_354 : memref<1000x32xf32, #tpu.memory_space<hbm>>) dst(%dma_wait3A_349 : memref<128x32xf32, #tpu.memory_space<vmem>>)
      %dma_wait3A_355 = arith.constant 768 : i32
      %dma_wait3A_356 = arith.constant 0 : i32
      %dma_wait3A_357 = tpu.memref_slice %arg16[%dma_wait3A_355, %dma_wait3A_356] : memref<896x32xf32, #tpu.memory_space<vmem>> -> memref<128x32xf32, #tpu.memory_space<vmem>>
      %dma_wait3A_358 = arith.constant 768 : i32
      %dma_wait3A_359 = tpu.memref_slice %arg12[%dma_wait3A_358] : memref<896xi32, #tpu.memory_space<vmem>> -> memref<128xi32, #tpu.memory_space<vmem>>
      %dma_wait3A_360 = arith.constant 0 : i32
      %dma_wait3A_361 = arith.constant 0 : i32
      %dma_wait3A_362 = tpu.memref_slice %arg7[%dma_wait3A_360, %dma_wait3A_361] : memref<1000x32xf32, #tpu.memory_space<hbm>> -> memref<1000x32xf32, #tpu.memory_space<hbm>>
      tpu.wait_indirect_dma semaphore(%arg19 : memref<!tpu.dma_semaphore, #tpu.memory_space<semaphore_mem>>) src(%dma_wait3A_362 : memref<1000x32xf32, #tpu.memory_space<hbm>>) dst(%dma_wait3A_357 : memref<128x32xf32, #tpu.memory_space<vmem>>)
      %dma_wait3A_363 = arith.constant 0 : i32
      %dma_wait3A_364 = arith.constant 0 : i32
      %dma_wait3A_365 = tpu.memref_slice %arg17[%dma_wait3A_363, %dma_wait3A_364] : memref<896x32xf32, #tpu.memory_space<vmem>> -> memref<128x32xf32, #tpu.memory_space<vmem>>
      %dma_wait3A_366 = arith.constant 0 : i32
      %dma_wait3A_367 = tpu.memref_slice %arg13[%dma_wait3A_366] : memref<896xi32, #tpu.memory_space<vmem>> -> memref<128xi32, #tpu.memory_space<vmem>>
      %dma_wait3A_368 = arith.constant 0 : i32
      %dma_wait3A_369 = arith.constant 0 : i32
      %dma_wait3A_370 = tpu.memref_slice %arg8[%dma_wait3A_368, %dma_wait3A_369] : memref<10000x32xf32, #tpu.memory_space<hbm>> -> memref<10000x32xf32, #tpu.memory_space<hbm>>
      tpu.wait_indirect_dma semaphore(%arg19 : memref<!tpu.dma_semaphore, #tpu.memory_space<semaphore_mem>>) src(%dma_wait3A_370 : memref<10000x32xf32, #tpu.memory_space<hbm>>) dst(%dma_wait3A_365 : memref<128x32xf32, #tpu.memory_space<vmem>>)
      %dma_wait3A_371 = arith.constant 128 : i32
      %dma_wait3A_372 = arith.constant 0 : i32
      %dma_wait3A_373 = tpu.memref_slice %arg17[%dma_wait3A_371, %dma_wait3A_372] : memref<896x32xf32, #tpu.memory_space<vmem>> -> memref<128x32xf32, #tpu.memory_space<vmem>>
      %dma_wait3A_374 = arith.constant 128 : i32
      %dma_wait3A_375 = tpu.memref_slice %arg13[%dma_wait3A_374] : memref<896xi32, #tpu.memory_space<vmem>> -> memref<128xi32, #tpu.memory_space<vmem>>
      %dma_wait3A_376 = arith.constant 0 : i32
      %dma_wait3A_377 = arith.constant 0 : i32
      %dma_wait3A_378 = tpu.memref_slice %arg8[%dma_wait3A_376, %dma_wait3A_377] : memref<10000x32xf32, #tpu.memory_space<hbm>> -> memref<10000x32xf32, #tpu.memory_space<hbm>>
      tpu.wait_indirect_dma semaphore(%arg19 : memref<!tpu.dma_semaphore, #tpu.memory_space<semaphore_mem>>) src(%dma_wait3A_378 : memref<10000x32xf32, #tpu.memory_space<hbm>>) dst(%dma_wait3A_373 : memref<128x32xf32, #tpu.memory_space<vmem>>)
      %dma_wait3A_379 = arith.constant 256 : i32
      %dma_wait3A_380 = arith.constant 0 : i32
      %dma_wait3A_381 = tpu.memref_slice %arg17[%dma_wait3A_379, %dma_wait3A_380] : memref<896x32xf32, #tpu.memory_space<vmem>> -> memref<128x32xf32, #tpu.memory_space<vmem>>
      %dma_wait3A_382 = arith.constant 256 : i32
      %dma_wait3A_383 = tpu.memref_slice %arg13[%dma_wait3A_382] : memref<896xi32, #tpu.memory_space<vmem>> -> memref<128xi32, #tpu.memory_space<vmem>>
      %dma_wait3A_384 = arith.constant 0 : i32
      %dma_wait3A_385 = arith.constant 0 : i32
      %dma_wait3A_386 = tpu.memref_slice %arg8[%dma_wait3A_384, %dma_wait3A_385] : memref<10000x32xf32, #tpu.memory_space<hbm>> -> memref<10000x32xf32, #tpu.memory_space<hbm>>
      tpu.wait_indirect_dma semaphore(%arg19 : memref<!tpu.dma_semaphore, #tpu.memory_space<semaphore_mem>>) src(%dma_wait3A_386 : memref<10000x32xf32, #tpu.memory_space<hbm>>) dst(%dma_wait3A_381 : memref<128x32xf32, #tpu.memory_space<vmem>>)
      %dma_wait3A_387 = arith.constant 384 : i32
      %dma_wait3A_388 = arith.constant 0 : i32
      %dma_wait3A_389 = tpu.memref_slice %arg17[%dma_wait3A_387, %dma_wait3A_388] : memref<896x32xf32, #tpu.memory_space<vmem>> -> memref<128x32xf32, #tpu.memory_space<vmem>>
      %dma_wait3A_390 = arith.constant 384 : i32
      %dma_wait3A_391 = tpu.memref_slice %arg13[%dma_wait3A_390] : memref<896xi32, #tpu.memory_space<vmem>> -> memref<128xi32, #tpu.memory_space<vmem>>
      %dma_wait3A_392 = arith.constant 0 : i32
      %dma_wait3A_393 = arith.constant 0 : i32
      %dma_wait3A_394 = tpu.memref_slice %arg8[%dma_wait3A_392, %dma_wait3A_393] : memref<10000x32xf32, #tpu.memory_space<hbm>> -> memref<10000x32xf32, #tpu.memory_space<hbm>>
      tpu.wait_indirect_dma semaphore(%arg19 : memref<!tpu.dma_semaphore, #tpu.memory_space<semaphore_mem>>) src(%dma_wait3A_394 : memref<10000x32xf32, #tpu.memory_space<hbm>>) dst(%dma_wait3A_389 : memref<128x32xf32, #tpu.memory_space<vmem>>)
      %dma_wait3A_395 = arith.constant 512 : i32
      %dma_wait3A_396 = arith.constant 0 : i32
      %dma_wait3A_397 = tpu.memref_slice %arg17[%dma_wait3A_395, %dma_wait3A_396] : memref<896x32xf32, #tpu.memory_space<vmem>> -> memref<128x32xf32, #tpu.memory_space<vmem>>
      %dma_wait3A_398 = arith.constant 512 : i32
      %dma_wait3A_399 = tpu.memref_slice %arg13[%dma_wait3A_398] : memref<896xi32, #tpu.memory_space<vmem>> -> memref<128xi32, #tpu.memory_space<vmem>>
      %dma_wait3A_400 = arith.constant 0 : i32
      %dma_wait3A_401 = arith.constant 0 : i32
      %dma_wait3A_402 = tpu.memref_slice %arg8[%dma_wait3A_400, %dma_wait3A_401] : memref<10000x32xf32, #tpu.memory_space<hbm>> -> memref<10000x32xf32, #tpu.memory_space<hbm>>
      tpu.wait_indirect_dma semaphore(%arg19 : memref<!tpu.dma_semaphore, #tpu.memory_space<semaphore_mem>>) src(%dma_wait3A_402 : memref<10000x32xf32, #tpu.memory_space<hbm>>) dst(%dma_wait3A_397 : memref<128x32xf32, #tpu.memory_space<vmem>>)
      %dma_wait3A_403 = arith.constant 640 : i32
      %dma_wait3A_404 = arith.constant 0 : i32
      %dma_wait3A_405 = tpu.memref_slice %arg17[%dma_wait3A_403, %dma_wait3A_404] : memref<896x32xf32, #tpu.memory_space<vmem>> -> memref<128x32xf32, #tpu.memory_space<vmem>>
      %dma_wait3A_406 = arith.constant 640 : i32
      %dma_wait3A_407 = tpu.memref_slice %arg13[%dma_wait3A_406] : memref<896xi32, #tpu.memory_space<vmem>> -> memref<128xi32, #tpu.memory_space<vmem>>
      %dma_wait3A_408 = arith.constant 0 : i32
      %dma_wait3A_409 = arith.constant 0 : i32
      %dma_wait3A_410 = tpu.memref_slice %arg8[%dma_wait3A_408, %dma_wait3A_409] : memref<10000x32xf32, #tpu.memory_space<hbm>> -> memref<10000x32xf32, #tpu.memory_space<hbm>>
      tpu.wait_indirect_dma semaphore(%arg19 : memref<!tpu.dma_semaphore, #tpu.memory_space<semaphore_mem>>) src(%dma_wait3A_410 : memref<10000x32xf32, #tpu.memory_space<hbm>>) dst(%dma_wait3A_405 : memref<128x32xf32, #tpu.memory_space<vmem>>)
      %dma_wait3A_411 = arith.constant 768 : i32
      %dma_wait3A_412 = arith.constant 0 : i32
      %dma_wait3A_413 = tpu.memref_slice %arg17[%dma_wait3A_411, %dma_wait3A_412] : memref<896x32xf32, #tpu.memory_space<vmem>> -> memref<128x32xf32, #tpu.memory_space<vmem>>
      %dma_wait3A_414 = arith.constant 768 : i32
      %dma_wait3A_415 = tpu.memref_slice %arg13[%dma_wait3A_414] : memref<896xi32, #tpu.memory_space<vmem>> -> memref<128xi32, #tpu.memory_space<vmem>>
      %dma_wait3A_416 = arith.constant 0 : i32
      %dma_wait3A_417 = arith.constant 0 : i32
      %dma_wait3A_418 = tpu.memref_slice %arg8[%dma_wait3A_416, %dma_wait3A_417] : memref<10000x32xf32, #tpu.memory_space<hbm>> -> memref<10000x32xf32, #tpu.memory_space<hbm>>
      tpu.wait_indirect_dma semaphore(%arg19 : memref<!tpu.dma_semaphore, #tpu.memory_space<semaphore_mem>>) src(%dma_wait3A_418 : memref<10000x32xf32, #tpu.memory_space<hbm>>) dst(%dma_wait3A_413 : memref<128x32xf32, #tpu.memory_space<vmem>>)
      %dma_wait3A_419 = arith.constant 0 : i32
      %dma_wait3A_420 = arith.constant 0 : i32
      %dma_wait3A_421 = tpu.memref_slice %arg18[%dma_wait3A_419, %dma_wait3A_420] : memref<896x32xf32, #tpu.memory_space<vmem>> -> memref<128x32xf32, #tpu.memory_space<vmem>>
      %dma_wait3A_422 = arith.constant 0 : i32
      %dma_wait3A_423 = tpu.memref_slice %arg14[%dma_wait3A_422] : memref<896xi32, #tpu.memory_space<vmem>> -> memref<128xi32, #tpu.memory_space<vmem>>
      %dma_wait3A_424 = arith.constant 0 : i32
      %dma_wait3A_425 = arith.constant 0 : i32
      %dma_wait3A_426 = tpu.memref_slice %arg9[%dma_wait3A_424, %dma_wait3A_425] : memref<100000x32xf32, #tpu.memory_space<hbm>> -> memref<100000x32xf32, #tpu.memory_space<hbm>>
      tpu.wait_indirect_dma semaphore(%arg19 : memref<!tpu.dma_semaphore, #tpu.memory_space<semaphore_mem>>) src(%dma_wait3A_426 : memref<100000x32xf32, #tpu.memory_space<hbm>>) dst(%dma_wait3A_421 : memref<128x32xf32, #tpu.memory_space<vmem>>)
      %dma_wait3A_427 = arith.constant 128 : i32
      %dma_wait3A_428 = arith.constant 0 : i32
      %dma_wait3A_429 = tpu.memref_slice %arg18[%dma_wait3A_427, %dma_wait3A_428] : memref<896x32xf32, #tpu.memory_space<vmem>> -> memref<128x32xf32, #tpu.memory_space<vmem>>
      %dma_wait3A_430 = arith.constant 128 : i32
      %dma_wait3A_431 = tpu.memref_slice %arg14[%dma_wait3A_430] : memref<896xi32, #tpu.memory_space<vmem>> -> memref<128xi32, #tpu.memory_space<vmem>>
      %dma_wait3A_432 = arith.constant 0 : i32
      %dma_wait3A_433 = arith.constant 0 : i32
      %dma_wait3A_434 = tpu.memref_slice %arg9[%dma_wait3A_432, %dma_wait3A_433] : memref<100000x32xf32, #tpu.memory_space<hbm>> -> memref<100000x32xf32, #tpu.memory_space<hbm>>
      tpu.wait_indirect_dma semaphore(%arg19 : memref<!tpu.dma_semaphore, #tpu.memory_space<semaphore_mem>>) src(%dma_wait3A_434 : memref<100000x32xf32, #tpu.memory_space<hbm>>) dst(%dma_wait3A_429 : memref<128x32xf32, #tpu.memory_space<vmem>>)
      %dma_wait3A_435 = arith.constant 256 : i32
      %dma_wait3A_436 = arith.constant 0 : i32
      %dma_wait3A_437 = tpu.memref_slice %arg18[%dma_wait3A_435, %dma_wait3A_436] : memref<896x32xf32, #tpu.memory_space<vmem>> -> memref<128x32xf32, #tpu.memory_space<vmem>>
      %dma_wait3A_438 = arith.constant 256 : i32
      %dma_wait3A_439 = tpu.memref_slice %arg14[%dma_wait3A_438] : memref<896xi32, #tpu.memory_space<vmem>> -> memref<128xi32, #tpu.memory_space<vmem>>
      %dma_wait3A_440 = arith.constant 0 : i32
      %dma_wait3A_441 = arith.constant 0 : i32
      %dma_wait3A_442 = tpu.memref_slice %arg9[%dma_wait3A_440, %dma_wait3A_441] : memref<100000x32xf32, #tpu.memory_space<hbm>> -> memref<100000x32xf32, #tpu.memory_space<hbm>>
      tpu.wait_indirect_dma semaphore(%arg19 : memref<!tpu.dma_semaphore, #tpu.memory_space<semaphore_mem>>) src(%dma_wait3A_442 : memref<100000x32xf32, #tpu.memory_space<hbm>>) dst(%dma_wait3A_437 : memref<128x32xf32, #tpu.memory_space<vmem>>)
      %dma_wait3A_443 = arith.constant 384 : i32
      %dma_wait3A_444 = arith.constant 0 : i32
      %dma_wait3A_445 = tpu.memref_slice %arg18[%dma_wait3A_443, %dma_wait3A_444] : memref<896x32xf32, #tpu.memory_space<vmem>> -> memref<128x32xf32, #tpu.memory_space<vmem>>
      %dma_wait3A_446 = arith.constant 384 : i32
      %dma_wait3A_447 = tpu.memref_slice %arg14[%dma_wait3A_446] : memref<896xi32, #tpu.memory_space<vmem>> -> memref<128xi32, #tpu.memory_space<vmem>>
      %dma_wait3A_448 = arith.constant 0 : i32
      %dma_wait3A_449 = arith.constant 0 : i32
      %dma_wait3A_450 = tpu.memref_slice %arg9[%dma_wait3A_448, %dma_wait3A_449] : memref<100000x32xf32, #tpu.memory_space<hbm>> -> memref<100000x32xf32, #tpu.memory_space<hbm>>
      tpu.wait_indirect_dma semaphore(%arg19 : memref<!tpu.dma_semaphore, #tpu.memory_space<semaphore_mem>>) src(%dma_wait3A_450 : memref<100000x32xf32, #tpu.memory_space<hbm>>) dst(%dma_wait3A_445 : memref<128x32xf32, #tpu.memory_space<vmem>>)
      %dma_wait3A_451 = arith.constant 512 : i32
      %dma_wait3A_452 = arith.constant 0 : i32
      %dma_wait3A_453 = tpu.memref_slice %arg18[%dma_wait3A_451, %dma_wait3A_452] : memref<896x32xf32, #tpu.memory_space<vmem>> -> memref<128x32xf32, #tpu.memory_space<vmem>>
      %dma_wait3A_454 = arith.constant 512 : i32
      %dma_wait3A_455 = tpu.memref_slice %arg14[%dma_wait3A_454] : memref<896xi32, #tpu.memory_space<vmem>> -> memref<128xi32, #tpu.memory_space<vmem>>
      %dma_wait3A_456 = arith.constant 0 : i32
      %dma_wait3A_457 = arith.constant 0 : i32
      %dma_wait3A_458 = tpu.memref_slice %arg9[%dma_wait3A_456, %dma_wait3A_457] : memref<100000x32xf32, #tpu.memory_space<hbm>> -> memref<100000x32xf32, #tpu.memory_space<hbm>>
      tpu.wait_indirect_dma semaphore(%arg19 : memref<!tpu.dma_semaphore, #tpu.memory_space<semaphore_mem>>) src(%dma_wait3A_458 : memref<100000x32xf32, #tpu.memory_space<hbm>>) dst(%dma_wait3A_453 : memref<128x32xf32, #tpu.memory_space<vmem>>)
      %dma_wait3A_459 = arith.constant 640 : i32
      %dma_wait3A_460 = arith.constant 0 : i32
      %dma_wait3A_461 = tpu.memref_slice %arg18[%dma_wait3A_459, %dma_wait3A_460] : memref<896x32xf32, #tpu.memory_space<vmem>> -> memref<128x32xf32, #tpu.memory_space<vmem>>
      %dma_wait3A_462 = arith.constant 640 : i32
      %dma_wait3A_463 = tpu.memref_slice %arg14[%dma_wait3A_462] : memref<896xi32, #tpu.memory_space<vmem>> -> memref<128xi32, #tpu.memory_space<vmem>>
      %dma_wait3A_464 = arith.constant 0 : i32
      %dma_wait3A_465 = arith.constant 0 : i32
      %dma_wait3A_466 = tpu.memref_slice %arg9[%dma_wait3A_464, %dma_wait3A_465] : memref<100000x32xf32, #tpu.memory_space<hbm>> -> memref<100000x32xf32, #tpu.memory_space<hbm>>
      tpu.wait_indirect_dma semaphore(%arg19 : memref<!tpu.dma_semaphore, #tpu.memory_space<semaphore_mem>>) src(%dma_wait3A_466 : memref<100000x32xf32, #tpu.memory_space<hbm>>) dst(%dma_wait3A_461 : memref<128x32xf32, #tpu.memory_space<vmem>>)
      %dma_wait3A_467 = arith.constant 768 : i32
      %dma_wait3A_468 = arith.constant 0 : i32
      %dma_wait3A_469 = tpu.memref_slice %arg18[%dma_wait3A_467, %dma_wait3A_468] : memref<896x32xf32, #tpu.memory_space<vmem>> -> memref<128x32xf32, #tpu.memory_space<vmem>>
      %dma_wait3A_470 = arith.constant 768 : i32
      %dma_wait3A_471 = tpu.memref_slice %arg14[%dma_wait3A_470] : memref<896xi32, #tpu.memory_space<vmem>> -> memref<128xi32, #tpu.memory_space<vmem>>
      %dma_wait3A_472 = arith.constant 0 : i32
      %dma_wait3A_473 = arith.constant 0 : i32
      %dma_wait3A_474 = tpu.memref_slice %arg9[%dma_wait3A_472, %dma_wait3A_473] : memref<100000x32xf32, #tpu.memory_space<hbm>> -> memref<100000x32xf32, #tpu.memory_space<hbm>>
      tpu.wait_indirect_dma semaphore(%arg19 : memref<!tpu.dma_semaphore, #tpu.memory_space<semaphore_mem>>) src(%dma_wait3A_474 : memref<100000x32xf32, #tpu.memory_space<hbm>>) dst(%dma_wait3A_469 : memref<128x32xf32, #tpu.memory_space<vmem>>)
      "tpu.region"() ({
        %run_scoped3A = tpu.sem_alloc : memref<!tpu.dma_semaphore, #tpu.memory_space<semaphore_mem>>
        %dma_start3A_475 = arith.constant 0 : i32
        %dma_start3A_476 = tpu.memref_slice %arg10[%multiple_of3A, %dma_start3A_475] : memref<100000x128xf32, #tpu.memory_space<hbm>> -> memref<896x32xf32, #tpu.memory_space<hbm>>
        %dma_start3A_477 = arith.constant 0 : i32
        %dma_start3A_478 = tpu.memref_slice %arg10[%multiple_of3A, %dma_start3A_477] : memref<100000x128xf32, #tpu.memory_space<hbm>> -> memref<896x32xf32, #tpu.memory_space<hbm>>
        tpu.enqueue_dma source(%arg15 : memref<896x32xf32, #tpu.memory_space<vmem>>) target(%dma_start3A_478 : memref<896x32xf32, #tpu.memory_space<hbm>>) target_semaphore(%run_scoped3A : memref<!tpu.dma_semaphore, #tpu.memory_space<semaphore_mem>>)
        %dma_wait3A_479 = arith.constant 0 : i32
        %dma_wait3A_480 = tpu.memref_slice %arg10[%multiple_of3A, %dma_wait3A_479] : memref<100000x128xf32, #tpu.memory_space<hbm>> -> memref<896x32xf32, #tpu.memory_space<hbm>>
        %dma_wait3A_481 = arith.constant 0 : i32
        %dma_wait3A_482 = tpu.memref_slice %arg10[%multiple_of3A, %dma_wait3A_481] : memref<100000x128xf32, #tpu.memory_space<hbm>> -> memref<896x32xf32, #tpu.memory_space<hbm>>
        tpu.wait_dma2 semaphore(%run_scoped3A : memref<!tpu.dma_semaphore, #tpu.memory_space<semaphore_mem>>) src(%arg15 : memref<896x32xf32, #tpu.memory_space<vmem>>) dst(%dma_wait3A_482 : memref<896x32xf32, #tpu.memory_space<hbm>>)
        tpu.yield
      }) : () -> ()
      "tpu.region"() ({
        %run_scoped3A = tpu.sem_alloc : memref<!tpu.dma_semaphore, #tpu.memory_space<semaphore_mem>>
        %dma_start3A_475 = arith.constant 32 : i32
        %dma_start3A_476 = tpu.memref_slice %arg10[%multiple_of3A, %dma_start3A_475] : memref<100000x128xf32, #tpu.memory_space<hbm>> -> memref<896x32xf32, #tpu.memory_space<hbm>>
        %dma_start3A_477 = arith.constant 32 : i32
        %dma_start3A_478 = tpu.memref_slice %arg10[%multiple_of3A, %dma_start3A_477] : memref<100000x128xf32, #tpu.memory_space<hbm>> -> memref<896x32xf32, #tpu.memory_space<hbm>>
        tpu.enqueue_dma source(%arg16 : memref<896x32xf32, #tpu.memory_space<vmem>>) target(%dma_start3A_478 : memref<896x32xf32, #tpu.memory_space<hbm>>) target_semaphore(%run_scoped3A : memref<!tpu.dma_semaphore, #tpu.memory_space<semaphore_mem>>)
        %dma_wait3A_479 = arith.constant 32 : i32
        %dma_wait3A_480 = tpu.memref_slice %arg10[%multiple_of3A, %dma_wait3A_479] : memref<100000x128xf32, #tpu.memory_space<hbm>> -> memref<896x32xf32, #tpu.memory_space<hbm>>
        %dma_wait3A_481 = arith.constant 32 : i32
        %dma_wait3A_482 = tpu.memref_slice %arg10[%multiple_of3A, %dma_wait3A_481] : memref<100000x128xf32, #tpu.memory_space<hbm>> -> memref<896x32xf32, #tpu.memory_space<hbm>>
        tpu.wait_dma2 semaphore(%run_scoped3A : memref<!tpu.dma_semaphore, #tpu.memory_space<semaphore_mem>>) src(%arg16 : memref<896x32xf32, #tpu.memory_space<vmem>>) dst(%dma_wait3A_482 : memref<896x32xf32, #tpu.memory_space<hbm>>)
        tpu.yield
      }) : () -> ()
      "tpu.region"() ({
        %run_scoped3A = tpu.sem_alloc : memref<!tpu.dma_semaphore, #tpu.memory_space<semaphore_mem>>
        %dma_start3A_475 = arith.constant 64 : i32
        %dma_start3A_476 = tpu.memref_slice %arg10[%multiple_of3A, %dma_start3A_475] : memref<100000x128xf32, #tpu.memory_space<hbm>> -> memref<896x32xf32, #tpu.memory_space<hbm>>
        %dma_start3A_477 = arith.constant 64 : i32
        %dma_start3A_478 = tpu.memref_slice %arg10[%multiple_of3A, %dma_start3A_477] : memref<100000x128xf32, #tpu.memory_space<hbm>> -> memref<896x32xf32, #tpu.memory_space<hbm>>
        tpu.enqueue_dma source(%arg17 : memref<896x32xf32, #tpu.memory_space<vmem>>) target(%dma_start3A_478 : memref<896x32xf32, #tpu.memory_space<hbm>>) target_semaphore(%run_scoped3A : memref<!tpu.dma_semaphore, #tpu.memory_space<semaphore_mem>>)
        %dma_wait3A_479 = arith.constant 64 : i32
        %dma_wait3A_480 = tpu.memref_slice %arg10[%multiple_of3A, %dma_wait3A_479] : memref<100000x128xf32, #tpu.memory_space<hbm>> -> memref<896x32xf32, #tpu.memory_space<hbm>>
        %dma_wait3A_481 = arith.constant 64 : i32
        %dma_wait3A_482 = tpu.memref_slice %arg10[%multiple_of3A, %dma_wait3A_481] : memref<100000x128xf32, #tpu.memory_space<hbm>> -> memref<896x32xf32, #tpu.memory_space<hbm>>
        tpu.wait_dma2 semaphore(%run_scoped3A : memref<!tpu.dma_semaphore, #tpu.memory_space<semaphore_mem>>) src(%arg17 : memref<896x32xf32, #tpu.memory_space<vmem>>) dst(%dma_wait3A_482 : memref<896x32xf32, #tpu.memory_space<hbm>>)
        tpu.yield
      }) : () -> ()
      "tpu.region"() ({
        %run_scoped3A = tpu.sem_alloc : memref<!tpu.dma_semaphore, #tpu.memory_space<semaphore_mem>>
        %dma_start3A_475 = arith.constant 96 : i32
        %dma_start3A_476 = tpu.memref_slice %arg10[%multiple_of3A, %dma_start3A_475] : memref<100000x128xf32, #tpu.memory_space<hbm>> -> memref<896x32xf32, #tpu.memory_space<hbm>>
        %dma_start3A_477 = arith.constant 96 : i32
        %dma_start3A_478 = tpu.memref_slice %arg10[%multiple_of3A, %dma_start3A_477] : memref<100000x128xf32, #tpu.memory_space<hbm>> -> memref<896x32xf32, #tpu.memory_space<hbm>>
        tpu.enqueue_dma source(%arg18 : memref<896x32xf32, #tpu.memory_space<vmem>>) target(%dma_start3A_478 : memref<896x32xf32, #tpu.memory_space<hbm>>) target_semaphore(%run_scoped3A : memref<!tpu.dma_semaphore, #tpu.memory_space<semaphore_mem>>)
        %dma_wait3A_479 = arith.constant 96 : i32
        %dma_wait3A_480 = tpu.memref_slice %arg10[%multiple_of3A, %dma_wait3A_479] : memref<100000x128xf32, #tpu.memory_space<hbm>> -> memref<896x32xf32, #tpu.memory_space<hbm>>
        %dma_wait3A_481 = arith.constant 96 : i32
        %dma_wait3A_482 = tpu.memref_slice %arg10[%multiple_of3A, %dma_wait3A_481] : memref<100000x128xf32, #tpu.memory_space<hbm>> -> memref<896x32xf32, #tpu.memory_space<hbm>>
        tpu.wait_dma2 semaphore(%run_scoped3A : memref<!tpu.dma_semaphore, #tpu.memory_space<semaphore_mem>>) src(%arg18 : memref<896x32xf32, #tpu.memory_space<vmem>>) dst(%dma_wait3A_482 : memref<896x32xf32, #tpu.memory_space<hbm>>)
        tpu.yield
      }) : () -> ()
    } else {
    }
    %add3A_19 = arith.constant 96 : i32
    %add3A_20 = arith.addi %add3A, %add3A_19 : i32
    %lt3A_21 = arith.constant 112 : i32
    %lt3A_22 = arith.cmpi slt, %add3A_20, %lt3A_21 : i32
    %convert_element_type3A_23 = arith.extui %lt3A_22 : i1 to i32
    %cond3A_24 = arith.constant 0 : i32
    %cond3A_25 = arith.cmpi ne, %convert_element_type3A_23, %cond3A_24 : i32
    scf.if %cond3A_25 {
      %mul3A_26 = arith.constant 896 : i32
      %mul3A_27 = arith.muli %add3A_20, %mul3A_26 : i32
      %min3A = arith.constant 99104 : i32
      %min3A_28 = arith.minsi %mul3A_27, %min3A : i32
      %multiple_of3A = tpu.assume_multiple %min3A_28, 8 : i32
      "tpu.region"() ({
        %run_scoped3A = tpu.sem_alloc : memref<!tpu.dma_semaphore, #tpu.memory_space<semaphore_mem>>
        %dma_start3A_475 = tpu.memref_slice %arg2[%multiple_of3A] : memref<100000xi32, #tpu.memory_space<hbm>> -> memref<896xi32, #tpu.memory_space<hbm>>
        %dma_start3A_476 = tpu.memref_slice %arg2[%multiple_of3A] : memref<100000xi32, #tpu.memory_space<hbm>> -> memref<896xi32, #tpu.memory_space<hbm>>
        tpu.enqueue_dma source(%dma_start3A_476 : memref<896xi32, #tpu.memory_space<hbm>>) target(%arg11 : memref<896xi32, #tpu.memory_space<vmem>>) target_semaphore(%run_scoped3A : memref<!tpu.dma_semaphore, #tpu.memory_space<semaphore_mem>>)
        %dma_wait3A_477 = tpu.memref_slice %arg2[%multiple_of3A] : memref<100000xi32, #tpu.memory_space<hbm>> -> memref<896xi32, #tpu.memory_space<hbm>>
        %dma_wait3A_478 = tpu.memref_slice %arg2[%multiple_of3A] : memref<100000xi32, #tpu.memory_space<hbm>> -> memref<896xi32, #tpu.memory_space<hbm>>
        tpu.wait_dma2 semaphore(%run_scoped3A : memref<!tpu.dma_semaphore, #tpu.memory_space<semaphore_mem>>) src(%dma_wait3A_478 : memref<896xi32, #tpu.memory_space<hbm>>) dst(%arg11 : memref<896xi32, #tpu.memory_space<vmem>>)
        tpu.yield
      }) : () -> ()
      "tpu.region"() ({
        %run_scoped3A = tpu.sem_alloc : memref<!tpu.dma_semaphore, #tpu.memory_space<semaphore_mem>>
        %dma_start3A_475 = tpu.memref_slice %arg3[%multiple_of3A] : memref<100000xi32, #tpu.memory_space<hbm>> -> memref<896xi32, #tpu.memory_space<hbm>>
        %dma_start3A_476 = tpu.memref_slice %arg3[%multiple_of3A] : memref<100000xi32, #tpu.memory_space<hbm>> -> memref<896xi32, #tpu.memory_space<hbm>>
        tpu.enqueue_dma source(%dma_start3A_476 : memref<896xi32, #tpu.memory_space<hbm>>) target(%arg12 : memref<896xi32, #tpu.memory_space<vmem>>) target_semaphore(%run_scoped3A : memref<!tpu.dma_semaphore, #tpu.memory_space<semaphore_mem>>)
        %dma_wait3A_477 = tpu.memref_slice %arg3[%multiple_of3A] : memref<100000xi32, #tpu.memory_space<hbm>> -> memref<896xi32, #tpu.memory_space<hbm>>
        %dma_wait3A_478 = tpu.memref_slice %arg3[%multiple_of3A] : memref<100000xi32, #tpu.memory_space<hbm>> -> memref<896xi32, #tpu.memory_space<hbm>>
        tpu.wait_dma2 semaphore(%run_scoped3A : memref<!tpu.dma_semaphore, #tpu.memory_space<semaphore_mem>>) src(%dma_wait3A_478 : memref<896xi32, #tpu.memory_space<hbm>>) dst(%arg12 : memref<896xi32, #tpu.memory_space<vmem>>)
        tpu.yield
      }) : () -> ()
      "tpu.region"() ({
        %run_scoped3A = tpu.sem_alloc : memref<!tpu.dma_semaphore, #tpu.memory_space<semaphore_mem>>
        %dma_start3A_475 = tpu.memref_slice %arg4[%multiple_of3A] : memref<100000xi32, #tpu.memory_space<hbm>> -> memref<896xi32, #tpu.memory_space<hbm>>
        %dma_start3A_476 = tpu.memref_slice %arg4[%multiple_of3A] : memref<100000xi32, #tpu.memory_space<hbm>> -> memref<896xi32, #tpu.memory_space<hbm>>
        tpu.enqueue_dma source(%dma_start3A_476 : memref<896xi32, #tpu.memory_space<hbm>>) target(%arg13 : memref<896xi32, #tpu.memory_space<vmem>>) target_semaphore(%run_scoped3A : memref<!tpu.dma_semaphore, #tpu.memory_space<semaphore_mem>>)
        %dma_wait3A_477 = tpu.memref_slice %arg4[%multiple_of3A] : memref<100000xi32, #tpu.memory_space<hbm>> -> memref<896xi32, #tpu.memory_space<hbm>>
        %dma_wait3A_478 = tpu.memref_slice %arg4[%multiple_of3A] : memref<100000xi32, #tpu.memory_space<hbm>> -> memref<896xi32, #tpu.memory_space<hbm>>
        tpu.wait_dma2 semaphore(%run_scoped3A : memref<!tpu.dma_semaphore, #tpu.memory_space<semaphore_mem>>) src(%dma_wait3A_478 : memref<896xi32, #tpu.memory_space<hbm>>) dst(%arg13 : memref<896xi32, #tpu.memory_space<vmem>>)
        tpu.yield
      }) : () -> ()
      "tpu.region"() ({
        %run_scoped3A = tpu.sem_alloc : memref<!tpu.dma_semaphore, #tpu.memory_space<semaphore_mem>>
        %dma_start3A_475 = tpu.memref_slice %arg5[%multiple_of3A] : memref<100000xi32, #tpu.memory_space<hbm>> -> memref<896xi32, #tpu.memory_space<hbm>>
        %dma_start3A_476 = tpu.memref_slice %arg5[%multiple_of3A] : memref<100000xi32, #tpu.memory_space<hbm>> -> memref<896xi32, #tpu.memory_space<hbm>>
        tpu.enqueue_dma source(%dma_start3A_476 : memref<896xi32, #tpu.memory_space<hbm>>) target(%arg14 : memref<896xi32, #tpu.memory_space<vmem>>) target_semaphore(%run_scoped3A : memref<!tpu.dma_semaphore, #tpu.memory_space<semaphore_mem>>)
        %dma_wait3A_477 = tpu.memref_slice %arg5[%multiple_of3A] : memref<100000xi32, #tpu.memory_space<hbm>> -> memref<896xi32, #tpu.memory_space<hbm>>
        %dma_wait3A_478 = tpu.memref_slice %arg5[%multiple_of3A] : memref<100000xi32, #tpu.memory_space<hbm>> -> memref<896xi32, #tpu.memory_space<hbm>>
        tpu.wait_dma2 semaphore(%run_scoped3A : memref<!tpu.dma_semaphore, #tpu.memory_space<semaphore_mem>>) src(%dma_wait3A_478 : memref<896xi32, #tpu.memory_space<hbm>>) dst(%arg14 : memref<896xi32, #tpu.memory_space<vmem>>)
        tpu.yield
      }) : () -> ()
      %dma_start3A = arith.constant 0 : i32
      %dma_start3A_29 = arith.constant 0 : i32
      %dma_start3A_30 = tpu.memref_slice %arg15[%dma_start3A, %dma_start3A_29] : memref<896x32xf32, #tpu.memory_space<vmem>> -> memref<128x32xf32, #tpu.memory_space<vmem>>
      %dma_start3A_31 = arith.constant 0 : i32
      %dma_start3A_32 = tpu.memref_slice %arg11[%dma_start3A_31] : memref<896xi32, #tpu.memory_space<vmem>> -> memref<128xi32, #tpu.memory_space<vmem>>
      %dma_start3A_33 = arith.constant 0 : i32
      %dma_start3A_34 = arith.constant 0 : i32
      %dma_start3A_35 = tpu.memref_slice %arg6[%dma_start3A_33, %dma_start3A_34] : memref<100x32xf32, #tpu.memory_space<hbm>> -> memref<100x32xf32, #tpu.memory_space<hbm>>
      tpu.enqueue_indirect_dma source(%dma_start3A_35 : memref<100x32xf32, #tpu.memory_space<hbm>>) target(%dma_start3A_30 : memref<128x32xf32, #tpu.memory_space<vmem>>) offsets(%dma_start3A_32 : memref<128xi32, #tpu.memory_space<vmem>>) semaphore(%arg19 : memref<!tpu.dma_semaphore, #tpu.memory_space<semaphore_mem>>)
      %dma_start3A_36 = arith.constant 128 : i32
      %dma_start3A_37 = arith.constant 0 : i32
      %dma_start3A_38 = tpu.memref_slice %arg15[%dma_start3A_36, %dma_start3A_37] : memref<896x32xf32, #tpu.memory_space<vmem>> -> memref<128x32xf32, #tpu.memory_space<vmem>>
      %dma_start3A_39 = arith.constant 128 : i32
      %dma_start3A_40 = tpu.memref_slice %arg11[%dma_start3A_39] : memref<896xi32, #tpu.memory_space<vmem>> -> memref<128xi32, #tpu.memory_space<vmem>>
      %dma_start3A_41 = arith.constant 0 : i32
      %dma_start3A_42 = arith.constant 0 : i32
      %dma_start3A_43 = tpu.memref_slice %arg6[%dma_start3A_41, %dma_start3A_42] : memref<100x32xf32, #tpu.memory_space<hbm>> -> memref<100x32xf32, #tpu.memory_space<hbm>>
      tpu.enqueue_indirect_dma source(%dma_start3A_43 : memref<100x32xf32, #tpu.memory_space<hbm>>) target(%dma_start3A_38 : memref<128x32xf32, #tpu.memory_space<vmem>>) offsets(%dma_start3A_40 : memref<128xi32, #tpu.memory_space<vmem>>) semaphore(%arg19 : memref<!tpu.dma_semaphore, #tpu.memory_space<semaphore_mem>>)
      %dma_start3A_44 = arith.constant 256 : i32
      %dma_start3A_45 = arith.constant 0 : i32
      %dma_start3A_46 = tpu.memref_slice %arg15[%dma_start3A_44, %dma_start3A_45] : memref<896x32xf32, #tpu.memory_space<vmem>> -> memref<128x32xf32, #tpu.memory_space<vmem>>
      %dma_start3A_47 = arith.constant 256 : i32
      %dma_start3A_48 = tpu.memref_slice %arg11[%dma_start3A_47] : memref<896xi32, #tpu.memory_space<vmem>> -> memref<128xi32, #tpu.memory_space<vmem>>
      %dma_start3A_49 = arith.constant 0 : i32
      %dma_start3A_50 = arith.constant 0 : i32
      %dma_start3A_51 = tpu.memref_slice %arg6[%dma_start3A_49, %dma_start3A_50] : memref<100x32xf32, #tpu.memory_space<hbm>> -> memref<100x32xf32, #tpu.memory_space<hbm>>
      tpu.enqueue_indirect_dma source(%dma_start3A_51 : memref<100x32xf32, #tpu.memory_space<hbm>>) target(%dma_start3A_46 : memref<128x32xf32, #tpu.memory_space<vmem>>) offsets(%dma_start3A_48 : memref<128xi32, #tpu.memory_space<vmem>>) semaphore(%arg19 : memref<!tpu.dma_semaphore, #tpu.memory_space<semaphore_mem>>)
      %dma_start3A_52 = arith.constant 384 : i32
      %dma_start3A_53 = arith.constant 0 : i32
      %dma_start3A_54 = tpu.memref_slice %arg15[%dma_start3A_52, %dma_start3A_53] : memref<896x32xf32, #tpu.memory_space<vmem>> -> memref<128x32xf32, #tpu.memory_space<vmem>>
      %dma_start3A_55 = arith.constant 384 : i32
      %dma_start3A_56 = tpu.memref_slice %arg11[%dma_start3A_55] : memref<896xi32, #tpu.memory_space<vmem>> -> memref<128xi32, #tpu.memory_space<vmem>>
      %dma_start3A_57 = arith.constant 0 : i32
      %dma_start3A_58 = arith.constant 0 : i32
      %dma_start3A_59 = tpu.memref_slice %arg6[%dma_start3A_57, %dma_start3A_58] : memref<100x32xf32, #tpu.memory_space<hbm>> -> memref<100x32xf32, #tpu.memory_space<hbm>>
      tpu.enqueue_indirect_dma source(%dma_start3A_59 : memref<100x32xf32, #tpu.memory_space<hbm>>) target(%dma_start3A_54 : memref<128x32xf32, #tpu.memory_space<vmem>>) offsets(%dma_start3A_56 : memref<128xi32, #tpu.memory_space<vmem>>) semaphore(%arg19 : memref<!tpu.dma_semaphore, #tpu.memory_space<semaphore_mem>>)
      %dma_start3A_60 = arith.constant 512 : i32
      %dma_start3A_61 = arith.constant 0 : i32
      %dma_start3A_62 = tpu.memref_slice %arg15[%dma_start3A_60, %dma_start3A_61] : memref<896x32xf32, #tpu.memory_space<vmem>> -> memref<128x32xf32, #tpu.memory_space<vmem>>
      %dma_start3A_63 = arith.constant 512 : i32
      %dma_start3A_64 = tpu.memref_slice %arg11[%dma_start3A_63] : memref<896xi32, #tpu.memory_space<vmem>> -> memref<128xi32, #tpu.memory_space<vmem>>
      %dma_start3A_65 = arith.constant 0 : i32
      %dma_start3A_66 = arith.constant 0 : i32
      %dma_start3A_67 = tpu.memref_slice %arg6[%dma_start3A_65, %dma_start3A_66] : memref<100x32xf32, #tpu.memory_space<hbm>> -> memref<100x32xf32, #tpu.memory_space<hbm>>
      tpu.enqueue_indirect_dma source(%dma_start3A_67 : memref<100x32xf32, #tpu.memory_space<hbm>>) target(%dma_start3A_62 : memref<128x32xf32, #tpu.memory_space<vmem>>) offsets(%dma_start3A_64 : memref<128xi32, #tpu.memory_space<vmem>>) semaphore(%arg19 : memref<!tpu.dma_semaphore, #tpu.memory_space<semaphore_mem>>)
      %dma_start3A_68 = arith.constant 640 : i32
      %dma_start3A_69 = arith.constant 0 : i32
      %dma_start3A_70 = tpu.memref_slice %arg15[%dma_start3A_68, %dma_start3A_69] : memref<896x32xf32, #tpu.memory_space<vmem>> -> memref<128x32xf32, #tpu.memory_space<vmem>>
      %dma_start3A_71 = arith.constant 640 : i32
      %dma_start3A_72 = tpu.memref_slice %arg11[%dma_start3A_71] : memref<896xi32, #tpu.memory_space<vmem>> -> memref<128xi32, #tpu.memory_space<vmem>>
      %dma_start3A_73 = arith.constant 0 : i32
      %dma_start3A_74 = arith.constant 0 : i32
      %dma_start3A_75 = tpu.memref_slice %arg6[%dma_start3A_73, %dma_start3A_74] : memref<100x32xf32, #tpu.memory_space<hbm>> -> memref<100x32xf32, #tpu.memory_space<hbm>>
      tpu.enqueue_indirect_dma source(%dma_start3A_75 : memref<100x32xf32, #tpu.memory_space<hbm>>) target(%dma_start3A_70 : memref<128x32xf32, #tpu.memory_space<vmem>>) offsets(%dma_start3A_72 : memref<128xi32, #tpu.memory_space<vmem>>) semaphore(%arg19 : memref<!tpu.dma_semaphore, #tpu.memory_space<semaphore_mem>>)
      %dma_start3A_76 = arith.constant 768 : i32
      %dma_start3A_77 = arith.constant 0 : i32
      %dma_start3A_78 = tpu.memref_slice %arg15[%dma_start3A_76, %dma_start3A_77] : memref<896x32xf32, #tpu.memory_space<vmem>> -> memref<128x32xf32, #tpu.memory_space<vmem>>
      %dma_start3A_79 = arith.constant 768 : i32
      %dma_start3A_80 = tpu.memref_slice %arg11[%dma_start3A_79] : memref<896xi32, #tpu.memory_space<vmem>> -> memref<128xi32, #tpu.memory_space<vmem>>
      %dma_start3A_81 = arith.constant 0 : i32
      %dma_start3A_82 = arith.constant 0 : i32
      %dma_start3A_83 = tpu.memref_slice %arg6[%dma_start3A_81, %dma_start3A_82] : memref<100x32xf32, #tpu.memory_space<hbm>> -> memref<100x32xf32, #tpu.memory_space<hbm>>
      tpu.enqueue_indirect_dma source(%dma_start3A_83 : memref<100x32xf32, #tpu.memory_space<hbm>>) target(%dma_start3A_78 : memref<128x32xf32, #tpu.memory_space<vmem>>) offsets(%dma_start3A_80 : memref<128xi32, #tpu.memory_space<vmem>>) semaphore(%arg19 : memref<!tpu.dma_semaphore, #tpu.memory_space<semaphore_mem>>)
      %dma_start3A_84 = arith.constant 0 : i32
      %dma_start3A_85 = arith.constant 0 : i32
      %dma_start3A_86 = tpu.memref_slice %arg16[%dma_start3A_84, %dma_start3A_85] : memref<896x32xf32, #tpu.memory_space<vmem>> -> memref<128x32xf32, #tpu.memory_space<vmem>>
      %dma_start3A_87 = arith.constant 0 : i32
      %dma_start3A_88 = tpu.memref_slice %arg12[%dma_start3A_87] : memref<896xi32, #tpu.memory_space<vmem>> -> memref<128xi32, #tpu.memory_space<vmem>>
      %dma_start3A_89 = arith.constant 0 : i32
      %dma_start3A_90 = arith.constant 0 : i32
      %dma_start3A_91 = tpu.memref_slice %arg7[%dma_start3A_89, %dma_start3A_90] : memref<1000x32xf32, #tpu.memory_space<hbm>> -> memref<1000x32xf32, #tpu.memory_space<hbm>>
      tpu.enqueue_indirect_dma source(%dma_start3A_91 : memref<1000x32xf32, #tpu.memory_space<hbm>>) target(%dma_start3A_86 : memref<128x32xf32, #tpu.memory_space<vmem>>) offsets(%dma_start3A_88 : memref<128xi32, #tpu.memory_space<vmem>>) semaphore(%arg19 : memref<!tpu.dma_semaphore, #tpu.memory_space<semaphore_mem>>)
      %dma_start3A_92 = arith.constant 128 : i32
      %dma_start3A_93 = arith.constant 0 : i32
      %dma_start3A_94 = tpu.memref_slice %arg16[%dma_start3A_92, %dma_start3A_93] : memref<896x32xf32, #tpu.memory_space<vmem>> -> memref<128x32xf32, #tpu.memory_space<vmem>>
      %dma_start3A_95 = arith.constant 128 : i32
      %dma_start3A_96 = tpu.memref_slice %arg12[%dma_start3A_95] : memref<896xi32, #tpu.memory_space<vmem>> -> memref<128xi32, #tpu.memory_space<vmem>>
      %dma_start3A_97 = arith.constant 0 : i32
      %dma_start3A_98 = arith.constant 0 : i32
      %dma_start3A_99 = tpu.memref_slice %arg7[%dma_start3A_97, %dma_start3A_98] : memref<1000x32xf32, #tpu.memory_space<hbm>> -> memref<1000x32xf32, #tpu.memory_space<hbm>>
      tpu.enqueue_indirect_dma source(%dma_start3A_99 : memref<1000x32xf32, #tpu.memory_space<hbm>>) target(%dma_start3A_94 : memref<128x32xf32, #tpu.memory_space<vmem>>) offsets(%dma_start3A_96 : memref<128xi32, #tpu.memory_space<vmem>>) semaphore(%arg19 : memref<!tpu.dma_semaphore, #tpu.memory_space<semaphore_mem>>)
      %dma_start3A_100 = arith.constant 256 : i32
      %dma_start3A_101 = arith.constant 0 : i32
      %dma_start3A_102 = tpu.memref_slice %arg16[%dma_start3A_100, %dma_start3A_101] : memref<896x32xf32, #tpu.memory_space<vmem>> -> memref<128x32xf32, #tpu.memory_space<vmem>>
      %dma_start3A_103 = arith.constant 256 : i32
      %dma_start3A_104 = tpu.memref_slice %arg12[%dma_start3A_103] : memref<896xi32, #tpu.memory_space<vmem>> -> memref<128xi32, #tpu.memory_space<vmem>>
      %dma_start3A_105 = arith.constant 0 : i32
      %dma_start3A_106 = arith.constant 0 : i32
      %dma_start3A_107 = tpu.memref_slice %arg7[%dma_start3A_105, %dma_start3A_106] : memref<1000x32xf32, #tpu.memory_space<hbm>> -> memref<1000x32xf32, #tpu.memory_space<hbm>>
      tpu.enqueue_indirect_dma source(%dma_start3A_107 : memref<1000x32xf32, #tpu.memory_space<hbm>>) target(%dma_start3A_102 : memref<128x32xf32, #tpu.memory_space<vmem>>) offsets(%dma_start3A_104 : memref<128xi32, #tpu.memory_space<vmem>>) semaphore(%arg19 : memref<!tpu.dma_semaphore, #tpu.memory_space<semaphore_mem>>)
      %dma_start3A_108 = arith.constant 384 : i32
      %dma_start3A_109 = arith.constant 0 : i32
      %dma_start3A_110 = tpu.memref_slice %arg16[%dma_start3A_108, %dma_start3A_109] : memref<896x32xf32, #tpu.memory_space<vmem>> -> memref<128x32xf32, #tpu.memory_space<vmem>>
      %dma_start3A_111 = arith.constant 384 : i32
      %dma_start3A_112 = tpu.memref_slice %arg12[%dma_start3A_111] : memref<896xi32, #tpu.memory_space<vmem>> -> memref<128xi32, #tpu.memory_space<vmem>>
      %dma_start3A_113 = arith.constant 0 : i32
      %dma_start3A_114 = arith.constant 0 : i32
      %dma_start3A_115 = tpu.memref_slice %arg7[%dma_start3A_113, %dma_start3A_114] : memref<1000x32xf32, #tpu.memory_space<hbm>> -> memref<1000x32xf32, #tpu.memory_space<hbm>>
      tpu.enqueue_indirect_dma source(%dma_start3A_115 : memref<1000x32xf32, #tpu.memory_space<hbm>>) target(%dma_start3A_110 : memref<128x32xf32, #tpu.memory_space<vmem>>) offsets(%dma_start3A_112 : memref<128xi32, #tpu.memory_space<vmem>>) semaphore(%arg19 : memref<!tpu.dma_semaphore, #tpu.memory_space<semaphore_mem>>)
      %dma_start3A_116 = arith.constant 512 : i32
      %dma_start3A_117 = arith.constant 0 : i32
      %dma_start3A_118 = tpu.memref_slice %arg16[%dma_start3A_116, %dma_start3A_117] : memref<896x32xf32, #tpu.memory_space<vmem>> -> memref<128x32xf32, #tpu.memory_space<vmem>>
      %dma_start3A_119 = arith.constant 512 : i32
      %dma_start3A_120 = tpu.memref_slice %arg12[%dma_start3A_119] : memref<896xi32, #tpu.memory_space<vmem>> -> memref<128xi32, #tpu.memory_space<vmem>>
      %dma_start3A_121 = arith.constant 0 : i32
      %dma_start3A_122 = arith.constant 0 : i32
      %dma_start3A_123 = tpu.memref_slice %arg7[%dma_start3A_121, %dma_start3A_122] : memref<1000x32xf32, #tpu.memory_space<hbm>> -> memref<1000x32xf32, #tpu.memory_space<hbm>>
      tpu.enqueue_indirect_dma source(%dma_start3A_123 : memref<1000x32xf32, #tpu.memory_space<hbm>>) target(%dma_start3A_118 : memref<128x32xf32, #tpu.memory_space<vmem>>) offsets(%dma_start3A_120 : memref<128xi32, #tpu.memory_space<vmem>>) semaphore(%arg19 : memref<!tpu.dma_semaphore, #tpu.memory_space<semaphore_mem>>)
      %dma_start3A_124 = arith.constant 640 : i32
      %dma_start3A_125 = arith.constant 0 : i32
      %dma_start3A_126 = tpu.memref_slice %arg16[%dma_start3A_124, %dma_start3A_125] : memref<896x32xf32, #tpu.memory_space<vmem>> -> memref<128x32xf32, #tpu.memory_space<vmem>>
      %dma_start3A_127 = arith.constant 640 : i32
      %dma_start3A_128 = tpu.memref_slice %arg12[%dma_start3A_127] : memref<896xi32, #tpu.memory_space<vmem>> -> memref<128xi32, #tpu.memory_space<vmem>>
      %dma_start3A_129 = arith.constant 0 : i32
      %dma_start3A_130 = arith.constant 0 : i32
      %dma_start3A_131 = tpu.memref_slice %arg7[%dma_start3A_129, %dma_start3A_130] : memref<1000x32xf32, #tpu.memory_space<hbm>> -> memref<1000x32xf32, #tpu.memory_space<hbm>>
      tpu.enqueue_indirect_dma source(%dma_start3A_131 : memref<1000x32xf32, #tpu.memory_space<hbm>>) target(%dma_start3A_126 : memref<128x32xf32, #tpu.memory_space<vmem>>) offsets(%dma_start3A_128 : memref<128xi32, #tpu.memory_space<vmem>>) semaphore(%arg19 : memref<!tpu.dma_semaphore, #tpu.memory_space<semaphore_mem>>)
      %dma_start3A_132 = arith.constant 768 : i32
      %dma_start3A_133 = arith.constant 0 : i32
      %dma_start3A_134 = tpu.memref_slice %arg16[%dma_start3A_132, %dma_start3A_133] : memref<896x32xf32, #tpu.memory_space<vmem>> -> memref<128x32xf32, #tpu.memory_space<vmem>>
      %dma_start3A_135 = arith.constant 768 : i32
      %dma_start3A_136 = tpu.memref_slice %arg12[%dma_start3A_135] : memref<896xi32, #tpu.memory_space<vmem>> -> memref<128xi32, #tpu.memory_space<vmem>>
      %dma_start3A_137 = arith.constant 0 : i32
      %dma_start3A_138 = arith.constant 0 : i32
      %dma_start3A_139 = tpu.memref_slice %arg7[%dma_start3A_137, %dma_start3A_138] : memref<1000x32xf32, #tpu.memory_space<hbm>> -> memref<1000x32xf32, #tpu.memory_space<hbm>>
      tpu.enqueue_indirect_dma source(%dma_start3A_139 : memref<1000x32xf32, #tpu.memory_space<hbm>>) target(%dma_start3A_134 : memref<128x32xf32, #tpu.memory_space<vmem>>) offsets(%dma_start3A_136 : memref<128xi32, #tpu.memory_space<vmem>>) semaphore(%arg19 : memref<!tpu.dma_semaphore, #tpu.memory_space<semaphore_mem>>)
      %dma_start3A_140 = arith.constant 0 : i32
      %dma_start3A_141 = arith.constant 0 : i32
      %dma_start3A_142 = tpu.memref_slice %arg17[%dma_start3A_140, %dma_start3A_141] : memref<896x32xf32, #tpu.memory_space<vmem>> -> memref<128x32xf32, #tpu.memory_space<vmem>>
      %dma_start3A_143 = arith.constant 0 : i32
      %dma_start3A_144 = tpu.memref_slice %arg13[%dma_start3A_143] : memref<896xi32, #tpu.memory_space<vmem>> -> memref<128xi32, #tpu.memory_space<vmem>>
      %dma_start3A_145 = arith.constant 0 : i32
      %dma_start3A_146 = arith.constant 0 : i32
      %dma_start3A_147 = tpu.memref_slice %arg8[%dma_start3A_145, %dma_start3A_146] : memref<10000x32xf32, #tpu.memory_space<hbm>> -> memref<10000x32xf32, #tpu.memory_space<hbm>>
      tpu.enqueue_indirect_dma source(%dma_start3A_147 : memref<10000x32xf32, #tpu.memory_space<hbm>>) target(%dma_start3A_142 : memref<128x32xf32, #tpu.memory_space<vmem>>) offsets(%dma_start3A_144 : memref<128xi32, #tpu.memory_space<vmem>>) semaphore(%arg19 : memref<!tpu.dma_semaphore, #tpu.memory_space<semaphore_mem>>)
      %dma_start3A_148 = arith.constant 128 : i32
      %dma_start3A_149 = arith.constant 0 : i32
      %dma_start3A_150 = tpu.memref_slice %arg17[%dma_start3A_148, %dma_start3A_149] : memref<896x32xf32, #tpu.memory_space<vmem>> -> memref<128x32xf32, #tpu.memory_space<vmem>>
      %dma_start3A_151 = arith.constant 128 : i32
      %dma_start3A_152 = tpu.memref_slice %arg13[%dma_start3A_151] : memref<896xi32, #tpu.memory_space<vmem>> -> memref<128xi32, #tpu.memory_space<vmem>>
      %dma_start3A_153 = arith.constant 0 : i32
      %dma_start3A_154 = arith.constant 0 : i32
      %dma_start3A_155 = tpu.memref_slice %arg8[%dma_start3A_153, %dma_start3A_154] : memref<10000x32xf32, #tpu.memory_space<hbm>> -> memref<10000x32xf32, #tpu.memory_space<hbm>>
      tpu.enqueue_indirect_dma source(%dma_start3A_155 : memref<10000x32xf32, #tpu.memory_space<hbm>>) target(%dma_start3A_150 : memref<128x32xf32, #tpu.memory_space<vmem>>) offsets(%dma_start3A_152 : memref<128xi32, #tpu.memory_space<vmem>>) semaphore(%arg19 : memref<!tpu.dma_semaphore, #tpu.memory_space<semaphore_mem>>)
      %dma_start3A_156 = arith.constant 256 : i32
      %dma_start3A_157 = arith.constant 0 : i32
      %dma_start3A_158 = tpu.memref_slice %arg17[%dma_start3A_156, %dma_start3A_157] : memref<896x32xf32, #tpu.memory_space<vmem>> -> memref<128x32xf32, #tpu.memory_space<vmem>>
      %dma_start3A_159 = arith.constant 256 : i32
      %dma_start3A_160 = tpu.memref_slice %arg13[%dma_start3A_159] : memref<896xi32, #tpu.memory_space<vmem>> -> memref<128xi32, #tpu.memory_space<vmem>>
      %dma_start3A_161 = arith.constant 0 : i32
      %dma_start3A_162 = arith.constant 0 : i32
      %dma_start3A_163 = tpu.memref_slice %arg8[%dma_start3A_161, %dma_start3A_162] : memref<10000x32xf32, #tpu.memory_space<hbm>> -> memref<10000x32xf32, #tpu.memory_space<hbm>>
      tpu.enqueue_indirect_dma source(%dma_start3A_163 : memref<10000x32xf32, #tpu.memory_space<hbm>>) target(%dma_start3A_158 : memref<128x32xf32, #tpu.memory_space<vmem>>) offsets(%dma_start3A_160 : memref<128xi32, #tpu.memory_space<vmem>>) semaphore(%arg19 : memref<!tpu.dma_semaphore, #tpu.memory_space<semaphore_mem>>)
      %dma_start3A_164 = arith.constant 384 : i32
      %dma_start3A_165 = arith.constant 0 : i32
      %dma_start3A_166 = tpu.memref_slice %arg17[%dma_start3A_164, %dma_start3A_165] : memref<896x32xf32, #tpu.memory_space<vmem>> -> memref<128x32xf32, #tpu.memory_space<vmem>>
      %dma_start3A_167 = arith.constant 384 : i32
      %dma_start3A_168 = tpu.memref_slice %arg13[%dma_start3A_167] : memref<896xi32, #tpu.memory_space<vmem>> -> memref<128xi32, #tpu.memory_space<vmem>>
      %dma_start3A_169 = arith.constant 0 : i32
      %dma_start3A_170 = arith.constant 0 : i32
      %dma_start3A_171 = tpu.memref_slice %arg8[%dma_start3A_169, %dma_start3A_170] : memref<10000x32xf32, #tpu.memory_space<hbm>> -> memref<10000x32xf32, #tpu.memory_space<hbm>>
      tpu.enqueue_indirect_dma source(%dma_start3A_171 : memref<10000x32xf32, #tpu.memory_space<hbm>>) target(%dma_start3A_166 : memref<128x32xf32, #tpu.memory_space<vmem>>) offsets(%dma_start3A_168 : memref<128xi32, #tpu.memory_space<vmem>>) semaphore(%arg19 : memref<!tpu.dma_semaphore, #tpu.memory_space<semaphore_mem>>)
      %dma_start3A_172 = arith.constant 512 : i32
      %dma_start3A_173 = arith.constant 0 : i32
      %dma_start3A_174 = tpu.memref_slice %arg17[%dma_start3A_172, %dma_start3A_173] : memref<896x32xf32, #tpu.memory_space<vmem>> -> memref<128x32xf32, #tpu.memory_space<vmem>>
      %dma_start3A_175 = arith.constant 512 : i32
      %dma_start3A_176 = tpu.memref_slice %arg13[%dma_start3A_175] : memref<896xi32, #tpu.memory_space<vmem>> -> memref<128xi32, #tpu.memory_space<vmem>>
      %dma_start3A_177 = arith.constant 0 : i32
      %dma_start3A_178 = arith.constant 0 : i32
      %dma_start3A_179 = tpu.memref_slice %arg8[%dma_start3A_177, %dma_start3A_178] : memref<10000x32xf32, #tpu.memory_space<hbm>> -> memref<10000x32xf32, #tpu.memory_space<hbm>>
      tpu.enqueue_indirect_dma source(%dma_start3A_179 : memref<10000x32xf32, #tpu.memory_space<hbm>>) target(%dma_start3A_174 : memref<128x32xf32, #tpu.memory_space<vmem>>) offsets(%dma_start3A_176 : memref<128xi32, #tpu.memory_space<vmem>>) semaphore(%arg19 : memref<!tpu.dma_semaphore, #tpu.memory_space<semaphore_mem>>)
      %dma_start3A_180 = arith.constant 640 : i32
      %dma_start3A_181 = arith.constant 0 : i32
      %dma_start3A_182 = tpu.memref_slice %arg17[%dma_start3A_180, %dma_start3A_181] : memref<896x32xf32, #tpu.memory_space<vmem>> -> memref<128x32xf32, #tpu.memory_space<vmem>>
      %dma_start3A_183 = arith.constant 640 : i32
      %dma_start3A_184 = tpu.memref_slice %arg13[%dma_start3A_183] : memref<896xi32, #tpu.memory_space<vmem>> -> memref<128xi32, #tpu.memory_space<vmem>>
      %dma_start3A_185 = arith.constant 0 : i32
      %dma_start3A_186 = arith.constant 0 : i32
      %dma_start3A_187 = tpu.memref_slice %arg8[%dma_start3A_185, %dma_start3A_186] : memref<10000x32xf32, #tpu.memory_space<hbm>> -> memref<10000x32xf32, #tpu.memory_space<hbm>>
      tpu.enqueue_indirect_dma source(%dma_start3A_187 : memref<10000x32xf32, #tpu.memory_space<hbm>>) target(%dma_start3A_182 : memref<128x32xf32, #tpu.memory_space<vmem>>) offsets(%dma_start3A_184 : memref<128xi32, #tpu.memory_space<vmem>>) semaphore(%arg19 : memref<!tpu.dma_semaphore, #tpu.memory_space<semaphore_mem>>)
      %dma_start3A_188 = arith.constant 768 : i32
      %dma_start3A_189 = arith.constant 0 : i32
      %dma_start3A_190 = tpu.memref_slice %arg17[%dma_start3A_188, %dma_start3A_189] : memref<896x32xf32, #tpu.memory_space<vmem>> -> memref<128x32xf32, #tpu.memory_space<vmem>>
      %dma_start3A_191 = arith.constant 768 : i32
      %dma_start3A_192 = tpu.memref_slice %arg13[%dma_start3A_191] : memref<896xi32, #tpu.memory_space<vmem>> -> memref<128xi32, #tpu.memory_space<vmem>>
      %dma_start3A_193 = arith.constant 0 : i32
      %dma_start3A_194 = arith.constant 0 : i32
      %dma_start3A_195 = tpu.memref_slice %arg8[%dma_start3A_193, %dma_start3A_194] : memref<10000x32xf32, #tpu.memory_space<hbm>> -> memref<10000x32xf32, #tpu.memory_space<hbm>>
      tpu.enqueue_indirect_dma source(%dma_start3A_195 : memref<10000x32xf32, #tpu.memory_space<hbm>>) target(%dma_start3A_190 : memref<128x32xf32, #tpu.memory_space<vmem>>) offsets(%dma_start3A_192 : memref<128xi32, #tpu.memory_space<vmem>>) semaphore(%arg19 : memref<!tpu.dma_semaphore, #tpu.memory_space<semaphore_mem>>)
      %dma_start3A_196 = arith.constant 0 : i32
      %dma_start3A_197 = arith.constant 0 : i32
      %dma_start3A_198 = tpu.memref_slice %arg18[%dma_start3A_196, %dma_start3A_197] : memref<896x32xf32, #tpu.memory_space<vmem>> -> memref<128x32xf32, #tpu.memory_space<vmem>>
      %dma_start3A_199 = arith.constant 0 : i32
      %dma_start3A_200 = tpu.memref_slice %arg14[%dma_start3A_199] : memref<896xi32, #tpu.memory_space<vmem>> -> memref<128xi32, #tpu.memory_space<vmem>>
      %dma_start3A_201 = arith.constant 0 : i32
      %dma_start3A_202 = arith.constant 0 : i32
      %dma_start3A_203 = tpu.memref_slice %arg9[%dma_start3A_201, %dma_start3A_202] : memref<100000x32xf32, #tpu.memory_space<hbm>> -> memref<100000x32xf32, #tpu.memory_space<hbm>>
      tpu.enqueue_indirect_dma source(%dma_start3A_203 : memref<100000x32xf32, #tpu.memory_space<hbm>>) target(%dma_start3A_198 : memref<128x32xf32, #tpu.memory_space<vmem>>) offsets(%dma_start3A_200 : memref<128xi32, #tpu.memory_space<vmem>>) semaphore(%arg19 : memref<!tpu.dma_semaphore, #tpu.memory_space<semaphore_mem>>)
      %dma_start3A_204 = arith.constant 128 : i32
      %dma_start3A_205 = arith.constant 0 : i32
      %dma_start3A_206 = tpu.memref_slice %arg18[%dma_start3A_204, %dma_start3A_205] : memref<896x32xf32, #tpu.memory_space<vmem>> -> memref<128x32xf32, #tpu.memory_space<vmem>>
      %dma_start3A_207 = arith.constant 128 : i32
      %dma_start3A_208 = tpu.memref_slice %arg14[%dma_start3A_207] : memref<896xi32, #tpu.memory_space<vmem>> -> memref<128xi32, #tpu.memory_space<vmem>>
      %dma_start3A_209 = arith.constant 0 : i32
      %dma_start3A_210 = arith.constant 0 : i32
      %dma_start3A_211 = tpu.memref_slice %arg9[%dma_start3A_209, %dma_start3A_210] : memref<100000x32xf32, #tpu.memory_space<hbm>> -> memref<100000x32xf32, #tpu.memory_space<hbm>>
      tpu.enqueue_indirect_dma source(%dma_start3A_211 : memref<100000x32xf32, #tpu.memory_space<hbm>>) target(%dma_start3A_206 : memref<128x32xf32, #tpu.memory_space<vmem>>) offsets(%dma_start3A_208 : memref<128xi32, #tpu.memory_space<vmem>>) semaphore(%arg19 : memref<!tpu.dma_semaphore, #tpu.memory_space<semaphore_mem>>)
      %dma_start3A_212 = arith.constant 256 : i32
      %dma_start3A_213 = arith.constant 0 : i32
      %dma_start3A_214 = tpu.memref_slice %arg18[%dma_start3A_212, %dma_start3A_213] : memref<896x32xf32, #tpu.memory_space<vmem>> -> memref<128x32xf32, #tpu.memory_space<vmem>>
      %dma_start3A_215 = arith.constant 256 : i32
      %dma_start3A_216 = tpu.memref_slice %arg14[%dma_start3A_215] : memref<896xi32, #tpu.memory_space<vmem>> -> memref<128xi32, #tpu.memory_space<vmem>>
      %dma_start3A_217 = arith.constant 0 : i32
      %dma_start3A_218 = arith.constant 0 : i32
      %dma_start3A_219 = tpu.memref_slice %arg9[%dma_start3A_217, %dma_start3A_218] : memref<100000x32xf32, #tpu.memory_space<hbm>> -> memref<100000x32xf32, #tpu.memory_space<hbm>>
      tpu.enqueue_indirect_dma source(%dma_start3A_219 : memref<100000x32xf32, #tpu.memory_space<hbm>>) target(%dma_start3A_214 : memref<128x32xf32, #tpu.memory_space<vmem>>) offsets(%dma_start3A_216 : memref<128xi32, #tpu.memory_space<vmem>>) semaphore(%arg19 : memref<!tpu.dma_semaphore, #tpu.memory_space<semaphore_mem>>)
      %dma_start3A_220 = arith.constant 384 : i32
      %dma_start3A_221 = arith.constant 0 : i32
      %dma_start3A_222 = tpu.memref_slice %arg18[%dma_start3A_220, %dma_start3A_221] : memref<896x32xf32, #tpu.memory_space<vmem>> -> memref<128x32xf32, #tpu.memory_space<vmem>>
      %dma_start3A_223 = arith.constant 384 : i32
      %dma_start3A_224 = tpu.memref_slice %arg14[%dma_start3A_223] : memref<896xi32, #tpu.memory_space<vmem>> -> memref<128xi32, #tpu.memory_space<vmem>>
      %dma_start3A_225 = arith.constant 0 : i32
      %dma_start3A_226 = arith.constant 0 : i32
      %dma_start3A_227 = tpu.memref_slice %arg9[%dma_start3A_225, %dma_start3A_226] : memref<100000x32xf32, #tpu.memory_space<hbm>> -> memref<100000x32xf32, #tpu.memory_space<hbm>>
      tpu.enqueue_indirect_dma source(%dma_start3A_227 : memref<100000x32xf32, #tpu.memory_space<hbm>>) target(%dma_start3A_222 : memref<128x32xf32, #tpu.memory_space<vmem>>) offsets(%dma_start3A_224 : memref<128xi32, #tpu.memory_space<vmem>>) semaphore(%arg19 : memref<!tpu.dma_semaphore, #tpu.memory_space<semaphore_mem>>)
      %dma_start3A_228 = arith.constant 512 : i32
      %dma_start3A_229 = arith.constant 0 : i32
      %dma_start3A_230 = tpu.memref_slice %arg18[%dma_start3A_228, %dma_start3A_229] : memref<896x32xf32, #tpu.memory_space<vmem>> -> memref<128x32xf32, #tpu.memory_space<vmem>>
      %dma_start3A_231 = arith.constant 512 : i32
      %dma_start3A_232 = tpu.memref_slice %arg14[%dma_start3A_231] : memref<896xi32, #tpu.memory_space<vmem>> -> memref<128xi32, #tpu.memory_space<vmem>>
      %dma_start3A_233 = arith.constant 0 : i32
      %dma_start3A_234 = arith.constant 0 : i32
      %dma_start3A_235 = tpu.memref_slice %arg9[%dma_start3A_233, %dma_start3A_234] : memref<100000x32xf32, #tpu.memory_space<hbm>> -> memref<100000x32xf32, #tpu.memory_space<hbm>>
      tpu.enqueue_indirect_dma source(%dma_start3A_235 : memref<100000x32xf32, #tpu.memory_space<hbm>>) target(%dma_start3A_230 : memref<128x32xf32, #tpu.memory_space<vmem>>) offsets(%dma_start3A_232 : memref<128xi32, #tpu.memory_space<vmem>>) semaphore(%arg19 : memref<!tpu.dma_semaphore, #tpu.memory_space<semaphore_mem>>)
      %dma_start3A_236 = arith.constant 640 : i32
      %dma_start3A_237 = arith.constant 0 : i32
      %dma_start3A_238 = tpu.memref_slice %arg18[%dma_start3A_236, %dma_start3A_237] : memref<896x32xf32, #tpu.memory_space<vmem>> -> memref<128x32xf32, #tpu.memory_space<vmem>>
      %dma_start3A_239 = arith.constant 640 : i32
      %dma_start3A_240 = tpu.memref_slice %arg14[%dma_start3A_239] : memref<896xi32, #tpu.memory_space<vmem>> -> memref<128xi32, #tpu.memory_space<vmem>>
      %dma_start3A_241 = arith.constant 0 : i32
      %dma_start3A_242 = arith.constant 0 : i32
      %dma_start3A_243 = tpu.memref_slice %arg9[%dma_start3A_241, %dma_start3A_242] : memref<100000x32xf32, #tpu.memory_space<hbm>> -> memref<100000x32xf32, #tpu.memory_space<hbm>>
      tpu.enqueue_indirect_dma source(%dma_start3A_243 : memref<100000x32xf32, #tpu.memory_space<hbm>>) target(%dma_start3A_238 : memref<128x32xf32, #tpu.memory_space<vmem>>) offsets(%dma_start3A_240 : memref<128xi32, #tpu.memory_space<vmem>>) semaphore(%arg19 : memref<!tpu.dma_semaphore, #tpu.memory_space<semaphore_mem>>)
      %dma_start3A_244 = arith.constant 768 : i32
      %dma_start3A_245 = arith.constant 0 : i32
      %dma_start3A_246 = tpu.memref_slice %arg18[%dma_start3A_244, %dma_start3A_245] : memref<896x32xf32, #tpu.memory_space<vmem>> -> memref<128x32xf32, #tpu.memory_space<vmem>>
      %dma_start3A_247 = arith.constant 768 : i32
      %dma_start3A_248 = tpu.memref_slice %arg14[%dma_start3A_247] : memref<896xi32, #tpu.memory_space<vmem>> -> memref<128xi32, #tpu.memory_space<vmem>>
      %dma_start3A_249 = arith.constant 0 : i32
      %dma_start3A_250 = arith.constant 0 : i32
      %dma_start3A_251 = tpu.memref_slice %arg9[%dma_start3A_249, %dma_start3A_250] : memref<100000x32xf32, #tpu.memory_space<hbm>> -> memref<100000x32xf32, #tpu.memory_space<hbm>>
      tpu.enqueue_indirect_dma source(%dma_start3A_251 : memref<100000x32xf32, #tpu.memory_space<hbm>>) target(%dma_start3A_246 : memref<128x32xf32, #tpu.memory_space<vmem>>) offsets(%dma_start3A_248 : memref<128xi32, #tpu.memory_space<vmem>>) semaphore(%arg19 : memref<!tpu.dma_semaphore, #tpu.memory_space<semaphore_mem>>)
      %dma_wait3A = arith.constant 0 : i32
      %dma_wait3A_252 = arith.constant 0 : i32
      %dma_wait3A_253 = tpu.memref_slice %arg15[%dma_wait3A, %dma_wait3A_252] : memref<896x32xf32, #tpu.memory_space<vmem>> -> memref<128x32xf32, #tpu.memory_space<vmem>>
      %dma_wait3A_254 = arith.constant 0 : i32
      %dma_wait3A_255 = tpu.memref_slice %arg11[%dma_wait3A_254] : memref<896xi32, #tpu.memory_space<vmem>> -> memref<128xi32, #tpu.memory_space<vmem>>
      %dma_wait3A_256 = arith.constant 0 : i32
      %dma_wait3A_257 = arith.constant 0 : i32
      %dma_wait3A_258 = tpu.memref_slice %arg6[%dma_wait3A_256, %dma_wait3A_257] : memref<100x32xf32, #tpu.memory_space<hbm>> -> memref<100x32xf32, #tpu.memory_space<hbm>>
      tpu.wait_indirect_dma semaphore(%arg19 : memref<!tpu.dma_semaphore, #tpu.memory_space<semaphore_mem>>) src(%dma_wait3A_258 : memref<100x32xf32, #tpu.memory_space<hbm>>) dst(%dma_wait3A_253 : memref<128x32xf32, #tpu.memory_space<vmem>>)
      %dma_wait3A_259 = arith.constant 128 : i32
      %dma_wait3A_260 = arith.constant 0 : i32
      %dma_wait3A_261 = tpu.memref_slice %arg15[%dma_wait3A_259, %dma_wait3A_260] : memref<896x32xf32, #tpu.memory_space<vmem>> -> memref<128x32xf32, #tpu.memory_space<vmem>>
      %dma_wait3A_262 = arith.constant 128 : i32
      %dma_wait3A_263 = tpu.memref_slice %arg11[%dma_wait3A_262] : memref<896xi32, #tpu.memory_space<vmem>> -> memref<128xi32, #tpu.memory_space<vmem>>
      %dma_wait3A_264 = arith.constant 0 : i32
      %dma_wait3A_265 = arith.constant 0 : i32
      %dma_wait3A_266 = tpu.memref_slice %arg6[%dma_wait3A_264, %dma_wait3A_265] : memref<100x32xf32, #tpu.memory_space<hbm>> -> memref<100x32xf32, #tpu.memory_space<hbm>>
      tpu.wait_indirect_dma semaphore(%arg19 : memref<!tpu.dma_semaphore, #tpu.memory_space<semaphore_mem>>) src(%dma_wait3A_266 : memref<100x32xf32, #tpu.memory_space<hbm>>) dst(%dma_wait3A_261 : memref<128x32xf32, #tpu.memory_space<vmem>>)
      %dma_wait3A_267 = arith.constant 256 : i32
      %dma_wait3A_268 = arith.constant 0 : i32
      %dma_wait3A_269 = tpu.memref_slice %arg15[%dma_wait3A_267, %dma_wait3A_268] : memref<896x32xf32, #tpu.memory_space<vmem>> -> memref<128x32xf32, #tpu.memory_space<vmem>>
      %dma_wait3A_270 = arith.constant 256 : i32
      %dma_wait3A_271 = tpu.memref_slice %arg11[%dma_wait3A_270] : memref<896xi32, #tpu.memory_space<vmem>> -> memref<128xi32, #tpu.memory_space<vmem>>
      %dma_wait3A_272 = arith.constant 0 : i32
      %dma_wait3A_273 = arith.constant 0 : i32
      %dma_wait3A_274 = tpu.memref_slice %arg6[%dma_wait3A_272, %dma_wait3A_273] : memref<100x32xf32, #tpu.memory_space<hbm>> -> memref<100x32xf32, #tpu.memory_space<hbm>>
      tpu.wait_indirect_dma semaphore(%arg19 : memref<!tpu.dma_semaphore, #tpu.memory_space<semaphore_mem>>) src(%dma_wait3A_274 : memref<100x32xf32, #tpu.memory_space<hbm>>) dst(%dma_wait3A_269 : memref<128x32xf32, #tpu.memory_space<vmem>>)
      %dma_wait3A_275 = arith.constant 384 : i32
      %dma_wait3A_276 = arith.constant 0 : i32
      %dma_wait3A_277 = tpu.memref_slice %arg15[%dma_wait3A_275, %dma_wait3A_276] : memref<896x32xf32, #tpu.memory_space<vmem>> -> memref<128x32xf32, #tpu.memory_space<vmem>>
      %dma_wait3A_278 = arith.constant 384 : i32
      %dma_wait3A_279 = tpu.memref_slice %arg11[%dma_wait3A_278] : memref<896xi32, #tpu.memory_space<vmem>> -> memref<128xi32, #tpu.memory_space<vmem>>
      %dma_wait3A_280 = arith.constant 0 : i32
      %dma_wait3A_281 = arith.constant 0 : i32
      %dma_wait3A_282 = tpu.memref_slice %arg6[%dma_wait3A_280, %dma_wait3A_281] : memref<100x32xf32, #tpu.memory_space<hbm>> -> memref<100x32xf32, #tpu.memory_space<hbm>>
      tpu.wait_indirect_dma semaphore(%arg19 : memref<!tpu.dma_semaphore, #tpu.memory_space<semaphore_mem>>) src(%dma_wait3A_282 : memref<100x32xf32, #tpu.memory_space<hbm>>) dst(%dma_wait3A_277 : memref<128x32xf32, #tpu.memory_space<vmem>>)
      %dma_wait3A_283 = arith.constant 512 : i32
      %dma_wait3A_284 = arith.constant 0 : i32
      %dma_wait3A_285 = tpu.memref_slice %arg15[%dma_wait3A_283, %dma_wait3A_284] : memref<896x32xf32, #tpu.memory_space<vmem>> -> memref<128x32xf32, #tpu.memory_space<vmem>>
      %dma_wait3A_286 = arith.constant 512 : i32
      %dma_wait3A_287 = tpu.memref_slice %arg11[%dma_wait3A_286] : memref<896xi32, #tpu.memory_space<vmem>> -> memref<128xi32, #tpu.memory_space<vmem>>
      %dma_wait3A_288 = arith.constant 0 : i32
      %dma_wait3A_289 = arith.constant 0 : i32
      %dma_wait3A_290 = tpu.memref_slice %arg6[%dma_wait3A_288, %dma_wait3A_289] : memref<100x32xf32, #tpu.memory_space<hbm>> -> memref<100x32xf32, #tpu.memory_space<hbm>>
      tpu.wait_indirect_dma semaphore(%arg19 : memref<!tpu.dma_semaphore, #tpu.memory_space<semaphore_mem>>) src(%dma_wait3A_290 : memref<100x32xf32, #tpu.memory_space<hbm>>) dst(%dma_wait3A_285 : memref<128x32xf32, #tpu.memory_space<vmem>>)
      %dma_wait3A_291 = arith.constant 640 : i32
      %dma_wait3A_292 = arith.constant 0 : i32
      %dma_wait3A_293 = tpu.memref_slice %arg15[%dma_wait3A_291, %dma_wait3A_292] : memref<896x32xf32, #tpu.memory_space<vmem>> -> memref<128x32xf32, #tpu.memory_space<vmem>>
      %dma_wait3A_294 = arith.constant 640 : i32
      %dma_wait3A_295 = tpu.memref_slice %arg11[%dma_wait3A_294] : memref<896xi32, #tpu.memory_space<vmem>> -> memref<128xi32, #tpu.memory_space<vmem>>
      %dma_wait3A_296 = arith.constant 0 : i32
      %dma_wait3A_297 = arith.constant 0 : i32
      %dma_wait3A_298 = tpu.memref_slice %arg6[%dma_wait3A_296, %dma_wait3A_297] : memref<100x32xf32, #tpu.memory_space<hbm>> -> memref<100x32xf32, #tpu.memory_space<hbm>>
      tpu.wait_indirect_dma semaphore(%arg19 : memref<!tpu.dma_semaphore, #tpu.memory_space<semaphore_mem>>) src(%dma_wait3A_298 : memref<100x32xf32, #tpu.memory_space<hbm>>) dst(%dma_wait3A_293 : memref<128x32xf32, #tpu.memory_space<vmem>>)
      %dma_wait3A_299 = arith.constant 768 : i32
      %dma_wait3A_300 = arith.constant 0 : i32
      %dma_wait3A_301 = tpu.memref_slice %arg15[%dma_wait3A_299, %dma_wait3A_300] : memref<896x32xf32, #tpu.memory_space<vmem>> -> memref<128x32xf32, #tpu.memory_space<vmem>>
      %dma_wait3A_302 = arith.constant 768 : i32
      %dma_wait3A_303 = tpu.memref_slice %arg11[%dma_wait3A_302] : memref<896xi32, #tpu.memory_space<vmem>> -> memref<128xi32, #tpu.memory_space<vmem>>
      %dma_wait3A_304 = arith.constant 0 : i32
      %dma_wait3A_305 = arith.constant 0 : i32
      %dma_wait3A_306 = tpu.memref_slice %arg6[%dma_wait3A_304, %dma_wait3A_305] : memref<100x32xf32, #tpu.memory_space<hbm>> -> memref<100x32xf32, #tpu.memory_space<hbm>>
      tpu.wait_indirect_dma semaphore(%arg19 : memref<!tpu.dma_semaphore, #tpu.memory_space<semaphore_mem>>) src(%dma_wait3A_306 : memref<100x32xf32, #tpu.memory_space<hbm>>) dst(%dma_wait3A_301 : memref<128x32xf32, #tpu.memory_space<vmem>>)
      %dma_wait3A_307 = arith.constant 0 : i32
      %dma_wait3A_308 = arith.constant 0 : i32
      %dma_wait3A_309 = tpu.memref_slice %arg16[%dma_wait3A_307, %dma_wait3A_308] : memref<896x32xf32, #tpu.memory_space<vmem>> -> memref<128x32xf32, #tpu.memory_space<vmem>>
      %dma_wait3A_310 = arith.constant 0 : i32
      %dma_wait3A_311 = tpu.memref_slice %arg12[%dma_wait3A_310] : memref<896xi32, #tpu.memory_space<vmem>> -> memref<128xi32, #tpu.memory_space<vmem>>
      %dma_wait3A_312 = arith.constant 0 : i32
      %dma_wait3A_313 = arith.constant 0 : i32
      %dma_wait3A_314 = tpu.memref_slice %arg7[%dma_wait3A_312, %dma_wait3A_313] : memref<1000x32xf32, #tpu.memory_space<hbm>> -> memref<1000x32xf32, #tpu.memory_space<hbm>>
      tpu.wait_indirect_dma semaphore(%arg19 : memref<!tpu.dma_semaphore, #tpu.memory_space<semaphore_mem>>) src(%dma_wait3A_314 : memref<1000x32xf32, #tpu.memory_space<hbm>>) dst(%dma_wait3A_309 : memref<128x32xf32, #tpu.memory_space<vmem>>)
      %dma_wait3A_315 = arith.constant 128 : i32
      %dma_wait3A_316 = arith.constant 0 : i32
      %dma_wait3A_317 = tpu.memref_slice %arg16[%dma_wait3A_315, %dma_wait3A_316] : memref<896x32xf32, #tpu.memory_space<vmem>> -> memref<128x32xf32, #tpu.memory_space<vmem>>
      %dma_wait3A_318 = arith.constant 128 : i32
      %dma_wait3A_319 = tpu.memref_slice %arg12[%dma_wait3A_318] : memref<896xi32, #tpu.memory_space<vmem>> -> memref<128xi32, #tpu.memory_space<vmem>>
      %dma_wait3A_320 = arith.constant 0 : i32
      %dma_wait3A_321 = arith.constant 0 : i32
      %dma_wait3A_322 = tpu.memref_slice %arg7[%dma_wait3A_320, %dma_wait3A_321] : memref<1000x32xf32, #tpu.memory_space<hbm>> -> memref<1000x32xf32, #tpu.memory_space<hbm>>
      tpu.wait_indirect_dma semaphore(%arg19 : memref<!tpu.dma_semaphore, #tpu.memory_space<semaphore_mem>>) src(%dma_wait3A_322 : memref<1000x32xf32, #tpu.memory_space<hbm>>) dst(%dma_wait3A_317 : memref<128x32xf32, #tpu.memory_space<vmem>>)
      %dma_wait3A_323 = arith.constant 256 : i32
      %dma_wait3A_324 = arith.constant 0 : i32
      %dma_wait3A_325 = tpu.memref_slice %arg16[%dma_wait3A_323, %dma_wait3A_324] : memref<896x32xf32, #tpu.memory_space<vmem>> -> memref<128x32xf32, #tpu.memory_space<vmem>>
      %dma_wait3A_326 = arith.constant 256 : i32
      %dma_wait3A_327 = tpu.memref_slice %arg12[%dma_wait3A_326] : memref<896xi32, #tpu.memory_space<vmem>> -> memref<128xi32, #tpu.memory_space<vmem>>
      %dma_wait3A_328 = arith.constant 0 : i32
      %dma_wait3A_329 = arith.constant 0 : i32
      %dma_wait3A_330 = tpu.memref_slice %arg7[%dma_wait3A_328, %dma_wait3A_329] : memref<1000x32xf32, #tpu.memory_space<hbm>> -> memref<1000x32xf32, #tpu.memory_space<hbm>>
      tpu.wait_indirect_dma semaphore(%arg19 : memref<!tpu.dma_semaphore, #tpu.memory_space<semaphore_mem>>) src(%dma_wait3A_330 : memref<1000x32xf32, #tpu.memory_space<hbm>>) dst(%dma_wait3A_325 : memref<128x32xf32, #tpu.memory_space<vmem>>)
      %dma_wait3A_331 = arith.constant 384 : i32
      %dma_wait3A_332 = arith.constant 0 : i32
      %dma_wait3A_333 = tpu.memref_slice %arg16[%dma_wait3A_331, %dma_wait3A_332] : memref<896x32xf32, #tpu.memory_space<vmem>> -> memref<128x32xf32, #tpu.memory_space<vmem>>
      %dma_wait3A_334 = arith.constant 384 : i32
      %dma_wait3A_335 = tpu.memref_slice %arg12[%dma_wait3A_334] : memref<896xi32, #tpu.memory_space<vmem>> -> memref<128xi32, #tpu.memory_space<vmem>>
      %dma_wait3A_336 = arith.constant 0 : i32
      %dma_wait3A_337 = arith.constant 0 : i32
      %dma_wait3A_338 = tpu.memref_slice %arg7[%dma_wait3A_336, %dma_wait3A_337] : memref<1000x32xf32, #tpu.memory_space<hbm>> -> memref<1000x32xf32, #tpu.memory_space<hbm>>
      tpu.wait_indirect_dma semaphore(%arg19 : memref<!tpu.dma_semaphore, #tpu.memory_space<semaphore_mem>>) src(%dma_wait3A_338 : memref<1000x32xf32, #tpu.memory_space<hbm>>) dst(%dma_wait3A_333 : memref<128x32xf32, #tpu.memory_space<vmem>>)
      %dma_wait3A_339 = arith.constant 512 : i32
      %dma_wait3A_340 = arith.constant 0 : i32
      %dma_wait3A_341 = tpu.memref_slice %arg16[%dma_wait3A_339, %dma_wait3A_340] : memref<896x32xf32, #tpu.memory_space<vmem>> -> memref<128x32xf32, #tpu.memory_space<vmem>>
      %dma_wait3A_342 = arith.constant 512 : i32
      %dma_wait3A_343 = tpu.memref_slice %arg12[%dma_wait3A_342] : memref<896xi32, #tpu.memory_space<vmem>> -> memref<128xi32, #tpu.memory_space<vmem>>
      %dma_wait3A_344 = arith.constant 0 : i32
      %dma_wait3A_345 = arith.constant 0 : i32
      %dma_wait3A_346 = tpu.memref_slice %arg7[%dma_wait3A_344, %dma_wait3A_345] : memref<1000x32xf32, #tpu.memory_space<hbm>> -> memref<1000x32xf32, #tpu.memory_space<hbm>>
      tpu.wait_indirect_dma semaphore(%arg19 : memref<!tpu.dma_semaphore, #tpu.memory_space<semaphore_mem>>) src(%dma_wait3A_346 : memref<1000x32xf32, #tpu.memory_space<hbm>>) dst(%dma_wait3A_341 : memref<128x32xf32, #tpu.memory_space<vmem>>)
      %dma_wait3A_347 = arith.constant 640 : i32
      %dma_wait3A_348 = arith.constant 0 : i32
      %dma_wait3A_349 = tpu.memref_slice %arg16[%dma_wait3A_347, %dma_wait3A_348] : memref<896x32xf32, #tpu.memory_space<vmem>> -> memref<128x32xf32, #tpu.memory_space<vmem>>
      %dma_wait3A_350 = arith.constant 640 : i32
      %dma_wait3A_351 = tpu.memref_slice %arg12[%dma_wait3A_350] : memref<896xi32, #tpu.memory_space<vmem>> -> memref<128xi32, #tpu.memory_space<vmem>>
      %dma_wait3A_352 = arith.constant 0 : i32
      %dma_wait3A_353 = arith.constant 0 : i32
      %dma_wait3A_354 = tpu.memref_slice %arg7[%dma_wait3A_352, %dma_wait3A_353] : memref<1000x32xf32, #tpu.memory_space<hbm>> -> memref<1000x32xf32, #tpu.memory_space<hbm>>
      tpu.wait_indirect_dma semaphore(%arg19 : memref<!tpu.dma_semaphore, #tpu.memory_space<semaphore_mem>>) src(%dma_wait3A_354 : memref<1000x32xf32, #tpu.memory_space<hbm>>) dst(%dma_wait3A_349 : memref<128x32xf32, #tpu.memory_space<vmem>>)
      %dma_wait3A_355 = arith.constant 768 : i32
      %dma_wait3A_356 = arith.constant 0 : i32
      %dma_wait3A_357 = tpu.memref_slice %arg16[%dma_wait3A_355, %dma_wait3A_356] : memref<896x32xf32, #tpu.memory_space<vmem>> -> memref<128x32xf32, #tpu.memory_space<vmem>>
      %dma_wait3A_358 = arith.constant 768 : i32
      %dma_wait3A_359 = tpu.memref_slice %arg12[%dma_wait3A_358] : memref<896xi32, #tpu.memory_space<vmem>> -> memref<128xi32, #tpu.memory_space<vmem>>
      %dma_wait3A_360 = arith.constant 0 : i32
      %dma_wait3A_361 = arith.constant 0 : i32
      %dma_wait3A_362 = tpu.memref_slice %arg7[%dma_wait3A_360, %dma_wait3A_361] : memref<1000x32xf32, #tpu.memory_space<hbm>> -> memref<1000x32xf32, #tpu.memory_space<hbm>>
      tpu.wait_indirect_dma semaphore(%arg19 : memref<!tpu.dma_semaphore, #tpu.memory_space<semaphore_mem>>) src(%dma_wait3A_362 : memref<1000x32xf32, #tpu.memory_space<hbm>>) dst(%dma_wait3A_357 : memref<128x32xf32, #tpu.memory_space<vmem>>)
      %dma_wait3A_363 = arith.constant 0 : i32
      %dma_wait3A_364 = arith.constant 0 : i32
      %dma_wait3A_365 = tpu.memref_slice %arg17[%dma_wait3A_363, %dma_wait3A_364] : memref<896x32xf32, #tpu.memory_space<vmem>> -> memref<128x32xf32, #tpu.memory_space<vmem>>
      %dma_wait3A_366 = arith.constant 0 : i32
      %dma_wait3A_367 = tpu.memref_slice %arg13[%dma_wait3A_366] : memref<896xi32, #tpu.memory_space<vmem>> -> memref<128xi32, #tpu.memory_space<vmem>>
      %dma_wait3A_368 = arith.constant 0 : i32
      %dma_wait3A_369 = arith.constant 0 : i32
      %dma_wait3A_370 = tpu.memref_slice %arg8[%dma_wait3A_368, %dma_wait3A_369] : memref<10000x32xf32, #tpu.memory_space<hbm>> -> memref<10000x32xf32, #tpu.memory_space<hbm>>
      tpu.wait_indirect_dma semaphore(%arg19 : memref<!tpu.dma_semaphore, #tpu.memory_space<semaphore_mem>>) src(%dma_wait3A_370 : memref<10000x32xf32, #tpu.memory_space<hbm>>) dst(%dma_wait3A_365 : memref<128x32xf32, #tpu.memory_space<vmem>>)
      %dma_wait3A_371 = arith.constant 128 : i32
      %dma_wait3A_372 = arith.constant 0 : i32
      %dma_wait3A_373 = tpu.memref_slice %arg17[%dma_wait3A_371, %dma_wait3A_372] : memref<896x32xf32, #tpu.memory_space<vmem>> -> memref<128x32xf32, #tpu.memory_space<vmem>>
      %dma_wait3A_374 = arith.constant 128 : i32
      %dma_wait3A_375 = tpu.memref_slice %arg13[%dma_wait3A_374] : memref<896xi32, #tpu.memory_space<vmem>> -> memref<128xi32, #tpu.memory_space<vmem>>
      %dma_wait3A_376 = arith.constant 0 : i32
      %dma_wait3A_377 = arith.constant 0 : i32
      %dma_wait3A_378 = tpu.memref_slice %arg8[%dma_wait3A_376, %dma_wait3A_377] : memref<10000x32xf32, #tpu.memory_space<hbm>> -> memref<10000x32xf32, #tpu.memory_space<hbm>>
      tpu.wait_indirect_dma semaphore(%arg19 : memref<!tpu.dma_semaphore, #tpu.memory_space<semaphore_mem>>) src(%dma_wait3A_378 : memref<10000x32xf32, #tpu.memory_space<hbm>>) dst(%dma_wait3A_373 : memref<128x32xf32, #tpu.memory_space<vmem>>)
      %dma_wait3A_379 = arith.constant 256 : i32
      %dma_wait3A_380 = arith.constant 0 : i32
      %dma_wait3A_381 = tpu.memref_slice %arg17[%dma_wait3A_379, %dma_wait3A_380] : memref<896x32xf32, #tpu.memory_space<vmem>> -> memref<128x32xf32, #tpu.memory_space<vmem>>
      %dma_wait3A_382 = arith.constant 256 : i32
      %dma_wait3A_383 = tpu.memref_slice %arg13[%dma_wait3A_382] : memref<896xi32, #tpu.memory_space<vmem>> -> memref<128xi32, #tpu.memory_space<vmem>>
      %dma_wait3A_384 = arith.constant 0 : i32
      %dma_wait3A_385 = arith.constant 0 : i32
      %dma_wait3A_386 = tpu.memref_slice %arg8[%dma_wait3A_384, %dma_wait3A_385] : memref<10000x32xf32, #tpu.memory_space<hbm>> -> memref<10000x32xf32, #tpu.memory_space<hbm>>
      tpu.wait_indirect_dma semaphore(%arg19 : memref<!tpu.dma_semaphore, #tpu.memory_space<semaphore_mem>>) src(%dma_wait3A_386 : memref<10000x32xf32, #tpu.memory_space<hbm>>) dst(%dma_wait3A_381 : memref<128x32xf32, #tpu.memory_space<vmem>>)
      %dma_wait3A_387 = arith.constant 384 : i32
      %dma_wait3A_388 = arith.constant 0 : i32
      %dma_wait3A_389 = tpu.memref_slice %arg17[%dma_wait3A_387, %dma_wait3A_388] : memref<896x32xf32, #tpu.memory_space<vmem>> -> memref<128x32xf32, #tpu.memory_space<vmem>>
      %dma_wait3A_390 = arith.constant 384 : i32
      %dma_wait3A_391 = tpu.memref_slice %arg13[%dma_wait3A_390] : memref<896xi32, #tpu.memory_space<vmem>> -> memref<128xi32, #tpu.memory_space<vmem>>
      %dma_wait3A_392 = arith.constant 0 : i32
      %dma_wait3A_393 = arith.constant 0 : i32
      %dma_wait3A_394 = tpu.memref_slice %arg8[%dma_wait3A_392, %dma_wait3A_393] : memref<10000x32xf32, #tpu.memory_space<hbm>> -> memref<10000x32xf32, #tpu.memory_space<hbm>>
      tpu.wait_indirect_dma semaphore(%arg19 : memref<!tpu.dma_semaphore, #tpu.memory_space<semaphore_mem>>) src(%dma_wait3A_394 : memref<10000x32xf32, #tpu.memory_space<hbm>>) dst(%dma_wait3A_389 : memref<128x32xf32, #tpu.memory_space<vmem>>)
      %dma_wait3A_395 = arith.constant 512 : i32
      %dma_wait3A_396 = arith.constant 0 : i32
      %dma_wait3A_397 = tpu.memref_slice %arg17[%dma_wait3A_395, %dma_wait3A_396] : memref<896x32xf32, #tpu.memory_space<vmem>> -> memref<128x32xf32, #tpu.memory_space<vmem>>
      %dma_wait3A_398 = arith.constant 512 : i32
      %dma_wait3A_399 = tpu.memref_slice %arg13[%dma_wait3A_398] : memref<896xi32, #tpu.memory_space<vmem>> -> memref<128xi32, #tpu.memory_space<vmem>>
      %dma_wait3A_400 = arith.constant 0 : i32
      %dma_wait3A_401 = arith.constant 0 : i32
      %dma_wait3A_402 = tpu.memref_slice %arg8[%dma_wait3A_400, %dma_wait3A_401] : memref<10000x32xf32, #tpu.memory_space<hbm>> -> memref<10000x32xf32, #tpu.memory_space<hbm>>
      tpu.wait_indirect_dma semaphore(%arg19 : memref<!tpu.dma_semaphore, #tpu.memory_space<semaphore_mem>>) src(%dma_wait3A_402 : memref<10000x32xf32, #tpu.memory_space<hbm>>) dst(%dma_wait3A_397 : memref<128x32xf32, #tpu.memory_space<vmem>>)
      %dma_wait3A_403 = arith.constant 640 : i32
      %dma_wait3A_404 = arith.constant 0 : i32
      %dma_wait3A_405 = tpu.memref_slice %arg17[%dma_wait3A_403, %dma_wait3A_404] : memref<896x32xf32, #tpu.memory_space<vmem>> -> memref<128x32xf32, #tpu.memory_space<vmem>>
      %dma_wait3A_406 = arith.constant 640 : i32
      %dma_wait3A_407 = tpu.memref_slice %arg13[%dma_wait3A_406] : memref<896xi32, #tpu.memory_space<vmem>> -> memref<128xi32, #tpu.memory_space<vmem>>
      %dma_wait3A_408 = arith.constant 0 : i32
      %dma_wait3A_409 = arith.constant 0 : i32
      %dma_wait3A_410 = tpu.memref_slice %arg8[%dma_wait3A_408, %dma_wait3A_409] : memref<10000x32xf32, #tpu.memory_space<hbm>> -> memref<10000x32xf32, #tpu.memory_space<hbm>>
      tpu.wait_indirect_dma semaphore(%arg19 : memref<!tpu.dma_semaphore, #tpu.memory_space<semaphore_mem>>) src(%dma_wait3A_410 : memref<10000x32xf32, #tpu.memory_space<hbm>>) dst(%dma_wait3A_405 : memref<128x32xf32, #tpu.memory_space<vmem>>)
      %dma_wait3A_411 = arith.constant 768 : i32
      %dma_wait3A_412 = arith.constant 0 : i32
      %dma_wait3A_413 = tpu.memref_slice %arg17[%dma_wait3A_411, %dma_wait3A_412] : memref<896x32xf32, #tpu.memory_space<vmem>> -> memref<128x32xf32, #tpu.memory_space<vmem>>
      %dma_wait3A_414 = arith.constant 768 : i32
      %dma_wait3A_415 = tpu.memref_slice %arg13[%dma_wait3A_414] : memref<896xi32, #tpu.memory_space<vmem>> -> memref<128xi32, #tpu.memory_space<vmem>>
      %dma_wait3A_416 = arith.constant 0 : i32
      %dma_wait3A_417 = arith.constant 0 : i32
      %dma_wait3A_418 = tpu.memref_slice %arg8[%dma_wait3A_416, %dma_wait3A_417] : memref<10000x32xf32, #tpu.memory_space<hbm>> -> memref<10000x32xf32, #tpu.memory_space<hbm>>
      tpu.wait_indirect_dma semaphore(%arg19 : memref<!tpu.dma_semaphore, #tpu.memory_space<semaphore_mem>>) src(%dma_wait3A_418 : memref<10000x32xf32, #tpu.memory_space<hbm>>) dst(%dma_wait3A_413 : memref<128x32xf32, #tpu.memory_space<vmem>>)
      %dma_wait3A_419 = arith.constant 0 : i32
      %dma_wait3A_420 = arith.constant 0 : i32
      %dma_wait3A_421 = tpu.memref_slice %arg18[%dma_wait3A_419, %dma_wait3A_420] : memref<896x32xf32, #tpu.memory_space<vmem>> -> memref<128x32xf32, #tpu.memory_space<vmem>>
      %dma_wait3A_422 = arith.constant 0 : i32
      %dma_wait3A_423 = tpu.memref_slice %arg14[%dma_wait3A_422] : memref<896xi32, #tpu.memory_space<vmem>> -> memref<128xi32, #tpu.memory_space<vmem>>
      %dma_wait3A_424 = arith.constant 0 : i32
      %dma_wait3A_425 = arith.constant 0 : i32
      %dma_wait3A_426 = tpu.memref_slice %arg9[%dma_wait3A_424, %dma_wait3A_425] : memref<100000x32xf32, #tpu.memory_space<hbm>> -> memref<100000x32xf32, #tpu.memory_space<hbm>>
      tpu.wait_indirect_dma semaphore(%arg19 : memref<!tpu.dma_semaphore, #tpu.memory_space<semaphore_mem>>) src(%dma_wait3A_426 : memref<100000x32xf32, #tpu.memory_space<hbm>>) dst(%dma_wait3A_421 : memref<128x32xf32, #tpu.memory_space<vmem>>)
      %dma_wait3A_427 = arith.constant 128 : i32
      %dma_wait3A_428 = arith.constant 0 : i32
      %dma_wait3A_429 = tpu.memref_slice %arg18[%dma_wait3A_427, %dma_wait3A_428] : memref<896x32xf32, #tpu.memory_space<vmem>> -> memref<128x32xf32, #tpu.memory_space<vmem>>
      %dma_wait3A_430 = arith.constant 128 : i32
      %dma_wait3A_431 = tpu.memref_slice %arg14[%dma_wait3A_430] : memref<896xi32, #tpu.memory_space<vmem>> -> memref<128xi32, #tpu.memory_space<vmem>>
      %dma_wait3A_432 = arith.constant 0 : i32
      %dma_wait3A_433 = arith.constant 0 : i32
      %dma_wait3A_434 = tpu.memref_slice %arg9[%dma_wait3A_432, %dma_wait3A_433] : memref<100000x32xf32, #tpu.memory_space<hbm>> -> memref<100000x32xf32, #tpu.memory_space<hbm>>
      tpu.wait_indirect_dma semaphore(%arg19 : memref<!tpu.dma_semaphore, #tpu.memory_space<semaphore_mem>>) src(%dma_wait3A_434 : memref<100000x32xf32, #tpu.memory_space<hbm>>) dst(%dma_wait3A_429 : memref<128x32xf32, #tpu.memory_space<vmem>>)
      %dma_wait3A_435 = arith.constant 256 : i32
      %dma_wait3A_436 = arith.constant 0 : i32
      %dma_wait3A_437 = tpu.memref_slice %arg18[%dma_wait3A_435, %dma_wait3A_436] : memref<896x32xf32, #tpu.memory_space<vmem>> -> memref<128x32xf32, #tpu.memory_space<vmem>>
      %dma_wait3A_438 = arith.constant 256 : i32
      %dma_wait3A_439 = tpu.memref_slice %arg14[%dma_wait3A_438] : memref<896xi32, #tpu.memory_space<vmem>> -> memref<128xi32, #tpu.memory_space<vmem>>
      %dma_wait3A_440 = arith.constant 0 : i32
      %dma_wait3A_441 = arith.constant 0 : i32
      %dma_wait3A_442 = tpu.memref_slice %arg9[%dma_wait3A_440, %dma_wait3A_441] : memref<100000x32xf32, #tpu.memory_space<hbm>> -> memref<100000x32xf32, #tpu.memory_space<hbm>>
      tpu.wait_indirect_dma semaphore(%arg19 : memref<!tpu.dma_semaphore, #tpu.memory_space<semaphore_mem>>) src(%dma_wait3A_442 : memref<100000x32xf32, #tpu.memory_space<hbm>>) dst(%dma_wait3A_437 : memref<128x32xf32, #tpu.memory_space<vmem>>)
      %dma_wait3A_443 = arith.constant 384 : i32
      %dma_wait3A_444 = arith.constant 0 : i32
      %dma_wait3A_445 = tpu.memref_slice %arg18[%dma_wait3A_443, %dma_wait3A_444] : memref<896x32xf32, #tpu.memory_space<vmem>> -> memref<128x32xf32, #tpu.memory_space<vmem>>
      %dma_wait3A_446 = arith.constant 384 : i32
      %dma_wait3A_447 = tpu.memref_slice %arg14[%dma_wait3A_446] : memref<896xi32, #tpu.memory_space<vmem>> -> memref<128xi32, #tpu.memory_space<vmem>>
      %dma_wait3A_448 = arith.constant 0 : i32
      %dma_wait3A_449 = arith.constant 0 : i32
      %dma_wait3A_450 = tpu.memref_slice %arg9[%dma_wait3A_448, %dma_wait3A_449] : memref<100000x32xf32, #tpu.memory_space<hbm>> -> memref<100000x32xf32, #tpu.memory_space<hbm>>
      tpu.wait_indirect_dma semaphore(%arg19 : memref<!tpu.dma_semaphore, #tpu.memory_space<semaphore_mem>>) src(%dma_wait3A_450 : memref<100000x32xf32, #tpu.memory_space<hbm>>) dst(%dma_wait3A_445 : memref<128x32xf32, #tpu.memory_space<vmem>>)
      %dma_wait3A_451 = arith.constant 512 : i32
      %dma_wait3A_452 = arith.constant 0 : i32
      %dma_wait3A_453 = tpu.memref_slice %arg18[%dma_wait3A_451, %dma_wait3A_452] : memref<896x32xf32, #tpu.memory_space<vmem>> -> memref<128x32xf32, #tpu.memory_space<vmem>>
      %dma_wait3A_454 = arith.constant 512 : i32
      %dma_wait3A_455 = tpu.memref_slice %arg14[%dma_wait3A_454] : memref<896xi32, #tpu.memory_space<vmem>> -> memref<128xi32, #tpu.memory_space<vmem>>
      %dma_wait3A_456 = arith.constant 0 : i32
      %dma_wait3A_457 = arith.constant 0 : i32
      %dma_wait3A_458 = tpu.memref_slice %arg9[%dma_wait3A_456, %dma_wait3A_457] : memref<100000x32xf32, #tpu.memory_space<hbm>> -> memref<100000x32xf32, #tpu.memory_space<hbm>>
      tpu.wait_indirect_dma semaphore(%arg19 : memref<!tpu.dma_semaphore, #tpu.memory_space<semaphore_mem>>) src(%dma_wait3A_458 : memref<100000x32xf32, #tpu.memory_space<hbm>>) dst(%dma_wait3A_453 : memref<128x32xf32, #tpu.memory_space<vmem>>)
      %dma_wait3A_459 = arith.constant 640 : i32
      %dma_wait3A_460 = arith.constant 0 : i32
      %dma_wait3A_461 = tpu.memref_slice %arg18[%dma_wait3A_459, %dma_wait3A_460] : memref<896x32xf32, #tpu.memory_space<vmem>> -> memref<128x32xf32, #tpu.memory_space<vmem>>
      %dma_wait3A_462 = arith.constant 640 : i32
      %dma_wait3A_463 = tpu.memref_slice %arg14[%dma_wait3A_462] : memref<896xi32, #tpu.memory_space<vmem>> -> memref<128xi32, #tpu.memory_space<vmem>>
      %dma_wait3A_464 = arith.constant 0 : i32
      %dma_wait3A_465 = arith.constant 0 : i32
      %dma_wait3A_466 = tpu.memref_slice %arg9[%dma_wait3A_464, %dma_wait3A_465] : memref<100000x32xf32, #tpu.memory_space<hbm>> -> memref<100000x32xf32, #tpu.memory_space<hbm>>
      tpu.wait_indirect_dma semaphore(%arg19 : memref<!tpu.dma_semaphore, #tpu.memory_space<semaphore_mem>>) src(%dma_wait3A_466 : memref<100000x32xf32, #tpu.memory_space<hbm>>) dst(%dma_wait3A_461 : memref<128x32xf32, #tpu.memory_space<vmem>>)
      %dma_wait3A_467 = arith.constant 768 : i32
      %dma_wait3A_468 = arith.constant 0 : i32
      %dma_wait3A_469 = tpu.memref_slice %arg18[%dma_wait3A_467, %dma_wait3A_468] : memref<896x32xf32, #tpu.memory_space<vmem>> -> memref<128x32xf32, #tpu.memory_space<vmem>>
      %dma_wait3A_470 = arith.constant 768 : i32
      %dma_wait3A_471 = tpu.memref_slice %arg14[%dma_wait3A_470] : memref<896xi32, #tpu.memory_space<vmem>> -> memref<128xi32, #tpu.memory_space<vmem>>
      %dma_wait3A_472 = arith.constant 0 : i32
      %dma_wait3A_473 = arith.constant 0 : i32
      %dma_wait3A_474 = tpu.memref_slice %arg9[%dma_wait3A_472, %dma_wait3A_473] : memref<100000x32xf32, #tpu.memory_space<hbm>> -> memref<100000x32xf32, #tpu.memory_space<hbm>>
      tpu.wait_indirect_dma semaphore(%arg19 : memref<!tpu.dma_semaphore, #tpu.memory_space<semaphore_mem>>) src(%dma_wait3A_474 : memref<100000x32xf32, #tpu.memory_space<hbm>>) dst(%dma_wait3A_469 : memref<128x32xf32, #tpu.memory_space<vmem>>)
      "tpu.region"() ({
        %run_scoped3A = tpu.sem_alloc : memref<!tpu.dma_semaphore, #tpu.memory_space<semaphore_mem>>
        %dma_start3A_475 = arith.constant 0 : i32
        %dma_start3A_476 = tpu.memref_slice %arg10[%multiple_of3A, %dma_start3A_475] : memref<100000x128xf32, #tpu.memory_space<hbm>> -> memref<896x32xf32, #tpu.memory_space<hbm>>
        %dma_start3A_477 = arith.constant 0 : i32
        %dma_start3A_478 = tpu.memref_slice %arg10[%multiple_of3A, %dma_start3A_477] : memref<100000x128xf32, #tpu.memory_space<hbm>> -> memref<896x32xf32, #tpu.memory_space<hbm>>
        tpu.enqueue_dma source(%arg15 : memref<896x32xf32, #tpu.memory_space<vmem>>) target(%dma_start3A_478 : memref<896x32xf32, #tpu.memory_space<hbm>>) target_semaphore(%run_scoped3A : memref<!tpu.dma_semaphore, #tpu.memory_space<semaphore_mem>>)
        %dma_wait3A_479 = arith.constant 0 : i32
        %dma_wait3A_480 = tpu.memref_slice %arg10[%multiple_of3A, %dma_wait3A_479] : memref<100000x128xf32, #tpu.memory_space<hbm>> -> memref<896x32xf32, #tpu.memory_space<hbm>>
        %dma_wait3A_481 = arith.constant 0 : i32
        %dma_wait3A_482 = tpu.memref_slice %arg10[%multiple_of3A, %dma_wait3A_481] : memref<100000x128xf32, #tpu.memory_space<hbm>> -> memref<896x32xf32, #tpu.memory_space<hbm>>
        tpu.wait_dma2 semaphore(%run_scoped3A : memref<!tpu.dma_semaphore, #tpu.memory_space<semaphore_mem>>) src(%arg15 : memref<896x32xf32, #tpu.memory_space<vmem>>) dst(%dma_wait3A_482 : memref<896x32xf32, #tpu.memory_space<hbm>>)
        tpu.yield
      }) : () -> ()
      "tpu.region"() ({
        %run_scoped3A = tpu.sem_alloc : memref<!tpu.dma_semaphore, #tpu.memory_space<semaphore_mem>>
        %dma_start3A_475 = arith.constant 32 : i32
        %dma_start3A_476 = tpu.memref_slice %arg10[%multiple_of3A, %dma_start3A_475] : memref<100000x128xf32, #tpu.memory_space<hbm>> -> memref<896x32xf32, #tpu.memory_space<hbm>>
        %dma_start3A_477 = arith.constant 32 : i32
        %dma_start3A_478 = tpu.memref_slice %arg10[%multiple_of3A, %dma_start3A_477] : memref<100000x128xf32, #tpu.memory_space<hbm>> -> memref<896x32xf32, #tpu.memory_space<hbm>>
        tpu.enqueue_dma source(%arg16 : memref<896x32xf32, #tpu.memory_space<vmem>>) target(%dma_start3A_478 : memref<896x32xf32, #tpu.memory_space<hbm>>) target_semaphore(%run_scoped3A : memref<!tpu.dma_semaphore, #tpu.memory_space<semaphore_mem>>)
        %dma_wait3A_479 = arith.constant 32 : i32
        %dma_wait3A_480 = tpu.memref_slice %arg10[%multiple_of3A, %dma_wait3A_479] : memref<100000x128xf32, #tpu.memory_space<hbm>> -> memref<896x32xf32, #tpu.memory_space<hbm>>
        %dma_wait3A_481 = arith.constant 32 : i32
        %dma_wait3A_482 = tpu.memref_slice %arg10[%multiple_of3A, %dma_wait3A_481] : memref<100000x128xf32, #tpu.memory_space<hbm>> -> memref<896x32xf32, #tpu.memory_space<hbm>>
        tpu.wait_dma2 semaphore(%run_scoped3A : memref<!tpu.dma_semaphore, #tpu.memory_space<semaphore_mem>>) src(%arg16 : memref<896x32xf32, #tpu.memory_space<vmem>>) dst(%dma_wait3A_482 : memref<896x32xf32, #tpu.memory_space<hbm>>)
        tpu.yield
      }) : () -> ()
      "tpu.region"() ({
        %run_scoped3A = tpu.sem_alloc : memref<!tpu.dma_semaphore, #tpu.memory_space<semaphore_mem>>
        %dma_start3A_475 = arith.constant 64 : i32
        %dma_start3A_476 = tpu.memref_slice %arg10[%multiple_of3A, %dma_start3A_475] : memref<100000x128xf32, #tpu.memory_space<hbm>> -> memref<896x32xf32, #tpu.memory_space<hbm>>
        %dma_start3A_477 = arith.constant 64 : i32
        %dma_start3A_478 = tpu.memref_slice %arg10[%multiple_of3A, %dma_start3A_477] : memref<100000x128xf32, #tpu.memory_space<hbm>> -> memref<896x32xf32, #tpu.memory_space<hbm>>
        tpu.enqueue_dma source(%arg17 : memref<896x32xf32, #tpu.memory_space<vmem>>) target(%dma_start3A_478 : memref<896x32xf32, #tpu.memory_space<hbm>>) target_semaphore(%run_scoped3A : memref<!tpu.dma_semaphore, #tpu.memory_space<semaphore_mem>>)
        %dma_wait3A_479 = arith.constant 64 : i32
        %dma_wait3A_480 = tpu.memref_slice %arg10[%multiple_of3A, %dma_wait3A_479] : memref<100000x128xf32, #tpu.memory_space<hbm>> -> memref<896x32xf32, #tpu.memory_space<hbm>>
        %dma_wait3A_481 = arith.constant 64 : i32
        %dma_wait3A_482 = tpu.memref_slice %arg10[%multiple_of3A, %dma_wait3A_481] : memref<100000x128xf32, #tpu.memory_space<hbm>> -> memref<896x32xf32, #tpu.memory_space<hbm>>
        tpu.wait_dma2 semaphore(%run_scoped3A : memref<!tpu.dma_semaphore, #tpu.memory_space<semaphore_mem>>) src(%arg17 : memref<896x32xf32, #tpu.memory_space<vmem>>) dst(%dma_wait3A_482 : memref<896x32xf32, #tpu.memory_space<hbm>>)
        tpu.yield
      }) : () -> ()
      "tpu.region"() ({
        %run_scoped3A = tpu.sem_alloc : memref<!tpu.dma_semaphore, #tpu.memory_space<semaphore_mem>>
        %dma_start3A_475 = arith.constant 96 : i32
        %dma_start3A_476 = tpu.memref_slice %arg10[%multiple_of3A, %dma_start3A_475] : memref<100000x128xf32, #tpu.memory_space<hbm>> -> memref<896x32xf32, #tpu.memory_space<hbm>>
        %dma_start3A_477 = arith.constant 96 : i32
        %dma_start3A_478 = tpu.memref_slice %arg10[%multiple_of3A, %dma_start3A_477] : memref<100000x128xf32, #tpu.memory_space<hbm>> -> memref<896x32xf32, #tpu.memory_space<hbm>>
        tpu.enqueue_dma source(%arg18 : memref<896x32xf32, #tpu.memory_space<vmem>>) target(%dma_start3A_478 : memref<896x32xf32, #tpu.memory_space<hbm>>) target_semaphore(%run_scoped3A : memref<!tpu.dma_semaphore, #tpu.memory_space<semaphore_mem>>)
        %dma_wait3A_479 = arith.constant 96 : i32
        %dma_wait3A_480 = tpu.memref_slice %arg10[%multiple_of3A, %dma_wait3A_479] : memref<100000x128xf32, #tpu.memory_space<hbm>> -> memref<896x32xf32, #tpu.memory_space<hbm>>
        %dma_wait3A_481 = arith.constant 96 : i32
        %dma_wait3A_482 = tpu.memref_slice %arg10[%multiple_of3A, %dma_wait3A_481] : memref<100000x128xf32, #tpu.memory_space<hbm>> -> memref<896x32xf32, #tpu.memory_space<hbm>>
        tpu.wait_dma2 semaphore(%run_scoped3A : memref<!tpu.dma_semaphore, #tpu.memory_space<semaphore_mem>>) src(%arg18 : memref<896x32xf32, #tpu.memory_space<vmem>>) dst(%dma_wait3A_482 : memref<896x32xf32, #tpu.memory_space<hbm>>)
        tpu.yield
      }) : () -> ()
    } else {
    }
    return
  }
}

</mosaic_0001>

<sc_bundles>
// kernel: kernel.3.cloned.1.call-start
scs
__scs_entry_jumppad:
0x0: {  	(pc) =	sbr.rel $0x88, $3  }
0x1: {  	(tag) =	ssettag $0x0;
	lr =	simm.s32 $0x1  }
0x2: {  	[smem:$0x3F9C] =	sst lr;
	_ =	strace $0xD0000000  }
0x3: {  	_ = 	snop  }
0x4: {  	_ = 	snop  }
0x5: {  	_ = 	snop  }
0x6: {  	_ = 	snop  }
0x7: {  	_ = 	snop  }
__scs_overlays_trampoline_lowered:
0x8: {  	[smem:$0x3FAB] =	sst s0  }
0x9: {  	[smem:$0x3FAC] =	sst s1  }
0xa: {  	[smem:$0x3FAD] =	sst s2  }
0xb: {  	[smem:$0x3FAE] =	sst s3  }
0xc: {  	[smem:$0x3FAF] =	sst s4  }
0xd: {  	[smem:$0x3FB0] =	sst s5  }
0xe: {  	[smem:$0x3FB1] =	sst s6  }
0xf: {  	[smem:$0x3FB2] =	sst s7  }
0x10: {  	[smem:$0x3FB3] =	sst s8  }
0x11: {  	[smem:$0x3FB4] =	sst s9;
	s0 =	simm.s32 @!p0 $0x0  }
0x12: {  	s1 =	sld [smem:$0x3F9A];
	s0 =	simm.s32 @p0 $0x1  }
0x13: {  	[smem:$0x3FB5] =	sst s0;
	s0 =	simm.s32 @!p1 $0x0  }
0x14: {  	s2 =	sld [smem:$0x3F99];
	s0 =	simm.s32 @p1 $0x1  }
0x15: {  	[smem:$0x3FB6] =	sst s0;
	s0 =	simm.s32 @!p2 $0x0  }
0x16: {  	s3 =	sld [smem:$0x3FDB];
	s0 =	simm.s32 @p2 $0x1  }
0x17: {  	s4 =	simm.s32 $0x1BF5;
	[smem:$0x3FB8] =	sst s0  }
0x18: {  	s0 =	sld [smem:$0x3F9B];
	_ =	swait.ge [sflag:s4], $0x0  }
0x19: {  	s7 =	sld [smem:$0x3F9C]  }
0x1a: {  	s8 =	sadd.s32 $0xFFFFE003, lr  }
0x1b: {  	s9 =	sadd.s32 $0xFFFFFEF7, lr;
	s5 =	simm.s32 $0xFFFFFFFF;
	p2 =	slt.u32 s8, $0xFFFFF086  }
0x1c: {  	p1 =	slt.u32 s9, $0xF7A;
	s5 =	simm.s32 @!p2 $0x0  }
0x1d: {  	s5 =	simm.s32 @p1 $0x1;
	p0 =	seq.s32 s7, s2  }
0x1e: {  	s7 =	smul.u32 @!p0 $0xF7A, s2;
	p2 =	seq.s32 @!p0 s5, $0x0  }
0x1f: {  	s9 =	smul.u32 $0xF7A, s1;
	s8 =	simm.s32 @!p0 $0x1BF5;
	p2 =	por !p2, p0  }
0x20: {  	[sflag:s8] =	ssyncset.s32 @!p0 $0xFFFFF086;
	s6 =	sadd.s32 @!p0 s3, s7;
	s7 =	simm.s32 @!p0 $0x108  }
0x21: {  	s3 =	sadd.s32 s3, s9;
	s6 =	sadd.s32 @!p0 $0x88, s6;
	s7 =	simm.s32 @p2 $0x1082  }
0x22: {  	[simem:s7], [sflag:s8] =	dma.local @!p0 [hbm:s6], $0xF7A  }
0x23: {  	s9 =	sor.u32 $0xD0000000, s2;
	s6 =	simm.s32 $0x108;
	_ =	swait.ge @!p0 [sflag:s8], $0x0  }
0x24: {  	s3 =	sadd.s32 $0x88, s3;
	s6 =	simm.s32 @!p1 $0x1082;
	[sflag:s4] =	ssyncset.s32 $0xFFFFF086  }
0x25: {  	[simem:s6], [sflag:s4] =	dma.local [hbm:s3], $0xF7A  }
0x26: {  	[smem:$0x3F9C] =	sst s1;
	(tag) =	ssettag s2;
	_ =	strace s9  }
0x27: {  	s1 =	sld [smem:$0x3FAC]  }
0x28: {  	s2 =	sld [smem:$0x3FAD]  }
0x29: {  	s4 =	sld [smem:$0x3FAF]  }
0x2a: {  	p0 =	seq.s32 s5, $0x0;
	s5 =	sld [smem:$0x3FB0]  }
0x2b: {  	s6 =	sld [smem:$0x3FB1]  }
0x2c: {  	s7 =	sld [smem:$0x3FB2]  }
0x2d: {  	s3 =	simm.s32 $0x108;
	s8 =	sld [smem:$0x3FB3]  }
0x2e: {  	s3 =	simm.s32 @!p0 $0x1082;
	s9 =	sld [smem:$0x3FB4]  }
0x2f: {  	lr =	sadd.s32 s0, s3;
	s0 =	sld [smem:$0x3FAB]  }
0x30: {  	s3 =	sld [smem:$0x3FAE]  }
0x31: {  	[smem:$0x3FB7] =	sst s10  }
0x32: {  	s10 =	sld [smem:$0x3FB5];
	_ =	sdelay $0x3  }
0x33: {  	p0 =	seq.s32 s10, $0x1;
	s10 =	sld [smem:$0x3FB7];
	_ =	sdelay $0x3  }
0x34: {  	[smem:$0x3FB7] =	sst s10  }
0x35: {  	s10 =	sld [smem:$0x3FB6];
	_ =	sdelay $0x3  }
0x36: {  	p1 =	seq.s32 s10, $0x1;
	s10 =	sld [smem:$0x3FB7];
	_ =	sdelay $0x3  }
0x37: {  	[smem:$0x3FB7] =	sst s10  }
0x38: {  	s10 =	sld [smem:$0x3FB8]  }
0x39: {  	_ = 	snop;
	(pc) =	sbr.ind lr, $3  }
0x3a: {  	_ = 	snop  }
0x3b: {  	_ = 	snop  }
0x3c: {  	p2 =	seq.s32 s10, $0x1;
	s10 =	sld [smem:$0x3FB7]  }
0x3d: {  	_ =	shalt  }
0x3e: {  	_ =	shalt  }
0x3f: {  	_ =	shalt  }
0x40: {  	_ =	shalt  }
0x41: {  	_ =	shalt  }
0x42: {  	_ =	shalt  }
0x43: {  	_ =	shalt  }
0x44: {  	_ =	shalt  }
0x45: {  	_ =	shalt  }
0x46: {  	_ =	shalt  }
0x47: {  	_ =	shalt  }
0x48: {  	_ =	shalt  }
0x49: {  	_ =	shalt  }
0x4a: {  	_ =	shalt  }
0x4b: {  	_ =	shalt  }
0x4c: {  	_ =	shalt  }
0x4d: {  	_ =	shalt  }
0x4e: {  	_ =	shalt  }
0x4f: {  	_ =	shalt  }
0x50: {  	_ =	shalt  }
0x51: {  	_ =	shalt  }
0x52: {  	_ =	shalt  }
0x53: {  	_ =	shalt  }
0x54: {  	_ =	shalt  }
0x55: {  	_ =	shalt  }
0x56: {  	_ =	shalt  }
0x57: {  	_ =	shalt  }
0x58: {  	_ =	shalt  }
0x59: {  	_ =	shalt  }
0x5a: {  	_ =	shalt  }
0x5b: {  	_ =	shalt  }
0x5c: {  	_ =	shalt  }
0x5d: {  	_ =	shalt  }
0x5e: {  	_ =	shalt  }
0x5f: {  	_ =	shalt  }
0x60: {  	_ =	shalt  }
0x61: {  	_ =	shalt  }
0x62: {  	_ =	shalt  }
0x63: {  	_ =	shalt  }
0x64: {  	_ =	shalt  }
0x65: {  	_ =	shalt  }
0x66: {  	_ =	shalt  }
0x67: {  	_ =	shalt  }
0x68: {  	_ =	shalt  }
0x69: {  	_ =	shalt  }
0x6a: {  	_ =	shalt  }
0x6b: {  	_ =	shalt  }
0x6c: {  	_ =	shalt  }
0x6d: {  	_ =	shalt  }
0x6e: {  	_ =	shalt  }
0x6f: {  	_ =	shalt  }
0x70: {  	_ =	shalt  }
0x71: {  	_ =	shalt  }
0x72: {  	_ =	shalt  }
0x73: {  	_ =	shalt  }
0x74: {  	_ =	shalt  }
0x75: {  	_ =	shalt  }
0x76: {  	_ =	shalt  }
0x77: {  	_ =	shalt  }
0x78: {  	_ =	shalt  }
0x79: {  	_ =	shalt  }
0x7a: {  	_ =	shalt  }
0x7b: {  	_ =	shalt  }
0x7c: {  	_ =	shalt  }
0x7d: {  	_ =	shalt  }
0x7e: {  	_ =	shalt  }
0x7f: {  	_ =	shalt  }
0x80: {  	_ =	shalt  }
0x81: {  	_ =	shalt  }
0x82: {  	_ =	shalt  }
0x83: {  	_ =	shalt  }
0x84: {  	_ =	shalt  }
0x85: {  	_ =	shalt  }
0x86: {  	_ =	shalt  }
0x87: {  	_ =	shalt  }
.Lfunc_end0:
.L_simem_size_0:
called_computation_lowered:
.L_overlay_start_0:
0x88: {  	s2 =	sld [smem:$0x3FD9]  }
0x89: {  	s3 =	sld [smem:$0x3FFE];
	_ =	sdelay $0x1  }
0x8a: {  	s1 =	srdreg.scid  }
0x8b: {  	s0 =	sand.u32 $0x1, s1  }
0x8c: {  	s17 =	sshll.u32 s0, $0xA;
	s2 =	sadd.s32 s3, s2  }
0x8d: {  	s2 =	sadd.s32 s2, s17  }
0x8e: {  	[smem:$0x3FC3] =	sst s2  }
0x8f: {  	_ = 	snop  }
0x90: {  	s2 =	sld [smem:$0x3FD0];
	(tm) =	ssettm $0x1  }
0x91: {  	s18 =	sld [smem:$0x3FFB];
	_ =	sdelay $0x3  }
0x92: {  	_ =	strace s18  }
0x93: {  	s3 =	sld [smem:$0x3FFC];
	_ =	sdelay $0x3  }
0x94: {  	_ =	strace s3  }
0x95: {  	s3 =	sld [smem:$0x3FFD];
	_ =	sdelay $0x3  }
0x96: {  	_ =	strace s3  }
0x97: {  	_ =	strace $0x8FFFFFFF  }
0x98: {  	s19 =	sld [smem:$0x3FDB];
	_ =	sdelay $0x1  }
0x99: {  	s4 =	simm.s32 $_scs_section_size  }
0x9a: {  	s5 =	simm.s32 $_size__tile_overlayer_lowered;
	s6 =	simm.s32 $_tile_overlayer_lowered  }
0x9b: {  	s22 =	simm.s32 $0x1BFF;
	s21 =	sshll.u32 s6, $0x1;
	s3 =	sadd.s32 s4, s19  }
0x9c: {  	s7 =	simm.s32 $0x0;
	s20 =	sshll.u32 s5, $0x1;
	s5 =	sadd.s32 s21, s3  }
0x9d: {  	[timem:s7], [sflag:s22] =	dma.local [hbm:s5], s20  }
0x9e: {  	_ =	swait.ge [sflag:s22], s20  }
0x9f: {  	s4 =	ssub.s32 $0x0, s20;
	[sflag:s22] =	ssyncset.done $0x0  }
0xa0: {  	[sflag:s22] =	ssyncadd.s32 s4;
	_ =	sdelay $0x1  }
0xa1: {  	s23 =	simm.s32 $0x1B8B  }
0xa2: {  	_ =	swait.ge [sflag:s23], $0x1  }
0xa3: {  	[sflag:s23] =	ssyncset.done $0x0  }
0xa4: {  	s25 =	simm.s32 $0x1B8E;
	s24 =	sld [smem:$0x3FFE];
	[sflag:s23] =	ssyncadd.s32 $0xFFFFFFFF  }
0xa5: {  	s26 =	simm.s32 $execute0_lowered;
	[smem:$0x3FD2] =	sst s25  }
0xa6: {  	s5 =	sshll.u32 s26, $0x1;
	_ =	strace $0x80000046;
	[dreg:$0x1] =	wrdreg $0xFFFFFFFF  }
0xa7: {  	s28 =	simm.s32 $_size_execute0_lowered;
	s3 =	sadd.s32 s3, s5;
	[dreg:$0x0] =	wrdreg $0x0  }
0xa8: {  	s5 =	sshll.u32 s28, $0x1;
	[dreg:$0x2] =	wrdreg s3  }
0xa9: {  	[dreg:$0x3] =	wrdreg s5  }
0xaa: {  	[dreg:$0x4] =	wrdreg $0xC0  }
0xab: {  	_ =	task [dreg:s7], $0x5FFFF  }
0xac: {  	[dreg:$0x1] =	wrdreg $0xFFFFFFFF  }
0xad: {  	[dreg:$0x0] =	wrdreg $0x60  }
0xae: {  	[dreg:$0x2] =	wrdreg s24  }
0xaf: {  	[dreg:$0x3] =	wrdreg s2  }
0xb0: {  	[dreg:$0x4] =	wrdreg $0x9  }
0xb1: {  	_ =	task.clear_ibuf [dreg:s7], $0x5FFFF;
	_ =	strace $0x90000046  }
0xb2: {  	s29 =	simm.s32 $0x9;
	_ =	strace $0x80000048  }
0xb3: {  	_ =	swait.ge [sflag:s29], $0x1  }
0xb4: {  	[sflag:s29] =	ssyncadd.s32 $0xFFFFFFFF  }
0xb5: {  	_ =	strace $0x90000048  }
0xb6: {  	_ =	sfence  }
0xb7: {  	s30 =	sld [smem:$0x0];
	_ =	sdelay $0x2  }
0xb8: {  	s31 =	sshll.u32 s1, $0xD;
	s1 =	sshrl.u32 s1, $0x2  }
0xb9: {  	s3 =	sand.u32 $0x4000, s31;
	s1 =	sadd.s32 s1, s30  }
0xba: {  	s0 =	sor.u32 s3, s0;
	s1 =	sshll.u32 s1, $0x11  }
0xbb: {  	s0 =	sor.u32 s1, s0  }
0xbc: {  	s0 =	sadd.s32 $0x8F2B, s0  }
0xbd: {  	[sflag:s0] =	ssyncadd.remote.s32 $0x1  }
0xbe: {  	_ =	sfence.sel $0xFFFF  }
0xbf: {  	[dreg:$0x0] =	wrdreg $0xFFFFFFFF;
	(pc) =	sbr.abs _section_cstart, $3  }
0xc0: {  	[dreg:$0x1] =	wrdreg $0xFFFFFFFF  }
0xc1: {  	_ =	task.clear_ibuf [dreg:s7], $0x2FFFF;
	_ =	strace $0x9FFFFFFF  }
0xc2: {  	(tm) =	ssettm $0x7FFFFFFF  }
0xc3: {  	_ =	shalt  }
tec
execute0_lowered:
.L_overlay_start_1:
0x0: {  	(tag) =	ssettag $0x1  }
0x1: {  	s3 =	srdreg.scid;
	s14 =	stileid.u32  }
0x2: {  	s3 =	sand.u32 $0x1, s3;
	s4 =	sshll.u32 s14, $0x1  }
0x3: {  	s1 =	rddreg [dreg:$0x0];
	s4 =	sor.u32 s3, s4  }
0x4: {  	s0 =	rddreg [dreg:$0x1];
	s2 =	simm.s32 $0x0;
	s6 =	smul.u32 $0x380, s4  }
0x5: {  	[smem:$0x7FF] =	sst s2;
	s5 =	sadd.s32 $0xA800, s1;
	s4 =	smul.u32 $0x3800, s4  }
0x6: {  	s7 =	sadd.s32 $0x7600, s1;
	s8 =	sadd.s32 $0x4400, s1;
	s10 =	sadd.s32 $0x1200, s1  }
0x7: {  	s3 =	ssub.s32 $0x2, s3;
	s31 =	sshrl.u32 s6, $0x3;
	s26 =	sadd.s32 s0, s4  }
0x8: {  	s9 =	sshrl.u32 s3, $0x1;
	s11 =	sadd.s32 s5, s31;
	[dreg:$0x13] =	wrdreg s26  }
0x9: {  	s3 =	ssub.s32 s3, s9;
	s13 =	sadd.s32 s7, s31;
	[dreg:$0x3] =	wrdreg s11  }
0xa: {  	s19 =	sadd.s32 $0xE000, s6;
	s12 =	sadd.s32 s8, s31;
	[dreg:$0x4] =	wrdreg s13  }
0xb: {  	s9 =	sadd.s32 s10, s31;
	s20 =	sshrl.u32 s19, $0x3;
	[dreg:$0x5] =	wrdreg s12  }
0xc: {  	s31 =	sadd.s32 $0x8, s0;
	[dreg:$0x6] =	wrdreg s9;
	s13 =	sadd.s32 s5, s20  }
0xd: {  	s11 =	sadd.s32 $0x7000, s6;
	s21 =	sadd.s32 s7, s20;
	[dreg:$0xb] =	wrdreg s13  }
0xe: {  	s15 =	sshrl.u32 s11, $0x3;
	[dreg:$0xc] =	wrdreg s21;
	s13 =	sadd.s32 s4, s31  }
0xf: {  	s16 =	sadd.s32 s5, s15;
	[dreg:$0x15] =	wrdreg s13  }
0x10: {  	s17 =	sadd.s32 s7, s15;
	[dreg:$0x7] =	wrdreg s16  }
0x11: {  	s18 =	sadd.s32 s8, s15;
	[dreg:$0x8] =	wrdreg s17  }
0x12: {  	s6 =	smin.u32 s6, $0x3320;
	s9 =	sadd.s32 s10, s15;
	[dreg:$0x9] =	wrdreg s18  }
0x13: {  	s6 =	sadd.s32 $0x15000, s6;
	s15 =	sadd.s32 s8, s20;
	[dreg:$0xa] =	wrdreg s9  }
0x14: {  	s22 =	sshrl.u32 s6, $0x3;
	[dreg:$0xd] =	wrdreg s15;
	s9 =	sadd.s32 s10, s20  }
0x15: {  	s5 =	sadd.s32 s5, s22;
	[dreg:$0xe] =	wrdreg s9  }
0x16: {  	s23 =	sadd.s32 s7, s22;
	[dreg:$0xf] =	wrdreg s5  }
0x17: {  	s24 =	sadd.s32 s8, s22;
	[dreg:$0x10] =	wrdreg s23  }
0x18: {  	s29 =	sadd.s32 $0x4, s0;
	s25 =	sadd.s32 s10, s22;
	[dreg:$0x11] =	wrdreg s24  }
0x19: {  	s10 =	sadd.s32 s4, s29;
	s15 =	sadd.s32 $0xC, s0;
	[dreg:$0x12] =	wrdreg s25  }
0x1a: {  	s16 =	sshll.u32 s11, $0x4;
	[dreg:$0x14] =	wrdreg s10;
	s4 =	sadd.s32 s4, s15  }
0x1b: {  	s18 =	sadd.s32 s0, s16;
	[dreg:$0x16] =	wrdreg s4  }
0x1c: {  	s17 =	sshll.u32 s19, $0x4;
	s19 =	sadd.s32 s16, s29;
	[dreg:$0x17] =	wrdreg s18  }
0x1d: {  	s20 =	sadd.s32 s16, s31;
	[dreg:$0x18] =	wrdreg s19  }
0x1e: {  	s28 =	simm.s32 $0x1;
	s21 =	sadd.s32 s0, s17;
	[dreg:$0x19] =	wrdreg s20  }
0x1f: {  	s30 =	simm.s32 $0x20;
	s22 =	sadd.s32 s17, s29;
	[dreg:$0x1b] =	wrdreg s21  }
0x20: {  	p0 =	sgt.u32 s14, $0x7;
	s23 =	sadd.s32 s17, s31;
	[dreg:$0x1c] =	wrdreg s22  }
0x21: {  	s13 =	simm.s32 $0x7E00;
	s24 =	sadd.s32 s17, s15;
	[dreg:$0x1d] =	wrdreg s23  }
0x22: {  	s25 =	sshll.u32 s6, $0x4;
	s4 =	sadd.s32 s16, s15;
	[dreg:$0x1e] =	wrdreg s24  }
0x23: {  	s17 =	simm.s32 $0x2;
	s0 =	sadd.s32 s0, s25;
	[dreg:$0x1a] =	wrdreg s4  }
.Ltmp0:
0x24: {  	s26 =	sadd.s32 s25, s29;
	[dreg:$0x1f] =	wrdreg s0;
	(pc) =	sbr.rel .LBB2_1-.Ltmp0, $4  }
0x25: {  	s6 =	simm.s32 $0x80;
	s29 =	sadd.s32 s25, s31;
	[smem:$0x7FB] =	sst s26  }
0x26: {  	s31 =	sadd.s32 s25, s15;
	s18 =	smax.u32 s3, $0x1;
	[smem:$0x7FC] =	sst s29  }
0x27: {  	s15 =	sadd.s32 $0xDA00, s1;
	s16 =	sadd.s32 $0x17800, s1;
	[smem:$0x7FD] =	sst s31  }
0x28: {  	s23 =	simm.s32 $0xE00;
	s0 =	sadd.s32 $0x200, s1;
	_ =	strace $0x80000047  }
.LBB2_3:
0x29: {  	s18 =	sadd.s32 $0xFFFFFFFF, s18  }
0x2a: {  	p1 =	sne.s32 s18, $0x0  }
.Ltmp1:
0x2b: {  	_ = 	snop;
	(pc) =	sbr.rel @!p1 .LBB2_4-.Ltmp1, $1  }
0x2c: {  	_ =	sdelay $0x3  }
.LBB2_1:
0x2d: {  	s31 =	rddreg [dreg:$0x3]  }
0x2e: {  	[tilespmem:s2], [sflag:$0x2] =	stream.linear.gather [hbm4b:s31+s2], $0x380, $0x38;
	[tilespmem:$0x1CE00] =	vst v63  }
0x2f: {  	_ =	swait.ge [sflag:s17], $0x380  }
0x30: {  	[sflag:s17] =	ssyncset.done $0x0  }
0x31: {  	s4 =	simm.s32 $0x380;
	s5 =	rddreg [dreg:$0x4];
	[sflag:s17] =	ssyncadd.s32 $0xFFFFFC80  }
0x32: {  	[tilespmem:s4], [sflag:$0x2] =	stream.linear.gather [hbm4b:s5+s2], $0x380, $0x38;
	[tilespmem:$0x1CE00] =	vst v63  }
0x33: {  	_ =	swait.ge [sflag:s17], $0x380  }
0x34: {  	[sflag:s17] =	ssyncset.done $0x0  }
0x35: {  	s5 =	simm.s32 $0x700;
	s7 =	rddreg [dreg:$0x5];
	[sflag:s17] =	ssyncadd.s32 $0xFFFFFC80  }
0x36: {  	[tilespmem:s5], [sflag:$0x2] =	stream.linear.gather [hbm4b:s7+s2], $0x380, $0x38;
	[tilespmem:$0x1CE00] =	vst v63  }
0x37: {  	_ =	swait.ge [sflag:s17], $0x380  }
0x38: {  	[sflag:s17] =	ssyncset.done $0x0  }
0x39: {  	s7 =	simm.s32 $0xA80;
	s8 =	rddreg [dreg:$0x6];
	[sflag:s17] =	ssyncadd.s32 $0xFFFFFC80  }
0x3a: {  	[tilespmem:s7], [sflag:$0x2] =	stream.linear.gather [hbm4b:s8+s2], $0x380, $0x38;
	[tilespmem:$0x1CE00] =	vst v63  }
0x3b: {  	_ =	swait.ge [sflag:s17], $0x380  }
0x3c: {  	[sflag:s17] =	ssyncset.done $0x0  }
0x3d: {  	[sflag:s17] =	ssyncadd.s32 $0xFFFFFC80  }
0x3e: {  	[tilespmem:s23], [sflag:$0x1] =	stream.indirect.gather [hbm4b:s1+s6], $0x20, s2, s6, $0xb8;
	[tilespmem:$0x1CE00] =	vst v63  }
0x3f: {  	s3 =	simm.s32 $0x1E00  }
0x40: {  	[tilespmem:s3], [sflag:$0x1] =	stream.indirect.gather [hbm4b:s1+s6], $0x20, s6, s6, $0xb8;
	[tilespmem:$0x1CE00] =	vst v63  }
0x41: {  	s9 =	simm.s32 $0x100;
	s8 =	simm.s32 $0x2E00  }
0x42: {  	[tilespmem:s8], [sflag:$0x1] =	stream.indirect.gather [hbm4b:s1+s6], $0x20, s9, s6, $0xb8;
	[tilespmem:$0x1CE00] =	vst v63  }
0x43: {  	s10 =	simm.s32 $0x180;
	s11 =	simm.s32 $0x3E00  }
0x44: {  	[tilespmem:s11], [sflag:$0x1] =	stream.indirect.gather [hbm4b:s1+s6], $0x20, s10, s6, $0xb8;
	[tilespmem:$0x1CE00] =	vst v63  }
0x45: {  	s12 =	simm.s32 $0x200;
	s14 =	simm.s32 $0x4E00  }
0x46: {  	[tilespmem:s14], [sflag:$0x1] =	stream.indirect.gather [hbm4b:s1+s6], $0x20, s12, s6, $0xb8;
	[tilespmem:$0x1CE00] =	vst v63  }
0x47: {  	s19 =	simm.s32 $0x280;
	s20 =	simm.s32 $0x5E00  }
0x48: {  	[tilespmem:s20], [sflag:$0x1] =	stream.indirect.gather [hbm4b:s1+s6], $0x20, s19, s6, $0xb8;
	[tilespmem:$0x1CE00] =	vst v63  }
0x49: {  	s21 =	simm.s32 $0x300;
	s26 =	simm.s32 $0x6E00  }
0x4a: {  	[tilespmem:s26], [sflag:$0x1] =	stream.indirect.gather [hbm4b:s1+s6], $0x20, s21, s6, $0xb8;
	[tilespmem:$0x1CE00] =	vst v63  }
0x4b: {  	_ = 	snop  }
0x4c: {  	[tilespmem:s13], [sflag:$0x1] =	stream.indirect.gather [hbm4b:s0+s6], $0x20, s4, s6, $0xb8;
	[tilespmem:$0x1CE00] =	vst v63  }
0x4d: {  	s22 =	simm.s32 $0x400;
	s24 =	simm.s32 $0x8E00  }
0x4e: {  	[tilespmem:s24], [sflag:$0x1] =	stream.indirect.gather [hbm4b:s0+s6], $0x20, s22, s6, $0xb8;
	[tilespmem:$0x1CE00] =	vst v63  }
0x4f: {  	s25 =	simm.s32 $0x480;
	s31 =	simm.s32 $0x9E00  }
0x50: {  	[tilespmem:s31], [sflag:$0x1] =	stream.indirect.gather [hbm4b:s0+s6], $0x20, s25, s6, $0xb8;
	[tilespmem:$0x1CE00] =	vst v63  }
0x51: {  	s9 =	simm.s32 $0x500;
	s10 =	simm.s32 $0xAE00  }
0x52: {  	[tilespmem:s10], [sflag:$0x1] =	stream.indirect.gather [hbm4b:s0+s6], $0x20, s9, s6, $0xb8;
	[tilespmem:$0x1CE00] =	vst v63  }
0x53: {  	s11 =	simm.s32 $0x580;
	s12 =	simm.s32 $0xBE00  }
0x54: {  	[tilespmem:s12], [sflag:$0x1] =	stream.indirect.gather [hbm4b:s0+s6], $0x20, s11, s6, $0xb8;
	[tilespmem:$0x1CE00] =	vst v63  }
0x55: {  	s14 =	simm.s32 $0x600;
	s19 =	simm.s32 $0xCE00  }
0x56: {  	[tilespmem:s19], [sflag:$0x1] =	stream.indirect.gather [hbm4b:s0+s6], $0x20, s14, s6, $0xb8;
	[tilespmem:$0x1CE00] =	vst v63  }
0x57: {  	s20 =	simm.s32 $0x680;
	s21 =	simm.s32 $0xDE00  }
0x58: {  	[tilespmem:s21], [sflag:$0x1] =	stream.indirect.gather [hbm4b:s0+s6], $0x20, s20, s6, $0xb8;
	[tilespmem:$0x1CE00] =	vst v63  }
0x59: {  	s8 =	simm.s32 $0xEE00  }
0x5a: {  	[tilespmem:s8], [sflag:$0x1] =	stream.indirect.gather [hbm4b:s15+s6], $0x20, s5, s6, $0xb8;
	[tilespmem:$0x1CE00] =	vst v63  }
0x5b: {  	s22 =	simm.s32 $0x780;
	s9 =	simm.s32 $0xFE00  }
0x5c: {  	[tilespmem:s9], [sflag:$0x1] =	stream.indirect.gather [hbm4b:s15+s6], $0x20, s22, s6, $0xb8;
	[tilespmem:$0x1CE00] =	vst v63  }
0x5d: {  	s24 =	simm.s32 $0x800;
	s25 =	simm.s32 $0x10E00  }
0x5e: {  	[tilespmem:s25], [sflag:$0x1] =	stream.indirect.gather [hbm4b:s15+s6], $0x20, s24, s6, $0xb8;
	[tilespmem:$0x1CE00] =	vst v63  }
0x5f: {  	s29 =	simm.s32 $0x11E00;
	s31 =	simm.s32 $0x880  }
0x60: {  	[tilespmem:s29], [sflag:$0x1] =	stream.indirect.gather [hbm4b:s15+s6], $0x20, s31, s6, $0xb8;
	[tilespmem:$0x1CE00] =	vst v63  }
0x61: {  	s10 =	simm.s32 $0x12E00;
	s9 =	simm.s32 $0x900  }
0x62: {  	[tilespmem:s10], [sflag:$0x1] =	stream.indirect.gather [hbm4b:s15+s6], $0x20, s9, s6, $0xb8;
	[tilespmem:$0x1CE00] =	vst v63  }
0x63: {  	s11 =	simm.s32 $0x980;
	s12 =	simm.s32 $0x13E00  }
0x64: {  	[tilespmem:s12], [sflag:$0x1] =	stream.indirect.gather [hbm4b:s15+s6], $0x20, s11, s6, $0xb8;
	[tilespmem:$0x1CE00] =	vst v63  }
0x65: {  	s14 =	simm.s32 $0xA00;
	s19 =	simm.s32 $0x14E00  }
0x66: {  	[tilespmem:s19], [sflag:$0x1] =	stream.indirect.gather [hbm4b:s15+s6], $0x20, s14, s6, $0xb8;
	[tilespmem:$0x1CE00] =	vst v63  }
0x67: {  	s3 =	simm.s32 $0x15E00  }
0x68: {  	[tilespmem:s3], [sflag:$0x1] =	stream.indirect.gather [hbm4b:s16+s6], $0x20, s7, s6, $0xb8;
	[tilespmem:$0x1CE00] =	vst v63  }
0x69: {  	s22 =	simm.s32 $0xB00;
	s24 =	simm.s32 $0x16E00  }
0x6a: {  	[tilespmem:s24], [sflag:$0x1] =	stream.indirect.gather [hbm4b:s16+s6], $0x20, s22, s6, $0xb8;
	[tilespmem:$0x1CE00] =	vst v63  }
0x6b: {  	s10 =	simm.s32 $0xB80;
	s11 =	simm.s32 $0x17E00  }
0x6c: {  	[tilespmem:s11], [sflag:$0x1] =	stream.indirect.gather [hbm4b:s16+s6], $0x20, s10, s6, $0xb8;
	[tilespmem:$0x1CE00] =	vst v63  }
0x6d: {  	s12 =	simm.s32 $0xC00;
	s19 =	simm.s32 $0x18E00  }
0x6e: {  	[tilespmem:s19], [sflag:$0x1] =	stream.indirect.gather [hbm4b:s16+s6], $0x20, s12, s6, $0xb8;
	[tilespmem:$0x1CE00] =	vst v63  }
0x6f: {  	s22 =	simm.s32 $0xC80;
	s24 =	simm.s32 $0x19E00  }
0x70: {  	[tilespmem:s24], [sflag:$0x1] =	stream.indirect.gather [hbm4b:s16+s6], $0x20, s22, s6, $0xb8;
	[tilespmem:$0x1CE00] =	vst v63  }
0x71: {  	s9 =	simm.s32 $0xD00;
	s10 =	simm.s32 $0x1AE00  }
0x72: {  	[tilespmem:s10], [sflag:$0x1] =	stream.indirect.gather [hbm4b:s16+s6], $0x20, s9, s6, $0xb8;
	[tilespmem:$0x1CE00] =	vst v63  }
0x73: {  	s19 =	simm.s32 $0xD80;
	s22 =	simm.s32 $0x1BE00  }
0x74: {  	[tilespmem:s22], [sflag:$0x1] =	stream.indirect.gather [hbm4b:s16+s6], $0x20, s19, s6, $0xb8;
	[tilespmem:$0x1CE00] =	vst v63  }
0x75: {  	_ =	swait.ge [sflag:s28], $0x1000  }
0x76: {  	[sflag:s28] =	ssyncset.done $0x0  }
0x77: {  	[sflag:s28] =	ssyncadd.s32 $0xFFFFF000  }
0x78: {  	_ =	swait.ge [sflag:s28], $0x1000  }
0x79: {  	[sflag:s28] =	ssyncset.done $0x0  }
0x7a: {  	[sflag:s28] =	ssyncadd.s32 $0xFFFFF000  }
0x7b: {  	_ =	swait.ge [sflag:s28], $0x1000  }
0x7c: {  	[sflag:s28] =	ssyncset.done $0x0  }
0x7d: {  	[sflag:s28] =	ssyncadd.s32 $0xFFFFF000  }
0x7e: {  	_ =	swait.ge [sflag:s28], $0x1000  }
0x7f: {  	[sflag:s28] =	ssyncset.done $0x0  }
0x80: {  	[sflag:s28] =	ssyncadd.s32 $0xFFFFF000  }
0x81: {  	_ =	swait.ge [sflag:s28], $0x1000  }
0x82: {  	[sflag:s28] =	ssyncset.done $0x0  }
0x83: {  	[sflag:s28] =	ssyncadd.s32 $0xFFFFF000  }
0x84: {  	_ =	swait.ge [sflag:s28], $0x1000  }
0x85: {  	[sflag:s28] =	ssyncset.done $0x0  }
0x86: {  	[sflag:s28] =	ssyncadd.s32 $0xFFFFF000  }
0x87: {  	_ =	swait.ge [sflag:s28], $0x1000  }
0x88: {  	[sflag:s28] =	ssyncset.done $0x0  }
0x89: {  	[sflag:s28] =	ssyncadd.s32 $0xFFFFF000  }
0x8a: {  	_ =	swait.ge [sflag:s28], $0x1000  }
0x8b: {  	[sflag:s28] =	ssyncset.done $0x0  }
0x8c: {  	[sflag:s28] =	ssyncadd.s32 $0xFFFFF000  }
0x8d: {  	_ =	swait.ge [sflag:s28], $0x1000  }
0x8e: {  	[sflag:s28] =	ssyncset.done $0x0  }
0x8f: {  	[sflag:s28] =	ssyncadd.s32 $0xFFFFF000  }
0x90: {  	_ =	swait.ge [sflag:s28], $0x1000  }
0x91: {  	[sflag:s28] =	ssyncset.done $0x0  }
0x92: {  	[sflag:s28] =	ssyncadd.s32 $0xFFFFF000  }
0x93: {  	_ =	swait.ge [sflag:s28], $0x1000  }
0x94: {  	[sflag:s28] =	ssyncset.done $0x0  }
0x95: {  	[sflag:s28] =	ssyncadd.s32 $0xFFFFF000  }
0x96: {  	_ =	swait.ge [sflag:s28], $0x1000  }
0x97: {  	[sflag:s28] =	ssyncset.done $0x0  }
0x98: {  	[sflag:s28] =	ssyncadd.s32 $0xFFFFF000  }
0x99: {  	_ =	swait.ge [sflag:s28], $0x1000  }
0x9a: {  	[sflag:s28] =	ssyncset.done $0x0  }
0x9b: {  	[sflag:s28] =	ssyncadd.s32 $0xFFFFF000  }
0x9c: {  	_ =	swait.ge [sflag:s28], $0x1000  }
0x9d: {  	[sflag:s28] =	ssyncset.done $0x0  }
0x9e: {  	[sflag:s28] =	ssyncadd.s32 $0xFFFFF000  }
0x9f: {  	_ =	swait.ge [sflag:s28], $0x1000  }
0xa0: {  	[sflag:s28] =	ssyncset.done $0x0  }
0xa1: {  	[sflag:s28] =	ssyncadd.s32 $0xFFFFF000  }
0xa2: {  	_ =	swait.ge [sflag:s28], $0x1000  }
0xa3: {  	[sflag:s28] =	ssyncset.done $0x0  }
0xa4: {  	[sflag:s28] =	ssyncadd.s32 $0xFFFFF000  }
0xa5: {  	_ =	swait.ge [sflag:s28], $0x1000  }
0xa6: {  	[sflag:s28] =	ssyncset.done $0x0  }
0xa7: {  	[sflag:s28] =	ssyncadd.s32 $0xFFFFF000  }
0xa8: {  	_ =	swait.ge [sflag:s28], $0x1000  }
0xa9: {  	[sflag:s28] =	ssyncset.done $0x0  }
0xaa: {  	[sflag:s28] =	ssyncadd.s32 $0xFFFFF000  }
0xab: {  	_ =	swait.ge [sflag:s28], $0x1000  }
0xac: {  	[sflag:s28] =	ssyncset.done $0x0  }
0xad: {  	[sflag:s28] =	ssyncadd.s32 $0xFFFFF000  }
0xae: {  	_ =	swait.ge [sflag:s28], $0x1000  }
0xaf: {  	[sflag:s28] =	ssyncset.done $0x0  }
0xb0: {  	[sflag:s28] =	ssyncadd.s32 $0xFFFFF000  }
0xb1: {  	_ =	swait.ge [sflag:s28], $0x1000  }
0xb2: {  	[sflag:s28] =	ssyncset.done $0x0  }
0xb3: {  	[sflag:s28] =	ssyncadd.s32 $0xFFFFF000  }
0xb4: {  	_ =	swait.ge [sflag:s28], $0x1000  }
0xb5: {  	[sflag:s28] =	ssyncset.done $0x0  }
0xb6: {  	[sflag:s28] =	ssyncadd.s32 $0xFFFFF000  }
0xb7: {  	_ =	swait.ge [sflag:s28], $0x1000  }
0xb8: {  	[sflag:s28] =	ssyncset.done $0x0  }
0xb9: {  	[sflag:s28] =	ssyncadd.s32 $0xFFFFF000  }
0xba: {  	_ =	swait.ge [sflag:s28], $0x1000  }
0xbb: {  	[sflag:s28] =	ssyncset.done $0x0  }
0xbc: {  	[sflag:s28] =	ssyncadd.s32 $0xFFFFF000  }
0xbd: {  	_ =	swait.ge [sflag:s28], $0x1000  }
0xbe: {  	[sflag:s28] =	ssyncset.done $0x0  }
0xbf: {  	[sflag:s28] =	ssyncadd.s32 $0xFFFFF000  }
0xc0: {  	_ =	swait.ge [sflag:s28], $0x1000  }
0xc1: {  	[sflag:s28] =	ssyncset.done $0x0  }
0xc2: {  	[sflag:s28] =	ssyncadd.s32 $0xFFFFF000  }
0xc3: {  	_ =	swait.ge [sflag:s28], $0x1000  }
0xc4: {  	[sflag:s28] =	ssyncset.done $0x0  }
0xc5: {  	[sflag:s28] =	ssyncadd.s32 $0xFFFFF000  }
0xc6: {  	_ =	swait.ge [sflag:s28], $0x1000  }
0xc7: {  	[sflag:s28] =	ssyncset.done $0x0  }
0xc8: {  	s19 =	rddreg [dreg:$0x13];
	[sflag:s28] =	ssyncadd.s32 $0xFFFFF000  }
0xc9: {  	[hbm4b:s19+s30] =	stream.strided.scatter [tilespmem:s23], [sflag:$0x2], $0x7000, s6, s30, $0x38;
	[tilespmem:$0x1CE00] =	vst v63  }
0xca: {  	_ =	swait.ge [sflag:s17], $0x7000  }
0xcb: {  	[sflag:s17] =	ssyncset.done $0x0  }
0xcc: {  	s19 =	rddreg [dreg:$0x14];
	[sflag:s17] =	ssyncadd.s32 $0xFFFF9000  }
0xcd: {  	[hbm4b:s19+s30] =	stream.strided.scatter [tilespmem:s13], [sflag:$0x2], $0x7000, s6, s30, $0x38;
	[tilespmem:$0x1CE00] =	vst v63  }
0xce: {  	_ =	swait.ge [sflag:s17], $0x7000  }
0xcf: {  	[sflag:s17] =	ssyncset.done $0x0  }
0xd0: {  	s19 =	rddreg [dreg:$0x15];
	[sflag:s17] =	ssyncadd.s32 $0xFFFF9000  }
0xd1: {  	[hbm4b:s19+s30] =	stream.strided.scatter [tilespmem:s8], [sflag:$0x2], $0x7000, s6, s30, $0x38;
	[tilespmem:$0x1CE00] =	vst v63  }
0xd2: {  	_ =	swait.ge [sflag:s17], $0x7000  }
0xd3: {  	[sflag:s17] =	ssyncset.done $0x0  }
0xd4: {  	s19 =	rddreg [dreg:$0x16];
	[sflag:s17] =	ssyncadd.s32 $0xFFFF9000  }
0xd5: {  	[hbm4b:s19+s30] =	stream.strided.scatter [tilespmem:s3], [sflag:$0x2], $0x7000, s6, s30, $0x38;
	[tilespmem:$0x1CE00] =	vst v63  }
0xd6: {  	_ =	swait.ge [sflag:s17], $0x7000  }
0xd7: {  	[sflag:s17] =	ssyncset.done $0x0  }
0xd8: {  	s19 =	rddreg [dreg:$0x7];
	[sflag:s17] =	ssyncadd.s32 $0xFFFF9000  }
0xd9: {  	[tilespmem:s2], [sflag:$0x2] =	stream.linear.gather [hbm4b:s19+s2], $0x380, $0x38;
	[tilespmem:$0x1CE00] =	vst v63  }
0xda: {  	_ =	swait.ge [sflag:s17], $0x380  }
0xdb: {  	[sflag:s17] =	ssyncset.done $0x0  }
0xdc: {  	s19 =	rddreg [dreg:$0x8];
	[sflag:s17] =	ssyncadd.s32 $0xFFFFFC80  }
0xdd: {  	[tilespmem:s4], [sflag:$0x2] =	stream.linear.gather [hbm4b:s19+s2], $0x380, $0x38;
	[tilespmem:$0x1CE00] =	vst v63  }
0xde: {  	_ =	swait.ge [sflag:s17], $0x380  }
0xdf: {  	[sflag:s17] =	ssyncset.done $0x0  }
0xe0: {  	s19 =	rddreg [dreg:$0x9];
	[sflag:s17] =	ssyncadd.s32 $0xFFFFFC80  }
0xe1: {  	[tilespmem:s5], [sflag:$0x2] =	stream.linear.gather [hbm4b:s19+s2], $0x380, $0x38;
	[tilespmem:$0x1CE00] =	vst v63  }
0xe2: {  	_ =	swait.ge [sflag:s17], $0x380  }
0xe3: {  	[sflag:s17] =	ssyncset.done $0x0  }
0xe4: {  	s19 =	rddreg [dreg:$0xa];
	[sflag:s17] =	ssyncadd.s32 $0xFFFFFC80  }
0xe5: {  	[tilespmem:s7], [sflag:$0x2] =	stream.linear.gather [hbm4b:s19+s2], $0x380, $0x38;
	[tilespmem:$0x1CE00] =	vst v63  }
0xe6: {  	_ =	swait.ge [sflag:s17], $0x380  }
0xe7: {  	[sflag:s17] =	ssyncset.done $0x0  }
0xe8: {  	[sflag:s17] =	ssyncadd.s32 $0xFFFFFC80  }
0xe9: {  	[tilespmem:s23], [sflag:$0x1] =	stream.indirect.gather [hbm4b:s1+s6], $0x20, s2, s6, $0xb8;
	[tilespmem:$0x1CE00] =	vst v63  }
0xea: {  	s19 =	simm.s32 $0x1E00  }
0xeb: {  	[tilespmem:s19], [sflag:$0x1] =	stream.indirect.gather [hbm4b:s1+s6], $0x20, s6, s6, $0xb8;
	[tilespmem:$0x1CE00] =	vst v63  }
0xec: {  	s31 =	simm.s32 $0x100;
	s19 =	simm.s32 $0x2E00  }
0xed: {  	[tilespmem:s19], [sflag:$0x1] =	stream.indirect.gather [hbm4b:s1+s6], $0x20, s31, s6, $0xb8;
	[tilespmem:$0x1CE00] =	vst v63  }
0xee: {  	s31 =	simm.s32 $0x180;
	s19 =	simm.s32 $0x3E00  }
0xef: {  	[tilespmem:s19], [sflag:$0x1] =	stream.indirect.gather [hbm4b:s1+s6], $0x20, s31, s6, $0xb8;
	[tilespmem:$0x1CE00] =	vst v63  }
0xf0: {  	s31 =	simm.s32 $0x200;
	s19 =	simm.s32 $0x4E00  }
0xf1: {  	[tilespmem:s19], [sflag:$0x1] =	stream.indirect.gather [hbm4b:s1+s6], $0x20, s31, s6, $0xb8;
	[tilespmem:$0x1CE00] =	vst v63  }
0xf2: {  	s31 =	simm.s32 $0x280;
	s19 =	simm.s32 $0x5E00  }
0xf3: {  	[tilespmem:s19], [sflag:$0x1] =	stream.indirect.gather [hbm4b:s1+s6], $0x20, s31, s6, $0xb8;
	[tilespmem:$0x1CE00] =	vst v63  }
0xf4: {  	s19 =	simm.s32 $0x300  }
0xf5: {  	[tilespmem:s26], [sflag:$0x1] =	stream.indirect.gather [hbm4b:s1+s6], $0x20, s19, s6, $0xb8;
	[tilespmem:$0x1CE00] =	vst v63  }
0xf6: {  	_ = 	snop  }
0xf7: {  	[tilespmem:s13], [sflag:$0x1] =	stream.indirect.gather [hbm4b:s0+s6], $0x20, s4, s6, $0xb8;
	[tilespmem:$0x1CE00] =	vst v63  }
0xf8: {  	s31 =	simm.s32 $0x400;
	s19 =	simm.s32 $0x8E00  }
0xf9: {  	[tilespmem:s19], [sflag:$0x1] =	stream.indirect.gather [hbm4b:s0+s6], $0x20, s31, s6, $0xb8;
	[tilespmem:$0x1CE00] =	vst v63  }
0xfa: {  	s31 =	simm.s32 $0x480;
	s19 =	simm.s32 $0x9E00  }
0xfb: {  	[tilespmem:s19], [sflag:$0x1] =	stream.indirect.gather [hbm4b:s0+s6], $0x20, s31, s6, $0xb8;
	[tilespmem:$0x1CE00] =	vst v63  }
0xfc: {  	s31 =	simm.s32 $0x500;
	s19 =	simm.s32 $0xAE00  }
0xfd: {  	[tilespmem:s19], [sflag:$0x1] =	stream.indirect.gather [hbm4b:s0+s6], $0x20, s31, s6, $0xb8;
	[tilespmem:$0x1CE00] =	vst v63  }
0xfe: {  	s31 =	simm.s32 $0x580;
	s19 =	simm.s32 $0xBE00  }
0xff: {  	[tilespmem:s19], [sflag:$0x1] =	stream.indirect.gather [hbm4b:s0+s6], $0x20, s31, s6, $0xb8;
	[tilespmem:$0x1CE00] =	vst v63  }
0x100: {  	s31 =	simm.s32 $0x600;
	s19 =	simm.s32 $0xCE00  }
0x101: {  	[tilespmem:s19], [sflag:$0x1] =	stream.indirect.gather [hbm4b:s0+s6], $0x20, s31, s6, $0xb8;
	[tilespmem:$0x1CE00] =	vst v63  }
0x102: {  	s21 =	simm.s32 $0xDE00;
	s19 =	simm.s32 $0x680  }
0x103: {  	[tilespmem:s21], [sflag:$0x1] =	stream.indirect.gather [hbm4b:s0+s6], $0x20, s19, s6, $0xb8;
	[tilespmem:$0x1CE00] =	vst v63  }
0x104: {  	_ = 	snop  }
0x105: {  	[tilespmem:s8], [sflag:$0x1] =	stream.indirect.gather [hbm4b:s15+s6], $0x20, s5, s6, $0xb8;
	[tilespmem:$0x1CE00] =	vst v63  }
0x106: {  	s20 =	simm.s32 $0xFE00;
	s21 =	simm.s32 $0x780  }
0x107: {  	[tilespmem:s20], [sflag:$0x1] =	stream.indirect.gather [hbm4b:s15+s6], $0x20, s21, s6, $0xb8;
	[tilespmem:$0x1CE00] =	vst v63  }
0x108: {  	s19 =	simm.s32 $0x800  }
0x109: {  	[tilespmem:s25], [sflag:$0x1] =	stream.indirect.gather [hbm4b:s15+s6], $0x20, s19, s6, $0xb8;
	[tilespmem:$0x1CE00] =	vst v63  }
0x10a: {  	s20 =	simm.s32 $0x880  }
0x10b: {  	[tilespmem:s29], [sflag:$0x1] =	stream.indirect.gather [hbm4b:s15+s6], $0x20, s20, s6, $0xb8;
	[tilespmem:$0x1CE00] =	vst v63  }
0x10c: {  	s21 =	simm.s32 $0x900;
	s19 =	simm.s32 $0x12E00  }
0x10d: {  	[tilespmem:s19], [sflag:$0x1] =	stream.indirect.gather [hbm4b:s15+s6], $0x20, s21, s6, $0xb8;
	[tilespmem:$0x1CE00] =	vst v63  }
0x10e: {  	s20 =	simm.s32 $0x980;
	s21 =	simm.s32 $0x13E00  }
0x10f: {  	[tilespmem:s21], [sflag:$0x1] =	stream.indirect.gather [hbm4b:s15+s6], $0x20, s20, s6, $0xb8;
	[tilespmem:$0x1CE00] =	vst v63  }
0x110: {  	s21 =	simm.s32 $0xA00;
	s20 =	simm.s32 $0x14E00  }
0x111: {  	[tilespmem:s20], [sflag:$0x1] =	stream.indirect.gather [hbm4b:s15+s6], $0x20, s21, s6, $0xb8;
	[tilespmem:$0x1CE00] =	vst v63  }
0x112: {  	_ = 	snop  }
0x113: {  	[tilespmem:s3], [sflag:$0x1] =	stream.indirect.gather [hbm4b:s16+s6], $0x20, s7, s6, $0xb8;
	[tilespmem:$0x1CE00] =	vst v63  }
0x114: {  	s31 =	simm.s32 $0xB00;
	s21 =	simm.s32 $0x16E00  }
0x115: {  	[tilespmem:s21], [sflag:$0x1] =	stream.indirect.gather [hbm4b:s16+s6], $0x20, s31, s6, $0xb8;
	[tilespmem:$0x1CE00] =	vst v63  }
0x116: {  	s14 =	simm.s32 $0xB80;
	s21 =	simm.s32 $0x17E00  }
0x117: {  	[tilespmem:s21], [sflag:$0x1] =	stream.indirect.gather [hbm4b:s16+s6], $0x20, s14, s6, $0xb8;
	[tilespmem:$0x1CE00] =	vst v63  }
0x118: {  	s12 =	simm.s32 $0xC00;
	s14 =	simm.s32 $0x18E00  }
0x119: {  	[tilespmem:s14], [sflag:$0x1] =	stream.indirect.gather [hbm4b:s16+s6], $0x20, s12, s6, $0xb8;
	[tilespmem:$0x1CE00] =	vst v63  }
0x11a: {  	s11 =	simm.s32 $0xC80;
	s24 =	simm.s32 $0x19E00  }
0x11b: {  	[tilespmem:s24], [sflag:$0x1] =	stream.indirect.gather [hbm4b:s16+s6], $0x20, s11, s6, $0xb8;
	[tilespmem:$0x1CE00] =	vst v63  }
0x11c: {  	s10 =	simm.s32 $0xD00;
	s12 =	simm.s32 $0x1AE00  }
0x11d: {  	[tilespmem:s12], [sflag:$0x1] =	stream.indirect.gather [hbm4b:s16+s6], $0x20, s10, s6, $0xb8;
	[tilespmem:$0x1CE00] =	vst v63  }
0x11e: {  	s9 =	simm.s32 $0xD80;
	s22 =	simm.s32 $0x1BE00  }
0x11f: {  	[tilespmem:s22], [sflag:$0x1] =	stream.indirect.gather [hbm4b:s16+s6], $0x20, s9, s6, $0xb8;
	[tilespmem:$0x1CE00] =	vst v63  }
0x120: {  	_ =	swait.ge [sflag:s28], $0x1000  }
0x121: {  	[sflag:s28] =	ssyncset.done $0x0  }
0x122: {  	[sflag:s28] =	ssyncadd.s32 $0xFFFFF000  }
0x123: {  	_ =	swait.ge [sflag:s28], $0x1000  }
0x124: {  	[sflag:s28] =	ssyncset.done $0x0  }
0x125: {  	[sflag:s28] =	ssyncadd.s32 $0xFFFFF000  }
0x126: {  	_ =	swait.ge [sflag:s28], $0x1000  }
0x127: {  	[sflag:s28] =	ssyncset.done $0x0  }
0x128: {  	[sflag:s28] =	ssyncadd.s32 $0xFFFFF000  }
0x129: {  	_ =	swait.ge [sflag:s28], $0x1000  }
0x12a: {  	[sflag:s28] =	ssyncset.done $0x0  }
0x12b: {  	[sflag:s28] =	ssyncadd.s32 $0xFFFFF000  }
0x12c: {  	_ =	swait.ge [sflag:s28], $0x1000  }
0x12d: {  	[sflag:s28] =	ssyncset.done $0x0  }
0x12e: {  	[sflag:s28] =	ssyncadd.s32 $0xFFFFF000  }
0x12f: {  	_ =	swait.ge [sflag:s28], $0x1000  }
0x130: {  	[sflag:s28] =	ssyncset.done $0x0  }
0x131: {  	[sflag:s28] =	ssyncadd.s32 $0xFFFFF000  }
0x132: {  	_ =	swait.ge [sflag:s28], $0x1000  }
0x133: {  	[sflag:s28] =	ssyncset.done $0x0  }
0x134: {  	[sflag:s28] =	ssyncadd.s32 $0xFFFFF000  }
0x135: {  	_ =	swait.ge [sflag:s28], $0x1000  }
0x136: {  	[sflag:s28] =	ssyncset.done $0x0  }
0x137: {  	[sflag:s28] =	ssyncadd.s32 $0xFFFFF000  }
0x138: {  	_ =	swait.ge [sflag:s28], $0x1000  }
0x139: {  	[sflag:s28] =	ssyncset.done $0x0  }
0x13a: {  	[sflag:s28] =	ssyncadd.s32 $0xFFFFF000  }
0x13b: {  	_ =	swait.ge [sflag:s28], $0x1000  }
0x13c: {  	[sflag:s28] =	ssyncset.done $0x0  }
0x13d: {  	[sflag:s28] =	ssyncadd.s32 $0xFFFFF000  }
0x13e: {  	_ =	swait.ge [sflag:s28], $0x1000  }
0x13f: {  	[sflag:s28] =	ssyncset.done $0x0  }
0x140: {  	[sflag:s28] =	ssyncadd.s32 $0xFFFFF000  }
0x141: {  	_ =	swait.ge [sflag:s28], $0x1000  }
0x142: {  	[sflag:s28] =	ssyncset.done $0x0  }
0x143: {  	[sflag:s28] =	ssyncadd.s32 $0xFFFFF000  }
0x144: {  	_ =	swait.ge [sflag:s28], $0x1000  }
0x145: {  	[sflag:s28] =	ssyncset.done $0x0  }
0x146: {  	[sflag:s28] =	ssyncadd.s32 $0xFFFFF000  }
0x147: {  	_ =	swait.ge [sflag:s28], $0x1000  }
0x148: {  	[sflag:s28] =	ssyncset.done $0x0  }
0x149: {  	[sflag:s28] =	ssyncadd.s32 $0xFFFFF000  }
0x14a: {  	_ =	swait.ge [sflag:s28], $0x1000  }
0x14b: {  	[sflag:s28] =	ssyncset.done $0x0  }
0x14c: {  	[sflag:s28] =	ssyncadd.s32 $0xFFFFF000  }
0x14d: {  	_ =	swait.ge [sflag:s28], $0x1000  }
0x14e: {  	[sflag:s28] =	ssyncset.done $0x0  }
0x14f: {  	[sflag:s28] =	ssyncadd.s32 $0xFFFFF000  }
0x150: {  	_ =	swait.ge [sflag:s28], $0x1000  }
0x151: {  	[sflag:s28] =	ssyncset.done $0x0  }
0x152: {  	[sflag:s28] =	ssyncadd.s32 $0xFFFFF000  }
0x153: {  	_ =	swait.ge [sflag:s28], $0x1000  }
0x154: {  	[sflag:s28] =	ssyncset.done $0x0  }
0x155: {  	[sflag:s28] =	ssyncadd.s32 $0xFFFFF000  }
0x156: {  	_ =	swait.ge [sflag:s28], $0x1000  }
0x157: {  	[sflag:s28] =	ssyncset.done $0x0  }
0x158: {  	[sflag:s28] =	ssyncadd.s32 $0xFFFFF000  }
0x159: {  	_ =	swait.ge [sflag:s28], $0x1000  }
0x15a: {  	[sflag:s28] =	ssyncset.done $0x0  }
0x15b: {  	[sflag:s28] =	ssyncadd.s32 $0xFFFFF000  }
0x15c: {  	_ =	swait.ge [sflag:s28], $0x1000  }
0x15d: {  	[sflag:s28] =	ssyncset.done $0x0  }
0x15e: {  	[sflag:s28] =	ssyncadd.s32 $0xFFFFF000  }
0x15f: {  	_ =	swait.ge [sflag:s28], $0x1000  }
0x160: {  	[sflag:s28] =	ssyncset.done $0x0  }
0x161: {  	[sflag:s28] =	ssyncadd.s32 $0xFFFFF000  }
0x162: {  	_ =	swait.ge [sflag:s28], $0x1000  }
0x163: {  	[sflag:s28] =	ssyncset.done $0x0  }
0x164: {  	[sflag:s28] =	ssyncadd.s32 $0xFFFFF000  }
0x165: {  	_ =	swait.ge [sflag:s28], $0x1000  }
0x166: {  	[sflag:s28] =	ssyncset.done $0x0  }
0x167: {  	[sflag:s28] =	ssyncadd.s32 $0xFFFFF000  }
0x168: {  	_ =	swait.ge [sflag:s28], $0x1000  }
0x169: {  	[sflag:s28] =	ssyncset.done $0x0  }
0x16a: {  	[sflag:s28] =	ssyncadd.s32 $0xFFFFF000  }
0x16b: {  	_ =	swait.ge [sflag:s28], $0x1000  }
0x16c: {  	[sflag:s28] =	ssyncset.done $0x0  }
0x16d: {  	[sflag:s28] =	ssyncadd.s32 $0xFFFFF000  }
0x16e: {  	_ =	swait.ge [sflag:s28], $0x1000  }
0x16f: {  	[sflag:s28] =	ssyncset.done $0x0  }
0x170: {  	[sflag:s28] =	ssyncadd.s32 $0xFFFFF000  }
0x171: {  	_ =	swait.ge [sflag:s28], $0x1000  }
0x172: {  	[sflag:s28] =	ssyncset.done $0x0  }
0x173: {  	s24 =	rddreg [dreg:$0x17];
	[sflag:s28] =	ssyncadd.s32 $0xFFFFF000  }
0x174: {  	[hbm4b:s24+s30] =	stream.strided.scatter [tilespmem:s23], [sflag:$0x2], $0x7000, s6, s30, $0x38;
	[tilespmem:$0x1CE00] =	vst v63  }
0x175: {  	_ =	swait.ge [sflag:s17], $0x7000  }
0x176: {  	[sflag:s17] =	ssyncset.done $0x0  }
0x177: {  	s24 =	rddreg [dreg:$0x18];
	[sflag:s17] =	ssyncadd.s32 $0xFFFF9000  }
0x178: {  	[hbm4b:s24+s30] =	stream.strided.scatter [tilespmem:s13], [sflag:$0x2], $0x7000, s6, s30, $0x38;
	[tilespmem:$0x1CE00] =	vst v63  }
0x179: {  	_ =	swait.ge [sflag:s17], $0x7000  }
0x17a: {  	[sflag:s17] =	ssyncset.done $0x0  }
0x17b: {  	s24 =	rddreg [dreg:$0x19];
	[sflag:s17] =	ssyncadd.s32 $0xFFFF9000  }
0x17c: {  	[hbm4b:s24+s30] =	stream.strided.scatter [tilespmem:s8], [sflag:$0x2], $0x7000, s6, s30, $0x38;
	[tilespmem:$0x1CE00] =	vst v63  }
0x17d: {  	_ =	swait.ge [sflag:s17], $0x7000  }
0x17e: {  	[sflag:s17] =	ssyncset.done $0x0  }
0x17f: {  	s24 =	rddreg [dreg:$0x1a];
	[sflag:s17] =	ssyncadd.s32 $0xFFFF9000  }
0x180: {  	[hbm4b:s24+s30] =	stream.strided.scatter [tilespmem:s3], [sflag:$0x2], $0x7000, s6, s30, $0x38;
	[tilespmem:$0x1CE00] =	vst v63  }
0x181: {  	_ =	swait.ge [sflag:s17], $0x7000  }
0x182: {  	[sflag:s17] =	ssyncset.done $0x0  }
0x183: {  	s24 =	rddreg [dreg:$0xb];
	[sflag:s17] =	ssyncadd.s32 $0xFFFF9000  }
0x184: {  	[tilespmem:s2], [sflag:$0x2] =	stream.linear.gather [hbm4b:s24+s2], $0x380, $0x38;
	[tilespmem:$0x1CE00] =	vst v63  }
0x185: {  	_ =	swait.ge [sflag:s17], $0x380  }
0x186: {  	[sflag:s17] =	ssyncset.done $0x0  }
0x187: {  	s24 =	rddreg [dreg:$0xc];
	[sflag:s17] =	ssyncadd.s32 $0xFFFFFC80  }
0x188: {  	[tilespmem:s4], [sflag:$0x2] =	stream.linear.gather [hbm4b:s24+s2], $0x380, $0x38;
	[tilespmem:$0x1CE00] =	vst v63  }
0x189: {  	_ =	swait.ge [sflag:s17], $0x380  }
0x18a: {  	[sflag:s17] =	ssyncset.done $0x0  }
0x18b: {  	s24 =	rddreg [dreg:$0xd];
	[sflag:s17] =	ssyncadd.s32 $0xFFFFFC80  }
0x18c: {  	[tilespmem:s5], [sflag:$0x2] =	stream.linear.gather [hbm4b:s24+s2], $0x380, $0x38;
	[tilespmem:$0x1CE00] =	vst v63  }
0x18d: {  	_ =	swait.ge [sflag:s17], $0x380  }
0x18e: {  	[sflag:s17] =	ssyncset.done $0x0  }
0x18f: {  	s24 =	rddreg [dreg:$0xe];
	[sflag:s17] =	ssyncadd.s32 $0xFFFFFC80  }
0x190: {  	[tilespmem:s7], [sflag:$0x2] =	stream.linear.gather [hbm4b:s24+s2], $0x380, $0x38;
	[tilespmem:$0x1CE00] =	vst v63  }
0x191: {  	_ =	swait.ge [sflag:s17], $0x380  }
0x192: {  	[sflag:s17] =	ssyncset.done $0x0  }
0x193: {  	[sflag:s17] =	ssyncadd.s32 $0xFFFFFC80  }
0x194: {  	[tilespmem:s23], [sflag:$0x1] =	stream.indirect.gather [hbm4b:s1+s6], $0x20, s2, s6, $0xb8;
	[tilespmem:$0x1CE00] =	vst v63  }
0x195: {  	s31 =	simm.s32 $0x1E00  }
0x196: {  	[tilespmem:s31], [sflag:$0x1] =	stream.indirect.gather [hbm4b:s1+s6], $0x20, s6, s6, $0xb8;
	[tilespmem:$0x1CE00] =	vst v63  }
0x197: {  	s24 =	simm.s32 $0x2E00;
	s31 =	simm.s32 $0x100  }
0x198: {  	[tilespmem:s24], [sflag:$0x1] =	stream.indirect.gather [hbm4b:s1+s6], $0x20, s31, s6, $0xb8;
	[tilespmem:$0x1CE00] =	vst v63  }
0x199: {  	s24 =	simm.s32 $0x3E00;
	s31 =	simm.s32 $0x180  }
0x19a: {  	[tilespmem:s24], [sflag:$0x1] =	stream.indirect.gather [hbm4b:s1+s6], $0x20, s31, s6, $0xb8;
	[tilespmem:$0x1CE00] =	vst v63  }
0x19b: {  	s24 =	simm.s32 $0x200;
	s31 =	simm.s32 $0x4E00  }
0x19c: {  	[tilespmem:s31], [sflag:$0x1] =	stream.indirect.gather [hbm4b:s1+s6], $0x20, s24, s6, $0xb8;
	[tilespmem:$0x1CE00] =	vst v63  }
0x19d: {  	s24 =	simm.s32 $0x280;
	s31 =	simm.s32 $0x5E00  }
0x19e: {  	[tilespmem:s31], [sflag:$0x1] =	stream.indirect.gather [hbm4b:s1+s6], $0x20, s24, s6, $0xb8;
	[tilespmem:$0x1CE00] =	vst v63  }
0x19f: {  	s31 =	simm.s32 $0x300  }
0x1a0: {  	[tilespmem:s26], [sflag:$0x1] =	stream.indirect.gather [hbm4b:s1+s6], $0x20, s31, s6, $0xb8;
	[tilespmem:$0x1CE00] =	vst v63  }
0x1a1: {  	_ = 	snop  }
0x1a2: {  	[tilespmem:s13], [sflag:$0x1] =	stream.indirect.gather [hbm4b:s0+s6], $0x20, s4, s6, $0xb8;
	[tilespmem:$0x1CE00] =	vst v63  }
0x1a3: {  	s31 =	simm.s32 $0x8E00;
	s4 =	simm.s32 $0x400  }
0x1a4: {  	[tilespmem:s31], [sflag:$0x1] =	stream.indirect.gather [hbm4b:s0+s6], $0x20, s4, s6, $0xb8;
	[tilespmem:$0x1CE00] =	vst v63  }
0x1a5: {  	s4 =	simm.s32 $0x9E00;
	s31 =	simm.s32 $0x480  }
0x1a6: {  	[tilespmem:s4], [sflag:$0x1] =	stream.indirect.gather [hbm4b:s0+s6], $0x20, s31, s6, $0xb8;
	[tilespmem:$0x1CE00] =	vst v63  }
0x1a7: {  	s4 =	simm.s32 $0x500;
	s31 =	simm.s32 $0xAE00  }
0x1a8: {  	[tilespmem:s31], [sflag:$0x1] =	stream.indirect.gather [hbm4b:s0+s6], $0x20, s4, s6, $0xb8;
	[tilespmem:$0x1CE00] =	vst v63  }
0x1a9: {  	s4 =	simm.s32 $0x580;
	s31 =	simm.s32 $0xBE00  }
0x1aa: {  	[tilespmem:s31], [sflag:$0x1] =	stream.indirect.gather [hbm4b:s0+s6], $0x20, s4, s6, $0xb8;
	[tilespmem:$0x1CE00] =	vst v63  }
0x1ab: {  	s4 =	simm.s32 $0x600;
	s31 =	simm.s32 $0xCE00  }
0x1ac: {  	[tilespmem:s31], [sflag:$0x1] =	stream.indirect.gather [hbm4b:s0+s6], $0x20, s4, s6, $0xb8;
	[tilespmem:$0x1CE00] =	vst v63  }
0x1ad: {  	s4 =	simm.s32 $0x680;
	s31 =	simm.s32 $0xDE00  }
0x1ae: {  	[tilespmem:s31], [sflag:$0x1] =	stream.indirect.gather [hbm4b:s0+s6], $0x20, s4, s6, $0xb8;
	[tilespmem:$0x1CE00] =	vst v63  }
0x1af: {  	_ = 	snop  }
0x1b0: {  	[tilespmem:s8], [sflag:$0x1] =	stream.indirect.gather [hbm4b:s15+s6], $0x20, s5, s6, $0xb8;
	[tilespmem:$0x1CE00] =	vst v63  }
0x1b1: {  	s31 =	simm.s32 $0xFE00;
	s5 =	simm.s32 $0x780  }
0x1b2: {  	[tilespmem:s31], [sflag:$0x1] =	stream.indirect.gather [hbm4b:s15+s6], $0x20, s5, s6, $0xb8;
	[tilespmem:$0x1CE00] =	vst v63  }
0x1b3: {  	s5 =	simm.s32 $0x800  }
0x1b4: {  	[tilespmem:s25], [sflag:$0x1] =	stream.indirect.gather [hbm4b:s15+s6], $0x20, s5, s6, $0xb8;
	[tilespmem:$0x1CE00] =	vst v63  }
0x1b5: {  	s31 =	simm.s32 $0x880  }
0x1b6: {  	[tilespmem:s29], [sflag:$0x1] =	stream.indirect.gather [hbm4b:s15+s6], $0x20, s31, s6, $0xb8;
	[tilespmem:$0x1CE00] =	vst v63  }
0x1b7: {  	s5 =	simm.s32 $0x900  }
0x1b8: {  	[tilespmem:s19], [sflag:$0x1] =	stream.indirect.gather [hbm4b:s15+s6], $0x20, s5, s6, $0xb8;
	[tilespmem:$0x1CE00] =	vst v63  }
0x1b9: {  	s31 =	simm.s32 $0x13E00;
	s19 =	simm.s32 $0x980  }
0x1ba: {  	[tilespmem:s31], [sflag:$0x1] =	stream.indirect.gather [hbm4b:s15+s6], $0x20, s19, s6, $0xb8;
	[tilespmem:$0x1CE00] =	vst v63  }
0x1bb: {  	s19 =	simm.s32 $0xA00  }
0x1bc: {  	[tilespmem:s20], [sflag:$0x1] =	stream.indirect.gather [hbm4b:s15+s6], $0x20, s19, s6, $0xb8;
	[tilespmem:$0x1CE00] =	vst v63  }
0x1bd: {  	_ = 	snop  }
0x1be: {  	[tilespmem:s3], [sflag:$0x1] =	stream.indirect.gather [hbm4b:s16+s6], $0x20, s7, s6, $0xb8;
	[tilespmem:$0x1CE00] =	vst v63  }
0x1bf: {  	s31 =	simm.s32 $0x16E00;
	s20 =	simm.s32 $0xB00  }
0x1c0: {  	[tilespmem:s31], [sflag:$0x1] =	stream.indirect.gather [hbm4b:s16+s6], $0x20, s20, s6, $0xb8;
	[tilespmem:$0x1CE00] =	vst v63  }
0x1c1: {  	s5 =	simm.s32 $0xB80  }
0x1c2: {  	[tilespmem:s21], [sflag:$0x1] =	stream.indirect.gather [hbm4b:s16+s6], $0x20, s5, s6, $0xb8;
	[tilespmem:$0x1CE00] =	vst v63  }
0x1c3: {  	s7 =	simm.s32 $0xC00  }
0x1c4: {  	[tilespmem:s14], [sflag:$0x1] =	stream.indirect.gather [hbm4b:s16+s6], $0x20, s7, s6, $0xb8;
	[tilespmem:$0x1CE00] =	vst v63  }
0x1c5: {  	s11 =	simm.s32 $0x19E00;
	s14 =	simm.s32 $0xC80  }
0x1c6: {  	[tilespmem:s11], [sflag:$0x1] =	stream.indirect.gather [hbm4b:s16+s6], $0x20, s14, s6, $0xb8;
	[tilespmem:$0x1CE00] =	vst v63  }
0x1c7: {  	s10 =	simm.s32 $0xD00  }
0x1c8: {  	[tilespmem:s12], [sflag:$0x1] =	stream.indirect.gather [hbm4b:s16+s6], $0x20, s10, s6, $0xb8;
	[tilespmem:$0x1CE00] =	vst v63  }
0x1c9: {  	s22 =	simm.s32 $0x1BE00;
	s9 =	simm.s32 $0xD80  }
0x1ca: {  	[tilespmem:s22], [sflag:$0x1] =	stream.indirect.gather [hbm4b:s16+s6], $0x20, s9, s6, $0xb8;
	[tilespmem:$0x1CE00] =	vst v63  }
0x1cb: {  	_ =	swait.ge [sflag:s28], $0x1000  }
0x1cc: {  	[sflag:s28] =	ssyncset.done $0x0  }
0x1cd: {  	[sflag:s28] =	ssyncadd.s32 $0xFFFFF000  }
0x1ce: {  	_ =	swait.ge [sflag:s28], $0x1000  }
0x1cf: {  	[sflag:s28] =	ssyncset.done $0x0  }
0x1d0: {  	[sflag:s28] =	ssyncadd.s32 $0xFFFFF000  }
0x1d1: {  	_ =	swait.ge [sflag:s28], $0x1000  }
0x1d2: {  	[sflag:s28] =	ssyncset.done $0x0  }
0x1d3: {  	[sflag:s28] =	ssyncadd.s32 $0xFFFFF000  }
0x1d4: {  	_ =	swait.ge [sflag:s28], $0x1000  }
0x1d5: {  	[sflag:s28] =	ssyncset.done $0x0  }
0x1d6: {  	[sflag:s28] =	ssyncadd.s32 $0xFFFFF000  }
0x1d7: {  	_ =	swait.ge [sflag:s28], $0x1000  }
0x1d8: {  	[sflag:s28] =	ssyncset.done $0x0  }
0x1d9: {  	[sflag:s28] =	ssyncadd.s32 $0xFFFFF000  }
0x1da: {  	_ =	swait.ge [sflag:s28], $0x1000  }
0x1db: {  	[sflag:s28] =	ssyncset.done $0x0  }
0x1dc: {  	[sflag:s28] =	ssyncadd.s32 $0xFFFFF000  }
0x1dd: {  	_ =	swait.ge [sflag:s28], $0x1000  }
0x1de: {  	[sflag:s28] =	ssyncset.done $0x0  }
0x1df: {  	[sflag:s28] =	ssyncadd.s32 $0xFFFFF000  }
0x1e0: {  	_ =	swait.ge [sflag:s28], $0x1000  }
0x1e1: {  	[sflag:s28] =	ssyncset.done $0x0  }
0x1e2: {  	[sflag:s28] =	ssyncadd.s32 $0xFFFFF000  }
0x1e3: {  	_ =	swait.ge [sflag:s28], $0x1000  }
0x1e4: {  	[sflag:s28] =	ssyncset.done $0x0  }
0x1e5: {  	[sflag:s28] =	ssyncadd.s32 $0xFFFFF000  }
0x1e6: {  	_ =	swait.ge [sflag:s28], $0x1000  }
0x1e7: {  	[sflag:s28] =	ssyncset.done $0x0  }
0x1e8: {  	[sflag:s28] =	ssyncadd.s32 $0xFFFFF000  }
0x1e9: {  	_ =	swait.ge [sflag:s28], $0x1000  }
0x1ea: {  	[sflag:s28] =	ssyncset.done $0x0  }
0x1eb: {  	[sflag:s28] =	ssyncadd.s32 $0xFFFFF000  }
0x1ec: {  	_ =	swait.ge [sflag:s28], $0x1000  }
0x1ed: {  	[sflag:s28] =	ssyncset.done $0x0  }
0x1ee: {  	[sflag:s28] =	ssyncadd.s32 $0xFFFFF000  }
0x1ef: {  	_ =	swait.ge [sflag:s28], $0x1000  }
0x1f0: {  	[sflag:s28] =	ssyncset.done $0x0  }
0x1f1: {  	[sflag:s28] =	ssyncadd.s32 $0xFFFFF000  }
0x1f2: {  	_ =	swait.ge [sflag:s28], $0x1000  }
0x1f3: {  	[sflag:s28] =	ssyncset.done $0x0  }
0x1f4: {  	[sflag:s28] =	ssyncadd.s32 $0xFFFFF000  }
0x1f5: {  	_ =	swait.ge [sflag:s28], $0x1000  }
0x1f6: {  	[sflag:s28] =	ssyncset.done $0x0  }
0x1f7: {  	[sflag:s28] =	ssyncadd.s32 $0xFFFFF000  }
0x1f8: {  	_ =	swait.ge [sflag:s28], $0x1000  }
0x1f9: {  	[sflag:s28] =	ssyncset.done $0x0  }
0x1fa: {  	[sflag:s28] =	ssyncadd.s32 $0xFFFFF000  }
0x1fb: {  	_ =	swait.ge [sflag:s28], $0x1000  }
0x1fc: {  	[sflag:s28] =	ssyncset.done $0x0  }
0x1fd: {  	[sflag:s28] =	ssyncadd.s32 $0xFFFFF000  }
0x1fe: {  	_ =	swait.ge [sflag:s28], $0x1000  }
0x1ff: {  	[sflag:s28] =	ssyncset.done $0x0  }
0x200: {  	[sflag:s28] =	ssyncadd.s32 $0xFFFFF000  }
0x201: {  	_ =	swait.ge [sflag:s28], $0x1000  }
0x202: {  	[sflag:s28] =	ssyncset.done $0x0  }
0x203: {  	[sflag:s28] =	ssyncadd.s32 $0xFFFFF000  }
0x204: {  	_ =	swait.ge [sflag:s28], $0x1000  }
0x205: {  	[sflag:s28] =	ssyncset.done $0x0  }
0x206: {  	[sflag:s28] =	ssyncadd.s32 $0xFFFFF000  }
0x207: {  	_ =	swait.ge [sflag:s28], $0x1000  }
0x208: {  	[sflag:s28] =	ssyncset.done $0x0  }
0x209: {  	[sflag:s28] =	ssyncadd.s32 $0xFFFFF000  }
0x20a: {  	_ =	swait.ge [sflag:s28], $0x1000  }
0x20b: {  	[sflag:s28] =	ssyncset.done $0x0  }
0x20c: {  	[sflag:s28] =	ssyncadd.s32 $0xFFFFF000  }
0x20d: {  	_ =	swait.ge [sflag:s28], $0x1000  }
0x20e: {  	[sflag:s28] =	ssyncset.done $0x0  }
0x20f: {  	[sflag:s28] =	ssyncadd.s32 $0xFFFFF000  }
0x210: {  	_ =	swait.ge [sflag:s28], $0x1000  }
0x211: {  	[sflag:s28] =	ssyncset.done $0x0  }
0x212: {  	[sflag:s28] =	ssyncadd.s32 $0xFFFFF000  }
0x213: {  	_ =	swait.ge [sflag:s28], $0x1000  }
0x214: {  	[sflag:s28] =	ssyncset.done $0x0  }
0x215: {  	[sflag:s28] =	ssyncadd.s32 $0xFFFFF000  }
0x216: {  	_ =	swait.ge [sflag:s28], $0x1000  }
0x217: {  	[sflag:s28] =	ssyncset.done $0x0  }
0x218: {  	[sflag:s28] =	ssyncadd.s32 $0xFFFFF000  }
0x219: {  	_ =	swait.ge [sflag:s28], $0x1000  }
0x21a: {  	[sflag:s28] =	ssyncset.done $0x0  }
0x21b: {  	[sflag:s28] =	ssyncadd.s32 $0xFFFFF000  }
0x21c: {  	_ =	swait.ge [sflag:s28], $0x1000  }
0x21d: {  	[sflag:s28] =	ssyncset.done $0x0  }
0x21e: {  	s19 =	rddreg [dreg:$0x1b];
	[sflag:s28] =	ssyncadd.s32 $0xFFFFF000  }
0x21f: {  	[hbm4b:s19+s30] =	stream.strided.scatter [tilespmem:s23], [sflag:$0x2], $0x7000, s6, s30, $0x38;
	[tilespmem:$0x1CE00] =	vst v63  }
0x220: {  	_ =	swait.ge [sflag:s17], $0x7000  }
0x221: {  	[sflag:s17] =	ssyncset.done $0x0  }
0x222: {  	s20 =	rddreg [dreg:$0x1c];
	[sflag:s17] =	ssyncadd.s32 $0xFFFF9000  }
0x223: {  	[hbm4b:s20+s30] =	stream.strided.scatter [tilespmem:s13], [sflag:$0x2], $0x7000, s6, s30, $0x38;
	[tilespmem:$0x1CE00] =	vst v63  }
0x224: {  	_ =	swait.ge [sflag:s17], $0x7000  }
0x225: {  	[sflag:s17] =	ssyncset.done $0x0  }
0x226: {  	s21 =	rddreg [dreg:$0x1d];
	[sflag:s17] =	ssyncadd.s32 $0xFFFF9000  }
0x227: {  	[hbm4b:s21+s30] =	stream.strided.scatter [tilespmem:s8], [sflag:$0x2], $0x7000, s6, s30, $0x38;
	[tilespmem:$0x1CE00] =	vst v63  }
0x228: {  	_ =	swait.ge [sflag:s17], $0x7000  }
0x229: {  	[sflag:s17] =	ssyncset.done $0x0  }
.Ltmp2:
0x22a: {  	s22 =	rddreg [dreg:$0x1e];
	[sflag:s17] =	ssyncadd.s32 $0xFFFF9000;
	(pc) =	sbr.rel @p0 .LBB2_3-.Ltmp2, $4  }
0x22b: {  	[hbm4b:s22+s30] =	stream.strided.scatter [tilespmem:s3], [sflag:$0x2], $0x7000, s6, s30, $0x38;
	[tilespmem:$0x1CE00] =	vst v63  }
0x22c: {  	_ =	swait.ge [sflag:s17], $0x7000  }
0x22d: {  	s24 =	simm.s32 $0x6E00;
	s26 =	simm.s32 $0x8E00;
	[sflag:s17] =	ssyncset.done $0x0  }
0x22e: {  	s25 =	simm.s32 $0x12E00;
	s29 =	simm.s32 $0x900;
	[sflag:s17] =	ssyncadd.s32 $0xFFFF9000  }
0x22f: {  	s31 =	rddreg [dreg:$0xf]  }
0x230: {  	[tilespmem:s2], [sflag:$0x2] =	stream.linear.gather [hbm4b:s31+s2], $0x380, $0x38;
	[tilespmem:$0x1CE00] =	vst v63  }
0x231: {  	_ =	swait.ge [sflag:s17], $0x380  }
0x232: {  	[sflag:s17] =	ssyncset.done $0x0  }
0x233: {  	s3 =	simm.s32 $0x380;
	s9 =	rddreg [dreg:$0x10];
	[sflag:s17] =	ssyncadd.s32 $0xFFFFFC80  }
0x234: {  	[tilespmem:s3], [sflag:$0x2] =	stream.linear.gather [hbm4b:s9+s2], $0x380, $0x38;
	[tilespmem:$0x1CE00] =	vst v63  }
0x235: {  	_ =	swait.ge [sflag:s17], $0x380  }
0x236: {  	[sflag:s17] =	ssyncset.done $0x0  }
0x237: {  	s4 =	simm.s32 $0x700;
	s10 =	rddreg [dreg:$0x11];
	[sflag:s17] =	ssyncadd.s32 $0xFFFFFC80  }
0x238: {  	[tilespmem:s4], [sflag:$0x2] =	stream.linear.gather [hbm4b:s10+s2], $0x380, $0x38;
	[tilespmem:$0x1CE00] =	vst v63  }
0x239: {  	_ =	swait.ge [sflag:s17], $0x380  }
0x23a: {  	[sflag:s17] =	ssyncset.done $0x0  }
0x23b: {  	s5 =	simm.s32 $0xA80;
	s11 =	rddreg [dreg:$0x12];
	[sflag:s17] =	ssyncadd.s32 $0xFFFFFC80  }
0x23c: {  	[tilespmem:s5], [sflag:$0x2] =	stream.linear.gather [hbm4b:s11+s2], $0x380, $0x38;
	[tilespmem:$0x1CE00] =	vst v63  }
0x23d: {  	_ =	swait.ge [sflag:s17], $0x380  }
0x23e: {  	[sflag:s17] =	ssyncset.done $0x0  }
0x23f: {  	s7 =	simm.s32 $0xE00;
	[sflag:s17] =	ssyncadd.s32 $0xFFFFFC80  }
0x240: {  	[tilespmem:s7], [sflag:$0x1] =	stream.indirect.gather [hbm4b:s1+s6], $0x20, s2, s6, $0xb8;
	[tilespmem:$0x1CE00] =	vst v63  }
0x241: {  	s9 =	simm.s32 $0x1E00  }
0x242: {  	[tilespmem:s9], [sflag:$0x1] =	stream.indirect.gather [hbm4b:s1+s6], $0x20, s6, s6, $0xb8;
	[tilespmem:$0x1CE00] =	vst v63  }
0x243: {  	s12 =	simm.s32 $0x100;
	s8 =	simm.s32 $0x2E00  }
0x244: {  	[tilespmem:s8], [sflag:$0x1] =	stream.indirect.gather [hbm4b:s1+s6], $0x20, s12, s6, $0xb8;
	[tilespmem:$0x1CE00] =	vst v63  }
0x245: {  	s14 =	simm.s32 $0x180;
	s19 =	simm.s32 $0x3E00  }
0x246: {  	[tilespmem:s19], [sflag:$0x1] =	stream.indirect.gather [hbm4b:s1+s6], $0x20, s14, s6, $0xb8;
	[tilespmem:$0x1CE00] =	vst v63  }
0x247: {  	s20 =	simm.s32 $0x200;
	s21 =	simm.s32 $0x4E00  }
0x248: {  	[tilespmem:s21], [sflag:$0x1] =	stream.indirect.gather [hbm4b:s1+s6], $0x20, s20, s6, $0xb8;
	[tilespmem:$0x1CE00] =	vst v63  }
0x249: {  	s22 =	simm.s32 $0x280;
	s31 =	simm.s32 $0x5E00  }
0x24a: {  	[tilespmem:s31], [sflag:$0x1] =	stream.indirect.gather [hbm4b:s1+s6], $0x20, s22, s6, $0xb8;
	[tilespmem:$0x1CE00] =	vst v63  }
0x24b: {  	s9 =	simm.s32 $0x300  }
0x24c: {  	[tilespmem:s24], [sflag:$0x1] =	stream.indirect.gather [hbm4b:s1+s6], $0x20, s9, s6, $0xb8;
	[tilespmem:$0x1CE00] =	vst v63  }
0x24d: {  	s9 =	simm.s32 $0x7E00  }
0x24e: {  	[tilespmem:s9], [sflag:$0x1] =	stream.indirect.gather [hbm4b:s0+s6], $0x20, s3, s6, $0xb8;
	[tilespmem:$0x1CE00] =	vst v63  }
0x24f: {  	s10 =	simm.s32 $0x400  }
0x250: {  	[tilespmem:s26], [sflag:$0x1] =	stream.indirect.gather [hbm4b:s0+s6], $0x20, s10, s6, $0xb8;
	[tilespmem:$0x1CE00] =	vst v63  }
0x251: {  	s11 =	simm.s32 $0x480;
	s12 =	simm.s32 $0x9E00  }
0x252: {  	[tilespmem:s12], [sflag:$0x1] =	stream.indirect.gather [hbm4b:s0+s6], $0x20, s11, s6, $0xb8;
	[tilespmem:$0x1CE00] =	vst v63  }
0x253: {  	s14 =	simm.s32 $0x500;
	s19 =	simm.s32 $0xAE00  }
0x254: {  	[tilespmem:s19], [sflag:$0x1] =	stream.indirect.gather [hbm4b:s0+s6], $0x20, s14, s6, $0xb8;
	[tilespmem:$0x1CE00] =	vst v63  }
0x255: {  	s20 =	simm.s32 $0x580;
	s21 =	simm.s32 $0xBE00  }
0x256: {  	[tilespmem:s21], [sflag:$0x1] =	stream.indirect.gather [hbm4b:s0+s6], $0x20, s20, s6, $0xb8;
	[tilespmem:$0x1CE00] =	vst v63  }
0x257: {  	s22 =	simm.s32 $0x600;
	s24 =	simm.s32 $0xCE00  }
0x258: {  	[tilespmem:s24], [sflag:$0x1] =	stream.indirect.gather [hbm4b:s0+s6], $0x20, s22, s6, $0xb8;
	[tilespmem:$0x1CE00] =	vst v63  }
0x259: {  	s31 =	simm.s32 $0xDE00;
	s26 =	simm.s32 $0x680  }
0x25a: {  	[tilespmem:s31], [sflag:$0x1] =	stream.indirect.gather [hbm4b:s0+s6], $0x20, s26, s6, $0xb8;
	[tilespmem:$0x1CE00] =	vst v63  }
0x25b: {  	s3 =	simm.s32 $0xEE00  }
0x25c: {  	[tilespmem:s3], [sflag:$0x1] =	stream.indirect.gather [hbm4b:s15+s6], $0x20, s4, s6, $0xb8;
	[tilespmem:$0x1CE00] =	vst v63  }
0x25d: {  	s8 =	simm.s32 $0x780;
	s10 =	simm.s32 $0xFE00  }
0x25e: {  	[tilespmem:s10], [sflag:$0x1] =	stream.indirect.gather [hbm4b:s15+s6], $0x20, s8, s6, $0xb8;
	[tilespmem:$0x1CE00] =	vst v63  }
0x25f: {  	s11 =	simm.s32 $0x800;
	s12 =	simm.s32 $0x10E00  }
0x260: {  	[tilespmem:s12], [sflag:$0x1] =	stream.indirect.gather [hbm4b:s15+s6], $0x20, s11, s6, $0xb8;
	[tilespmem:$0x1CE00] =	vst v63  }
0x261: {  	s14 =	simm.s32 $0x880;
	s19 =	simm.s32 $0x11E00  }
0x262: {  	[tilespmem:s19], [sflag:$0x1] =	stream.indirect.gather [hbm4b:s15+s6], $0x20, s14, s6, $0xb8;
	[tilespmem:$0x1CE00] =	vst v63  }
0x263: {  	_ = 	snop  }
0x264: {  	[tilespmem:s25], [sflag:$0x1] =	stream.indirect.gather [hbm4b:s15+s6], $0x20, s29, s6, $0xb8;
	[tilespmem:$0x1CE00] =	vst v63  }
0x265: {  	s20 =	simm.s32 $0x980;
	s21 =	simm.s32 $0x13E00  }
0x266: {  	[tilespmem:s21], [sflag:$0x1] =	stream.indirect.gather [hbm4b:s15+s6], $0x20, s20, s6, $0xb8;
	[tilespmem:$0x1CE00] =	vst v63  }
0x267: {  	s22 =	simm.s32 $0xA00;
	s24 =	simm.s32 $0x14E00  }
0x268: {  	[tilespmem:s24], [sflag:$0x1] =	stream.indirect.gather [hbm4b:s15+s6], $0x20, s22, s6, $0xb8;
	[tilespmem:$0x1CE00] =	vst v63  }
0x269: {  	s4 =	simm.s32 $0x15E00  }
0x26a: {  	[tilespmem:s4], [sflag:$0x1] =	stream.indirect.gather [hbm4b:s16+s6], $0x20, s5, s6, $0xb8;
	[tilespmem:$0x1CE00] =	vst v63  }
0x26b: {  	s26 =	simm.s32 $0x16E00;
	s25 =	simm.s32 $0xB00  }
0x26c: {  	[tilespmem:s26], [sflag:$0x1] =	stream.indirect.gather [hbm4b:s16+s6], $0x20, s25, s6, $0xb8;
	[tilespmem:$0x1CE00] =	vst v63  }
0x26d: {  	s31 =	simm.s32 $0x17E00;
	s29 =	simm.s32 $0xB80  }
0x26e: {  	[tilespmem:s31], [sflag:$0x1] =	stream.indirect.gather [hbm4b:s16+s6], $0x20, s29, s6, $0xb8;
	[tilespmem:$0x1CE00] =	vst v63  }
0x26f: {  	s10 =	simm.s32 $0xC00;
	s11 =	simm.s32 $0x18E00  }
0x270: {  	[tilespmem:s11], [sflag:$0x1] =	stream.indirect.gather [hbm4b:s16+s6], $0x20, s10, s6, $0xb8;
	[tilespmem:$0x1CE00] =	vst v63  }
0x271: {  	s12 =	simm.s32 $0xC80;
	s14 =	simm.s32 $0x19E00  }
0x272: {  	[tilespmem:s14], [sflag:$0x1] =	stream.indirect.gather [hbm4b:s16+s6], $0x20, s12, s6, $0xb8;
	[tilespmem:$0x1CE00] =	vst v63  }
0x273: {  	s19 =	simm.s32 $0xD00;
	s20 =	simm.s32 $0x1AE00  }
0x274: {  	[tilespmem:s20], [sflag:$0x1] =	stream.indirect.gather [hbm4b:s16+s6], $0x20, s19, s6, $0xb8;
	[tilespmem:$0x1CE00] =	vst v63  }
0x275: {  	s21 =	simm.s32 $0xD80;
	s22 =	simm.s32 $0x1BE00  }
0x276: {  	[tilespmem:s22], [sflag:$0x1] =	stream.indirect.gather [hbm4b:s16+s6], $0x20, s21, s6, $0xb8;
	[tilespmem:$0x1CE00] =	vst v63  }
0x277: {  	_ =	swait.ge [sflag:s28], $0x1000  }
0x278: {  	[sflag:s28] =	ssyncset.done $0x0  }
0x279: {  	[sflag:s28] =	ssyncadd.s32 $0xFFFFF000  }
0x27a: {  	_ =	swait.ge [sflag:s28], $0x1000  }
0x27b: {  	[sflag:s28] =	ssyncset.done $0x0  }
0x27c: {  	[sflag:s28] =	ssyncadd.s32 $0xFFFFF000  }
0x27d: {  	_ =	swait.ge [sflag:s28], $0x1000  }
0x27e: {  	[sflag:s28] =	ssyncset.done $0x0  }
0x27f: {  	[sflag:s28] =	ssyncadd.s32 $0xFFFFF000  }
0x280: {  	_ =	swait.ge [sflag:s28], $0x1000  }
0x281: {  	[sflag:s28] =	ssyncset.done $0x0  }
0x282: {  	[sflag:s28] =	ssyncadd.s32 $0xFFFFF000  }
0x283: {  	_ =	swait.ge [sflag:s28], $0x1000  }
0x284: {  	[sflag:s28] =	ssyncset.done $0x0  }
0x285: {  	[sflag:s28] =	ssyncadd.s32 $0xFFFFF000  }
0x286: {  	_ =	swait.ge [sflag:s28], $0x1000  }
0x287: {  	[sflag:s28] =	ssyncset.done $0x0  }
0x288: {  	[sflag:s28] =	ssyncadd.s32 $0xFFFFF000  }
0x289: {  	_ =	swait.ge [sflag:s28], $0x1000  }
0x28a: {  	[sflag:s28] =	ssyncset.done $0x0  }
0x28b: {  	[sflag:s28] =	ssyncadd.s32 $0xFFFFF000  }
0x28c: {  	_ =	swait.ge [sflag:s28], $0x1000  }
0x28d: {  	[sflag:s28] =	ssyncset.done $0x0  }
0x28e: {  	[sflag:s28] =	ssyncadd.s32 $0xFFFFF000  }
0x28f: {  	_ =	swait.ge [sflag:s28], $0x1000  }
0x290: {  	[sflag:s28] =	ssyncset.done $0x0  }
0x291: {  	[sflag:s28] =	ssyncadd.s32 $0xFFFFF000  }
0x292: {  	_ =	swait.ge [sflag:s28], $0x1000  }
0x293: {  	[sflag:s28] =	ssyncset.done $0x0  }
0x294: {  	[sflag:s28] =	ssyncadd.s32 $0xFFFFF000  }
0x295: {  	_ =	swait.ge [sflag:s28], $0x1000  }
0x296: {  	[sflag:s28] =	ssyncset.done $0x0  }
0x297: {  	[sflag:s28] =	ssyncadd.s32 $0xFFFFF000  }
0x298: {  	_ =	swait.ge [sflag:s28], $0x1000  }
0x299: {  	[sflag:s28] =	ssyncset.done $0x0  }
0x29a: {  	[sflag:s28] =	ssyncadd.s32 $0xFFFFF000  }
0x29b: {  	_ =	swait.ge [sflag:s28], $0x1000  }
0x29c: {  	[sflag:s28] =	ssyncset.done $0x0  }
0x29d: {  	[sflag:s28] =	ssyncadd.s32 $0xFFFFF000  }
0x29e: {  	_ =	swait.ge [sflag:s28], $0x1000  }
0x29f: {  	[sflag:s28] =	ssyncset.done $0x0  }
0x2a0: {  	[sflag:s28] =	ssyncadd.s32 $0xFFFFF000  }
0x2a1: {  	_ =	swait.ge [sflag:s28], $0x1000  }
0x2a2: {  	[sflag:s28] =	ssyncset.done $0x0  }
0x2a3: {  	[sflag:s28] =	ssyncadd.s32 $0xFFFFF000  }
0x2a4: {  	_ =	swait.ge [sflag:s28], $0x1000  }
0x2a5: {  	[sflag:s28] =	ssyncset.done $0x0  }
0x2a6: {  	[sflag:s28] =	ssyncadd.s32 $0xFFFFF000  }
0x2a7: {  	_ =	swait.ge [sflag:s28], $0x1000  }
0x2a8: {  	[sflag:s28] =	ssyncset.done $0x0  }
0x2a9: {  	[sflag:s28] =	ssyncadd.s32 $0xFFFFF000  }
0x2aa: {  	_ =	swait.ge [sflag:s28], $0x1000  }
0x2ab: {  	[sflag:s28] =	ssyncset.done $0x0  }
0x2ac: {  	[sflag:s28] =	ssyncadd.s32 $0xFFFFF000  }
0x2ad: {  	_ =	swait.ge [sflag:s28], $0x1000  }
0x2ae: {  	[sflag:s28] =	ssyncset.done $0x0  }
0x2af: {  	[sflag:s28] =	ssyncadd.s32 $0xFFFFF000  }
0x2b0: {  	_ =	swait.ge [sflag:s28], $0x1000  }
0x2b1: {  	[sflag:s28] =	ssyncset.done $0x0  }
0x2b2: {  	[sflag:s28] =	ssyncadd.s32 $0xFFFFF000  }
0x2b3: {  	_ =	swait.ge [sflag:s28], $0x1000  }
0x2b4: {  	[sflag:s28] =	ssyncset.done $0x0  }
0x2b5: {  	[sflag:s28] =	ssyncadd.s32 $0xFFFFF000  }
0x2b6: {  	_ =	swait.ge [sflag:s28], $0x1000  }
0x2b7: {  	[sflag:s28] =	ssyncset.done $0x0  }
0x2b8: {  	[sflag:s28] =	ssyncadd.s32 $0xFFFFF000  }
0x2b9: {  	_ =	swait.ge [sflag:s28], $0x1000  }
0x2ba: {  	[sflag:s28] =	ssyncset.done $0x0  }
0x2bb: {  	[sflag:s28] =	ssyncadd.s32 $0xFFFFF000  }
0x2bc: {  	_ =	swait.ge [sflag:s28], $0x1000  }
0x2bd: {  	[sflag:s28] =	ssyncset.done $0x0  }
0x2be: {  	[sflag:s28] =	ssyncadd.s32 $0xFFFFF000  }
0x2bf: {  	_ =	swait.ge [sflag:s28], $0x1000  }
0x2c0: {  	[sflag:s28] =	ssyncset.done $0x0  }
0x2c1: {  	[sflag:s28] =	ssyncadd.s32 $0xFFFFF000  }
0x2c2: {  	_ =	swait.ge [sflag:s28], $0x1000  }
0x2c3: {  	[sflag:s28] =	ssyncset.done $0x0  }
0x2c4: {  	[sflag:s28] =	ssyncadd.s32 $0xFFFFF000  }
0x2c5: {  	_ =	swait.ge [sflag:s28], $0x1000  }
0x2c6: {  	[sflag:s28] =	ssyncset.done $0x0  }
0x2c7: {  	[sflag:s28] =	ssyncadd.s32 $0xFFFFF000  }
0x2c8: {  	_ =	swait.ge [sflag:s28], $0x1000  }
0x2c9: {  	[sflag:s28] =	ssyncset.done $0x0  }
0x2ca: {  	s24 =	rddreg [dreg:$0x1f];
	[sflag:s28] =	ssyncadd.s32 $0xFFFFF000  }
0x2cb: {  	[hbm4b:s24+s30] =	stream.strided.scatter [tilespmem:s7], [sflag:$0x2], $0x7000, s6, s30, $0x38;
	[tilespmem:$0x1CE00] =	vst v63  }
0x2cc: {  	_ =	swait.ge [sflag:s17], $0x7000  }
0x2cd: {  	s25 =	sld [smem:$0x7FB]  }
0x2ce: {  	[sflag:s17] =	ssyncset.done $0x0  }
0x2cf: {  	[sflag:s17] =	ssyncadd.s32 $0xFFFF9000  }
0x2d0: {  	[hbm4b:s25+s30] =	stream.strided.scatter [tilespmem:s9], [sflag:$0x2], $0x7000, s6, s30, $0x38;
	[tilespmem:$0x1CE00] =	vst v63  }
0x2d1: {  	_ =	swait.ge [sflag:s17], $0x7000  }
0x2d2: {  	s26 =	sld [smem:$0x7FC]  }
0x2d3: {  	[sflag:s17] =	ssyncset.done $0x0  }
0x2d4: {  	[sflag:s17] =	ssyncadd.s32 $0xFFFF9000  }
0x2d5: {  	[hbm4b:s26+s30] =	stream.strided.scatter [tilespmem:s3], [sflag:$0x2], $0x7000, s6, s30, $0x38;
	[tilespmem:$0x1CE00] =	vst v63  }
0x2d6: {  	_ =	swait.ge [sflag:s17], $0x7000  }
0x2d7: {  	s29 =	sld [smem:$0x7FD]  }
0x2d8: {  	[sflag:s17] =	ssyncset.done $0x0  }
.Ltmp3:
0x2d9: {  	[sflag:s17] =	ssyncadd.s32 $0xFFFF9000;
	(pc) =	sbr.rel .LBB2_3-.Ltmp3, $4  }
0x2da: {  	[hbm4b:s29+s30] =	stream.strided.scatter [tilespmem:s4], [sflag:$0x2], $0x7000, s6, s30, $0x38;
	[tilespmem:$0x1CE00] =	vst v63  }
0x2db: {  	_ =	swait.ge [sflag:s17], $0x7000  }
0x2dc: {  	[sflag:s17] =	ssyncset.done $0x0  }
0x2dd: {  	[sflag:s17] =	ssyncadd.s32 $0xFFFF9000  }
.LBB2_4:
0x2de: {  	_ =	sfence.sel $0x180000  }
0x2df: {  	[bflag:$0x0] =	sbarrier.arrive $0xFFFF  }
0x2e0: {  	_ =	strace $0x90000047  }
0x2e1: {  	s0 =	stileid.u32;
	[bflag:$0x2] =	sbarrier.arrive $0xFFFF  }
0x2e2: {  	p0 =	sne.s32 s0, $0x0;
	s0 =	rddreg [dreg:$0x2]  }
0x2e3: {  	s0 =	sadd.s32 @!p0 $0x100000, s0  }
0x2e4: {  	[sflag:s0] =	ssyncadd.tile.s32 @!p0 $0x1;
	_ =	shalt  }
.Lfunc_end2:
_tile_overlayer_lowered:
.L_overlay_start_2:
0x2e5: {  	(tag) =	ssettag $0x2  }
0x2e6: {  	s0 =	rddreg [dreg:$0x0];
	s2 =	stileid.u32  }
0x2e7: {  	s1 =	rddreg [dreg:$0x1];
	p0 =	sne.s32 s2, $0x0  }
0x2e8: {  	s3 =	rddreg [dreg:$0x2];
	[bflag:$0x3] =	sbarrier.arrive $0xFFFF;
	s2 =	simm.s32 @!p0 $0x1C02  }
0x2e9: {  	[timem:s3], [sflag:s2] =	dma.local @!p0 [hbm:s0], s1  }
0x2ea: {  	s0 =	simm.s32 @!p0 $0x2  }
0x2eb: {  	_ =	swait.ge @!p0 [sflag:s0], s1  }
0x2ec: {  	s1 =	ssub.s32 @!p0 $0x0, s1;
	[sflag:s0] =	ssyncset.done @!p0 $0x0  }
0x2ed: {  	[sflag:s0] =	ssyncadd.s32 @!p0 s1  }
0x2ee: {  	[bflag:$0x3] =	sbarrier.arrive $0xFFFF  }
0x2ef: {  	_ =	shalt  }

</sc_bundles>
